<compile_context>
chip_gen: v7x
topology: tpu7x:2x2x1
jax: 0.10.2.dev20260603
libtpu: 0.0.44.dev20260713+nightly
codegen_flags: <defaults>
</compile_context>

<pallas_src>
import jax
import jax.numpy as jnp
from jax import lax
from jax.experimental import pallas as pl
from jax.experimental.pallas import tpu as pltpu, tpu_sc as plsc

_T = 26
_B = 1024
_L = 20
_D = 64
_P = (100, 100, 100)
_NNZ = _T * _B * _L
_NW = 32
_PER_W = _NNZ // _NW
_BAGS_W = _PER_W // _L
_CHUNK = 80
_NCHUNK = _PER_W // _CHUNK
_BPC = _CHUNK // _L


def _sc_body(idx_hbm, c0_hbm, c1_hbm, c2_hbm, out_hbm,
             idx_all, fbufs, abufs, bbufs, cbufs, res_v, obufs,
             gsems, osems):
    wid = lax.axis_index("s") * 2 + lax.axis_index("c")
    base = wid * _PER_W
    obase = wid * _BAGS_W * _D
    lanes = lax.iota(jnp.int32, 16)
    pats = [lanes * 8 + r2 for r2 in range(8)]

    pltpu.sync_copy(idx_hbm.at[pl.ds(base, _PER_W)], idx_all)

    def fire(g, s):
        f0_v, f1_v, f2_v = fbufs[s]
        t100 = ((base + g * _CHUNK) // (_B * _L)) * _P[0]
        inv = jnp.float32(0.01)
        eps = jnp.float32(0.005)
        for v in range(_CHUNK // 16):
            ii = idx_all[pl.ds(g * _CHUNK + v * 16, 16)]
            u = (ii.astype(jnp.float32) * inv + eps).astype(jnp.int32)
            i0 = (u.astype(jnp.float32) * inv + eps).astype(jnp.int32)
            f0_v[pl.ds(v * 16, 16)] = t100 + i0
            f1_v[pl.ds(v * 16, 16)] = t100 + (u - i0 * _P[1])
            f2_v[pl.ds(v * 16, 16)] = t100 + (ii - u * _P[2])
        pltpu.async_copy(c0_hbm.at[f0_v], abufs[s], gsems[s][0])
        pltpu.async_copy(c1_hbm.at[f1_v], bbufs[s], gsems[s][1])
        pltpu.async_copy(c2_hbm.at[f2_v], cbufs[s], gsems[s][2])

    def compute(g, h, s):
        f0_v, _, _ = fbufs[s]
        a_v, b_v, c_v, ob_v = abufs[s], bbufs[s], cbufs[s], obufs[s]
        pltpu.make_async_copy(c0_hbm.at[f0_v], a_v, gsems[s][0]).wait()
        pltpu.make_async_copy(c1_hbm.at[f0_v], b_v, gsems[s][1]).wait()
        pltpu.make_async_copy(c2_hbm.at[f0_v], c_v, gsems[s][2]).wait()
        out_slice = out_hbm.at[pl.ds(obase + g * _BPC * _D, _BPC * _D)]
        pl.when(h > 0)(
            lambda: pltpu.make_async_copy(ob_v, out_slice, osems[s]).wait())

        def bag_body(bb, carry2):
            sc_idx = [bb * _D + lanes * 4 + m for m in range(4)]
            z = jnp.zeros((16,), jnp.float32)
            for k in range(4):
                ob_v[pl.ds(bb * _D + 16 * k, 16)] = z

            def one_lookup(li, rbuf):
                av = [a_v[li, pl.ds(16 * k, 16)] for k in range(2)]
                cv = [c_v[li, pl.ds(16 * k, 16)] for k in range(2)]
                bv = [b_v[li, pl.ds(16 * k, 16)] for k in range(16)]
                for j in range(8):
                    q0, h2 = j // 2, j % 2
                    r = av[q0 // 2][(q0 * 8) % 16] * bv[h2]
                    for r1 in range(1, 8):
                        p = q0 * 8 + r1
                        r = r + av[p // 16][p % 16] * bv[r1 * 2 + h2]
                    rbuf[pl.ds(16 * j, 16)] = r
                for r2 in range(8):
                    gv = plsc.load_gather(rbuf, [pats[r2]])
                    for m in range(4):
                        p = r2 * 4 + m
                        plsc.addupdate_scatter(
                            ob_v, [sc_idx[m]], gv * cv[p // 16][p % 16])

            def lk_body(l, carry3):
                li = bb * _L + 2 * l
                one_lookup(li, res_v[0])
                one_lookup(li + 1, res_v[1])
                return carry3

            lax.fori_loop(0, _L // 2, lk_body, 0)
            return carry2

        lax.fori_loop(0, _BPC, bag_body, 0)
        pltpu.async_copy(ob_v, out_slice, osems[s])

    fire(0, 0)
    fire(1, 1)

    def loop_body(h, carry):
        compute(2 * h, h, 0)
        pl.when(h < _NCHUNK // 2 - 1)(lambda: fire(2 * h + 2, 0))
        compute(2 * h + 1, h, 1)
        pl.when(h < _NCHUNK // 2 - 1)(lambda: fire(2 * h + 3, 1))
        return carry

    lax.fori_loop(0, _NCHUNK // 2, loop_body, 0)
    tail = out_hbm.at[pl.ds(obase, _BPC * _D)]
    pltpu.make_async_copy(obufs[0], tail, osems[0]).wait()
    pltpu.make_async_copy(obufs[1], tail, osems[1]).wait()


@jax.jit
def _tt_bag_sc(indices, c0f, c1f, c2f):
    mesh = plsc.VectorSubcoreMesh(core_axis_name="c", subcore_axis_name="s")
    f = pl.kernel(
        _sc_body,
        out_type=jax.ShapeDtypeStruct((_T * _B * _D,), jnp.float32),
        mesh=mesh,
        compiler_params=pltpu.CompilerParams(needs_layout_passes=False,
                                             use_tc_tiling_on_sc=False),
        scratch_types=[
            pltpu.VMEM((_PER_W,), jnp.int32),
            [[pltpu.VMEM((_CHUNK,), jnp.int32) for _ in range(3)]
             for _ in range(2)],
            [pltpu.VMEM((_CHUNK, 32), jnp.float32) for _ in range(2)],
            [pltpu.VMEM((_CHUNK, 256), jnp.float32) for _ in range(2)],
            [pltpu.VMEM((_CHUNK, 32), jnp.float32) for _ in range(2)],
            [pltpu.VMEM((128,), jnp.float32) for _ in range(2)],
            [pltpu.VMEM((_BPC * _D,), jnp.float32) for _ in range(2)],
            [[pltpu.SemaphoreType.DMA for _ in range(3)] for _ in range(2)],
            [pltpu.SemaphoreType.DMA for _ in range(2)],
        ],
    )
    return f(indices, c0f, c1f, c2f)


def kernel(indices, offsets, tt_core0, tt_core1, tt_core2):
    del offsets
    c0f = tt_core0.reshape(_T * _P[0], 32)
    c1f = tt_core1.reshape(_T * _P[1], 256)
    c2f = tt_core2.reshape(_T * _P[2], 32)
    out = _tt_bag_sc(indices, c0f, c1f, c2f)
    return out.reshape(_T * _B, _D)

# --- scband reference (transcript-rebuilt; emitter-appended) ---
"""Pipeline reference for scband-table-batched-ttembedding-bag-84576495993304 (READ-ONLY COPY).

The authoritative reference and input builder live on the scoring server;
editing this copy changes nothing except your own understanding.
"""

import jax, jax.numpy as jnp
import numpy as np

T = 26       # num_tables
B = 1024     # batch (bags per table)
L = 20       # pooling factor (hist_len)
D = 64       # embedding_dim
P = (100, 100, 100)   # tt_p_shapes, prod = 1e6 = num_embeddings
Q = (4, 4, 4)         # tt_q_shapes, prod = 64 = D
R = (1, 8, 8, 1)      # tt_ranks with boundary 1s
VOCAB = 1000000
NNZ = T * B * L


def setup_inputs(seed: int = 0) -> dict:
    key = jax.random.key(seed)
    k1, k2, k3, k4 = jax.random.split(key, 4)
    indices = jax.random.randint(k1, (NNZ,), 0, VOCAB, dtype=jnp.int32)
    offsets = jnp.arange(T * B + 1, dtype=jnp.int32) * L
    # table-batched TT cores: core i has shape (T, P[i], R[i]*Q[i]*R[i+1])
    c0 = jax.random.normal(k2, (T, P[0], R[0] * Q[0] * R[1]), dtype=jnp.float32) * 0.05
    c1 = jax.random.normal(k3, (T, P[1], R[1] * Q[1] * R[2]), dtype=jnp.float32) * 0.05
    c2 = jax.random.normal(k4, (T, P[2], R[2] * Q[2] * R[3]), dtype=jnp.float32) * 0.05
    return {"indices": indices, "offsets": offsets,
            "tt_core0": c0, "tt_core1": c1, "tt_core2": c2}


def reference(indices, offsets, tt_core0, tt_core1, tt_core2):
    nnz = indices.shape[0]
    n_bags = offsets.shape[0] - 1
    pos = jnp.arange(nnz)
    # bag id of each index position (rowidx in the CUDA kernel)
    rowidx = jnp.searchsorted(offsets, pos, side='right') - 1
    rowidx = jnp.clip(rowidx, 0, n_bags - 1)
    # bags are laid out table-major: bag b belongs to table b // B
    tableidx = rowidx // B
    # TT index factorization of the row id
    i0 = indices // (P[1] * P[2])
    i1 = (indices // P[2]) % P[1]
    i2 = indices % P[2]
    # sequential TT contraction (reconstruct embedding row per lookup)
    a = tt_core0[tableidx, i0].reshape(nnz, Q[0], R[1])            # (nnz, q0, r1)
    b = tt_core1[tableidx, i1].reshape(nnz, R[1], Q[1] * R[2])     # (nnz, r1, q1*r2)
    res = jnp.matmul(a, b).reshape(nnz, Q[0] * Q[1], R[2])         # (nnz, q0*q1, r2)
    c = tt_core2[tableidx, i2].reshape(nnz, R[2], Q[2])            # (nnz, r2, q2)
    emb = jnp.matmul(res, c).reshape(nnz, D)                       # (nnz, D)
    # sum-pool per bag (EmbeddingBag mode='sum')
    out = jax.ops.segment_sum(emb, rowidx, num_segments=n_bags)    # (T*B, D)
    return out

if __name__ == "__main__":
    import jax
    _d = setup_inputs()
    print(jax.jit(kernel)(*tuple(_d.values())))

</pallas_src>

<mosaic_0001>
#map = affine_map<(d0, d1) -> (0)>
#map1 = affine_map<(d0, d1) -> (0, 0)>
module attributes {stable_mosaic.version = 14 : i64} {
  func.func @_sc_body(%arg0: i32, %arg1: i32, %arg2: memref<532480xi32, #tpu.memory_space<hbm>>, %arg3: memref<2600x32xf32, #tpu.memory_space<hbm>>, %arg4: memref<2600x256xf32, #tpu.memory_space<hbm>>, %arg5: memref<2600x32xf32, #tpu.memory_space<hbm>>, %arg6: memref<1703936xf32, #tpu.memory_space<hbm>>, %arg7: memref<16640xi32, #tpu.memory_space<vmem>>, %arg8: memref<80xi32, #tpu.memory_space<vmem>>, %arg9: memref<80xi32, #tpu.memory_space<vmem>>, %arg10: memref<80xi32, #tpu.memory_space<vmem>>, %arg11: memref<80xi32, #tpu.memory_space<vmem>>, %arg12: memref<80xi32, #tpu.memory_space<vmem>>, %arg13: memref<80xi32, #tpu.memory_space<vmem>>, %arg14: memref<80x32xf32, #tpu.memory_space<vmem>>, %arg15: memref<80x32xf32, #tpu.memory_space<vmem>>, %arg16: memref<80x256xf32, #tpu.memory_space<vmem>>, %arg17: memref<80x256xf32, #tpu.memory_space<vmem>>, %arg18: memref<80x32xf32, #tpu.memory_space<vmem>>, %arg19: memref<80x32xf32, #tpu.memory_space<vmem>>, %arg20: memref<128xf32, #tpu.memory_space<vmem>>, %arg21: memref<128xf32, #tpu.memory_space<vmem>>, %arg22: memref<256xf32, #tpu.memory_space<vmem>>, %arg23: memref<256xf32, #tpu.memory_space<vmem>>, %arg24: memref<!tpu.dma_semaphore, #tpu.memory_space<semaphore_mem>>, %arg25: memref<!tpu.dma_semaphore, #tpu.memory_space<semaphore_mem>>, %arg26: memref<!tpu.dma_semaphore, #tpu.memory_space<semaphore_mem>>, %arg27: memref<!tpu.dma_semaphore, #tpu.memory_space<semaphore_mem>>, %arg28: memref<!tpu.dma_semaphore, #tpu.memory_space<semaphore_mem>>, %arg29: memref<!tpu.dma_semaphore, #tpu.memory_space<semaphore_mem>>, %arg30: memref<!tpu.dma_semaphore, #tpu.memory_space<semaphore_mem>>, %arg31: memref<!tpu.dma_semaphore, #tpu.memory_space<semaphore_mem>>) attributes {dimension_semantics = [#tpu.dimension_semantics<core_parallel>, #tpu.dimension_semantics<subcore_parallel>], iteration_bounds = array<i64: 2, 16>, scalar_prefetch = 0 : i64, scratch_operands = 25 : i64, tpu.core_type = #tpu.core_type<sc_vector_subcore>, window_params = [{transform_indices = #map}, {transform_indices = #map1}, {transform_indices = #map1}, {transform_indices = #map1}, {transform_indices = #map}]} {
    %mul3A = arith.constant 2 : i32
    %mul3A_0 = arith.muli %arg1, %mul3A : i32
    %add3A = arith.addi %mul3A_0, %arg0 : i32
    %mul3A_1 = arith.constant 16640 : i32
    %mul3A_2 = arith.muli %add3A, %mul3A_1 : i32
    %mul3A_3 = arith.constant 832 : i32
    %mul3A_4 = arith.muli %add3A, %mul3A_3 : i32
    %mul3A_5 = arith.constant 64 : i32
    %mul3A_6 = arith.muli %mul3A_4, %mul3A_5 : i32
    %iota3A = tpu.iota {dimensions = array<i32: 0>} : vector<16xi32>
    %mul3A_7 = arith.constant 8 : i32
    %mul3A_8 = vector.broadcast %mul3A_7 : i32 to vector<16xi32>
    %mul3A_9 = arith.muli %iota3A, %mul3A_8 : vector<16xi32>
    %add3A_10 = arith.constant 0 : i32
    %add3A_11 = vector.broadcast %add3A_10 : i32 to vector<16xi32>
    %add3A_12 = arith.addi %mul3A_9, %add3A_11 : vector<16xi32>
    %mul3A_13 = arith.constant 8 : i32
    %mul3A_14 = vector.broadcast %mul3A_13 : i32 to vector<16xi32>
    %mul3A_15 = arith.muli %iota3A, %mul3A_14 : vector<16xi32>
    %add3A_16 = arith.constant 1 : i32
    %add3A_17 = vector.broadcast %add3A_16 : i32 to vector<16xi32>
    %add3A_18 = arith.addi %mul3A_15, %add3A_17 : vector<16xi32>
    %mul3A_19 = arith.constant 8 : i32
    %mul3A_20 = vector.broadcast %mul3A_19 : i32 to vector<16xi32>
    %mul3A_21 = arith.muli %iota3A, %mul3A_20 : vector<16xi32>
    %add3A_22 = arith.constant 2 : i32
    %add3A_23 = vector.broadcast %add3A_22 : i32 to vector<16xi32>
    %add3A_24 = arith.addi %mul3A_21, %add3A_23 : vector<16xi32>
    %mul3A_25 = arith.constant 8 : i32
    %mul3A_26 = vector.broadcast %mul3A_25 : i32 to vector<16xi32>
    %mul3A_27 = arith.muli %iota3A, %mul3A_26 : vector<16xi32>
    %add3A_28 = arith.constant 3 : i32
    %add3A_29 = vector.broadcast %add3A_28 : i32 to vector<16xi32>
    %add3A_30 = arith.addi %mul3A_27, %add3A_29 : vector<16xi32>
    %mul3A_31 = arith.constant 8 : i32
    %mul3A_32 = vector.broadcast %mul3A_31 : i32 to vector<16xi32>
    %mul3A_33 = arith.muli %iota3A, %mul3A_32 : vector<16xi32>
    %add3A_34 = arith.constant 4 : i32
    %add3A_35 = vector.broadcast %add3A_34 : i32 to vector<16xi32>
    %add3A_36 = arith.addi %mul3A_33, %add3A_35 : vector<16xi32>
    %mul3A_37 = arith.constant 8 : i32
    %mul3A_38 = vector.broadcast %mul3A_37 : i32 to vector<16xi32>
    %mul3A_39 = arith.muli %iota3A, %mul3A_38 : vector<16xi32>
    %add3A_40 = arith.constant 5 : i32
    %add3A_41 = vector.broadcast %add3A_40 : i32 to vector<16xi32>
    %add3A_42 = arith.addi %mul3A_39, %add3A_41 : vector<16xi32>
    %mul3A_43 = arith.constant 8 : i32
    %mul3A_44 = vector.broadcast %mul3A_43 : i32 to vector<16xi32>
    %mul3A_45 = arith.muli %iota3A, %mul3A_44 : vector<16xi32>
    %add3A_46 = arith.constant 6 : i32
    %add3A_47 = vector.broadcast %add3A_46 : i32 to vector<16xi32>
    %add3A_48 = arith.addi %mul3A_45, %add3A_47 : vector<16xi32>
    %mul3A_49 = arith.constant 8 : i32
    %mul3A_50 = vector.broadcast %mul3A_49 : i32 to vector<16xi32>
    %mul3A_51 = arith.muli %iota3A, %mul3A_50 : vector<16xi32>
    %add3A_52 = arith.constant 7 : i32
    %add3A_53 = vector.broadcast %add3A_52 : i32 to vector<16xi32>
    %add3A_54 = arith.addi %mul3A_51, %add3A_53 : vector<16xi32>
    "tpu.region"() ({
      %run_scoped3A = tpu.sem_alloc : memref<!tpu.dma_semaphore, #tpu.memory_space<semaphore_mem>>
      %dma_start3A_505 = tpu.memref_slice %arg2[%mul3A_2] : memref<532480xi32, #tpu.memory_space<hbm>> -> memref<16640xi32, #tpu.memory_space<hbm>>
      %dma_start3A_506 = tpu.memref_slice %arg2[%mul3A_2] : memref<532480xi32, #tpu.memory_space<hbm>> -> memref<16640xi32, #tpu.memory_space<hbm>>
      tpu.enqueue_dma source(%dma_start3A_506 : memref<16640xi32, #tpu.memory_space<hbm>>) target(%arg7 : memref<16640xi32, #tpu.memory_space<vmem>>) target_semaphore(%run_scoped3A : memref<!tpu.dma_semaphore, #tpu.memory_space<semaphore_mem>>)
      %dma_wait3A_507 = tpu.memref_slice %arg2[%mul3A_2] : memref<532480xi32, #tpu.memory_space<hbm>> -> memref<16640xi32, #tpu.memory_space<hbm>>
      %dma_wait3A_508 = tpu.memref_slice %arg2[%mul3A_2] : memref<532480xi32, #tpu.memory_space<hbm>> -> memref<16640xi32, #tpu.memory_space<hbm>>
      tpu.wait_dma2 semaphore(%run_scoped3A : memref<!tpu.dma_semaphore, #tpu.memory_space<semaphore_mem>>) src(%dma_wait3A_508 : memref<16640xi32, #tpu.memory_space<hbm>>) dst(%arg7 : memref<16640xi32, #tpu.memory_space<vmem>>)
      tpu.yield
    }) : () -> ()
    %add3A_55 = arith.constant 0 : i32
    %add3A_56 = arith.addi %mul3A_2, %add3A_55 : i32
    %jit3A = arith.constant 20480 : i32
    %div3A = arith.divsi %add3A_56, %jit3A : i32
    %sign3A = arith.constant 0 : i32
    %sign3A_57 = arith.cmpi sgt, %add3A_56, %sign3A : i32
    %sign3A_58 = arith.extui %sign3A_57 : i1 to i32
    %sign3A_59 = arith.constant 0 : i32
    %sign3A_60 = arith.cmpi slt, %add3A_56, %sign3A_59 : i32
    %sign3A_61 = arith.extui %sign3A_60 : i1 to i32
    %sign3A_62 = arith.subi %sign3A_58, %sign3A_61 : i32
    %sign3A_63 = arith.constant 0 : i32
    %sign3A_64 = arith.cmpi sgt, %jit3A, %sign3A_63 : i32
    %sign3A_65 = arith.extui %sign3A_64 : i1 to i32
    %sign3A_66 = arith.constant 0 : i32
    %sign3A_67 = arith.cmpi slt, %jit3A, %sign3A_66 : i32
    %sign3A_68 = arith.extui %sign3A_67 : i1 to i32
    %sign3A_69 = arith.subi %sign3A_65, %sign3A_68 : i32
    %ne3A = arith.cmpi ne, %sign3A_62, %sign3A_69 : i32
    %rem3A = arith.remsi %add3A_56, %jit3A : i32
    %ne3A_70 = arith.constant 0 : i32
    %ne3A_71 = arith.cmpi ne, %rem3A, %ne3A_70 : i32
    %and3A = arith.andi %ne3A, %ne3A_71 : i1
    %sub3A = arith.constant 1 : i32
    %sub3A_72 = arith.subi %div3A, %sub3A : i32
    %select_n3A = arith.select %and3A, %sub3A_72, %div3A : i32
    %mul3A_73 = arith.constant 100 : i32
    %mul3A_74 = arith.muli %select_n3A, %mul3A_73 : i32
    %get3A = arith.constant 0 : index
    %get3A_75 = tpu.vector_load %arg7[%get3A] {strides = array<i32>} : memref<16640xi32, #tpu.memory_space<vmem>>, vector<16xi32>,
    %convert_element_type3A = arith.sitofp %get3A_75 : vector<16xi32> to vector<16xf32>
    %mul3A_76 = arith.constant 0.00999999977 : f32
    %mul3A_77 = vector.broadcast %mul3A_76 : f32 to vector<16xf32>
    %mul3A_78 = arith.mulf %convert_element_type3A, %mul3A_77 : vector<16xf32>
    %add3A_79 = arith.constant 5.000000e-03 : f32
    %add3A_80 = vector.broadcast %add3A_79 : f32 to vector<16xf32>
    %add3A_81 = arith.addf %mul3A_78, %add3A_80 : vector<16xf32>
    %convert_element_type3A_82 = arith.fptosi %add3A_81 : vector<16xf32> to vector<16xi32>
    %convert_element_type3A_83 = arith.sitofp %convert_element_type3A_82 : vector<16xi32> to vector<16xf32>
    %mul3A_84 = arith.constant 0.00999999977 : f32
    %mul3A_85 = vector.broadcast %mul3A_84 : f32 to vector<16xf32>
    %mul3A_86 = arith.mulf %convert_element_type3A_83, %mul3A_85 : vector<16xf32>
    %add3A_87 = arith.constant 5.000000e-03 : f32
    %add3A_88 = vector.broadcast %add3A_87 : f32 to vector<16xf32>
    %add3A_89 = arith.addf %mul3A_86, %add3A_88 : vector<16xf32>
    %convert_element_type3A_90 = arith.fptosi %add3A_89 : vector<16xf32> to vector<16xi32>
    %add3A_91 = vector.broadcast %mul3A_74 : i32 to vector<16xi32>
    %add3A_92 = arith.addi %add3A_91, %convert_element_type3A_90 : vector<16xi32>
    %swap3A = arith.constant 0 : index
    %swap3A_93 = tpu.vector_load %arg8[%swap3A] {strides = array<i32>} : memref<80xi32, #tpu.memory_space<vmem>>, vector<16xi32>,
    tpu.vector_store %arg8[%swap3A], %add3A_92 {strides = array<i32>} : memref<80xi32, #tpu.memory_space<vmem>>, vector<16xi32>,
    %mul3A_94 = arith.constant 100 : i32
    %mul3A_95 = vector.broadcast %mul3A_94 : i32 to vector<16xi32>
    %mul3A_96 = arith.muli %convert_element_type3A_90, %mul3A_95 : vector<16xi32>
    %sub3A_97 = arith.subi %convert_element_type3A_82, %mul3A_96 : vector<16xi32>
    %add3A_98 = vector.broadcast %mul3A_74 : i32 to vector<16xi32>
    %add3A_99 = arith.addi %add3A_98, %sub3A_97 : vector<16xi32>
    %swap3A_100 = arith.constant 0 : index
    %swap3A_101 = tpu.vector_load %arg9[%swap3A_100] {strides = array<i32>} : memref<80xi32, #tpu.memory_space<vmem>>, vector<16xi32>,
    tpu.vector_store %arg9[%swap3A_100], %add3A_99 {strides = array<i32>} : memref<80xi32, #tpu.memory_space<vmem>>, vector<16xi32>,
    %mul3A_102 = arith.constant 100 : i32
    %mul3A_103 = vector.broadcast %mul3A_102 : i32 to vector<16xi32>
    %mul3A_104 = arith.muli %convert_element_type3A_82, %mul3A_103 : vector<16xi32>
    %sub3A_105 = arith.subi %get3A_75, %mul3A_104 : vector<16xi32>
    %add3A_106 = vector.broadcast %mul3A_74 : i32 to vector<16xi32>
    %add3A_107 = arith.addi %add3A_106, %sub3A_105 : vector<16xi32>
    %swap3A_108 = arith.constant 0 : index
    %swap3A_109 = tpu.vector_load %arg10[%swap3A_108] {strides = array<i32>} : memref<80xi32, #tpu.memory_space<vmem>>, vector<16xi32>,
    tpu.vector_store %arg10[%swap3A_108], %add3A_107 {strides = array<i32>} : memref<80xi32, #tpu.memory_space<vmem>>, vector<16xi32>,
    %get3A_110 = arith.constant 16 : index
    %get3A_111 = tpu.vector_load %arg7[%get3A_110] {strides = array<i32>} : memref<16640xi32, #tpu.memory_space<vmem>>, vector<16xi32>,
    %convert_element_type3A_112 = arith.sitofp %get3A_111 : vector<16xi32> to vector<16xf32>
    %mul3A_113 = arith.constant 0.00999999977 : f32
    %mul3A_114 = vector.broadcast %mul3A_113 : f32 to vector<16xf32>
    %mul3A_115 = arith.mulf %convert_element_type3A_112, %mul3A_114 : vector<16xf32>
    %add3A_116 = arith.constant 5.000000e-03 : f32
    %add3A_117 = vector.broadcast %add3A_116 : f32 to vector<16xf32>
    %add3A_118 = arith.addf %mul3A_115, %add3A_117 : vector<16xf32>
    %convert_element_type3A_119 = arith.fptosi %add3A_118 : vector<16xf32> to vector<16xi32>
    %convert_element_type3A_120 = arith.sitofp %convert_element_type3A_119 : vector<16xi32> to vector<16xf32>
    %mul3A_121 = arith.constant 0.00999999977 : f32
    %mul3A_122 = vector.broadcast %mul3A_121 : f32 to vector<16xf32>
    %mul3A_123 = arith.mulf %convert_element_type3A_120, %mul3A_122 : vector<16xf32>
    %add3A_124 = arith.constant 5.000000e-03 : f32
    %add3A_125 = vector.broadcast %add3A_124 : f32 to vector<16xf32>
    %add3A_126 = arith.addf %mul3A_123, %add3A_125 : vector<16xf32>
    %convert_element_type3A_127 = arith.fptosi %add3A_126 : vector<16xf32> to vector<16xi32>
    %add3A_128 = vector.broadcast %mul3A_74 : i32 to vector<16xi32>
    %add3A_129 = arith.addi %add3A_128, %convert_element_type3A_127 : vector<16xi32>
    %swap3A_130 = arith.constant 16 : index
    %swap3A_131 = tpu.vector_load %arg8[%swap3A_130] {strides = array<i32>} : memref<80xi32, #tpu.memory_space<vmem>>, vector<16xi32>,
    tpu.vector_store %arg8[%swap3A_130], %add3A_129 {strides = array<i32>} : memref<80xi32, #tpu.memory_space<vmem>>, vector<16xi32>,
    %mul3A_132 = arith.constant 100 : i32
    %mul3A_133 = vector.broadcast %mul3A_132 : i32 to vector<16xi32>
    %mul3A_134 = arith.muli %convert_element_type3A_127, %mul3A_133 : vector<16xi32>
    %sub3A_135 = arith.subi %convert_element_type3A_119, %mul3A_134 : vector<16xi32>
    %add3A_136 = vector.broadcast %mul3A_74 : i32 to vector<16xi32>
    %add3A_137 = arith.addi %add3A_136, %sub3A_135 : vector<16xi32>
    %swap3A_138 = arith.constant 16 : index
    %swap3A_139 = tpu.vector_load %arg9[%swap3A_138] {strides = array<i32>} : memref<80xi32, #tpu.memory_space<vmem>>, vector<16xi32>,
    tpu.vector_store %arg9[%swap3A_138], %add3A_137 {strides = array<i32>} : memref<80xi32, #tpu.memory_space<vmem>>, vector<16xi32>,
    %mul3A_140 = arith.constant 100 : i32
    %mul3A_141 = vector.broadcast %mul3A_140 : i32 to vector<16xi32>
    %mul3A_142 = arith.muli %convert_element_type3A_119, %mul3A_141 : vector<16xi32>
    %sub3A_143 = arith.subi %get3A_111, %mul3A_142 : vector<16xi32>
    %add3A_144 = vector.broadcast %mul3A_74 : i32 to vector<16xi32>
    %add3A_145 = arith.addi %add3A_144, %sub3A_143 : vector<16xi32>
    %swap3A_146 = arith.constant 16 : index
    %swap3A_147 = tpu.vector_load %arg10[%swap3A_146] {strides = array<i32>} : memref<80xi32, #tpu.memory_space<vmem>>, vector<16xi32>,
    tpu.vector_store %arg10[%swap3A_146], %add3A_145 {strides = array<i32>} : memref<80xi32, #tpu.memory_space<vmem>>, vector<16xi32>,
    %get3A_148 = arith.constant 32 : index
    %get3A_149 = tpu.vector_load %arg7[%get3A_148] {strides = array<i32>} : memref<16640xi32, #tpu.memory_space<vmem>>, vector<16xi32>,
    %convert_element_type3A_150 = arith.sitofp %get3A_149 : vector<16xi32> to vector<16xf32>
    %mul3A_151 = arith.constant 0.00999999977 : f32
    %mul3A_152 = vector.broadcast %mul3A_151 : f32 to vector<16xf32>
    %mul3A_153 = arith.mulf %convert_element_type3A_150, %mul3A_152 : vector<16xf32>
    %add3A_154 = arith.constant 5.000000e-03 : f32
    %add3A_155 = vector.broadcast %add3A_154 : f32 to vector<16xf32>
    %add3A_156 = arith.addf %mul3A_153, %add3A_155 : vector<16xf32>
    %convert_element_type3A_157 = arith.fptosi %add3A_156 : vector<16xf32> to vector<16xi32>
    %convert_element_type3A_158 = arith.sitofp %convert_element_type3A_157 : vector<16xi32> to vector<16xf32>
    %mul3A_159 = arith.constant 0.00999999977 : f32
    %mul3A_160 = vector.broadcast %mul3A_159 : f32 to vector<16xf32>
    %mul3A_161 = arith.mulf %convert_element_type3A_158, %mul3A_160 : vector<16xf32>
    %add3A_162 = arith.constant 5.000000e-03 : f32
    %add3A_163 = vector.broadcast %add3A_162 : f32 to vector<16xf32>
    %add3A_164 = arith.addf %mul3A_161, %add3A_163 : vector<16xf32>
    %convert_element_type3A_165 = arith.fptosi %add3A_164 : vector<16xf32> to vector<16xi32>
    %add3A_166 = vector.broadcast %mul3A_74 : i32 to vector<16xi32>
    %add3A_167 = arith.addi %add3A_166, %convert_element_type3A_165 : vector<16xi32>
    %swap3A_168 = arith.constant 32 : index
    %swap3A_169 = tpu.vector_load %arg8[%swap3A_168] {strides = array<i32>} : memref<80xi32, #tpu.memory_space<vmem>>, vector<16xi32>,
    tpu.vector_store %arg8[%swap3A_168], %add3A_167 {strides = array<i32>} : memref<80xi32, #tpu.memory_space<vmem>>, vector<16xi32>,
    %mul3A_170 = arith.constant 100 : i32
    %mul3A_171 = vector.broadcast %mul3A_170 : i32 to vector<16xi32>
    %mul3A_172 = arith.muli %convert_element_type3A_165, %mul3A_171 : vector<16xi32>
    %sub3A_173 = arith.subi %convert_element_type3A_157, %mul3A_172 : vector<16xi32>
    %add3A_174 = vector.broadcast %mul3A_74 : i32 to vector<16xi32>
    %add3A_175 = arith.addi %add3A_174, %sub3A_173 : vector<16xi32>
    %swap3A_176 = arith.constant 32 : index
    %swap3A_177 = tpu.vector_load %arg9[%swap3A_176] {strides = array<i32>} : memref<80xi32, #tpu.memory_space<vmem>>, vector<16xi32>,
    tpu.vector_store %arg9[%swap3A_176], %add3A_175 {strides = array<i32>} : memref<80xi32, #tpu.memory_space<vmem>>, vector<16xi32>,
    %mul3A_178 = arith.constant 100 : i32
    %mul3A_179 = vector.broadcast %mul3A_178 : i32 to vector<16xi32>
    %mul3A_180 = arith.muli %convert_element_type3A_157, %mul3A_179 : vector<16xi32>
    %sub3A_181 = arith.subi %get3A_149, %mul3A_180 : vector<16xi32>
    %add3A_182 = vector.broadcast %mul3A_74 : i32 to vector<16xi32>
    %add3A_183 = arith.addi %add3A_182, %sub3A_181 : vector<16xi32>
    %swap3A_184 = arith.constant 32 : index
    %swap3A_185 = tpu.vector_load %arg10[%swap3A_184] {strides = array<i32>} : memref<80xi32, #tpu.memory_space<vmem>>, vector<16xi32>,
    tpu.vector_store %arg10[%swap3A_184], %add3A_183 {strides = array<i32>} : memref<80xi32, #tpu.memory_space<vmem>>, vector<16xi32>,
    %get3A_186 = arith.constant 48 : index
    %get3A_187 = tpu.vector_load %arg7[%get3A_186] {strides = array<i32>} : memref<16640xi32, #tpu.memory_space<vmem>>, vector<16xi32>,
    %convert_element_type3A_188 = arith.sitofp %get3A_187 : vector<16xi32> to vector<16xf32>
    %mul3A_189 = arith.constant 0.00999999977 : f32
    %mul3A_190 = vector.broadcast %mul3A_189 : f32 to vector<16xf32>
    %mul3A_191 = arith.mulf %convert_element_type3A_188, %mul3A_190 : vector<16xf32>
    %add3A_192 = arith.constant 5.000000e-03 : f32
    %add3A_193 = vector.broadcast %add3A_192 : f32 to vector<16xf32>
    %add3A_194 = arith.addf %mul3A_191, %add3A_193 : vector<16xf32>
    %convert_element_type3A_195 = arith.fptosi %add3A_194 : vector<16xf32> to vector<16xi32>
    %convert_element_type3A_196 = arith.sitofp %convert_element_type3A_195 : vector<16xi32> to vector<16xf32>
    %mul3A_197 = arith.constant 0.00999999977 : f32
    %mul3A_198 = vector.broadcast %mul3A_197 : f32 to vector<16xf32>
    %mul3A_199 = arith.mulf %convert_element_type3A_196, %mul3A_198 : vector<16xf32>
    %add3A_200 = arith.constant 5.000000e-03 : f32
    %add3A_201 = vector.broadcast %add3A_200 : f32 to vector<16xf32>
    %add3A_202 = arith.addf %mul3A_199, %add3A_201 : vector<16xf32>
    %convert_element_type3A_203 = arith.fptosi %add3A_202 : vector<16xf32> to vector<16xi32>
    %add3A_204 = vector.broadcast %mul3A_74 : i32 to vector<16xi32>
    %add3A_205 = arith.addi %add3A_204, %convert_element_type3A_203 : vector<16xi32>
    %swap3A_206 = arith.constant 48 : index
    %swap3A_207 = tpu.vector_load %arg8[%swap3A_206] {strides = array<i32>} : memref<80xi32, #tpu.memory_space<vmem>>, vector<16xi32>,
    tpu.vector_store %arg8[%swap3A_206], %add3A_205 {strides = array<i32>} : memref<80xi32, #tpu.memory_space<vmem>>, vector<16xi32>,
    %mul3A_208 = arith.constant 100 : i32
    %mul3A_209 = vector.broadcast %mul3A_208 : i32 to vector<16xi32>
    %mul3A_210 = arith.muli %convert_element_type3A_203, %mul3A_209 : vector<16xi32>
    %sub3A_211 = arith.subi %convert_element_type3A_195, %mul3A_210 : vector<16xi32>
    %add3A_212 = vector.broadcast %mul3A_74 : i32 to vector<16xi32>
    %add3A_213 = arith.addi %add3A_212, %sub3A_211 : vector<16xi32>
    %swap3A_214 = arith.constant 48 : index
    %swap3A_215 = tpu.vector_load %arg9[%swap3A_214] {strides = array<i32>} : memref<80xi32, #tpu.memory_space<vmem>>, vector<16xi32>,
    tpu.vector_store %arg9[%swap3A_214], %add3A_213 {strides = array<i32>} : memref<80xi32, #tpu.memory_space<vmem>>, vector<16xi32>,
    %mul3A_216 = arith.constant 100 : i32
    %mul3A_217 = vector.broadcast %mul3A_216 : i32 to vector<16xi32>
    %mul3A_218 = arith.muli %convert_element_type3A_195, %mul3A_217 : vector<16xi32>
    %sub3A_219 = arith.subi %get3A_187, %mul3A_218 : vector<16xi32>
    %add3A_220 = vector.broadcast %mul3A_74 : i32 to vector<16xi32>
    %add3A_221 = arith.addi %add3A_220, %sub3A_219 : vector<16xi32>
    %swap3A_222 = arith.constant 48 : index
    %swap3A_223 = tpu.vector_load %arg10[%swap3A_222] {strides = array<i32>} : memref<80xi32, #tpu.memory_space<vmem>>, vector<16xi32>,
    tpu.vector_store %arg10[%swap3A_222], %add3A_221 {strides = array<i32>} : memref<80xi32, #tpu.memory_space<vmem>>, vector<16xi32>,
    %get3A_224 = arith.constant 64 : index
    %get3A_225 = tpu.vector_load %arg7[%get3A_224] {strides = array<i32>} : memref<16640xi32, #tpu.memory_space<vmem>>, vector<16xi32>,
    %convert_element_type3A_226 = arith.sitofp %get3A_225 : vector<16xi32> to vector<16xf32>
    %mul3A_227 = arith.constant 0.00999999977 : f32
    %mul3A_228 = vector.broadcast %mul3A_227 : f32 to vector<16xf32>
    %mul3A_229 = arith.mulf %convert_element_type3A_226, %mul3A_228 : vector<16xf32>
    %add3A_230 = arith.constant 5.000000e-03 : f32
    %add3A_231 = vector.broadcast %add3A_230 : f32 to vector<16xf32>
    %add3A_232 = arith.addf %mul3A_229, %add3A_231 : vector<16xf32>
    %convert_element_type3A_233 = arith.fptosi %add3A_232 : vector<16xf32> to vector<16xi32>
    %convert_element_type3A_234 = arith.sitofp %convert_element_type3A_233 : vector<16xi32> to vector<16xf32>
    %mul3A_235 = arith.constant 0.00999999977 : f32
    %mul3A_236 = vector.broadcast %mul3A_235 : f32 to vector<16xf32>
    %mul3A_237 = arith.mulf %convert_element_type3A_234, %mul3A_236 : vector<16xf32>
    %add3A_238 = arith.constant 5.000000e-03 : f32
    %add3A_239 = vector.broadcast %add3A_238 : f32 to vector<16xf32>
    %add3A_240 = arith.addf %mul3A_237, %add3A_239 : vector<16xf32>
    %convert_element_type3A_241 = arith.fptosi %add3A_240 : vector<16xf32> to vector<16xi32>
    %add3A_242 = vector.broadcast %mul3A_74 : i32 to vector<16xi32>
    %add3A_243 = arith.addi %add3A_242, %convert_element_type3A_241 : vector<16xi32>
    %swap3A_244 = arith.constant 64 : index
    %swap3A_245 = tpu.vector_load %arg8[%swap3A_244] {strides = array<i32>} : memref<80xi32, #tpu.memory_space<vmem>>, vector<16xi32>,
    tpu.vector_store %arg8[%swap3A_244], %add3A_243 {strides = array<i32>} : memref<80xi32, #tpu.memory_space<vmem>>, vector<16xi32>,
    %mul3A_246 = arith.constant 100 : i32
    %mul3A_247 = vector.broadcast %mul3A_246 : i32 to vector<16xi32>
    %mul3A_248 = arith.muli %convert_element_type3A_241, %mul3A_247 : vector<16xi32>
    %sub3A_249 = arith.subi %convert_element_type3A_233, %mul3A_248 : vector<16xi32>
    %add3A_250 = vector.broadcast %mul3A_74 : i32 to vector<16xi32>
    %add3A_251 = arith.addi %add3A_250, %sub3A_249 : vector<16xi32>
    %swap3A_252 = arith.constant 64 : index
    %swap3A_253 = tpu.vector_load %arg9[%swap3A_252] {strides = array<i32>} : memref<80xi32, #tpu.memory_space<vmem>>, vector<16xi32>,
    tpu.vector_store %arg9[%swap3A_252], %add3A_251 {strides = array<i32>} : memref<80xi32, #tpu.memory_space<vmem>>, vector<16xi32>,
    %mul3A_254 = arith.constant 100 : i32
    %mul3A_255 = vector.broadcast %mul3A_254 : i32 to vector<16xi32>
    %mul3A_256 = arith.muli %convert_element_type3A_233, %mul3A_255 : vector<16xi32>
    %sub3A_257 = arith.subi %get3A_225, %mul3A_256 : vector<16xi32>
    %add3A_258 = vector.broadcast %mul3A_74 : i32 to vector<16xi32>
    %add3A_259 = arith.addi %add3A_258, %sub3A_257 : vector<16xi32>
    %swap3A_260 = arith.constant 64 : index
    %swap3A_261 = tpu.vector_load %arg10[%swap3A_260] {strides = array<i32>} : memref<80xi32, #tpu.memory_space<vmem>>, vector<16xi32>,
    tpu.vector_store %arg10[%swap3A_260], %add3A_259 {strides = array<i32>} : memref<80xi32, #tpu.memory_space<vmem>>, vector<16xi32>,
    %dma_start3A = arith.constant 0 : i32
    %dma_start3A_262 = arith.constant 0 : i32
    %dma_start3A_263 = tpu.memref_slice %arg3[%dma_start3A, %dma_start3A_262] : memref<2600x32xf32, #tpu.memory_space<hbm>> -> memref<2600x32xf32, #tpu.memory_space<hbm>>
    tpu.enqueue_indirect_dma source(%dma_start3A_263 : memref<2600x32xf32, #tpu.memory_space<hbm>>) target(%arg14 : memref<80x32xf32, #tpu.memory_space<vmem>>) offsets(%arg8 : memref<80xi32, #tpu.memory_space<vmem>>) semaphore(%arg24 : memref<!tpu.dma_semaphore, #tpu.memory_space<semaphore_mem>>)
    %dma_start3A_264 = arith.constant 0 : i32
    %dma_start3A_265 = arith.constant 0 : i32
    %dma_start3A_266 = tpu.memref_slice %arg4[%dma_start3A_264, %dma_start3A_265] : memref<2600x256xf32, #tpu.memory_space<hbm>> -> memref<2600x256xf32, #tpu.memory_space<hbm>>
    tpu.enqueue_indirect_dma source(%dma_start3A_266 : memref<2600x256xf32, #tpu.memory_space<hbm>>) target(%arg16 : memref<80x256xf32, #tpu.memory_space<vmem>>) offsets(%arg9 : memref<80xi32, #tpu.memory_space<vmem>>) semaphore(%arg25 : memref<!tpu.dma_semaphore, #tpu.memory_space<semaphore_mem>>)
    %dma_start3A_267 = arith.constant 0 : i32
    %dma_start3A_268 = arith.constant 0 : i32
    %dma_start3A_269 = tpu.memref_slice %arg5[%dma_start3A_267, %dma_start3A_268] : memref<2600x32xf32, #tpu.memory_space<hbm>> -> memref<2600x32xf32, #tpu.memory_space<hbm>>
    tpu.enqueue_indirect_dma source(%dma_start3A_269 : memref<2600x32xf32, #tpu.memory_space<hbm>>) target(%arg18 : memref<80x32xf32, #tpu.memory_space<vmem>>) offsets(%arg10 : memref<80xi32, #tpu.memory_space<vmem>>) semaphore(%arg26 : memref<!tpu.dma_semaphore, #tpu.memory_space<semaphore_mem>>)
    %add3A_270 = arith.constant 80 : i32
    %add3A_271 = arith.addi %mul3A_2, %add3A_270 : i32
    %jit3A_272 = arith.constant 20480 : i32
    %div3A_273 = arith.divsi %add3A_271, %jit3A_272 : i32
    %sign3A_274 = arith.constant 0 : i32
    %sign3A_275 = arith.cmpi sgt, %add3A_271, %sign3A_274 : i32
    %sign3A_276 = arith.extui %sign3A_275 : i1 to i32
    %sign3A_277 = arith.constant 0 : i32
    %sign3A_278 = arith.cmpi slt, %add3A_271, %sign3A_277 : i32
    %sign3A_279 = arith.extui %sign3A_278 : i1 to i32
    %sign3A_280 = arith.subi %sign3A_276, %sign3A_279 : i32
    %sign3A_281 = arith.constant 0 : i32
    %sign3A_282 = arith.cmpi sgt, %jit3A_272, %sign3A_281 : i32
    %sign3A_283 = arith.extui %sign3A_282 : i1 to i32
    %sign3A_284 = arith.constant 0 : i32
    %sign3A_285 = arith.cmpi slt, %jit3A_272, %sign3A_284 : i32
    %sign3A_286 = arith.extui %sign3A_285 : i1 to i32
    %sign3A_287 = arith.subi %sign3A_283, %sign3A_286 : i32
    %ne3A_288 = arith.cmpi ne, %sign3A_280, %sign3A_287 : i32
    %rem3A_289 = arith.remsi %add3A_271, %jit3A_272 : i32
    %ne3A_290 = arith.constant 0 : i32
    %ne3A_291 = arith.cmpi ne, %rem3A_289, %ne3A_290 : i32
    %and3A_292 = arith.andi %ne3A_288, %ne3A_291 : i1
    %sub3A_293 = arith.constant 1 : i32
    %sub3A_294 = arith.subi %div3A_273, %sub3A_293 : i32
    %select_n3A_295 = arith.select %and3A_292, %sub3A_294, %div3A_273 : i32
    %mul3A_296 = arith.constant 100 : i32
    %mul3A_297 = arith.muli %select_n3A_295, %mul3A_296 : i32
    %get3A_298 = arith.constant 80 : index
    %get3A_299 = tpu.vector_load %arg7[%get3A_298] {strides = array<i32>} : memref<16640xi32, #tpu.memory_space<vmem>>, vector<16xi32>,
    %convert_element_type3A_300 = arith.sitofp %get3A_299 : vector<16xi32> to vector<16xf32>
    %mul3A_301 = arith.constant 0.00999999977 : f32
    %mul3A_302 = vector.broadcast %mul3A_301 : f32 to vector<16xf32>
    %mul3A_303 = arith.mulf %convert_element_type3A_300, %mul3A_302 : vector<16xf32>
    %add3A_304 = arith.constant 5.000000e-03 : f32
    %add3A_305 = vector.broadcast %add3A_304 : f32 to vector<16xf32>
    %add3A_306 = arith.addf %mul3A_303, %add3A_305 : vector<16xf32>
    %convert_element_type3A_307 = arith.fptosi %add3A_306 : vector<16xf32> to vector<16xi32>
    %convert_element_type3A_308 = arith.sitofp %convert_element_type3A_307 : vector<16xi32> to vector<16xf32>
    %mul3A_309 = arith.constant 0.00999999977 : f32
    %mul3A_310 = vector.broadcast %mul3A_309 : f32 to vector<16xf32>
    %mul3A_311 = arith.mulf %convert_element_type3A_308, %mul3A_310 : vector<16xf32>
    %add3A_312 = arith.constant 5.000000e-03 : f32
    %add3A_313 = vector.broadcast %add3A_312 : f32 to vector<16xf32>
    %add3A_314 = arith.addf %mul3A_311, %add3A_313 : vector<16xf32>
    %convert_element_type3A_315 = arith.fptosi %add3A_314 : vector<16xf32> to vector<16xi32>
    %add3A_316 = vector.broadcast %mul3A_297 : i32 to vector<16xi32>
    %add3A_317 = arith.addi %add3A_316, %convert_element_type3A_315 : vector<16xi32>
    %swap3A_318 = arith.constant 0 : index
    %swap3A_319 = tpu.vector_load %arg11[%swap3A_318] {strides = array<i32>} : memref<80xi32, #tpu.memory_space<vmem>>, vector<16xi32>,
    tpu.vector_store %arg11[%swap3A_318], %add3A_317 {strides = array<i32>} : memref<80xi32, #tpu.memory_space<vmem>>, vector<16xi32>,
    %mul3A_320 = arith.constant 100 : i32
    %mul3A_321 = vector.broadcast %mul3A_320 : i32 to vector<16xi32>
    %mul3A_322 = arith.muli %convert_element_type3A_315, %mul3A_321 : vector<16xi32>
    %sub3A_323 = arith.subi %convert_element_type3A_307, %mul3A_322 : vector<16xi32>
    %add3A_324 = vector.broadcast %mul3A_297 : i32 to vector<16xi32>
    %add3A_325 = arith.addi %add3A_324, %sub3A_323 : vector<16xi32>
    %swap3A_326 = arith.constant 0 : index
    %swap3A_327 = tpu.vector_load %arg12[%swap3A_326] {strides = array<i32>} : memref<80xi32, #tpu.memory_space<vmem>>, vector<16xi32>,
    tpu.vector_store %arg12[%swap3A_326], %add3A_325 {strides = array<i32>} : memref<80xi32, #tpu.memory_space<vmem>>, vector<16xi32>,
    %mul3A_328 = arith.constant 100 : i32
    %mul3A_329 = vector.broadcast %mul3A_328 : i32 to vector<16xi32>
    %mul3A_330 = arith.muli %convert_element_type3A_307, %mul3A_329 : vector<16xi32>
    %sub3A_331 = arith.subi %get3A_299, %mul3A_330 : vector<16xi32>
    %add3A_332 = vector.broadcast %mul3A_297 : i32 to vector<16xi32>
    %add3A_333 = arith.addi %add3A_332, %sub3A_331 : vector<16xi32>
    %swap3A_334 = arith.constant 0 : index
    %swap3A_335 = tpu.vector_load %arg13[%swap3A_334] {strides = array<i32>} : memref<80xi32, #tpu.memory_space<vmem>>, vector<16xi32>,
    tpu.vector_store %arg13[%swap3A_334], %add3A_333 {strides = array<i32>} : memref<80xi32, #tpu.memory_space<vmem>>, vector<16xi32>,
    %get3A_336 = arith.constant 96 : index
    %get3A_337 = tpu.vector_load %arg7[%get3A_336] {strides = array<i32>} : memref<16640xi32, #tpu.memory_space<vmem>>, vector<16xi32>,
    %convert_element_type3A_338 = arith.sitofp %get3A_337 : vector<16xi32> to vector<16xf32>
    %mul3A_339 = arith.constant 0.00999999977 : f32
    %mul3A_340 = vector.broadcast %mul3A_339 : f32 to vector<16xf32>
    %mul3A_341 = arith.mulf %convert_element_type3A_338, %mul3A_340 : vector<16xf32>
    %add3A_342 = arith.constant 5.000000e-03 : f32
    %add3A_343 = vector.broadcast %add3A_342 : f32 to vector<16xf32>
    %add3A_344 = arith.addf %mul3A_341, %add3A_343 : vector<16xf32>
    %convert_element_type3A_345 = arith.fptosi %add3A_344 : vector<16xf32> to vector<16xi32>
    %convert_element_type3A_346 = arith.sitofp %convert_element_type3A_345 : vector<16xi32> to vector<16xf32>
    %mul3A_347 = arith.constant 0.00999999977 : f32
    %mul3A_348 = vector.broadcast %mul3A_347 : f32 to vector<16xf32>
    %mul3A_349 = arith.mulf %convert_element_type3A_346, %mul3A_348 : vector<16xf32>
    %add3A_350 = arith.constant 5.000000e-03 : f32
    %add3A_351 = vector.broadcast %add3A_350 : f32 to vector<16xf32>
    %add3A_352 = arith.addf %mul3A_349, %add3A_351 : vector<16xf32>
    %convert_element_type3A_353 = arith.fptosi %add3A_352 : vector<16xf32> to vector<16xi32>
    %add3A_354 = vector.broadcast %mul3A_297 : i32 to vector<16xi32>
    %add3A_355 = arith.addi %add3A_354, %convert_element_type3A_353 : vector<16xi32>
    %swap3A_356 = arith.constant 16 : index
    %swap3A_357 = tpu.vector_load %arg11[%swap3A_356] {strides = array<i32>} : memref<80xi32, #tpu.memory_space<vmem>>, vector<16xi32>,
    tpu.vector_store %arg11[%swap3A_356], %add3A_355 {strides = array<i32>} : memref<80xi32, #tpu.memory_space<vmem>>, vector<16xi32>,
    %mul3A_358 = arith.constant 100 : i32
    %mul3A_359 = vector.broadcast %mul3A_358 : i32 to vector<16xi32>
    %mul3A_360 = arith.muli %convert_element_type3A_353, %mul3A_359 : vector<16xi32>
    %sub3A_361 = arith.subi %convert_element_type3A_345, %mul3A_360 : vector<16xi32>
    %add3A_362 = vector.broadcast %mul3A_297 : i32 to vector<16xi32>
    %add3A_363 = arith.addi %add3A_362, %sub3A_361 : vector<16xi32>
    %swap3A_364 = arith.constant 16 : index
    %swap3A_365 = tpu.vector_load %arg12[%swap3A_364] {strides = array<i32>} : memref<80xi32, #tpu.memory_space<vmem>>, vector<16xi32>,
    tpu.vector_store %arg12[%swap3A_364], %add3A_363 {strides = array<i32>} : memref<80xi32, #tpu.memory_space<vmem>>, vector<16xi32>,
    %mul3A_366 = arith.constant 100 : i32
    %mul3A_367 = vector.broadcast %mul3A_366 : i32 to vector<16xi32>
    %mul3A_368 = arith.muli %convert_element_type3A_345, %mul3A_367 : vector<16xi32>
    %sub3A_369 = arith.subi %get3A_337, %mul3A_368 : vector<16xi32>
    %add3A_370 = vector.broadcast %mul3A_297 : i32 to vector<16xi32>
    %add3A_371 = arith.addi %add3A_370, %sub3A_369 : vector<16xi32>
    %swap3A_372 = arith.constant 16 : index
    %swap3A_373 = tpu.vector_load %arg13[%swap3A_372] {strides = array<i32>} : memref<80xi32, #tpu.memory_space<vmem>>, vector<16xi32>,
    tpu.vector_store %arg13[%swap3A_372], %add3A_371 {strides = array<i32>} : memref<80xi32, #tpu.memory_space<vmem>>, vector<16xi32>,
    %get3A_374 = arith.constant 112 : index
    %get3A_375 = tpu.vector_load %arg7[%get3A_374] {strides = array<i32>} : memref<16640xi32, #tpu.memory_space<vmem>>, vector<16xi32>,
    %convert_element_type3A_376 = arith.sitofp %get3A_375 : vector<16xi32> to vector<16xf32>
    %mul3A_377 = arith.constant 0.00999999977 : f32
    %mul3A_378 = vector.broadcast %mul3A_377 : f32 to vector<16xf32>
    %mul3A_379 = arith.mulf %convert_element_type3A_376, %mul3A_378 : vector<16xf32>
    %add3A_380 = arith.constant 5.000000e-03 : f32
    %add3A_381 = vector.broadcast %add3A_380 : f32 to vector<16xf32>
    %add3A_382 = arith.addf %mul3A_379, %add3A_381 : vector<16xf32>
    %convert_element_type3A_383 = arith.fptosi %add3A_382 : vector<16xf32> to vector<16xi32>
    %convert_element_type3A_384 = arith.sitofp %convert_element_type3A_383 : vector<16xi32> to vector<16xf32>
    %mul3A_385 = arith.constant 0.00999999977 : f32
    %mul3A_386 = vector.broadcast %mul3A_385 : f32 to vector<16xf32>
    %mul3A_387 = arith.mulf %convert_element_type3A_384, %mul3A_386 : vector<16xf32>
    %add3A_388 = arith.constant 5.000000e-03 : f32
    %add3A_389 = vector.broadcast %add3A_388 : f32 to vector<16xf32>
    %add3A_390 = arith.addf %mul3A_387, %add3A_389 : vector<16xf32>
    %convert_element_type3A_391 = arith.fptosi %add3A_390 : vector<16xf32> to vector<16xi32>
    %add3A_392 = vector.broadcast %mul3A_297 : i32 to vector<16xi32>
    %add3A_393 = arith.addi %add3A_392, %convert_element_type3A_391 : vector<16xi32>
    %swap3A_394 = arith.constant 32 : index
    %swap3A_395 = tpu.vector_load %arg11[%swap3A_394] {strides = array<i32>} : memref<80xi32, #tpu.memory_space<vmem>>, vector<16xi32>,
    tpu.vector_store %arg11[%swap3A_394], %add3A_393 {strides = array<i32>} : memref<80xi32, #tpu.memory_space<vmem>>, vector<16xi32>,
    %mul3A_396 = arith.constant 100 : i32
    %mul3A_397 = vector.broadcast %mul3A_396 : i32 to vector<16xi32>
    %mul3A_398 = arith.muli %convert_element_type3A_391, %mul3A_397 : vector<16xi32>
    %sub3A_399 = arith.subi %convert_element_type3A_383, %mul3A_398 : vector<16xi32>
    %add3A_400 = vector.broadcast %mul3A_297 : i32 to vector<16xi32>
    %add3A_401 = arith.addi %add3A_400, %sub3A_399 : vector<16xi32>
    %swap3A_402 = arith.constant 32 : index
    %swap3A_403 = tpu.vector_load %arg12[%swap3A_402] {strides = array<i32>} : memref<80xi32, #tpu.memory_space<vmem>>, vector<16xi32>,
    tpu.vector_store %arg12[%swap3A_402], %add3A_401 {strides = array<i32>} : memref<80xi32, #tpu.memory_space<vmem>>, vector<16xi32>,
    %mul3A_404 = arith.constant 100 : i32
    %mul3A_405 = vector.broadcast %mul3A_404 : i32 to vector<16xi32>
    %mul3A_406 = arith.muli %convert_element_type3A_383, %mul3A_405 : vector<16xi32>
    %sub3A_407 = arith.subi %get3A_375, %mul3A_406 : vector<16xi32>
    %add3A_408 = vector.broadcast %mul3A_297 : i32 to vector<16xi32>
    %add3A_409 = arith.addi %add3A_408, %sub3A_407 : vector<16xi32>
    %swap3A_410 = arith.constant 32 : index
    %swap3A_411 = tpu.vector_load %arg13[%swap3A_410] {strides = array<i32>} : memref<80xi32, #tpu.memory_space<vmem>>, vector<16xi32>,
    tpu.vector_store %arg13[%swap3A_410], %add3A_409 {strides = array<i32>} : memref<80xi32, #tpu.memory_space<vmem>>, vector<16xi32>,
    %get3A_412 = arith.constant 128 : index
    %get3A_413 = tpu.vector_load %arg7[%get3A_412] {strides = array<i32>} : memref<16640xi32, #tpu.memory_space<vmem>>, vector<16xi32>,
    %convert_element_type3A_414 = arith.sitofp %get3A_413 : vector<16xi32> to vector<16xf32>
    %mul3A_415 = arith.constant 0.00999999977 : f32
    %mul3A_416 = vector.broadcast %mul3A_415 : f32 to vector<16xf32>
    %mul3A_417 = arith.mulf %convert_element_type3A_414, %mul3A_416 : vector<16xf32>
    %add3A_418 = arith.constant 5.000000e-03 : f32
    %add3A_419 = vector.broadcast %add3A_418 : f32 to vector<16xf32>
    %add3A_420 = arith.addf %mul3A_417, %add3A_419 : vector<16xf32>
    %convert_element_type3A_421 = arith.fptosi %add3A_420 : vector<16xf32> to vector<16xi32>
    %convert_element_type3A_422 = arith.sitofp %convert_element_type3A_421 : vector<16xi32> to vector<16xf32>
    %mul3A_423 = arith.constant 0.00999999977 : f32
    %mul3A_424 = vector.broadcast %mul3A_423 : f32 to vector<16xf32>
    %mul3A_425 = arith.mulf %convert_element_type3A_422, %mul3A_424 : vector<16xf32>
    %add3A_426 = arith.constant 5.000000e-03 : f32
    %add3A_427 = vector.broadcast %add3A_426 : f32 to vector<16xf32>
    %add3A_428 = arith.addf %mul3A_425, %add3A_427 : vector<16xf32>
    %convert_element_type3A_429 = arith.fptosi %add3A_428 : vector<16xf32> to vector<16xi32>
    %add3A_430 = vector.broadcast %mul3A_297 : i32 to vector<16xi32>
    %add3A_431 = arith.addi %add3A_430, %convert_element_type3A_429 : vector<16xi32>
    %swap3A_432 = arith.constant 48 : index
    %swap3A_433 = tpu.vector_load %arg11[%swap3A_432] {strides = array<i32>} : memref<80xi32, #tpu.memory_space<vmem>>, vector<16xi32>,
    tpu.vector_store %arg11[%swap3A_432], %add3A_431 {strides = array<i32>} : memref<80xi32, #tpu.memory_space<vmem>>, vector<16xi32>,
    %mul3A_434 = arith.constant 100 : i32
    %mul3A_435 = vector.broadcast %mul3A_434 : i32 to vector<16xi32>
    %mul3A_436 = arith.muli %convert_element_type3A_429, %mul3A_435 : vector<16xi32>
    %sub3A_437 = arith.subi %convert_element_type3A_421, %mul3A_436 : vector<16xi32>
    %add3A_438 = vector.broadcast %mul3A_297 : i32 to vector<16xi32>
    %add3A_439 = arith.addi %add3A_438, %sub3A_437 : vector<16xi32>
    %swap3A_440 = arith.constant 48 : index
    %swap3A_441 = tpu.vector_load %arg12[%swap3A_440] {strides = array<i32>} : memref<80xi32, #tpu.memory_space<vmem>>, vector<16xi32>,
    tpu.vector_store %arg12[%swap3A_440], %add3A_439 {strides = array<i32>} : memref<80xi32, #tpu.memory_space<vmem>>, vector<16xi32>,
    %mul3A_442 = arith.constant 100 : i32
    %mul3A_443 = vector.broadcast %mul3A_442 : i32 to vector<16xi32>
    %mul3A_444 = arith.muli %convert_element_type3A_421, %mul3A_443 : vector<16xi32>
    %sub3A_445 = arith.subi %get3A_413, %mul3A_444 : vector<16xi32>
    %add3A_446 = vector.broadcast %mul3A_297 : i32 to vector<16xi32>
    %add3A_447 = arith.addi %add3A_446, %sub3A_445 : vector<16xi32>
    %swap3A_448 = arith.constant 48 : index
    %swap3A_449 = tpu.vector_load %arg13[%swap3A_448] {strides = array<i32>} : memref<80xi32, #tpu.memory_space<vmem>>, vector<16xi32>,
    tpu.vector_store %arg13[%swap3A_448], %add3A_447 {strides = array<i32>} : memref<80xi32, #tpu.memory_space<vmem>>, vector<16xi32>,
    %get3A_450 = arith.constant 144 : index
    %get3A_451 = tpu.vector_load %arg7[%get3A_450] {strides = array<i32>} : memref<16640xi32, #tpu.memory_space<vmem>>, vector<16xi32>,
    %convert_element_type3A_452 = arith.sitofp %get3A_451 : vector<16xi32> to vector<16xf32>
    %mul3A_453 = arith.constant 0.00999999977 : f32
    %mul3A_454 = vector.broadcast %mul3A_453 : f32 to vector<16xf32>
    %mul3A_455 = arith.mulf %convert_element_type3A_452, %mul3A_454 : vector<16xf32>
    %add3A_456 = arith.constant 5.000000e-03 : f32
    %add3A_457 = vector.broadcast %add3A_456 : f32 to vector<16xf32>
    %add3A_458 = arith.addf %mul3A_455, %add3A_457 : vector<16xf32>
    %convert_element_type3A_459 = arith.fptosi %add3A_458 : vector<16xf32> to vector<16xi32>
    %convert_element_type3A_460 = arith.sitofp %convert_element_type3A_459 : vector<16xi32> to vector<16xf32>
    %mul3A_461 = arith.constant 0.00999999977 : f32
    %mul3A_462 = vector.broadcast %mul3A_461 : f32 to vector<16xf32>
    %mul3A_463 = arith.mulf %convert_element_type3A_460, %mul3A_462 : vector<16xf32>
    %add3A_464 = arith.constant 5.000000e-03 : f32
    %add3A_465 = vector.broadcast %add3A_464 : f32 to vector<16xf32>
    %add3A_466 = arith.addf %mul3A_463, %add3A_465 : vector<16xf32>
    %convert_element_type3A_467 = arith.fptosi %add3A_466 : vector<16xf32> to vector<16xi32>
    %add3A_468 = vector.broadcast %mul3A_297 : i32 to vector<16xi32>
    %add3A_469 = arith.addi %add3A_468, %convert_element_type3A_467 : vector<16xi32>
    %swap3A_470 = arith.constant 64 : index
    %swap3A_471 = tpu.vector_load %arg11[%swap3A_470] {strides = array<i32>} : memref<80xi32, #tpu.memory_space<vmem>>, vector<16xi32>,
    tpu.vector_store %arg11[%swap3A_470], %add3A_469 {strides = array<i32>} : memref<80xi32, #tpu.memory_space<vmem>>, vector<16xi32>,
    %mul3A_472 = arith.constant 100 : i32
    %mul3A_473 = vector.broadcast %mul3A_472 : i32 to vector<16xi32>
    %mul3A_474 = arith.muli %convert_element_type3A_467, %mul3A_473 : vector<16xi32>
    %sub3A_475 = arith.subi %convert_element_type3A_459, %mul3A_474 : vector<16xi32>
    %add3A_476 = vector.broadcast %mul3A_297 : i32 to vector<16xi32>
    %add3A_477 = arith.addi %add3A_476, %sub3A_475 : vector<16xi32>
    %swap3A_478 = arith.constant 64 : index
    %swap3A_479 = tpu.vector_load %arg12[%swap3A_478] {strides = array<i32>} : memref<80xi32, #tpu.memory_space<vmem>>, vector<16xi32>,
    tpu.vector_store %arg12[%swap3A_478], %add3A_477 {strides = array<i32>} : memref<80xi32, #tpu.memory_space<vmem>>, vector<16xi32>,
    %mul3A_480 = arith.constant 100 : i32
    %mul3A_481 = vector.broadcast %mul3A_480 : i32 to vector<16xi32>
    %mul3A_482 = arith.muli %convert_element_type3A_459, %mul3A_481 : vector<16xi32>
    %sub3A_483 = arith.subi %get3A_451, %mul3A_482 : vector<16xi32>
    %add3A_484 = vector.broadcast %mul3A_297 : i32 to vector<16xi32>
    %add3A_485 = arith.addi %add3A_484, %sub3A_483 : vector<16xi32>
    %swap3A_486 = arith.constant 64 : index
    %swap3A_487 = tpu.vector_load %arg13[%swap3A_486] {strides = array<i32>} : memref<80xi32, #tpu.memory_space<vmem>>, vector<16xi32>,
    tpu.vector_store %arg13[%swap3A_486], %add3A_485 {strides = array<i32>} : memref<80xi32, #tpu.memory_space<vmem>>, vector<16xi32>,
    %dma_start3A_488 = arith.constant 0 : i32
    %dma_start3A_489 = arith.constant 0 : i32
    %dma_start3A_490 = tpu.memref_slice %arg3[%dma_start3A_488, %dma_start3A_489] : memref<2600x32xf32, #tpu.memory_space<hbm>> -> memref<2600x32xf32, #tpu.memory_space<hbm>>
    tpu.enqueue_indirect_dma source(%dma_start3A_490 : memref<2600x32xf32, #tpu.memory_space<hbm>>) target(%arg15 : memref<80x32xf32, #tpu.memory_space<vmem>>) offsets(%arg11 : memref<80xi32, #tpu.memory_space<vmem>>) semaphore(%arg27 : memref<!tpu.dma_semaphore, #tpu.memory_space<semaphore_mem>>)
    %dma_start3A_491 = arith.constant 0 : i32
    %dma_start3A_492 = arith.constant 0 : i32
    %dma_start3A_493 = tpu.memref_slice %arg4[%dma_start3A_491, %dma_start3A_492] : memref<2600x256xf32, #tpu.memory_space<hbm>> -> memref<2600x256xf32, #tpu.memory_space<hbm>>
    tpu.enqueue_indirect_dma source(%dma_start3A_493 : memref<2600x256xf32, #tpu.memory_space<hbm>>) target(%arg17 : memref<80x256xf32, #tpu.memory_space<vmem>>) offsets(%arg12 : memref<80xi32, #tpu.memory_space<vmem>>) semaphore(%arg28 : memref<!tpu.dma_semaphore, #tpu.memory_space<semaphore_mem>>)
    %dma_start3A_494 = arith.constant 0 : i32
    %dma_start3A_495 = arith.constant 0 : i32
    %dma_start3A_496 = tpu.memref_slice %arg5[%dma_start3A_494, %dma_start3A_495] : memref<2600x32xf32, #tpu.memory_space<hbm>> -> memref<2600x32xf32, #tpu.memory_space<hbm>>
    tpu.enqueue_indirect_dma source(%dma_start3A_496 : memref<2600x32xf32, #tpu.memory_space<hbm>>) target(%arg19 : memref<80x32xf32, #tpu.memory_space<vmem>>) offsets(%arg13 : memref<80xi32, #tpu.memory_space<vmem>>) semaphore(%arg29 : memref<!tpu.dma_semaphore, #tpu.memory_space<semaphore_mem>>)
    %scan3A = arith.constant 0 : i32
    %scan3A_497 = arith.constant 0 : i32
    %scan3A_498 = arith.constant 104 : i32
    %scan3A_499 = arith.addi %scan3A_497, %scan3A_498 : i32
    %scan3A_500 = arith.constant 1 : i32
    scf.for %scan3A_505 = %scan3A_497 to %scan3A_499 step %scan3A_500  : i32 {
      %mul3A_506 = arith.constant 2 : i32
      %mul3A_507 = arith.muli %mul3A_506, %scan3A_505 : i32
      %dma_wait3A_508 = arith.constant 0 : i32
      %dma_wait3A_509 = arith.constant 0 : i32
      %dma_wait3A_510 = tpu.memref_slice %arg3[%dma_wait3A_508, %dma_wait3A_509] : memref<2600x32xf32, #tpu.memory_space<hbm>> -> memref<2600x32xf32, #tpu.memory_space<hbm>>
      tpu.wait_indirect_dma semaphore(%arg24 : memref<!tpu.dma_semaphore, #tpu.memory_space<semaphore_mem>>) src(%dma_wait3A_510 : memref<2600x32xf32, #tpu.memory_space<hbm>>) dst(%arg14 : memref<80x32xf32, #tpu.memory_space<vmem>>)
      %dma_wait3A_511 = arith.constant 0 : i32
      %dma_wait3A_512 = arith.constant 0 : i32
      %dma_wait3A_513 = tpu.memref_slice %arg4[%dma_wait3A_511, %dma_wait3A_512] : memref<2600x256xf32, #tpu.memory_space<hbm>> -> memref<2600x256xf32, #tpu.memory_space<hbm>>
      tpu.wait_indirect_dma semaphore(%arg25 : memref<!tpu.dma_semaphore, #tpu.memory_space<semaphore_mem>>) src(%dma_wait3A_513 : memref<2600x256xf32, #tpu.memory_space<hbm>>) dst(%arg16 : memref<80x256xf32, #tpu.memory_space<vmem>>)
      %dma_wait3A_514 = arith.constant 0 : i32
      %dma_wait3A_515 = arith.constant 0 : i32
      %dma_wait3A_516 = tpu.memref_slice %arg5[%dma_wait3A_514, %dma_wait3A_515] : memref<2600x32xf32, #tpu.memory_space<hbm>> -> memref<2600x32xf32, #tpu.memory_space<hbm>>
      tpu.wait_indirect_dma semaphore(%arg26 : memref<!tpu.dma_semaphore, #tpu.memory_space<semaphore_mem>>) src(%dma_wait3A_516 : memref<2600x32xf32, #tpu.memory_space<hbm>>) dst(%arg18 : memref<80x32xf32, #tpu.memory_space<vmem>>)
      %mul3A_517 = arith.constant 4 : i32
      %mul3A_518 = arith.muli %mul3A_507, %mul3A_517 : i32
      %mul3A_519 = arith.constant 64 : i32
      %mul3A_520 = arith.muli %mul3A_518, %mul3A_519 : i32
      %add3A_521 = arith.addi %mul3A_6, %mul3A_520 : i32
      %gt3A = arith.constant 0 : i32
      %gt3A_522 = arith.cmpi sgt, %scan3A_505, %gt3A : i32
      %convert_element_type3A_523 = arith.extui %gt3A_522 : i1 to i32
      %cond3A = arith.constant 0 : i32
      %cond3A_524 = arith.cmpi ne, %convert_element_type3A_523, %cond3A : i32
      scf.if %cond3A_524 {
        %dma_wait3A_573 = tpu.memref_slice %arg6[%add3A_521] : memref<1703936xf32, #tpu.memory_space<hbm>> -> memref<256xf32, #tpu.memory_space<hbm>>
        %dma_wait3A_574 = tpu.memref_slice %arg6[%add3A_521] : memref<1703936xf32, #tpu.memory_space<hbm>> -> memref<256xf32, #tpu.memory_space<hbm>>
        tpu.wait_dma2 semaphore(%arg30 : memref<!tpu.dma_semaphore, #tpu.memory_space<semaphore_mem>>) src(%arg22 : memref<256xf32, #tpu.memory_space<vmem>>) dst(%dma_wait3A_574 : memref<256xf32, #tpu.memory_space<hbm>>)
      } else {
      }
      %scan3A_525 = arith.constant 0 : i32
      %scan3A_526 = arith.constant 0 : i32
      %scan3A_527 = arith.constant 4 : i32
      %scan3A_528 = arith.addi %scan3A_526, %scan3A_527 : i32
      %scan3A_529 = arith.constant 1 : i32
      scf.for %scan3A_573 = %scan3A_526 to %scan3A_528 step %scan3A_529  : i32 {
        %mul3A_574 = arith.constant 64 : i32
        %mul3A_575 = arith.muli %scan3A_573, %mul3A_574 : i32
        %mul3A_576 = arith.constant 4 : i32
        %mul3A_577 = vector.broadcast %mul3A_576 : i32 to vector<16xi32>
        %mul3A_578 = arith.muli %iota3A, %mul3A_577 : vector<16xi32>
        %add3A_579 = vector.broadcast %mul3A_575 : i32 to vector<16xi32>
        %add3A_580 = arith.addi %add3A_579, %mul3A_578 : vector<16xi32>
        %add3A_581 = arith.constant 0 : i32
        %add3A_582 = vector.broadcast %add3A_581 : i32 to vector<16xi32>
        %add3A_583 = arith.addi %add3A_580, %add3A_582 : vector<16xi32>
        %mul3A_584 = arith.constant 64 : i32
        %mul3A_585 = arith.muli %scan3A_573, %mul3A_584 : i32
        %mul3A_586 = arith.constant 4 : i32
        %mul3A_587 = vector.broadcast %mul3A_586 : i32 to vector<16xi32>
        %mul3A_588 = arith.muli %iota3A, %mul3A_587 : vector<16xi32>
        %add3A_589 = vector.broadcast %mul3A_585 : i32 to vector<16xi32>
        %add3A_590 = arith.addi %add3A_589, %mul3A_588 : vector<16xi32>
        %add3A_591 = arith.constant 1 : i32
        %add3A_592 = vector.broadcast %add3A_591 : i32 to vector<16xi32>
        %add3A_593 = arith.addi %add3A_590, %add3A_592 : vector<16xi32>
        %mul3A_594 = arith.constant 64 : i32
        %mul3A_595 = arith.muli %scan3A_573, %mul3A_594 : i32
        %mul3A_596 = arith.constant 4 : i32
        %mul3A_597 = vector.broadcast %mul3A_596 : i32 to vector<16xi32>
        %mul3A_598 = arith.muli %iota3A, %mul3A_597 : vector<16xi32>
        %add3A_599 = vector.broadcast %mul3A_595 : i32 to vector<16xi32>
        %add3A_600 = arith.addi %add3A_599, %mul3A_598 : vector<16xi32>
        %add3A_601 = arith.constant 2 : i32
        %add3A_602 = vector.broadcast %add3A_601 : i32 to vector<16xi32>
        %add3A_603 = arith.addi %add3A_600, %add3A_602 : vector<16xi32>
        %mul3A_604 = arith.constant 64 : i32
        %mul3A_605 = arith.muli %scan3A_573, %mul3A_604 : i32
        %mul3A_606 = arith.constant 4 : i32
        %mul3A_607 = vector.broadcast %mul3A_606 : i32 to vector<16xi32>
        %mul3A_608 = arith.muli %iota3A, %mul3A_607 : vector<16xi32>
        %add3A_609 = vector.broadcast %mul3A_605 : i32 to vector<16xi32>
        %add3A_610 = arith.addi %add3A_609, %mul3A_608 : vector<16xi32>
        %add3A_611 = arith.constant 3 : i32
        %add3A_612 = vector.broadcast %add3A_611 : i32 to vector<16xi32>
        %add3A_613 = arith.addi %add3A_610, %add3A_612 : vector<16xi32>
        %broadcast_in_dim3A = arith.constant 0.000000e+00 : f32
        %broadcast_in_dim3A_614 = vector.broadcast %broadcast_in_dim3A : f32 to vector<16xf32>
        %mul3A_615 = arith.constant 64 : i32
        %mul3A_616 = arith.muli %scan3A_573, %mul3A_615 : i32
        %add3A_617 = arith.constant 0 : i32
        %add3A_618 = arith.addi %mul3A_616, %add3A_617 : i32
        %swap3A_619 = arith.index_cast %add3A_618 : i32 to index
        %swap3A_620 = tpu.vector_load %arg22[%swap3A_619] {strides = array<i32>} : memref<256xf32, #tpu.memory_space<vmem>>, vector<16xf32>,
        tpu.vector_store %arg22[%swap3A_619], %broadcast_in_dim3A_614 {strides = array<i32>} : memref<256xf32, #tpu.memory_space<vmem>>, vector<16xf32>,
        %mul3A_621 = arith.constant 64 : i32
        %mul3A_622 = arith.muli %scan3A_573, %mul3A_621 : i32
        %add3A_623 = arith.constant 16 : i32
        %add3A_624 = arith.addi %mul3A_622, %add3A_623 : i32
        %swap3A_625 = arith.index_cast %add3A_624 : i32 to index
        %swap3A_626 = tpu.vector_load %arg22[%swap3A_625] {strides = array<i32>} : memref<256xf32, #tpu.memory_space<vmem>>, vector<16xf32>,
        tpu.vector_store %arg22[%swap3A_625], %broadcast_in_dim3A_614 {strides = array<i32>} : memref<256xf32, #tpu.memory_space<vmem>>, vector<16xf32>,
        %mul3A_627 = arith.constant 64 : i32
        %mul3A_628 = arith.muli %scan3A_573, %mul3A_627 : i32
        %add3A_629 = arith.constant 32 : i32
        %add3A_630 = arith.addi %mul3A_628, %add3A_629 : i32
        %swap3A_631 = arith.index_cast %add3A_630 : i32 to index
        %swap3A_632 = tpu.vector_load %arg22[%swap3A_631] {strides = array<i32>} : memref<256xf32, #tpu.memory_space<vmem>>, vector<16xf32>,
        tpu.vector_store %arg22[%swap3A_631], %broadcast_in_dim3A_614 {strides = array<i32>} : memref<256xf32, #tpu.memory_space<vmem>>, vector<16xf32>,
        %mul3A_633 = arith.constant 64 : i32
        %mul3A_634 = arith.muli %scan3A_573, %mul3A_633 : i32
        %add3A_635 = arith.constant 48 : i32
        %add3A_636 = arith.addi %mul3A_634, %add3A_635 : i32
        %swap3A_637 = arith.index_cast %add3A_636 : i32 to index
        %swap3A_638 = tpu.vector_load %arg22[%swap3A_637] {strides = array<i32>} : memref<256xf32, #tpu.memory_space<vmem>>, vector<16xf32>,
        tpu.vector_store %arg22[%swap3A_637], %broadcast_in_dim3A_614 {strides = array<i32>} : memref<256xf32, #tpu.memory_space<vmem>>, vector<16xf32>,
        %scan3A_639 = arith.constant 0 : i32
        %scan3A_640 = arith.constant 0 : i32
        %scan3A_641 = arith.constant 10 : i32
        %scan3A_642 = arith.addi %scan3A_640, %scan3A_641 : i32
        %scan3A_643 = arith.constant 1 : i32
        scf.for %scan3A_645 = %scan3A_640 to %scan3A_642 step %scan3A_643  : i32 {
          %mul3A_646 = arith.constant 20 : i32
          %mul3A_647 = arith.muli %scan3A_573, %mul3A_646 : i32
          %mul3A_648 = arith.constant 2 : i32
          %mul3A_649 = arith.muli %mul3A_648, %scan3A_645 : i32
          %add3A_650 = arith.addi %mul3A_647, %mul3A_649 : i32
          %get3A_651 = arith.index_cast %add3A_650 : i32 to index
          %get3A_652 = arith.constant 0 : index
          %get3A_653 = tpu.vector_load %arg14[%get3A_651, %get3A_652] {strides = array<i32>} : memref<80x32xf32, #tpu.memory_space<vmem>>, vector<16xf32>,
          %get3A_654 = arith.index_cast %add3A_650 : i32 to index
          %get3A_655 = arith.constant 16 : index
          %get3A_656 = tpu.vector_load %arg14[%get3A_654, %get3A_655] {strides = array<i32>} : memref<80x32xf32, #tpu.memory_space<vmem>>, vector<16xf32>,
          %get3A_657 = arith.index_cast %add3A_650 : i32 to index
          %get3A_658 = arith.constant 0 : index
          %get3A_659 = tpu.vector_load %arg18[%get3A_657, %get3A_658] {strides = array<i32>} : memref<80x32xf32, #tpu.memory_space<vmem>>, vector<16xf32>,
          %get3A_660 = arith.index_cast %add3A_650 : i32 to index
          %get3A_661 = arith.constant 16 : index
          %get3A_662 = tpu.vector_load %arg18[%get3A_660, %get3A_661] {strides = array<i32>} : memref<80x32xf32, #tpu.memory_space<vmem>>, vector<16xf32>,
          %get3A_663 = arith.index_cast %add3A_650 : i32 to index
          %get3A_664 = arith.constant 0 : index
          %get3A_665 = tpu.vector_load %arg16[%get3A_663, %get3A_664] {strides = array<i32>} : memref<80x256xf32, #tpu.memory_space<vmem>>, vector<16xf32>,
          %get3A_666 = arith.index_cast %add3A_650 : i32 to index
          %get3A_667 = arith.constant 16 : index
          %get3A_668 = tpu.vector_load %arg16[%get3A_666, %get3A_667] {strides = array<i32>} : memref<80x256xf32, #tpu.memory_space<vmem>>, vector<16xf32>,
          %get3A_669 = arith.index_cast %add3A_650 : i32 to index
          %get3A_670 = arith.constant 32 : index
          %get3A_671 = tpu.vector_load %arg16[%get3A_669, %get3A_670] {strides = array<i32>} : memref<80x256xf32, #tpu.memory_space<vmem>>, vector<16xf32>,
          %get3A_672 = arith.index_cast %add3A_650 : i32 to index
          %get3A_673 = arith.constant 48 : index
          %get3A_674 = tpu.vector_load %arg16[%get3A_672, %get3A_673] {strides = array<i32>} : memref<80x256xf32, #tpu.memory_space<vmem>>, vector<16xf32>,
          %get3A_675 = arith.index_cast %add3A_650 : i32 to index
          %get3A_676 = arith.constant 64 : index
          %get3A_677 = tpu.vector_load %arg16[%get3A_675, %get3A_676] {strides = array<i32>} : memref<80x256xf32, #tpu.memory_space<vmem>>, vector<16xf32>,
          %get3A_678 = arith.index_cast %add3A_650 : i32 to index
          %get3A_679 = arith.constant 80 : index
          %get3A_680 = tpu.vector_load %arg16[%get3A_678, %get3A_679] {strides = array<i32>} : memref<80x256xf32, #tpu.memory_space<vmem>>, vector<16xf32>,
          %get3A_681 = arith.index_cast %add3A_650 : i32 to index
          %get3A_682 = arith.constant 96 : index
          %get3A_683 = tpu.vector_load %arg16[%get3A_681, %get3A_682] {strides = array<i32>} : memref<80x256xf32, #tpu.memory_space<vmem>>, vector<16xf32>,
          %get3A_684 = arith.index_cast %add3A_650 : i32 to index
          %get3A_685 = arith.constant 112 : index
          %get3A_686 = tpu.vector_load %arg16[%get3A_684, %get3A_685] {strides = array<i32>} : memref<80x256xf32, #tpu.memory_space<vmem>>, vector<16xf32>,
          %get3A_687 = arith.index_cast %add3A_650 : i32 to index
          %get3A_688 = arith.constant 128 : index
          %get3A_689 = tpu.vector_load %arg16[%get3A_687, %get3A_688] {strides = array<i32>} : memref<80x256xf32, #tpu.memory_space<vmem>>, vector<16xf32>,
          %get3A_690 = arith.index_cast %add3A_650 : i32 to index
          %get3A_691 = arith.constant 144 : index
          %get3A_692 = tpu.vector_load %arg16[%get3A_690, %get3A_691] {strides = array<i32>} : memref<80x256xf32, #tpu.memory_space<vmem>>, vector<16xf32>,
          %get3A_693 = arith.index_cast %add3A_650 : i32 to index
          %get3A_694 = arith.constant 160 : index
          %get3A_695 = tpu.vector_load %arg16[%get3A_693, %get3A_694] {strides = array<i32>} : memref<80x256xf32, #tpu.memory_space<vmem>>, vector<16xf32>,
          %get3A_696 = arith.index_cast %add3A_650 : i32 to index
          %get3A_697 = arith.constant 176 : index
          %get3A_698 = tpu.vector_load %arg16[%get3A_696, %get3A_697] {strides = array<i32>} : memref<80x256xf32, #tpu.memory_space<vmem>>, vector<16xf32>,
          %get3A_699 = arith.index_cast %add3A_650 : i32 to index
          %get3A_700 = arith.constant 192 : index
          %get3A_701 = tpu.vector_load %arg16[%get3A_699, %get3A_700] {strides = array<i32>} : memref<80x256xf32, #tpu.memory_space<vmem>>, vector<16xf32>,
          %get3A_702 = arith.index_cast %add3A_650 : i32 to index
          %get3A_703 = arith.constant 208 : index
          %get3A_704 = tpu.vector_load %arg16[%get3A_702, %get3A_703] {strides = array<i32>} : memref<80x256xf32, #tpu.memory_space<vmem>>, vector<16xf32>,
          %get3A_705 = arith.index_cast %add3A_650 : i32 to index
          %get3A_706 = arith.constant 224 : index
          %get3A_707 = tpu.vector_load %arg16[%get3A_705, %get3A_706] {strides = array<i32>} : memref<80x256xf32, #tpu.memory_space<vmem>>, vector<16xf32>,
          %get3A_708 = arith.index_cast %add3A_650 : i32 to index
          %get3A_709 = arith.constant 240 : index
          %get3A_710 = tpu.vector_load %arg16[%get3A_708, %get3A_709] {strides = array<i32>} : memref<80x256xf32, #tpu.memory_space<vmem>>, vector<16xf32>,
          %slice3A = vector.extract_strided_slice %get3A_653 {offsets = [0], sizes = [1], strides = [1]} : vector<16xf32> to vector<1xf32>
          %squeeze3A = vector.extract %slice3A[0] : f32 from vector<1xf32>
          %mul3A_711 = vector.broadcast %squeeze3A : f32 to vector<16xf32>
          %mul3A_712 = arith.mulf %mul3A_711, %get3A_665 : vector<16xf32>
          %slice3A_713 = vector.extract_strided_slice %get3A_653 {offsets = [1], sizes = [1], strides = [1]} : vector<16xf32> to vector<1xf32>
          %squeeze3A_714 = vector.extract %slice3A_713[0] : f32 from vector<1xf32>
          %mul3A_715 = vector.broadcast %squeeze3A_714 : f32 to vector<16xf32>
          %mul3A_716 = arith.mulf %mul3A_715, %get3A_671 : vector<16xf32>
          %add3A_717 = arith.addf %mul3A_712, %mul3A_716 : vector<16xf32>
          %slice3A_718 = vector.extract_strided_slice %get3A_653 {offsets = [2], sizes = [1], strides = [1]} : vector<16xf32> to vector<1xf32>
          %squeeze3A_719 = vector.extract %slice3A_718[0] : f32 from vector<1xf32>
          %mul3A_720 = vector.broadcast %squeeze3A_719 : f32 to vector<16xf32>
          %mul3A_721 = arith.mulf %mul3A_720, %get3A_677 : vector<16xf32>
          %add3A_722 = arith.addf %add3A_717, %mul3A_721 : vector<16xf32>
          %slice3A_723 = vector.extract_strided_slice %get3A_653 {offsets = [3], sizes = [1], strides = [1]} : vector<16xf32> to vector<1xf32>
          %squeeze3A_724 = vector.extract %slice3A_723[0] : f32 from vector<1xf32>
          %mul3A_725 = vector.broadcast %squeeze3A_724 : f32 to vector<16xf32>
          %mul3A_726 = arith.mulf %mul3A_725, %get3A_683 : vector<16xf32>
          %add3A_727 = arith.addf %add3A_722, %mul3A_726 : vector<16xf32>
          %slice3A_728 = vector.extract_strided_slice %get3A_653 {offsets = [4], sizes = [1], strides = [1]} : vector<16xf32> to vector<1xf32>
          %squeeze3A_729 = vector.extract %slice3A_728[0] : f32 from vector<1xf32>
          %mul3A_730 = vector.broadcast %squeeze3A_729 : f32 to vector<16xf32>
          %mul3A_731 = arith.mulf %mul3A_730, %get3A_689 : vector<16xf32>
          %add3A_732 = arith.addf %add3A_727, %mul3A_731 : vector<16xf32>
          %slice3A_733 = vector.extract_strided_slice %get3A_653 {offsets = [5], sizes = [1], strides = [1]} : vector<16xf32> to vector<1xf32>
          %squeeze3A_734 = vector.extract %slice3A_733[0] : f32 from vector<1xf32>
          %mul3A_735 = vector.broadcast %squeeze3A_734 : f32 to vector<16xf32>
          %mul3A_736 = arith.mulf %mul3A_735, %get3A_695 : vector<16xf32>
          %add3A_737 = arith.addf %add3A_732, %mul3A_736 : vector<16xf32>
          %slice3A_738 = vector.extract_strided_slice %get3A_653 {offsets = [6], sizes = [1], strides = [1]} : vector<16xf32> to vector<1xf32>
          %squeeze3A_739 = vector.extract %slice3A_738[0] : f32 from vector<1xf32>
          %mul3A_740 = vector.broadcast %squeeze3A_739 : f32 to vector<16xf32>
          %mul3A_741 = arith.mulf %mul3A_740, %get3A_701 : vector<16xf32>
          %add3A_742 = arith.addf %add3A_737, %mul3A_741 : vector<16xf32>
          %slice3A_743 = vector.extract_strided_slice %get3A_653 {offsets = [7], sizes = [1], strides = [1]} : vector<16xf32> to vector<1xf32>
          %squeeze3A_744 = vector.extract %slice3A_743[0] : f32 from vector<1xf32>
          %mul3A_745 = vector.broadcast %squeeze3A_744 : f32 to vector<16xf32>
          %mul3A_746 = arith.mulf %mul3A_745, %get3A_707 : vector<16xf32>
          %add3A_747 = arith.addf %add3A_742, %mul3A_746 : vector<16xf32>
          %swap3A_748 = arith.constant 0 : index
          %swap3A_749 = tpu.vector_load %arg20[%swap3A_748] {strides = array<i32>} : memref<128xf32, #tpu.memory_space<vmem>>, vector<16xf32>,
          tpu.vector_store %arg20[%swap3A_748], %add3A_747 {strides = array<i32>} : memref<128xf32, #tpu.memory_space<vmem>>, vector<16xf32>,
          %slice3A_750 = vector.extract_strided_slice %get3A_653 {offsets = [0], sizes = [1], strides = [1]} : vector<16xf32> to vector<1xf32>
          %squeeze3A_751 = vector.extract %slice3A_750[0] : f32 from vector<1xf32>
          %mul3A_752 = vector.broadcast %squeeze3A_751 : f32 to vector<16xf32>
          %mul3A_753 = arith.mulf %mul3A_752, %get3A_668 : vector<16xf32>
          %slice3A_754 = vector.extract_strided_slice %get3A_653 {offsets = [1], sizes = [1], strides = [1]} : vector<16xf32> to vector<1xf32>
          %squeeze3A_755 = vector.extract %slice3A_754[0] : f32 from vector<1xf32>
          %mul3A_756 = vector.broadcast %squeeze3A_755 : f32 to vector<16xf32>
          %mul3A_757 = arith.mulf %mul3A_756, %get3A_674 : vector<16xf32>
          %add3A_758 = arith.addf %mul3A_753, %mul3A_757 : vector<16xf32>
          %slice3A_759 = vector.extract_strided_slice %get3A_653 {offsets = [2], sizes = [1], strides = [1]} : vector<16xf32> to vector<1xf32>
          %squeeze3A_760 = vector.extract %slice3A_759[0] : f32 from vector<1xf32>
          %mul3A_761 = vector.broadcast %squeeze3A_760 : f32 to vector<16xf32>
          %mul3A_762 = arith.mulf %mul3A_761, %get3A_680 : vector<16xf32>
          %add3A_763 = arith.addf %add3A_758, %mul3A_762 : vector<16xf32>
          %slice3A_764 = vector.extract_strided_slice %get3A_653 {offsets = [3], sizes = [1], strides = [1]} : vector<16xf32> to vector<1xf32>
          %squeeze3A_765 = vector.extract %slice3A_764[0] : f32 from vector<1xf32>
          %mul3A_766 = vector.broadcast %squeeze3A_765 : f32 to vector<16xf32>
          %mul3A_767 = arith.mulf %mul3A_766, %get3A_686 : vector<16xf32>
          %add3A_768 = arith.addf %add3A_763, %mul3A_767 : vector<16xf32>
          %slice3A_769 = vector.extract_strided_slice %get3A_653 {offsets = [4], sizes = [1], strides = [1]} : vector<16xf32> to vector<1xf32>
          %squeeze3A_770 = vector.extract %slice3A_769[0] : f32 from vector<1xf32>
          %mul3A_771 = vector.broadcast %squeeze3A_770 : f32 to vector<16xf32>
          %mul3A_772 = arith.mulf %mul3A_771, %get3A_692 : vector<16xf32>
          %add3A_773 = arith.addf %add3A_768, %mul3A_772 : vector<16xf32>
          %slice3A_774 = vector.extract_strided_slice %get3A_653 {offsets = [5], sizes = [1], strides = [1]} : vector<16xf32> to vector<1xf32>
          %squeeze3A_775 = vector.extract %slice3A_774[0] : f32 from vector<1xf32>
          %mul3A_776 = vector.broadcast %squeeze3A_775 : f32 to vector<16xf32>
          %mul3A_777 = arith.mulf %mul3A_776, %get3A_698 : vector<16xf32>
          %add3A_778 = arith.addf %add3A_773, %mul3A_777 : vector<16xf32>
          %slice3A_779 = vector.extract_strided_slice %get3A_653 {offsets = [6], sizes = [1], strides = [1]} : vector<16xf32> to vector<1xf32>
          %squeeze3A_780 = vector.extract %slice3A_779[0] : f32 from vector<1xf32>
          %mul3A_781 = vector.broadcast %squeeze3A_780 : f32 to vector<16xf32>
          %mul3A_782 = arith.mulf %mul3A_781, %get3A_704 : vector<16xf32>
          %add3A_783 = arith.addf %add3A_778, %mul3A_782 : vector<16xf32>
          %slice3A_784 = vector.extract_strided_slice %get3A_653 {offsets = [7], sizes = [1], strides = [1]} : vector<16xf32> to vector<1xf32>
          %squeeze3A_785 = vector.extract %slice3A_784[0] : f32 from vector<1xf32>
          %mul3A_786 = vector.broadcast %squeeze3A_785 : f32 to vector<16xf32>
          %mul3A_787 = arith.mulf %mul3A_786, %get3A_710 : vector<16xf32>
          %add3A_788 = arith.addf %add3A_783, %mul3A_787 : vector<16xf32>
          %swap3A_789 = arith.constant 16 : index
          %swap3A_790 = tpu.vector_load %arg20[%swap3A_789] {strides = array<i32>} : memref<128xf32, #tpu.memory_space<vmem>>, vector<16xf32>,
          tpu.vector_store %arg20[%swap3A_789], %add3A_788 {strides = array<i32>} : memref<128xf32, #tpu.memory_space<vmem>>, vector<16xf32>,
          %slice3A_791 = vector.extract_strided_slice %get3A_653 {offsets = [8], sizes = [1], strides = [1]} : vector<16xf32> to vector<1xf32>
          %squeeze3A_792 = vector.extract %slice3A_791[0] : f32 from vector<1xf32>
          %mul3A_793 = vector.broadcast %squeeze3A_792 : f32 to vector<16xf32>
          %mul3A_794 = arith.mulf %mul3A_793, %get3A_665 : vector<16xf32>
          %slice3A_795 = vector.extract_strided_slice %get3A_653 {offsets = [9], sizes = [1], strides = [1]} : vector<16xf32> to vector<1xf32>
          %squeeze3A_796 = vector.extract %slice3A_795[0] : f32 from vector<1xf32>
          %mul3A_797 = vector.broadcast %squeeze3A_796 : f32 to vector<16xf32>
          %mul3A_798 = arith.mulf %mul3A_797, %get3A_671 : vector<16xf32>
          %add3A_799 = arith.addf %mul3A_794, %mul3A_798 : vector<16xf32>
          %slice3A_800 = vector.extract_strided_slice %get3A_653 {offsets = [10], sizes = [1], strides = [1]} : vector<16xf32> to vector<1xf32>
          %squeeze3A_801 = vector.extract %slice3A_800[0] : f32 from vector<1xf32>
          %mul3A_802 = vector.broadcast %squeeze3A_801 : f32 to vector<16xf32>
          %mul3A_803 = arith.mulf %mul3A_802, %get3A_677 : vector<16xf32>
          %add3A_804 = arith.addf %add3A_799, %mul3A_803 : vector<16xf32>
          %slice3A_805 = vector.extract_strided_slice %get3A_653 {offsets = [11], sizes = [1], strides = [1]} : vector<16xf32> to vector<1xf32>
          %squeeze3A_806 = vector.extract %slice3A_805[0] : f32 from vector<1xf32>
          %mul3A_807 = vector.broadcast %squeeze3A_806 : f32 to vector<16xf32>
          %mul3A_808 = arith.mulf %mul3A_807, %get3A_683 : vector<16xf32>
          %add3A_809 = arith.addf %add3A_804, %mul3A_808 : vector<16xf32>
          %slice3A_810 = vector.extract_strided_slice %get3A_653 {offsets = [12], sizes = [1], strides = [1]} : vector<16xf32> to vector<1xf32>
          %squeeze3A_811 = vector.extract %slice3A_810[0] : f32 from vector<1xf32>
          %mul3A_812 = vector.broadcast %squeeze3A_811 : f32 to vector<16xf32>
          %mul3A_813 = arith.mulf %mul3A_812, %get3A_689 : vector<16xf32>
          %add3A_814 = arith.addf %add3A_809, %mul3A_813 : vector<16xf32>
          %slice3A_815 = vector.extract_strided_slice %get3A_653 {offsets = [13], sizes = [1], strides = [1]} : vector<16xf32> to vector<1xf32>
          %squeeze3A_816 = vector.extract %slice3A_815[0] : f32 from vector<1xf32>
          %mul3A_817 = vector.broadcast %squeeze3A_816 : f32 to vector<16xf32>
          %mul3A_818 = arith.mulf %mul3A_817, %get3A_695 : vector<16xf32>
          %add3A_819 = arith.addf %add3A_814, %mul3A_818 : vector<16xf32>
          %slice3A_820 = vector.extract_strided_slice %get3A_653 {offsets = [14], sizes = [1], strides = [1]} : vector<16xf32> to vector<1xf32>
          %squeeze3A_821 = vector.extract %slice3A_820[0] : f32 from vector<1xf32>
          %mul3A_822 = vector.broadcast %squeeze3A_821 : f32 to vector<16xf32>
          %mul3A_823 = arith.mulf %mul3A_822, %get3A_701 : vector<16xf32>
          %add3A_824 = arith.addf %add3A_819, %mul3A_823 : vector<16xf32>
          %slice3A_825 = vector.extract_strided_slice %get3A_653 {offsets = [15], sizes = [1], strides = [1]} : vector<16xf32> to vector<1xf32>
          %squeeze3A_826 = vector.extract %slice3A_825[0] : f32 from vector<1xf32>
          %mul3A_827 = vector.broadcast %squeeze3A_826 : f32 to vector<16xf32>
          %mul3A_828 = arith.mulf %mul3A_827, %get3A_707 : vector<16xf32>
          %add3A_829 = arith.addf %add3A_824, %mul3A_828 : vector<16xf32>
          %swap3A_830 = arith.constant 32 : index
          %swap3A_831 = tpu.vector_load %arg20[%swap3A_830] {strides = array<i32>} : memref<128xf32, #tpu.memory_space<vmem>>, vector<16xf32>,
          tpu.vector_store %arg20[%swap3A_830], %add3A_829 {strides = array<i32>} : memref<128xf32, #tpu.memory_space<vmem>>, vector<16xf32>,
          %slice3A_832 = vector.extract_strided_slice %get3A_653 {offsets = [8], sizes = [1], strides = [1]} : vector<16xf32> to vector<1xf32>
          %squeeze3A_833 = vector.extract %slice3A_832[0] : f32 from vector<1xf32>
          %mul3A_834 = vector.broadcast %squeeze3A_833 : f32 to vector<16xf32>
          %mul3A_835 = arith.mulf %mul3A_834, %get3A_668 : vector<16xf32>
          %slice3A_836 = vector.extract_strided_slice %get3A_653 {offsets = [9], sizes = [1], strides = [1]} : vector<16xf32> to vector<1xf32>
          %squeeze3A_837 = vector.extract %slice3A_836[0] : f32 from vector<1xf32>
          %mul3A_838 = vector.broadcast %squeeze3A_837 : f32 to vector<16xf32>
          %mul3A_839 = arith.mulf %mul3A_838, %get3A_674 : vector<16xf32>
          %add3A_840 = arith.addf %mul3A_835, %mul3A_839 : vector<16xf32>
          %slice3A_841 = vector.extract_strided_slice %get3A_653 {offsets = [10], sizes = [1], strides = [1]} : vector<16xf32> to vector<1xf32>
          %squeeze3A_842 = vector.extract %slice3A_841[0] : f32 from vector<1xf32>
          %mul3A_843 = vector.broadcast %squeeze3A_842 : f32 to vector<16xf32>
          %mul3A_844 = arith.mulf %mul3A_843, %get3A_680 : vector<16xf32>
          %add3A_845 = arith.addf %add3A_840, %mul3A_844 : vector<16xf32>
          %slice3A_846 = vector.extract_strided_slice %get3A_653 {offsets = [11], sizes = [1], strides = [1]} : vector<16xf32> to vector<1xf32>
          %squeeze3A_847 = vector.extract %slice3A_846[0] : f32 from vector<1xf32>
          %mul3A_848 = vector.broadcast %squeeze3A_847 : f32 to vector<16xf32>
          %mul3A_849 = arith.mulf %mul3A_848, %get3A_686 : vector<16xf32>
          %add3A_850 = arith.addf %add3A_845, %mul3A_849 : vector<16xf32>
          %slice3A_851 = vector.extract_strided_slice %get3A_653 {offsets = [12], sizes = [1], strides = [1]} : vector<16xf32> to vector<1xf32>
          %squeeze3A_852 = vector.extract %slice3A_851[0] : f32 from vector<1xf32>
          %mul3A_853 = vector.broadcast %squeeze3A_852 : f32 to vector<16xf32>
          %mul3A_854 = arith.mulf %mul3A_853, %get3A_692 : vector<16xf32>
          %add3A_855 = arith.addf %add3A_850, %mul3A_854 : vector<16xf32>
          %slice3A_856 = vector.extract_strided_slice %get3A_653 {offsets = [13], sizes = [1], strides = [1]} : vector<16xf32> to vector<1xf32>
          %squeeze3A_857 = vector.extract %slice3A_856[0] : f32 from vector<1xf32>
          %mul3A_858 = vector.broadcast %squeeze3A_857 : f32 to vector<16xf32>
          %mul3A_859 = arith.mulf %mul3A_858, %get3A_698 : vector<16xf32>
          %add3A_860 = arith.addf %add3A_855, %mul3A_859 : vector<16xf32>
          %slice3A_861 = vector.extract_strided_slice %get3A_653 {offsets = [14], sizes = [1], strides = [1]} : vector<16xf32> to vector<1xf32>
          %squeeze3A_862 = vector.extract %slice3A_861[0] : f32 from vector<1xf32>
          %mul3A_863 = vector.broadcast %squeeze3A_862 : f32 to vector<16xf32>
          %mul3A_864 = arith.mulf %mul3A_863, %get3A_704 : vector<16xf32>
          %add3A_865 = arith.addf %add3A_860, %mul3A_864 : vector<16xf32>
          %slice3A_866 = vector.extract_strided_slice %get3A_653 {offsets = [15], sizes = [1], strides = [1]} : vector<16xf32> to vector<1xf32>
          %squeeze3A_867 = vector.extract %slice3A_866[0] : f32 from vector<1xf32>
          %mul3A_868 = vector.broadcast %squeeze3A_867 : f32 to vector<16xf32>
          %mul3A_869 = arith.mulf %mul3A_868, %get3A_710 : vector<16xf32>
          %add3A_870 = arith.addf %add3A_865, %mul3A_869 : vector<16xf32>
          %swap3A_871 = arith.constant 48 : index
          %swap3A_872 = tpu.vector_load %arg20[%swap3A_871] {strides = array<i32>} : memref<128xf32, #tpu.memory_space<vmem>>, vector<16xf32>,
          tpu.vector_store %arg20[%swap3A_871], %add3A_870 {strides = array<i32>} : memref<128xf32, #tpu.memory_space<vmem>>, vector<16xf32>,
          %slice3A_873 = vector.extract_strided_slice %get3A_656 {offsets = [0], sizes = [1], strides = [1]} : vector<16xf32> to vector<1xf32>
          %squeeze3A_874 = vector.extract %slice3A_873[0] : f32 from vector<1xf32>
          %mul3A_875 = vector.broadcast %squeeze3A_874 : f32 to vector<16xf32>
          %mul3A_876 = arith.mulf %mul3A_875, %get3A_665 : vector<16xf32>
          %slice3A_877 = vector.extract_strided_slice %get3A_656 {offsets = [1], sizes = [1], strides = [1]} : vector<16xf32> to vector<1xf32>
          %squeeze3A_878 = vector.extract %slice3A_877[0] : f32 from vector<1xf32>
          %mul3A_879 = vector.broadcast %squeeze3A_878 : f32 to vector<16xf32>
          %mul3A_880 = arith.mulf %mul3A_879, %get3A_671 : vector<16xf32>
          %add3A_881 = arith.addf %mul3A_876, %mul3A_880 : vector<16xf32>
          %slice3A_882 = vector.extract_strided_slice %get3A_656 {offsets = [2], sizes = [1], strides = [1]} : vector<16xf32> to vector<1xf32>
          %squeeze3A_883 = vector.extract %slice3A_882[0] : f32 from vector<1xf32>
          %mul3A_884 = vector.broadcast %squeeze3A_883 : f32 to vector<16xf32>
          %mul3A_885 = arith.mulf %mul3A_884, %get3A_677 : vector<16xf32>
          %add3A_886 = arith.addf %add3A_881, %mul3A_885 : vector<16xf32>
          %slice3A_887 = vector.extract_strided_slice %get3A_656 {offsets = [3], sizes = [1], strides = [1]} : vector<16xf32> to vector<1xf32>
          %squeeze3A_888 = vector.extract %slice3A_887[0] : f32 from vector<1xf32>
          %mul3A_889 = vector.broadcast %squeeze3A_888 : f32 to vector<16xf32>
          %mul3A_890 = arith.mulf %mul3A_889, %get3A_683 : vector<16xf32>
          %add3A_891 = arith.addf %add3A_886, %mul3A_890 : vector<16xf32>
          %slice3A_892 = vector.extract_strided_slice %get3A_656 {offsets = [4], sizes = [1], strides = [1]} : vector<16xf32> to vector<1xf32>
          %squeeze3A_893 = vector.extract %slice3A_892[0] : f32 from vector<1xf32>
          %mul3A_894 = vector.broadcast %squeeze3A_893 : f32 to vector<16xf32>
          %mul3A_895 = arith.mulf %mul3A_894, %get3A_689 : vector<16xf32>
          %add3A_896 = arith.addf %add3A_891, %mul3A_895 : vector<16xf32>
          %slice3A_897 = vector.extract_strided_slice %get3A_656 {offsets = [5], sizes = [1], strides = [1]} : vector<16xf32> to vector<1xf32>
          %squeeze3A_898 = vector.extract %slice3A_897[0] : f32 from vector<1xf32>
          %mul3A_899 = vector.broadcast %squeeze3A_898 : f32 to vector<16xf32>
          %mul3A_900 = arith.mulf %mul3A_899, %get3A_695 : vector<16xf32>
          %add3A_901 = arith.addf %add3A_896, %mul3A_900 : vector<16xf32>
          %slice3A_902 = vector.extract_strided_slice %get3A_656 {offsets = [6], sizes = [1], strides = [1]} : vector<16xf32> to vector<1xf32>
          %squeeze3A_903 = vector.extract %slice3A_902[0] : f32 from vector<1xf32>
          %mul3A_904 = vector.broadcast %squeeze3A_903 : f32 to vector<16xf32>
          %mul3A_905 = arith.mulf %mul3A_904, %get3A_701 : vector<16xf32>
          %add3A_906 = arith.addf %add3A_901, %mul3A_905 : vector<16xf32>
          %slice3A_907 = vector.extract_strided_slice %get3A_656 {offsets = [7], sizes = [1], strides = [1]} : vector<16xf32> to vector<1xf32>
          %squeeze3A_908 = vector.extract %slice3A_907[0] : f32 from vector<1xf32>
          %mul3A_909 = vector.broadcast %squeeze3A_908 : f32 to vector<16xf32>
          %mul3A_910 = arith.mulf %mul3A_909, %get3A_707 : vector<16xf32>
          %add3A_911 = arith.addf %add3A_906, %mul3A_910 : vector<16xf32>
          %swap3A_912 = arith.constant 64 : index
          %swap3A_913 = tpu.vector_load %arg20[%swap3A_912] {strides = array<i32>} : memref<128xf32, #tpu.memory_space<vmem>>, vector<16xf32>,
          tpu.vector_store %arg20[%swap3A_912], %add3A_911 {strides = array<i32>} : memref<128xf32, #tpu.memory_space<vmem>>, vector<16xf32>,
          %slice3A_914 = vector.extract_strided_slice %get3A_656 {offsets = [0], sizes = [1], strides = [1]} : vector<16xf32> to vector<1xf32>
          %squeeze3A_915 = vector.extract %slice3A_914[0] : f32 from vector<1xf32>
          %mul3A_916 = vector.broadcast %squeeze3A_915 : f32 to vector<16xf32>
          %mul3A_917 = arith.mulf %mul3A_916, %get3A_668 : vector<16xf32>
          %slice3A_918 = vector.extract_strided_slice %get3A_656 {offsets = [1], sizes = [1], strides = [1]} : vector<16xf32> to vector<1xf32>
          %squeeze3A_919 = vector.extract %slice3A_918[0] : f32 from vector<1xf32>
          %mul3A_920 = vector.broadcast %squeeze3A_919 : f32 to vector<16xf32>
          %mul3A_921 = arith.mulf %mul3A_920, %get3A_674 : vector<16xf32>
          %add3A_922 = arith.addf %mul3A_917, %mul3A_921 : vector<16xf32>
          %slice3A_923 = vector.extract_strided_slice %get3A_656 {offsets = [2], sizes = [1], strides = [1]} : vector<16xf32> to vector<1xf32>
          %squeeze3A_924 = vector.extract %slice3A_923[0] : f32 from vector<1xf32>
          %mul3A_925 = vector.broadcast %squeeze3A_924 : f32 to vector<16xf32>
          %mul3A_926 = arith.mulf %mul3A_925, %get3A_680 : vector<16xf32>
          %add3A_927 = arith.addf %add3A_922, %mul3A_926 : vector<16xf32>
          %slice3A_928 = vector.extract_strided_slice %get3A_656 {offsets = [3], sizes = [1], strides = [1]} : vector<16xf32> to vector<1xf32>
          %squeeze3A_929 = vector.extract %slice3A_928[0] : f32 from vector<1xf32>
          %mul3A_930 = vector.broadcast %squeeze3A_929 : f32 to vector<16xf32>
          %mul3A_931 = arith.mulf %mul3A_930, %get3A_686 : vector<16xf32>
          %add3A_932 = arith.addf %add3A_927, %mul3A_931 : vector<16xf32>
          %slice3A_933 = vector.extract_strided_slice %get3A_656 {offsets = [4], sizes = [1], strides = [1]} : vector<16xf32> to vector<1xf32>
          %squeeze3A_934 = vector.extract %slice3A_933[0] : f32 from vector<1xf32>
          %mul3A_935 = vector.broadcast %squeeze3A_934 : f32 to vector<16xf32>
          %mul3A_936 = arith.mulf %mul3A_935, %get3A_692 : vector<16xf32>
          %add3A_937 = arith.addf %add3A_932, %mul3A_936 : vector<16xf32>
          %slice3A_938 = vector.extract_strided_slice %get3A_656 {offsets = [5], sizes = [1], strides = [1]} : vector<16xf32> to vector<1xf32>
          %squeeze3A_939 = vector.extract %slice3A_938[0] : f32 from vector<1xf32>
          %mul3A_940 = vector.broadcast %squeeze3A_939 : f32 to vector<16xf32>
          %mul3A_941 = arith.mulf %mul3A_940, %get3A_698 : vector<16xf32>
          %add3A_942 = arith.addf %add3A_937, %mul3A_941 : vector<16xf32>
          %slice3A_943 = vector.extract_strided_slice %get3A_656 {offsets = [6], sizes = [1], strides = [1]} : vector<16xf32> to vector<1xf32>
          %squeeze3A_944 = vector.extract %slice3A_943[0] : f32 from vector<1xf32>
          %mul3A_945 = vector.broadcast %squeeze3A_944 : f32 to vector<16xf32>
          %mul3A_946 = arith.mulf %mul3A_945, %get3A_704 : vector<16xf32>
          %add3A_947 = arith.addf %add3A_942, %mul3A_946 : vector<16xf32>
          %slice3A_948 = vector.extract_strided_slice %get3A_656 {offsets = [7], sizes = [1], strides = [1]} : vector<16xf32> to vector<1xf32>
          %squeeze3A_949 = vector.extract %slice3A_948[0] : f32 from vector<1xf32>
          %mul3A_950 = vector.broadcast %squeeze3A_949 : f32 to vector<16xf32>
          %mul3A_951 = arith.mulf %mul3A_950, %get3A_710 : vector<16xf32>
          %add3A_952 = arith.addf %add3A_947, %mul3A_951 : vector<16xf32>
          %swap3A_953 = arith.constant 80 : index
          %swap3A_954 = tpu.vector_load %arg20[%swap3A_953] {strides = array<i32>} : memref<128xf32, #tpu.memory_space<vmem>>, vector<16xf32>,
          tpu.vector_store %arg20[%swap3A_953], %add3A_952 {strides = array<i32>} : memref<128xf32, #tpu.memory_space<vmem>>, vector<16xf32>,
          %slice3A_955 = vector.extract_strided_slice %get3A_656 {offsets = [8], sizes = [1], strides = [1]} : vector<16xf32> to vector<1xf32>
          %squeeze3A_956 = vector.extract %slice3A_955[0] : f32 from vector<1xf32>
          %mul3A_957 = vector.broadcast %squeeze3A_956 : f32 to vector<16xf32>
          %mul3A_958 = arith.mulf %mul3A_957, %get3A_665 : vector<16xf32>
          %slice3A_959 = vector.extract_strided_slice %get3A_656 {offsets = [9], sizes = [1], strides = [1]} : vector<16xf32> to vector<1xf32>
          %squeeze3A_960 = vector.extract %slice3A_959[0] : f32 from vector<1xf32>
          %mul3A_961 = vector.broadcast %squeeze3A_960 : f32 to vector<16xf32>
          %mul3A_962 = arith.mulf %mul3A_961, %get3A_671 : vector<16xf32>
          %add3A_963 = arith.addf %mul3A_958, %mul3A_962 : vector<16xf32>
          %slice3A_964 = vector.extract_strided_slice %get3A_656 {offsets = [10], sizes = [1], strides = [1]} : vector<16xf32> to vector<1xf32>
          %squeeze3A_965 = vector.extract %slice3A_964[0] : f32 from vector<1xf32>
          %mul3A_966 = vector.broadcast %squeeze3A_965 : f32 to vector<16xf32>
          %mul3A_967 = arith.mulf %mul3A_966, %get3A_677 : vector<16xf32>
          %add3A_968 = arith.addf %add3A_963, %mul3A_967 : vector<16xf32>
          %slice3A_969 = vector.extract_strided_slice %get3A_656 {offsets = [11], sizes = [1], strides = [1]} : vector<16xf32> to vector<1xf32>
          %squeeze3A_970 = vector.extract %slice3A_969[0] : f32 from vector<1xf32>
          %mul3A_971 = vector.broadcast %squeeze3A_970 : f32 to vector<16xf32>
          %mul3A_972 = arith.mulf %mul3A_971, %get3A_683 : vector<16xf32>
          %add3A_973 = arith.addf %add3A_968, %mul3A_972 : vector<16xf32>
          %slice3A_974 = vector.extract_strided_slice %get3A_656 {offsets = [12], sizes = [1], strides = [1]} : vector<16xf32> to vector<1xf32>
          %squeeze3A_975 = vector.extract %slice3A_974[0] : f32 from vector<1xf32>
          %mul3A_976 = vector.broadcast %squeeze3A_975 : f32 to vector<16xf32>
          %mul3A_977 = arith.mulf %mul3A_976, %get3A_689 : vector<16xf32>
          %add3A_978 = arith.addf %add3A_973, %mul3A_977 : vector<16xf32>
          %slice3A_979 = vector.extract_strided_slice %get3A_656 {offsets = [13], sizes = [1], strides = [1]} : vector<16xf32> to vector<1xf32>
          %squeeze3A_980 = vector.extract %slice3A_979[0] : f32 from vector<1xf32>
          %mul3A_981 = vector.broadcast %squeeze3A_980 : f32 to vector<16xf32>
          %mul3A_982 = arith.mulf %mul3A_981, %get3A_695 : vector<16xf32>
          %add3A_983 = arith.addf %add3A_978, %mul3A_982 : vector<16xf32>
          %slice3A_984 = vector.extract_strided_slice %get3A_656 {offsets = [14], sizes = [1], strides = [1]} : vector<16xf32> to vector<1xf32>
          %squeeze3A_985 = vector.extract %slice3A_984[0] : f32 from vector<1xf32>
          %mul3A_986 = vector.broadcast %squeeze3A_985 : f32 to vector<16xf32>
          %mul3A_987 = arith.mulf %mul3A_986, %get3A_701 : vector<16xf32>
          %add3A_988 = arith.addf %add3A_983, %mul3A_987 : vector<16xf32>
          %slice3A_989 = vector.extract_strided_slice %get3A_656 {offsets = [15], sizes = [1], strides = [1]} : vector<16xf32> to vector<1xf32>
          %squeeze3A_990 = vector.extract %slice3A_989[0] : f32 from vector<1xf32>
          %mul3A_991 = vector.broadcast %squeeze3A_990 : f32 to vector<16xf32>
          %mul3A_992 = arith.mulf %mul3A_991, %get3A_707 : vector<16xf32>
          %add3A_993 = arith.addf %add3A_988, %mul3A_992 : vector<16xf32>
          %swap3A_994 = arith.constant 96 : index
          %swap3A_995 = tpu.vector_load %arg20[%swap3A_994] {strides = array<i32>} : memref<128xf32, #tpu.memory_space<vmem>>, vector<16xf32>,
          tpu.vector_store %arg20[%swap3A_994], %add3A_993 {strides = array<i32>} : memref<128xf32, #tpu.memory_space<vmem>>, vector<16xf32>,
          %slice3A_996 = vector.extract_strided_slice %get3A_656 {offsets = [8], sizes = [1], strides = [1]} : vector<16xf32> to vector<1xf32>
          %squeeze3A_997 = vector.extract %slice3A_996[0] : f32 from vector<1xf32>
          %mul3A_998 = vector.broadcast %squeeze3A_997 : f32 to vector<16xf32>
          %mul3A_999 = arith.mulf %mul3A_998, %get3A_668 : vector<16xf32>
          %slice3A_1000 = vector.extract_strided_slice %get3A_656 {offsets = [9], sizes = [1], strides = [1]} : vector<16xf32> to vector<1xf32>
          %squeeze3A_1001 = vector.extract %slice3A_1000[0] : f32 from vector<1xf32>
          %mul3A_1002 = vector.broadcast %squeeze3A_1001 : f32 to vector<16xf32>
          %mul3A_1003 = arith.mulf %mul3A_1002, %get3A_674 : vector<16xf32>
          %add3A_1004 = arith.addf %mul3A_999, %mul3A_1003 : vector<16xf32>
          %slice3A_1005 = vector.extract_strided_slice %get3A_656 {offsets = [10], sizes = [1], strides = [1]} : vector<16xf32> to vector<1xf32>
          %squeeze3A_1006 = vector.extract %slice3A_1005[0] : f32 from vector<1xf32>
          %mul3A_1007 = vector.broadcast %squeeze3A_1006 : f32 to vector<16xf32>
          %mul3A_1008 = arith.mulf %mul3A_1007, %get3A_680 : vector<16xf32>
          %add3A_1009 = arith.addf %add3A_1004, %mul3A_1008 : vector<16xf32>
          %slice3A_1010 = vector.extract_strided_slice %get3A_656 {offsets = [11], sizes = [1], strides = [1]} : vector<16xf32> to vector<1xf32>
          %squeeze3A_1011 = vector.extract %slice3A_1010[0] : f32 from vector<1xf32>
          %mul3A_1012 = vector.broadcast %squeeze3A_1011 : f32 to vector<16xf32>
          %mul3A_1013 = arith.mulf %mul3A_1012, %get3A_686 : vector<16xf32>
          %add3A_1014 = arith.addf %add3A_1009, %mul3A_1013 : vector<16xf32>
          %slice3A_1015 = vector.extract_strided_slice %get3A_656 {offsets = [12], sizes = [1], strides = [1]} : vector<16xf32> to vector<1xf32>
          %squeeze3A_1016 = vector.extract %slice3A_1015[0] : f32 from vector<1xf32>
          %mul3A_1017 = vector.broadcast %squeeze3A_1016 : f32 to vector<16xf32>
          %mul3A_1018 = arith.mulf %mul3A_1017, %get3A_692 : vector<16xf32>
          %add3A_1019 = arith.addf %add3A_1014, %mul3A_1018 : vector<16xf32>
          %slice3A_1020 = vector.extract_strided_slice %get3A_656 {offsets = [13], sizes = [1], strides = [1]} : vector<16xf32> to vector<1xf32>
          %squeeze3A_1021 = vector.extract %slice3A_1020[0] : f32 from vector<1xf32>
          %mul3A_1022 = vector.broadcast %squeeze3A_1021 : f32 to vector<16xf32>
          %mul3A_1023 = arith.mulf %mul3A_1022, %get3A_698 : vector<16xf32>
          %add3A_1024 = arith.addf %add3A_1019, %mul3A_1023 : vector<16xf32>
          %slice3A_1025 = vector.extract_strided_slice %get3A_656 {offsets = [14], sizes = [1], strides = [1]} : vector<16xf32> to vector<1xf32>
          %squeeze3A_1026 = vector.extract %slice3A_1025[0] : f32 from vector<1xf32>
          %mul3A_1027 = vector.broadcast %squeeze3A_1026 : f32 to vector<16xf32>
          %mul3A_1028 = arith.mulf %mul3A_1027, %get3A_704 : vector<16xf32>
          %add3A_1029 = arith.addf %add3A_1024, %mul3A_1028 : vector<16xf32>
          %slice3A_1030 = vector.extract_strided_slice %get3A_656 {offsets = [15], sizes = [1], strides = [1]} : vector<16xf32> to vector<1xf32>
          %squeeze3A_1031 = vector.extract %slice3A_1030[0] : f32 from vector<1xf32>
          %mul3A_1032 = vector.broadcast %squeeze3A_1031 : f32 to vector<16xf32>
          %mul3A_1033 = arith.mulf %mul3A_1032, %get3A_710 : vector<16xf32>
          %add3A_1034 = arith.addf %add3A_1029, %mul3A_1033 : vector<16xf32>
          %swap3A_1035 = arith.constant 112 : index
          %swap3A_1036 = tpu.vector_load %arg20[%swap3A_1035] {strides = array<i32>} : memref<128xf32, #tpu.memory_space<vmem>>, vector<16xf32>,
          tpu.vector_store %arg20[%swap3A_1035], %add3A_1034 {strides = array<i32>} : memref<128xf32, #tpu.memory_space<vmem>>, vector<16xf32>,
          %gather3A = tpu.vector_load_idx %arg20[%add3A_12] : memref<128xf32, #tpu.memory_space<vmem>>[vector<16xi32>], vector<16xf32>,
          %slice3A_1037 = vector.extract_strided_slice %get3A_659 {offsets = [0], sizes = [1], strides = [1]} : vector<16xf32> to vector<1xf32>
          %squeeze3A_1038 = vector.extract %slice3A_1037[0] : f32 from vector<1xf32>
          %mul3A_1039 = vector.broadcast %squeeze3A_1038 : f32 to vector<16xf32>
          %mul3A_1040 = arith.mulf %gather3A, %mul3A_1039 : vector<16xf32>
          tpu.vector_store_idx %arg22[%add3A_583], %mul3A_1040 {add = true} : memref<256xf32, #tpu.memory_space<vmem>>[vector<16xi32>], vector<16xf32>,
          %slice3A_1041 = vector.extract_strided_slice %get3A_659 {offsets = [1], sizes = [1], strides = [1]} : vector<16xf32> to vector<1xf32>
          %squeeze3A_1042 = vector.extract %slice3A_1041[0] : f32 from vector<1xf32>
          %mul3A_1043 = vector.broadcast %squeeze3A_1042 : f32 to vector<16xf32>
          %mul3A_1044 = arith.mulf %gather3A, %mul3A_1043 : vector<16xf32>
          tpu.vector_store_idx %arg22[%add3A_593], %mul3A_1044 {add = true} : memref<256xf32, #tpu.memory_space<vmem>>[vector<16xi32>], vector<16xf32>,
          %slice3A_1045 = vector.extract_strided_slice %get3A_659 {offsets = [2], sizes = [1], strides = [1]} : vector<16xf32> to vector<1xf32>
          %squeeze3A_1046 = vector.extract %slice3A_1045[0] : f32 from vector<1xf32>
          %mul3A_1047 = vector.broadcast %squeeze3A_1046 : f32 to vector<16xf32>
          %mul3A_1048 = arith.mulf %gather3A, %mul3A_1047 : vector<16xf32>
          tpu.vector_store_idx %arg22[%add3A_603], %mul3A_1048 {add = true} : memref<256xf32, #tpu.memory_space<vmem>>[vector<16xi32>], vector<16xf32>,
          %slice3A_1049 = vector.extract_strided_slice %get3A_659 {offsets = [3], sizes = [1], strides = [1]} : vector<16xf32> to vector<1xf32>
          %squeeze3A_1050 = vector.extract %slice3A_1049[0] : f32 from vector<1xf32>
          %mul3A_1051 = vector.broadcast %squeeze3A_1050 : f32 to vector<16xf32>
          %mul3A_1052 = arith.mulf %gather3A, %mul3A_1051 : vector<16xf32>
          tpu.vector_store_idx %arg22[%add3A_613], %mul3A_1052 {add = true} : memref<256xf32, #tpu.memory_space<vmem>>[vector<16xi32>], vector<16xf32>,
          %gather3A_1053 = tpu.vector_load_idx %arg20[%add3A_18] : memref<128xf32, #tpu.memory_space<vmem>>[vector<16xi32>], vector<16xf32>,
          %slice3A_1054 = vector.extract_strided_slice %get3A_659 {offsets = [4], sizes = [1], strides = [1]} : vector<16xf32> to vector<1xf32>
          %squeeze3A_1055 = vector.extract %slice3A_1054[0] : f32 from vector<1xf32>
          %mul3A_1056 = vector.broadcast %squeeze3A_1055 : f32 to vector<16xf32>
          %mul3A_1057 = arith.mulf %gather3A_1053, %mul3A_1056 : vector<16xf32>
          tpu.vector_store_idx %arg22[%add3A_583], %mul3A_1057 {add = true} : memref<256xf32, #tpu.memory_space<vmem>>[vector<16xi32>], vector<16xf32>,
          %slice3A_1058 = vector.extract_strided_slice %get3A_659 {offsets = [5], sizes = [1], strides = [1]} : vector<16xf32> to vector<1xf32>
          %squeeze3A_1059 = vector.extract %slice3A_1058[0] : f32 from vector<1xf32>
          %mul3A_1060 = vector.broadcast %squeeze3A_1059 : f32 to vector<16xf32>
          %mul3A_1061 = arith.mulf %gather3A_1053, %mul3A_1060 : vector<16xf32>
          tpu.vector_store_idx %arg22[%add3A_593], %mul3A_1061 {add = true} : memref<256xf32, #tpu.memory_space<vmem>>[vector<16xi32>], vector<16xf32>,
          %slice3A_1062 = vector.extract_strided_slice %get3A_659 {offsets = [6], sizes = [1], strides = [1]} : vector<16xf32> to vector<1xf32>
          %squeeze3A_1063 = vector.extract %slice3A_1062[0] : f32 from vector<1xf32>
          %mul3A_1064 = vector.broadcast %squeeze3A_1063 : f32 to vector<16xf32>
          %mul3A_1065 = arith.mulf %gather3A_1053, %mul3A_1064 : vector<16xf32>
          tpu.vector_store_idx %arg22[%add3A_603], %mul3A_1065 {add = true} : memref<256xf32, #tpu.memory_space<vmem>>[vector<16xi32>], vector<16xf32>,
          %slice3A_1066 = vector.extract_strided_slice %get3A_659 {offsets = [7], sizes = [1], strides = [1]} : vector<16xf32> to vector<1xf32>
          %squeeze3A_1067 = vector.extract %slice3A_1066[0] : f32 from vector<1xf32>
          %mul3A_1068 = vector.broadcast %squeeze3A_1067 : f32 to vector<16xf32>
          %mul3A_1069 = arith.mulf %gather3A_1053, %mul3A_1068 : vector<16xf32>
          tpu.vector_store_idx %arg22[%add3A_613], %mul3A_1069 {add = true} : memref<256xf32, #tpu.memory_space<vmem>>[vector<16xi32>], vector<16xf32>,
          %gather3A_1070 = tpu.vector_load_idx %arg20[%add3A_24] : memref<128xf32, #tpu.memory_space<vmem>>[vector<16xi32>], vector<16xf32>,
          %slice3A_1071 = vector.extract_strided_slice %get3A_659 {offsets = [8], sizes = [1], strides = [1]} : vector<16xf32> to vector<1xf32>
          %squeeze3A_1072 = vector.extract %slice3A_1071[0] : f32 from vector<1xf32>
          %mul3A_1073 = vector.broadcast %squeeze3A_1072 : f32 to vector<16xf32>
          %mul3A_1074 = arith.mulf %gather3A_1070, %mul3A_1073 : vector<16xf32>
          tpu.vector_store_idx %arg22[%add3A_583], %mul3A_1074 {add = true} : memref<256xf32, #tpu.memory_space<vmem>>[vector<16xi32>], vector<16xf32>,
          %slice3A_1075 = vector.extract_strided_slice %get3A_659 {offsets = [9], sizes = [1], strides = [1]} : vector<16xf32> to vector<1xf32>
          %squeeze3A_1076 = vector.extract %slice3A_1075[0] : f32 from vector<1xf32>
          %mul3A_1077 = vector.broadcast %squeeze3A_1076 : f32 to vector<16xf32>
          %mul3A_1078 = arith.mulf %gather3A_1070, %mul3A_1077 : vector<16xf32>
          tpu.vector_store_idx %arg22[%add3A_593], %mul3A_1078 {add = true} : memref<256xf32, #tpu.memory_space<vmem>>[vector<16xi32>], vector<16xf32>,
          %slice3A_1079 = vector.extract_strided_slice %get3A_659 {offsets = [10], sizes = [1], strides = [1]} : vector<16xf32> to vector<1xf32>
          %squeeze3A_1080 = vector.extract %slice3A_1079[0] : f32 from vector<1xf32>
          %mul3A_1081 = vector.broadcast %squeeze3A_1080 : f32 to vector<16xf32>
          %mul3A_1082 = arith.mulf %gather3A_1070, %mul3A_1081 : vector<16xf32>
          tpu.vector_store_idx %arg22[%add3A_603], %mul3A_1082 {add = true} : memref<256xf32, #tpu.memory_space<vmem>>[vector<16xi32>], vector<16xf32>,
          %slice3A_1083 = vector.extract_strided_slice %get3A_659 {offsets = [11], sizes = [1], strides = [1]} : vector<16xf32> to vector<1xf32>
          %squeeze3A_1084 = vector.extract %slice3A_1083[0] : f32 from vector<1xf32>
          %mul3A_1085 = vector.broadcast %squeeze3A_1084 : f32 to vector<16xf32>
          %mul3A_1086 = arith.mulf %gather3A_1070, %mul3A_1085 : vector<16xf32>
          tpu.vector_store_idx %arg22[%add3A_613], %mul3A_1086 {add = true} : memref<256xf32, #tpu.memory_space<vmem>>[vector<16xi32>], vector<16xf32>,
          %gather3A_1087 = tpu.vector_load_idx %arg20[%add3A_30] : memref<128xf32, #tpu.memory_space<vmem>>[vector<16xi32>], vector<16xf32>,
          %slice3A_1088 = vector.extract_strided_slice %get3A_659 {offsets = [12], sizes = [1], strides = [1]} : vector<16xf32> to vector<1xf32>
          %squeeze3A_1089 = vector.extract %slice3A_1088[0] : f32 from vector<1xf32>
          %mul3A_1090 = vector.broadcast %squeeze3A_1089 : f32 to vector<16xf32>
          %mul3A_1091 = arith.mulf %gather3A_1087, %mul3A_1090 : vector<16xf32>
          tpu.vector_store_idx %arg22[%add3A_583], %mul3A_1091 {add = true} : memref<256xf32, #tpu.memory_space<vmem>>[vector<16xi32>], vector<16xf32>,
          %slice3A_1092 = vector.extract_strided_slice %get3A_659 {offsets = [13], sizes = [1], strides = [1]} : vector<16xf32> to vector<1xf32>
          %squeeze3A_1093 = vector.extract %slice3A_1092[0] : f32 from vector<1xf32>
          %mul3A_1094 = vector.broadcast %squeeze3A_1093 : f32 to vector<16xf32>
          %mul3A_1095 = arith.mulf %gather3A_1087, %mul3A_1094 : vector<16xf32>
          tpu.vector_store_idx %arg22[%add3A_593], %mul3A_1095 {add = true} : memref<256xf32, #tpu.memory_space<vmem>>[vector<16xi32>], vector<16xf32>,
          %slice3A_1096 = vector.extract_strided_slice %get3A_659 {offsets = [14], sizes = [1], strides = [1]} : vector<16xf32> to vector<1xf32>
          %squeeze3A_1097 = vector.extract %slice3A_1096[0] : f32 from vector<1xf32>
          %mul3A_1098 = vector.broadcast %squeeze3A_1097 : f32 to vector<16xf32>
          %mul3A_1099 = arith.mulf %gather3A_1087, %mul3A_1098 : vector<16xf32>
          tpu.vector_store_idx %arg22[%add3A_603], %mul3A_1099 {add = true} : memref<256xf32, #tpu.memory_space<vmem>>[vector<16xi32>], vector<16xf32>,
          %slice3A_1100 = vector.extract_strided_slice %get3A_659 {offsets = [15], sizes = [1], strides = [1]} : vector<16xf32> to vector<1xf32>
          %squeeze3A_1101 = vector.extract %slice3A_1100[0] : f32 from vector<1xf32>
          %mul3A_1102 = vector.broadcast %squeeze3A_1101 : f32 to vector<16xf32>
          %mul3A_1103 = arith.mulf %gather3A_1087, %mul3A_1102 : vector<16xf32>
          tpu.vector_store_idx %arg22[%add3A_613], %mul3A_1103 {add = true} : memref<256xf32, #tpu.memory_space<vmem>>[vector<16xi32>], vector<16xf32>,
          %gather3A_1104 = tpu.vector_load_idx %arg20[%add3A_36] : memref<128xf32, #tpu.memory_space<vmem>>[vector<16xi32>], vector<16xf32>,
          %slice3A_1105 = vector.extract_strided_slice %get3A_662 {offsets = [0], sizes = [1], strides = [1]} : vector<16xf32> to vector<1xf32>
          %squeeze3A_1106 = vector.extract %slice3A_1105[0] : f32 from vector<1xf32>
          %mul3A_1107 = vector.broadcast %squeeze3A_1106 : f32 to vector<16xf32>
          %mul3A_1108 = arith.mulf %gather3A_1104, %mul3A_1107 : vector<16xf32>
          tpu.vector_store_idx %arg22[%add3A_583], %mul3A_1108 {add = true} : memref<256xf32, #tpu.memory_space<vmem>>[vector<16xi32>], vector<16xf32>,
          %slice3A_1109 = vector.extract_strided_slice %get3A_662 {offsets = [1], sizes = [1], strides = [1]} : vector<16xf32> to vector<1xf32>
          %squeeze3A_1110 = vector.extract %slice3A_1109[0] : f32 from vector<1xf32>
          %mul3A_1111 = vector.broadcast %squeeze3A_1110 : f32 to vector<16xf32>
          %mul3A_1112 = arith.mulf %gather3A_1104, %mul3A_1111 : vector<16xf32>
          tpu.vector_store_idx %arg22[%add3A_593], %mul3A_1112 {add = true} : memref<256xf32, #tpu.memory_space<vmem>>[vector<16xi32>], vector<16xf32>,
          %slice3A_1113 = vector.extract_strided_slice %get3A_662 {offsets = [2], sizes = [1], strides = [1]} : vector<16xf32> to vector<1xf32>
          %squeeze3A_1114 = vector.extract %slice3A_1113[0] : f32 from vector<1xf32>
          %mul3A_1115 = vector.broadcast %squeeze3A_1114 : f32 to vector<16xf32>
          %mul3A_1116 = arith.mulf %gather3A_1104, %mul3A_1115 : vector<16xf32>
          tpu.vector_store_idx %arg22[%add3A_603], %mul3A_1116 {add = true} : memref<256xf32, #tpu.memory_space<vmem>>[vector<16xi32>], vector<16xf32>,
          %slice3A_1117 = vector.extract_strided_slice %get3A_662 {offsets = [3], sizes = [1], strides = [1]} : vector<16xf32> to vector<1xf32>
          %squeeze3A_1118 = vector.extract %slice3A_1117[0] : f32 from vector<1xf32>
          %mul3A_1119 = vector.broadcast %squeeze3A_1118 : f32 to vector<16xf32>
          %mul3A_1120 = arith.mulf %gather3A_1104, %mul3A_1119 : vector<16xf32>
          tpu.vector_store_idx %arg22[%add3A_613], %mul3A_1120 {add = true} : memref<256xf32, #tpu.memory_space<vmem>>[vector<16xi32>], vector<16xf32>,
          %gather3A_1121 = tpu.vector_load_idx %arg20[%add3A_42] : memref<128xf32, #tpu.memory_space<vmem>>[vector<16xi32>], vector<16xf32>,
          %slice3A_1122 = vector.extract_strided_slice %get3A_662 {offsets = [4], sizes = [1], strides = [1]} : vector<16xf32> to vector<1xf32>
          %squeeze3A_1123 = vector.extract %slice3A_1122[0] : f32 from vector<1xf32>
          %mul3A_1124 = vector.broadcast %squeeze3A_1123 : f32 to vector<16xf32>
          %mul3A_1125 = arith.mulf %gather3A_1121, %mul3A_1124 : vector<16xf32>
          tpu.vector_store_idx %arg22[%add3A_583], %mul3A_1125 {add = true} : memref<256xf32, #tpu.memory_space<vmem>>[vector<16xi32>], vector<16xf32>,
          %slice3A_1126 = vector.extract_strided_slice %get3A_662 {offsets = [5], sizes = [1], strides = [1]} : vector<16xf32> to vector<1xf32>
          %squeeze3A_1127 = vector.extract %slice3A_1126[0] : f32 from vector<1xf32>
          %mul3A_1128 = vector.broadcast %squeeze3A_1127 : f32 to vector<16xf32>
          %mul3A_1129 = arith.mulf %gather3A_1121, %mul3A_1128 : vector<16xf32>
          tpu.vector_store_idx %arg22[%add3A_593], %mul3A_1129 {add = true} : memref<256xf32, #tpu.memory_space<vmem>>[vector<16xi32>], vector<16xf32>,
          %slice3A_1130 = vector.extract_strided_slice %get3A_662 {offsets = [6], sizes = [1], strides = [1]} : vector<16xf32> to vector<1xf32>
          %squeeze3A_1131 = vector.extract %slice3A_1130[0] : f32 from vector<1xf32>
          %mul3A_1132 = vector.broadcast %squeeze3A_1131 : f32 to vector<16xf32>
          %mul3A_1133 = arith.mulf %gather3A_1121, %mul3A_1132 : vector<16xf32>
          tpu.vector_store_idx %arg22[%add3A_603], %mul3A_1133 {add = true} : memref<256xf32, #tpu.memory_space<vmem>>[vector<16xi32>], vector<16xf32>,
          %slice3A_1134 = vector.extract_strided_slice %get3A_662 {offsets = [7], sizes = [1], strides = [1]} : vector<16xf32> to vector<1xf32>
          %squeeze3A_1135 = vector.extract %slice3A_1134[0] : f32 from vector<1xf32>
          %mul3A_1136 = vector.broadcast %squeeze3A_1135 : f32 to vector<16xf32>
          %mul3A_1137 = arith.mulf %gather3A_1121, %mul3A_1136 : vector<16xf32>
          tpu.vector_store_idx %arg22[%add3A_613], %mul3A_1137 {add = true} : memref<256xf32, #tpu.memory_space<vmem>>[vector<16xi32>], vector<16xf32>,
          %gather3A_1138 = tpu.vector_load_idx %arg20[%add3A_48] : memref<128xf32, #tpu.memory_space<vmem>>[vector<16xi32>], vector<16xf32>,
          %slice3A_1139 = vector.extract_strided_slice %get3A_662 {offsets = [8], sizes = [1], strides = [1]} : vector<16xf32> to vector<1xf32>
          %squeeze3A_1140 = vector.extract %slice3A_1139[0] : f32 from vector<1xf32>
          %mul3A_1141 = vector.broadcast %squeeze3A_1140 : f32 to vector<16xf32>
          %mul3A_1142 = arith.mulf %gather3A_1138, %mul3A_1141 : vector<16xf32>
          tpu.vector_store_idx %arg22[%add3A_583], %mul3A_1142 {add = true} : memref<256xf32, #tpu.memory_space<vmem>>[vector<16xi32>], vector<16xf32>,
          %slice3A_1143 = vector.extract_strided_slice %get3A_662 {offsets = [9], sizes = [1], strides = [1]} : vector<16xf32> to vector<1xf32>
          %squeeze3A_1144 = vector.extract %slice3A_1143[0] : f32 from vector<1xf32>
          %mul3A_1145 = vector.broadcast %squeeze3A_1144 : f32 to vector<16xf32>
          %mul3A_1146 = arith.mulf %gather3A_1138, %mul3A_1145 : vector<16xf32>
          tpu.vector_store_idx %arg22[%add3A_593], %mul3A_1146 {add = true} : memref<256xf32, #tpu.memory_space<vmem>>[vector<16xi32>], vector<16xf32>,
          %slice3A_1147 = vector.extract_strided_slice %get3A_662 {offsets = [10], sizes = [1], strides = [1]} : vector<16xf32> to vector<1xf32>
          %squeeze3A_1148 = vector.extract %slice3A_1147[0] : f32 from vector<1xf32>
          %mul3A_1149 = vector.broadcast %squeeze3A_1148 : f32 to vector<16xf32>
          %mul3A_1150 = arith.mulf %gather3A_1138, %mul3A_1149 : vector<16xf32>
          tpu.vector_store_idx %arg22[%add3A_603], %mul3A_1150 {add = true} : memref<256xf32, #tpu.memory_space<vmem>>[vector<16xi32>], vector<16xf32>,
          %slice3A_1151 = vector.extract_strided_slice %get3A_662 {offsets = [11], sizes = [1], strides = [1]} : vector<16xf32> to vector<1xf32>
          %squeeze3A_1152 = vector.extract %slice3A_1151[0] : f32 from vector<1xf32>
          %mul3A_1153 = vector.broadcast %squeeze3A_1152 : f32 to vector<16xf32>
          %mul3A_1154 = arith.mulf %gather3A_1138, %mul3A_1153 : vector<16xf32>
          tpu.vector_store_idx %arg22[%add3A_613], %mul3A_1154 {add = true} : memref<256xf32, #tpu.memory_space<vmem>>[vector<16xi32>], vector<16xf32>,
          %gather3A_1155 = tpu.vector_load_idx %arg20[%add3A_54] : memref<128xf32, #tpu.memory_space<vmem>>[vector<16xi32>], vector<16xf32>,
          %slice3A_1156 = vector.extract_strided_slice %get3A_662 {offsets = [12], sizes = [1], strides = [1]} : vector<16xf32> to vector<1xf32>
          %squeeze3A_1157 = vector.extract %slice3A_1156[0] : f32 from vector<1xf32>
          %mul3A_1158 = vector.broadcast %squeeze3A_1157 : f32 to vector<16xf32>
          %mul3A_1159 = arith.mulf %gather3A_1155, %mul3A_1158 : vector<16xf32>
          tpu.vector_store_idx %arg22[%add3A_583], %mul3A_1159 {add = true} : memref<256xf32, #tpu.memory_space<vmem>>[vector<16xi32>], vector<16xf32>,
          %slice3A_1160 = vector.extract_strided_slice %get3A_662 {offsets = [13], sizes = [1], strides = [1]} : vector<16xf32> to vector<1xf32>
          %squeeze3A_1161 = vector.extract %slice3A_1160[0] : f32 from vector<1xf32>
          %mul3A_1162 = vector.broadcast %squeeze3A_1161 : f32 to vector<16xf32>
          %mul3A_1163 = arith.mulf %gather3A_1155, %mul3A_1162 : vector<16xf32>
          tpu.vector_store_idx %arg22[%add3A_593], %mul3A_1163 {add = true} : memref<256xf32, #tpu.memory_space<vmem>>[vector<16xi32>], vector<16xf32>,
          %slice3A_1164 = vector.extract_strided_slice %get3A_662 {offsets = [14], sizes = [1], strides = [1]} : vector<16xf32> to vector<1xf32>
          %squeeze3A_1165 = vector.extract %slice3A_1164[0] : f32 from vector<1xf32>
          %mul3A_1166 = vector.broadcast %squeeze3A_1165 : f32 to vector<16xf32>
          %mul3A_1167 = arith.mulf %gather3A_1155, %mul3A_1166 : vector<16xf32>
          tpu.vector_store_idx %arg22[%add3A_603], %mul3A_1167 {add = true} : memref<256xf32, #tpu.memory_space<vmem>>[vector<16xi32>], vector<16xf32>,
          %slice3A_1168 = vector.extract_strided_slice %get3A_662 {offsets = [15], sizes = [1], strides = [1]} : vector<16xf32> to vector<1xf32>
          %squeeze3A_1169 = vector.extract %slice3A_1168[0] : f32 from vector<1xf32>
          %mul3A_1170 = vector.broadcast %squeeze3A_1169 : f32 to vector<16xf32>
          %mul3A_1171 = arith.mulf %gather3A_1155, %mul3A_1170 : vector<16xf32>
          tpu.vector_store_idx %arg22[%add3A_613], %mul3A_1171 {add = true} : memref<256xf32, #tpu.memory_space<vmem>>[vector<16xi32>], vector<16xf32>,
          %add3A_1172 = arith.constant 1 : i32
          %add3A_1173 = arith.addi %add3A_650, %add3A_1172 : i32
          %get3A_1174 = arith.index_cast %add3A_1173 : i32 to index
          %get3A_1175 = arith.constant 0 : index
          %get3A_1176 = tpu.vector_load %arg14[%get3A_1174, %get3A_1175] {strides = array<i32>} : memref<80x32xf32, #tpu.memory_space<vmem>>, vector<16xf32>,
          %get3A_1177 = arith.index_cast %add3A_1173 : i32 to index
          %get3A_1178 = arith.constant 16 : index
          %get3A_1179 = tpu.vector_load %arg14[%get3A_1177, %get3A_1178] {strides = array<i32>} : memref<80x32xf32, #tpu.memory_space<vmem>>, vector<16xf32>,
          %get3A_1180 = arith.index_cast %add3A_1173 : i32 to index
          %get3A_1181 = arith.constant 0 : index
          %get3A_1182 = tpu.vector_load %arg18[%get3A_1180, %get3A_1181] {strides = array<i32>} : memref<80x32xf32, #tpu.memory_space<vmem>>, vector<16xf32>,
          %get3A_1183 = arith.index_cast %add3A_1173 : i32 to index
          %get3A_1184 = arith.constant 16 : index
          %get3A_1185 = tpu.vector_load %arg18[%get3A_1183, %get3A_1184] {strides = array<i32>} : memref<80x32xf32, #tpu.memory_space<vmem>>, vector<16xf32>,
          %get3A_1186 = arith.index_cast %add3A_1173 : i32 to index
          %get3A_1187 = arith.constant 0 : index
          %get3A_1188 = tpu.vector_load %arg16[%get3A_1186, %get3A_1187] {strides = array<i32>} : memref<80x256xf32, #tpu.memory_space<vmem>>, vector<16xf32>,
          %get3A_1189 = arith.index_cast %add3A_1173 : i32 to index
          %get3A_1190 = arith.constant 16 : index
          %get3A_1191 = tpu.vector_load %arg16[%get3A_1189, %get3A_1190] {strides = array<i32>} : memref<80x256xf32, #tpu.memory_space<vmem>>, vector<16xf32>,
          %get3A_1192 = arith.index_cast %add3A_1173 : i32 to index
          %get3A_1193 = arith.constant 32 : index
          %get3A_1194 = tpu.vector_load %arg16[%get3A_1192, %get3A_1193] {strides = array<i32>} : memref<80x256xf32, #tpu.memory_space<vmem>>, vector<16xf32>,
          %get3A_1195 = arith.index_cast %add3A_1173 : i32 to index
          %get3A_1196 = arith.constant 48 : index
          %get3A_1197 = tpu.vector_load %arg16[%get3A_1195, %get3A_1196] {strides = array<i32>} : memref<80x256xf32, #tpu.memory_space<vmem>>, vector<16xf32>,
          %get3A_1198 = arith.index_cast %add3A_1173 : i32 to index
          %get3A_1199 = arith.constant 64 : index
          %get3A_1200 = tpu.vector_load %arg16[%get3A_1198, %get3A_1199] {strides = array<i32>} : memref<80x256xf32, #tpu.memory_space<vmem>>, vector<16xf32>,
          %get3A_1201 = arith.index_cast %add3A_1173 : i32 to index
          %get3A_1202 = arith.constant 80 : index
          %get3A_1203 = tpu.vector_load %arg16[%get3A_1201, %get3A_1202] {strides = array<i32>} : memref<80x256xf32, #tpu.memory_space<vmem>>, vector<16xf32>,
          %get3A_1204 = arith.index_cast %add3A_1173 : i32 to index
          %get3A_1205 = arith.constant 96 : index
          %get3A_1206 = tpu.vector_load %arg16[%get3A_1204, %get3A_1205] {strides = array<i32>} : memref<80x256xf32, #tpu.memory_space<vmem>>, vector<16xf32>,
          %get3A_1207 = arith.index_cast %add3A_1173 : i32 to index
          %get3A_1208 = arith.constant 112 : index
          %get3A_1209 = tpu.vector_load %arg16[%get3A_1207, %get3A_1208] {strides = array<i32>} : memref<80x256xf32, #tpu.memory_space<vmem>>, vector<16xf32>,
          %get3A_1210 = arith.index_cast %add3A_1173 : i32 to index
          %get3A_1211 = arith.constant 128 : index
          %get3A_1212 = tpu.vector_load %arg16[%get3A_1210, %get3A_1211] {strides = array<i32>} : memref<80x256xf32, #tpu.memory_space<vmem>>, vector<16xf32>,
          %get3A_1213 = arith.index_cast %add3A_1173 : i32 to index
          %get3A_1214 = arith.constant 144 : index
          %get3A_1215 = tpu.vector_load %arg16[%get3A_1213, %get3A_1214] {strides = array<i32>} : memref<80x256xf32, #tpu.memory_space<vmem>>, vector<16xf32>,
          %get3A_1216 = arith.index_cast %add3A_1173 : i32 to index
          %get3A_1217 = arith.constant 160 : index
          %get3A_1218 = tpu.vector_load %arg16[%get3A_1216, %get3A_1217] {strides = array<i32>} : memref<80x256xf32, #tpu.memory_space<vmem>>, vector<16xf32>,
          %get3A_1219 = arith.index_cast %add3A_1173 : i32 to index
          %get3A_1220 = arith.constant 176 : index
          %get3A_1221 = tpu.vector_load %arg16[%get3A_1219, %get3A_1220] {strides = array<i32>} : memref<80x256xf32, #tpu.memory_space<vmem>>, vector<16xf32>,
          %get3A_1222 = arith.index_cast %add3A_1173 : i32 to index
          %get3A_1223 = arith.constant 192 : index
          %get3A_1224 = tpu.vector_load %arg16[%get3A_1222, %get3A_1223] {strides = array<i32>} : memref<80x256xf32, #tpu.memory_space<vmem>>, vector<16xf32>,
          %get3A_1225 = arith.index_cast %add3A_1173 : i32 to index
          %get3A_1226 = arith.constant 208 : index
          %get3A_1227 = tpu.vector_load %arg16[%get3A_1225, %get3A_1226] {strides = array<i32>} : memref<80x256xf32, #tpu.memory_space<vmem>>, vector<16xf32>,
          %get3A_1228 = arith.index_cast %add3A_1173 : i32 to index
          %get3A_1229 = arith.constant 224 : index
          %get3A_1230 = tpu.vector_load %arg16[%get3A_1228, %get3A_1229] {strides = array<i32>} : memref<80x256xf32, #tpu.memory_space<vmem>>, vector<16xf32>,
          %get3A_1231 = arith.index_cast %add3A_1173 : i32 to index
          %get3A_1232 = arith.constant 240 : index
          %get3A_1233 = tpu.vector_load %arg16[%get3A_1231, %get3A_1232] {strides = array<i32>} : memref<80x256xf32, #tpu.memory_space<vmem>>, vector<16xf32>,
          %slice3A_1234 = vector.extract_strided_slice %get3A_1176 {offsets = [0], sizes = [1], strides = [1]} : vector<16xf32> to vector<1xf32>
          %squeeze3A_1235 = vector.extract %slice3A_1234[0] : f32 from vector<1xf32>
          %mul3A_1236 = vector.broadcast %squeeze3A_1235 : f32 to vector<16xf32>
          %mul3A_1237 = arith.mulf %mul3A_1236, %get3A_1188 : vector<16xf32>
          %slice3A_1238 = vector.extract_strided_slice %get3A_1176 {offsets = [1], sizes = [1], strides = [1]} : vector<16xf32> to vector<1xf32>
          %squeeze3A_1239 = vector.extract %slice3A_1238[0] : f32 from vector<1xf32>
          %mul3A_1240 = vector.broadcast %squeeze3A_1239 : f32 to vector<16xf32>
          %mul3A_1241 = arith.mulf %mul3A_1240, %get3A_1194 : vector<16xf32>
          %add3A_1242 = arith.addf %mul3A_1237, %mul3A_1241 : vector<16xf32>
          %slice3A_1243 = vector.extract_strided_slice %get3A_1176 {offsets = [2], sizes = [1], strides = [1]} : vector<16xf32> to vector<1xf32>
          %squeeze3A_1244 = vector.extract %slice3A_1243[0] : f32 from vector<1xf32>
          %mul3A_1245 = vector.broadcast %squeeze3A_1244 : f32 to vector<16xf32>
          %mul3A_1246 = arith.mulf %mul3A_1245, %get3A_1200 : vector<16xf32>
          %add3A_1247 = arith.addf %add3A_1242, %mul3A_1246 : vector<16xf32>
          %slice3A_1248 = vector.extract_strided_slice %get3A_1176 {offsets = [3], sizes = [1], strides = [1]} : vector<16xf32> to vector<1xf32>
          %squeeze3A_1249 = vector.extract %slice3A_1248[0] : f32 from vector<1xf32>
          %mul3A_1250 = vector.broadcast %squeeze3A_1249 : f32 to vector<16xf32>
          %mul3A_1251 = arith.mulf %mul3A_1250, %get3A_1206 : vector<16xf32>
          %add3A_1252 = arith.addf %add3A_1247, %mul3A_1251 : vector<16xf32>
          %slice3A_1253 = vector.extract_strided_slice %get3A_1176 {offsets = [4], sizes = [1], strides = [1]} : vector<16xf32> to vector<1xf32>
          %squeeze3A_1254 = vector.extract %slice3A_1253[0] : f32 from vector<1xf32>
          %mul3A_1255 = vector.broadcast %squeeze3A_1254 : f32 to vector<16xf32>
          %mul3A_1256 = arith.mulf %mul3A_1255, %get3A_1212 : vector<16xf32>
          %add3A_1257 = arith.addf %add3A_1252, %mul3A_1256 : vector<16xf32>
          %slice3A_1258 = vector.extract_strided_slice %get3A_1176 {offsets = [5], sizes = [1], strides = [1]} : vector<16xf32> to vector<1xf32>
          %squeeze3A_1259 = vector.extract %slice3A_1258[0] : f32 from vector<1xf32>
          %mul3A_1260 = vector.broadcast %squeeze3A_1259 : f32 to vector<16xf32>
          %mul3A_1261 = arith.mulf %mul3A_1260, %get3A_1218 : vector<16xf32>
          %add3A_1262 = arith.addf %add3A_1257, %mul3A_1261 : vector<16xf32>
          %slice3A_1263 = vector.extract_strided_slice %get3A_1176 {offsets = [6], sizes = [1], strides = [1]} : vector<16xf32> to vector<1xf32>
          %squeeze3A_1264 = vector.extract %slice3A_1263[0] : f32 from vector<1xf32>
          %mul3A_1265 = vector.broadcast %squeeze3A_1264 : f32 to vector<16xf32>
          %mul3A_1266 = arith.mulf %mul3A_1265, %get3A_1224 : vector<16xf32>
          %add3A_1267 = arith.addf %add3A_1262, %mul3A_1266 : vector<16xf32>
          %slice3A_1268 = vector.extract_strided_slice %get3A_1176 {offsets = [7], sizes = [1], strides = [1]} : vector<16xf32> to vector<1xf32>
          %squeeze3A_1269 = vector.extract %slice3A_1268[0] : f32 from vector<1xf32>
          %mul3A_1270 = vector.broadcast %squeeze3A_1269 : f32 to vector<16xf32>
          %mul3A_1271 = arith.mulf %mul3A_1270, %get3A_1230 : vector<16xf32>
          %add3A_1272 = arith.addf %add3A_1267, %mul3A_1271 : vector<16xf32>
          %swap3A_1273 = arith.constant 0 : index
          %swap3A_1274 = tpu.vector_load %arg21[%swap3A_1273] {strides = array<i32>} : memref<128xf32, #tpu.memory_space<vmem>>, vector<16xf32>,
          tpu.vector_store %arg21[%swap3A_1273], %add3A_1272 {strides = array<i32>} : memref<128xf32, #tpu.memory_space<vmem>>, vector<16xf32>,
          %slice3A_1275 = vector.extract_strided_slice %get3A_1176 {offsets = [0], sizes = [1], strides = [1]} : vector<16xf32> to vector<1xf32>
          %squeeze3A_1276 = vector.extract %slice3A_1275[0] : f32 from vector<1xf32>
          %mul3A_1277 = vector.broadcast %squeeze3A_1276 : f32 to vector<16xf32>
          %mul3A_1278 = arith.mulf %mul3A_1277, %get3A_1191 : vector<16xf32>
          %slice3A_1279 = vector.extract_strided_slice %get3A_1176 {offsets = [1], sizes = [1], strides = [1]} : vector<16xf32> to vector<1xf32>
          %squeeze3A_1280 = vector.extract %slice3A_1279[0] : f32 from vector<1xf32>
          %mul3A_1281 = vector.broadcast %squeeze3A_1280 : f32 to vector<16xf32>
          %mul3A_1282 = arith.mulf %mul3A_1281, %get3A_1197 : vector<16xf32>
          %add3A_1283 = arith.addf %mul3A_1278, %mul3A_1282 : vector<16xf32>
          %slice3A_1284 = vector.extract_strided_slice %get3A_1176 {offsets = [2], sizes = [1], strides = [1]} : vector<16xf32> to vector<1xf32>
          %squeeze3A_1285 = vector.extract %slice3A_1284[0] : f32 from vector<1xf32>
          %mul3A_1286 = vector.broadcast %squeeze3A_1285 : f32 to vector<16xf32>
          %mul3A_1287 = arith.mulf %mul3A_1286, %get3A_1203 : vector<16xf32>
          %add3A_1288 = arith.addf %add3A_1283, %mul3A_1287 : vector<16xf32>
          %slice3A_1289 = vector.extract_strided_slice %get3A_1176 {offsets = [3], sizes = [1], strides = [1]} : vector<16xf32> to vector<1xf32>
          %squeeze3A_1290 = vector.extract %slice3A_1289[0] : f32 from vector<1xf32>
          %mul3A_1291 = vector.broadcast %squeeze3A_1290 : f32 to vector<16xf32>
          %mul3A_1292 = arith.mulf %mul3A_1291, %get3A_1209 : vector<16xf32>
          %add3A_1293 = arith.addf %add3A_1288, %mul3A_1292 : vector<16xf32>
          %slice3A_1294 = vector.extract_strided_slice %get3A_1176 {offsets = [4], sizes = [1], strides = [1]} : vector<16xf32> to vector<1xf32>
          %squeeze3A_1295 = vector.extract %slice3A_1294[0] : f32 from vector<1xf32>
          %mul3A_1296 = vector.broadcast %squeeze3A_1295 : f32 to vector<16xf32>
          %mul3A_1297 = arith.mulf %mul3A_1296, %get3A_1215 : vector<16xf32>
          %add3A_1298 = arith.addf %add3A_1293, %mul3A_1297 : vector<16xf32>
          %slice3A_1299 = vector.extract_strided_slice %get3A_1176 {offsets = [5], sizes = [1], strides = [1]} : vector<16xf32> to vector<1xf32>
          %squeeze3A_1300 = vector.extract %slice3A_1299[0] : f32 from vector<1xf32>
          %mul3A_1301 = vector.broadcast %squeeze3A_1300 : f32 to vector<16xf32>
          %mul3A_1302 = arith.mulf %mul3A_1301, %get3A_1221 : vector<16xf32>
          %add3A_1303 = arith.addf %add3A_1298, %mul3A_1302 : vector<16xf32>
          %slice3A_1304 = vector.extract_strided_slice %get3A_1176 {offsets = [6], sizes = [1], strides = [1]} : vector<16xf32> to vector<1xf32>
          %squeeze3A_1305 = vector.extract %slice3A_1304[0] : f32 from vector<1xf32>
          %mul3A_1306 = vector.broadcast %squeeze3A_1305 : f32 to vector<16xf32>
          %mul3A_1307 = arith.mulf %mul3A_1306, %get3A_1227 : vector<16xf32>
          %add3A_1308 = arith.addf %add3A_1303, %mul3A_1307 : vector<16xf32>
          %slice3A_1309 = vector.extract_strided_slice %get3A_1176 {offsets = [7], sizes = [1], strides = [1]} : vector<16xf32> to vector<1xf32>
          %squeeze3A_1310 = vector.extract %slice3A_1309[0] : f32 from vector<1xf32>
          %mul3A_1311 = vector.broadcast %squeeze3A_1310 : f32 to vector<16xf32>
          %mul3A_1312 = arith.mulf %mul3A_1311, %get3A_1233 : vector<16xf32>
          %add3A_1313 = arith.addf %add3A_1308, %mul3A_1312 : vector<16xf32>
          %swap3A_1314 = arith.constant 16 : index
          %swap3A_1315 = tpu.vector_load %arg21[%swap3A_1314] {strides = array<i32>} : memref<128xf32, #tpu.memory_space<vmem>>, vector<16xf32>,
          tpu.vector_store %arg21[%swap3A_1314], %add3A_1313 {strides = array<i32>} : memref<128xf32, #tpu.memory_space<vmem>>, vector<16xf32>,
          %slice3A_1316 = vector.extract_strided_slice %get3A_1176 {offsets = [8], sizes = [1], strides = [1]} : vector<16xf32> to vector<1xf32>
          %squeeze3A_1317 = vector.extract %slice3A_1316[0] : f32 from vector<1xf32>
          %mul3A_1318 = vector.broadcast %squeeze3A_1317 : f32 to vector<16xf32>
          %mul3A_1319 = arith.mulf %mul3A_1318, %get3A_1188 : vector<16xf32>
          %slice3A_1320 = vector.extract_strided_slice %get3A_1176 {offsets = [9], sizes = [1], strides = [1]} : vector<16xf32> to vector<1xf32>
          %squeeze3A_1321 = vector.extract %slice3A_1320[0] : f32 from vector<1xf32>
          %mul3A_1322 = vector.broadcast %squeeze3A_1321 : f32 to vector<16xf32>
          %mul3A_1323 = arith.mulf %mul3A_1322, %get3A_1194 : vector<16xf32>
          %add3A_1324 = arith.addf %mul3A_1319, %mul3A_1323 : vector<16xf32>
          %slice3A_1325 = vector.extract_strided_slice %get3A_1176 {offsets = [10], sizes = [1], strides = [1]} : vector<16xf32> to vector<1xf32>
          %squeeze3A_1326 = vector.extract %slice3A_1325[0] : f32 from vector<1xf32>
          %mul3A_1327 = vector.broadcast %squeeze3A_1326 : f32 to vector<16xf32>
          %mul3A_1328 = arith.mulf %mul3A_1327, %get3A_1200 : vector<16xf32>
          %add3A_1329 = arith.addf %add3A_1324, %mul3A_1328 : vector<16xf32>
          %slice3A_1330 = vector.extract_strided_slice %get3A_1176 {offsets = [11], sizes = [1], strides = [1]} : vector<16xf32> to vector<1xf32>
          %squeeze3A_1331 = vector.extract %slice3A_1330[0] : f32 from vector<1xf32>
          %mul3A_1332 = vector.broadcast %squeeze3A_1331 : f32 to vector<16xf32>
          %mul3A_1333 = arith.mulf %mul3A_1332, %get3A_1206 : vector<16xf32>
          %add3A_1334 = arith.addf %add3A_1329, %mul3A_1333 : vector<16xf32>
          %slice3A_1335 = vector.extract_strided_slice %get3A_1176 {offsets = [12], sizes = [1], strides = [1]} : vector<16xf32> to vector<1xf32>
          %squeeze3A_1336 = vector.extract %slice3A_1335[0] : f32 from vector<1xf32>
          %mul3A_1337 = vector.broadcast %squeeze3A_1336 : f32 to vector<16xf32>
          %mul3A_1338 = arith.mulf %mul3A_1337, %get3A_1212 : vector<16xf32>
          %add3A_1339 = arith.addf %add3A_1334, %mul3A_1338 : vector<16xf32>
          %slice3A_1340 = vector.extract_strided_slice %get3A_1176 {offsets = [13], sizes = [1], strides = [1]} : vector<16xf32> to vector<1xf32>
          %squeeze3A_1341 = vector.extract %slice3A_1340[0] : f32 from vector<1xf32>
          %mul3A_1342 = vector.broadcast %squeeze3A_1341 : f32 to vector<16xf32>
          %mul3A_1343 = arith.mulf %mul3A_1342, %get3A_1218 : vector<16xf32>
          %add3A_1344 = arith.addf %add3A_1339, %mul3A_1343 : vector<16xf32>
          %slice3A_1345 = vector.extract_strided_slice %get3A_1176 {offsets = [14], sizes = [1], strides = [1]} : vector<16xf32> to vector<1xf32>
          %squeeze3A_1346 = vector.extract %slice3A_1345[0] : f32 from vector<1xf32>
          %mul3A_1347 = vector.broadcast %squeeze3A_1346 : f32 to vector<16xf32>
          %mul3A_1348 = arith.mulf %mul3A_1347, %get3A_1224 : vector<16xf32>
          %add3A_1349 = arith.addf %add3A_1344, %mul3A_1348 : vector<16xf32>
          %slice3A_1350 = vector.extract_strided_slice %get3A_1176 {offsets = [15], sizes = [1], strides = [1]} : vector<16xf32> to vector<1xf32>
          %squeeze3A_1351 = vector.extract %slice3A_1350[0] : f32 from vector<1xf32>
          %mul3A_1352 = vector.broadcast %squeeze3A_1351 : f32 to vector<16xf32>
          %mul3A_1353 = arith.mulf %mul3A_1352, %get3A_1230 : vector<16xf32>
          %add3A_1354 = arith.addf %add3A_1349, %mul3A_1353 : vector<16xf32>
          %swap3A_1355 = arith.constant 32 : index
          %swap3A_1356 = tpu.vector_load %arg21[%swap3A_1355] {strides = array<i32>} : memref<128xf32, #tpu.memory_space<vmem>>, vector<16xf32>,
          tpu.vector_store %arg21[%swap3A_1355], %add3A_1354 {strides = array<i32>} : memref<128xf32, #tpu.memory_space<vmem>>, vector<16xf32>,
          %slice3A_1357 = vector.extract_strided_slice %get3A_1176 {offsets = [8], sizes = [1], strides = [1]} : vector<16xf32> to vector<1xf32>
          %squeeze3A_1358 = vector.extract %slice3A_1357[0] : f32 from vector<1xf32>
          %mul3A_1359 = vector.broadcast %squeeze3A_1358 : f32 to vector<16xf32>
          %mul3A_1360 = arith.mulf %mul3A_1359, %get3A_1191 : vector<16xf32>
          %slice3A_1361 = vector.extract_strided_slice %get3A_1176 {offsets = [9], sizes = [1], strides = [1]} : vector<16xf32> to vector<1xf32>
          %squeeze3A_1362 = vector.extract %slice3A_1361[0] : f32 from vector<1xf32>
          %mul3A_1363 = vector.broadcast %squeeze3A_1362 : f32 to vector<16xf32>
          %mul3A_1364 = arith.mulf %mul3A_1363, %get3A_1197 : vector<16xf32>
          %add3A_1365 = arith.addf %mul3A_1360, %mul3A_1364 : vector<16xf32>
          %slice3A_1366 = vector.extract_strided_slice %get3A_1176 {offsets = [10], sizes = [1], strides = [1]} : vector<16xf32> to vector<1xf32>
          %squeeze3A_1367 = vector.extract %slice3A_1366[0] : f32 from vector<1xf32>
          %mul3A_1368 = vector.broadcast %squeeze3A_1367 : f32 to vector<16xf32>
          %mul3A_1369 = arith.mulf %mul3A_1368, %get3A_1203 : vector<16xf32>
          %add3A_1370 = arith.addf %add3A_1365, %mul3A_1369 : vector<16xf32>
          %slice3A_1371 = vector.extract_strided_slice %get3A_1176 {offsets = [11], sizes = [1], strides = [1]} : vector<16xf32> to vector<1xf32>
          %squeeze3A_1372 = vector.extract %slice3A_1371[0] : f32 from vector<1xf32>
          %mul3A_1373 = vector.broadcast %squeeze3A_1372 : f32 to vector<16xf32>
          %mul3A_1374 = arith.mulf %mul3A_1373, %get3A_1209 : vector<16xf32>
          %add3A_1375 = arith.addf %add3A_1370, %mul3A_1374 : vector<16xf32>
          %slice3A_1376 = vector.extract_strided_slice %get3A_1176 {offsets = [12], sizes = [1], strides = [1]} : vector<16xf32> to vector<1xf32>
          %squeeze3A_1377 = vector.extract %slice3A_1376[0] : f32 from vector<1xf32>
          %mul3A_1378 = vector.broadcast %squeeze3A_1377 : f32 to vector<16xf32>
          %mul3A_1379 = arith.mulf %mul3A_1378, %get3A_1215 : vector<16xf32>
          %add3A_1380 = arith.addf %add3A_1375, %mul3A_1379 : vector<16xf32>
          %slice3A_1381 = vector.extract_strided_slice %get3A_1176 {offsets = [13], sizes = [1], strides = [1]} : vector<16xf32> to vector<1xf32>
          %squeeze3A_1382 = vector.extract %slice3A_1381[0] : f32 from vector<1xf32>
          %mul3A_1383 = vector.broadcast %squeeze3A_1382 : f32 to vector<16xf32>
          %mul3A_1384 = arith.mulf %mul3A_1383, %get3A_1221 : vector<16xf32>
          %add3A_1385 = arith.addf %add3A_1380, %mul3A_1384 : vector<16xf32>
          %slice3A_1386 = vector.extract_strided_slice %get3A_1176 {offsets = [14], sizes = [1], strides = [1]} : vector<16xf32> to vector<1xf32>
          %squeeze3A_1387 = vector.extract %slice3A_1386[0] : f32 from vector<1xf32>
          %mul3A_1388 = vector.broadcast %squeeze3A_1387 : f32 to vector<16xf32>
          %mul3A_1389 = arith.mulf %mul3A_1388, %get3A_1227 : vector<16xf32>
          %add3A_1390 = arith.addf %add3A_1385, %mul3A_1389 : vector<16xf32>
          %slice3A_1391 = vector.extract_strided_slice %get3A_1176 {offsets = [15], sizes = [1], strides = [1]} : vector<16xf32> to vector<1xf32>
          %squeeze3A_1392 = vector.extract %slice3A_1391[0] : f32 from vector<1xf32>
          %mul3A_1393 = vector.broadcast %squeeze3A_1392 : f32 to vector<16xf32>
          %mul3A_1394 = arith.mulf %mul3A_1393, %get3A_1233 : vector<16xf32>
          %add3A_1395 = arith.addf %add3A_1390, %mul3A_1394 : vector<16xf32>
          %swap3A_1396 = arith.constant 48 : index
          %swap3A_1397 = tpu.vector_load %arg21[%swap3A_1396] {strides = array<i32>} : memref<128xf32, #tpu.memory_space<vmem>>, vector<16xf32>,
          tpu.vector_store %arg21[%swap3A_1396], %add3A_1395 {strides = array<i32>} : memref<128xf32, #tpu.memory_space<vmem>>, vector<16xf32>,
          %slice3A_1398 = vector.extract_strided_slice %get3A_1179 {offsets = [0], sizes = [1], strides = [1]} : vector<16xf32> to vector<1xf32>
          %squeeze3A_1399 = vector.extract %slice3A_1398[0] : f32 from vector<1xf32>
          %mul3A_1400 = vector.broadcast %squeeze3A_1399 : f32 to vector<16xf32>
          %mul3A_1401 = arith.mulf %mul3A_1400, %get3A_1188 : vector<16xf32>
          %slice3A_1402 = vector.extract_strided_slice %get3A_1179 {offsets = [1], sizes = [1], strides = [1]} : vector<16xf32> to vector<1xf32>
          %squeeze3A_1403 = vector.extract %slice3A_1402[0] : f32 from vector<1xf32>
          %mul3A_1404 = vector.broadcast %squeeze3A_1403 : f32 to vector<16xf32>
          %mul3A_1405 = arith.mulf %mul3A_1404, %get3A_1194 : vector<16xf32>
          %add3A_1406 = arith.addf %mul3A_1401, %mul3A_1405 : vector<16xf32>
          %slice3A_1407 = vector.extract_strided_slice %get3A_1179 {offsets = [2], sizes = [1], strides = [1]} : vector<16xf32> to vector<1xf32>
          %squeeze3A_1408 = vector.extract %slice3A_1407[0] : f32 from vector<1xf32>
          %mul3A_1409 = vector.broadcast %squeeze3A_1408 : f32 to vector<16xf32>
          %mul3A_1410 = arith.mulf %mul3A_1409, %get3A_1200 : vector<16xf32>
          %add3A_1411 = arith.addf %add3A_1406, %mul3A_1410 : vector<16xf32>
          %slice3A_1412 = vector.extract_strided_slice %get3A_1179 {offsets = [3], sizes = [1], strides = [1]} : vector<16xf32> to vector<1xf32>
          %squeeze3A_1413 = vector.extract %slice3A_1412[0] : f32 from vector<1xf32>
          %mul3A_1414 = vector.broadcast %squeeze3A_1413 : f32 to vector<16xf32>
          %mul3A_1415 = arith.mulf %mul3A_1414, %get3A_1206 : vector<16xf32>
          %add3A_1416 = arith.addf %add3A_1411, %mul3A_1415 : vector<16xf32>
          %slice3A_1417 = vector.extract_strided_slice %get3A_1179 {offsets = [4], sizes = [1], strides = [1]} : vector<16xf32> to vector<1xf32>
          %squeeze3A_1418 = vector.extract %slice3A_1417[0] : f32 from vector<1xf32>
          %mul3A_1419 = vector.broadcast %squeeze3A_1418 : f32 to vector<16xf32>
          %mul3A_1420 = arith.mulf %mul3A_1419, %get3A_1212 : vector<16xf32>
          %add3A_1421 = arith.addf %add3A_1416, %mul3A_1420 : vector<16xf32>
          %slice3A_1422 = vector.extract_strided_slice %get3A_1179 {offsets = [5], sizes = [1], strides = [1]} : vector<16xf32> to vector<1xf32>
          %squeeze3A_1423 = vector.extract %slice3A_1422[0] : f32 from vector<1xf32>
          %mul3A_1424 = vector.broadcast %squeeze3A_1423 : f32 to vector<16xf32>
          %mul3A_1425 = arith.mulf %mul3A_1424, %get3A_1218 : vector<16xf32>
          %add3A_1426 = arith.addf %add3A_1421, %mul3A_1425 : vector<16xf32>
          %slice3A_1427 = vector.extract_strided_slice %get3A_1179 {offsets = [6], sizes = [1], strides = [1]} : vector<16xf32> to vector<1xf32>
          %squeeze3A_1428 = vector.extract %slice3A_1427[0] : f32 from vector<1xf32>
          %mul3A_1429 = vector.broadcast %squeeze3A_1428 : f32 to vector<16xf32>
          %mul3A_1430 = arith.mulf %mul3A_1429, %get3A_1224 : vector<16xf32>
          %add3A_1431 = arith.addf %add3A_1426, %mul3A_1430 : vector<16xf32>
          %slice3A_1432 = vector.extract_strided_slice %get3A_1179 {offsets = [7], sizes = [1], strides = [1]} : vector<16xf32> to vector<1xf32>
          %squeeze3A_1433 = vector.extract %slice3A_1432[0] : f32 from vector<1xf32>
          %mul3A_1434 = vector.broadcast %squeeze3A_1433 : f32 to vector<16xf32>
          %mul3A_1435 = arith.mulf %mul3A_1434, %get3A_1230 : vector<16xf32>
          %add3A_1436 = arith.addf %add3A_1431, %mul3A_1435 : vector<16xf32>
          %swap3A_1437 = arith.constant 64 : index
          %swap3A_1438 = tpu.vector_load %arg21[%swap3A_1437] {strides = array<i32>} : memref<128xf32, #tpu.memory_space<vmem>>, vector<16xf32>,
          tpu.vector_store %arg21[%swap3A_1437], %add3A_1436 {strides = array<i32>} : memref<128xf32, #tpu.memory_space<vmem>>, vector<16xf32>,
          %slice3A_1439 = vector.extract_strided_slice %get3A_1179 {offsets = [0], sizes = [1], strides = [1]} : vector<16xf32> to vector<1xf32>
          %squeeze3A_1440 = vector.extract %slice3A_1439[0] : f32 from vector<1xf32>
          %mul3A_1441 = vector.broadcast %squeeze3A_1440 : f32 to vector<16xf32>
          %mul3A_1442 = arith.mulf %mul3A_1441, %get3A_1191 : vector<16xf32>
          %slice3A_1443 = vector.extract_strided_slice %get3A_1179 {offsets = [1], sizes = [1], strides = [1]} : vector<16xf32> to vector<1xf32>
          %squeeze3A_1444 = vector.extract %slice3A_1443[0] : f32 from vector<1xf32>
          %mul3A_1445 = vector.broadcast %squeeze3A_1444 : f32 to vector<16xf32>
          %mul3A_1446 = arith.mulf %mul3A_1445, %get3A_1197 : vector<16xf32>
          %add3A_1447 = arith.addf %mul3A_1442, %mul3A_1446 : vector<16xf32>
          %slice3A_1448 = vector.extract_strided_slice %get3A_1179 {offsets = [2], sizes = [1], strides = [1]} : vector<16xf32> to vector<1xf32>
          %squeeze3A_1449 = vector.extract %slice3A_1448[0] : f32 from vector<1xf32>
          %mul3A_1450 = vector.broadcast %squeeze3A_1449 : f32 to vector<16xf32>
          %mul3A_1451 = arith.mulf %mul3A_1450, %get3A_1203 : vector<16xf32>
          %add3A_1452 = arith.addf %add3A_1447, %mul3A_1451 : vector<16xf32>
          %slice3A_1453 = vector.extract_strided_slice %get3A_1179 {offsets = [3], sizes = [1], strides = [1]} : vector<16xf32> to vector<1xf32>
          %squeeze3A_1454 = vector.extract %slice3A_1453[0] : f32 from vector<1xf32>
          %mul3A_1455 = vector.broadcast %squeeze3A_1454 : f32 to vector<16xf32>
          %mul3A_1456 = arith.mulf %mul3A_1455, %get3A_1209 : vector<16xf32>
          %add3A_1457 = arith.addf %add3A_1452, %mul3A_1456 : vector<16xf32>
          %slice3A_1458 = vector.extract_strided_slice %get3A_1179 {offsets = [4], sizes = [1], strides = [1]} : vector<16xf32> to vector<1xf32>
          %squeeze3A_1459 = vector.extract %slice3A_1458[0] : f32 from vector<1xf32>
          %mul3A_1460 = vector.broadcast %squeeze3A_1459 : f32 to vector<16xf32>
          %mul3A_1461 = arith.mulf %mul3A_1460, %get3A_1215 : vector<16xf32>
          %add3A_1462 = arith.addf %add3A_1457, %mul3A_1461 : vector<16xf32>
          %slice3A_1463 = vector.extract_strided_slice %get3A_1179 {offsets = [5], sizes = [1], strides = [1]} : vector<16xf32> to vector<1xf32>
          %squeeze3A_1464 = vector.extract %slice3A_1463[0] : f32 from vector<1xf32>
          %mul3A_1465 = vector.broadcast %squeeze3A_1464 : f32 to vector<16xf32>
          %mul3A_1466 = arith.mulf %mul3A_1465, %get3A_1221 : vector<16xf32>
          %add3A_1467 = arith.addf %add3A_1462, %mul3A_1466 : vector<16xf32>
          %slice3A_1468 = vector.extract_strided_slice %get3A_1179 {offsets = [6], sizes = [1], strides = [1]} : vector<16xf32> to vector<1xf32>
          %squeeze3A_1469 = vector.extract %slice3A_1468[0] : f32 from vector<1xf32>
          %mul3A_1470 = vector.broadcast %squeeze3A_1469 : f32 to vector<16xf32>
          %mul3A_1471 = arith.mulf %mul3A_1470, %get3A_1227 : vector<16xf32>
          %add3A_1472 = arith.addf %add3A_1467, %mul3A_1471 : vector<16xf32>
          %slice3A_1473 = vector.extract_strided_slice %get3A_1179 {offsets = [7], sizes = [1], strides = [1]} : vector<16xf32> to vector<1xf32>
          %squeeze3A_1474 = vector.extract %slice3A_1473[0] : f32 from vector<1xf32>
          %mul3A_1475 = vector.broadcast %squeeze3A_1474 : f32 to vector<16xf32>
          %mul3A_1476 = arith.mulf %mul3A_1475, %get3A_1233 : vector<16xf32>
          %add3A_1477 = arith.addf %add3A_1472, %mul3A_1476 : vector<16xf32>
          %swap3A_1478 = arith.constant 80 : index
          %swap3A_1479 = tpu.vector_load %arg21[%swap3A_1478] {strides = array<i32>} : memref<128xf32, #tpu.memory_space<vmem>>, vector<16xf32>,
          tpu.vector_store %arg21[%swap3A_1478], %add3A_1477 {strides = array<i32>} : memref<128xf32, #tpu.memory_space<vmem>>, vector<16xf32>,
          %slice3A_1480 = vector.extract_strided_slice %get3A_1179 {offsets = [8], sizes = [1], strides = [1]} : vector<16xf32> to vector<1xf32>
          %squeeze3A_1481 = vector.extract %slice3A_1480[0] : f32 from vector<1xf32>
          %mul3A_1482 = vector.broadcast %squeeze3A_1481 : f32 to vector<16xf32>
          %mul3A_1483 = arith.mulf %mul3A_1482, %get3A_1188 : vector<16xf32>
          %slice3A_1484 = vector.extract_strided_slice %get3A_1179 {offsets = [9], sizes = [1], strides = [1]} : vector<16xf32> to vector<1xf32>
          %squeeze3A_1485 = vector.extract %slice3A_1484[0] : f32 from vector<1xf32>
          %mul3A_1486 = vector.broadcast %squeeze3A_1485 : f32 to vector<16xf32>
          %mul3A_1487 = arith.mulf %mul3A_1486, %get3A_1194 : vector<16xf32>
          %add3A_1488 = arith.addf %mul3A_1483, %mul3A_1487 : vector<16xf32>
          %slice3A_1489 = vector.extract_strided_slice %get3A_1179 {offsets = [10], sizes = [1], strides = [1]} : vector<16xf32> to vector<1xf32>
          %squeeze3A_1490 = vector.extract %slice3A_1489[0] : f32 from vector<1xf32>
          %mul3A_1491 = vector.broadcast %squeeze3A_1490 : f32 to vector<16xf32>
          %mul3A_1492 = arith.mulf %mul3A_1491, %get3A_1200 : vector<16xf32>
          %add3A_1493 = arith.addf %add3A_1488, %mul3A_1492 : vector<16xf32>
          %slice3A_1494 = vector.extract_strided_slice %get3A_1179 {offsets = [11], sizes = [1], strides = [1]} : vector<16xf32> to vector<1xf32>
          %squeeze3A_1495 = vector.extract %slice3A_1494[0] : f32 from vector<1xf32>
          %mul3A_1496 = vector.broadcast %squeeze3A_1495 : f32 to vector<16xf32>
          %mul3A_1497 = arith.mulf %mul3A_1496, %get3A_1206 : vector<16xf32>
          %add3A_1498 = arith.addf %add3A_1493, %mul3A_1497 : vector<16xf32>
          %slice3A_1499 = vector.extract_strided_slice %get3A_1179 {offsets = [12], sizes = [1], strides = [1]} : vector<16xf32> to vector<1xf32>
          %squeeze3A_1500 = vector.extract %slice3A_1499[0] : f32 from vector<1xf32>
          %mul3A_1501 = vector.broadcast %squeeze3A_1500 : f32 to vector<16xf32>
          %mul3A_1502 = arith.mulf %mul3A_1501, %get3A_1212 : vector<16xf32>
          %add3A_1503 = arith.addf %add3A_1498, %mul3A_1502 : vector<16xf32>
          %slice3A_1504 = vector.extract_strided_slice %get3A_1179 {offsets = [13], sizes = [1], strides = [1]} : vector<16xf32> to vector<1xf32>
          %squeeze3A_1505 = vector.extract %slice3A_1504[0] : f32 from vector<1xf32>
          %mul3A_1506 = vector.broadcast %squeeze3A_1505 : f32 to vector<16xf32>
          %mul3A_1507 = arith.mulf %mul3A_1506, %get3A_1218 : vector<16xf32>
          %add3A_1508 = arith.addf %add3A_1503, %mul3A_1507 : vector<16xf32>
          %slice3A_1509 = vector.extract_strided_slice %get3A_1179 {offsets = [14], sizes = [1], strides = [1]} : vector<16xf32> to vector<1xf32>
          %squeeze3A_1510 = vector.extract %slice3A_1509[0] : f32 from vector<1xf32>
          %mul3A_1511 = vector.broadcast %squeeze3A_1510 : f32 to vector<16xf32>
          %mul3A_1512 = arith.mulf %mul3A_1511, %get3A_1224 : vector<16xf32>
          %add3A_1513 = arith.addf %add3A_1508, %mul3A_1512 : vector<16xf32>
          %slice3A_1514 = vector.extract_strided_slice %get3A_1179 {offsets = [15], sizes = [1], strides = [1]} : vector<16xf32> to vector<1xf32>
          %squeeze3A_1515 = vector.extract %slice3A_1514[0] : f32 from vector<1xf32>
          %mul3A_1516 = vector.broadcast %squeeze3A_1515 : f32 to vector<16xf32>
          %mul3A_1517 = arith.mulf %mul3A_1516, %get3A_1230 : vector<16xf32>
          %add3A_1518 = arith.addf %add3A_1513, %mul3A_1517 : vector<16xf32>
          %swap3A_1519 = arith.constant 96 : index
          %swap3A_1520 = tpu.vector_load %arg21[%swap3A_1519] {strides = array<i32>} : memref<128xf32, #tpu.memory_space<vmem>>, vector<16xf32>,
          tpu.vector_store %arg21[%swap3A_1519], %add3A_1518 {strides = array<i32>} : memref<128xf32, #tpu.memory_space<vmem>>, vector<16xf32>,
          %slice3A_1521 = vector.extract_strided_slice %get3A_1179 {offsets = [8], sizes = [1], strides = [1]} : vector<16xf32> to vector<1xf32>
          %squeeze3A_1522 = vector.extract %slice3A_1521[0] : f32 from vector<1xf32>
          %mul3A_1523 = vector.broadcast %squeeze3A_1522 : f32 to vector<16xf32>
          %mul3A_1524 = arith.mulf %mul3A_1523, %get3A_1191 : vector<16xf32>
          %slice3A_1525 = vector.extract_strided_slice %get3A_1179 {offsets = [9], sizes = [1], strides = [1]} : vector<16xf32> to vector<1xf32>
          %squeeze3A_1526 = vector.extract %slice3A_1525[0] : f32 from vector<1xf32>
          %mul3A_1527 = vector.broadcast %squeeze3A_1526 : f32 to vector<16xf32>
          %mul3A_1528 = arith.mulf %mul3A_1527, %get3A_1197 : vector<16xf32>
          %add3A_1529 = arith.addf %mul3A_1524, %mul3A_1528 : vector<16xf32>
          %slice3A_1530 = vector.extract_strided_slice %get3A_1179 {offsets = [10], sizes = [1], strides = [1]} : vector<16xf32> to vector<1xf32>
          %squeeze3A_1531 = vector.extract %slice3A_1530[0] : f32 from vector<1xf32>
          %mul3A_1532 = vector.broadcast %squeeze3A_1531 : f32 to vector<16xf32>
          %mul3A_1533 = arith.mulf %mul3A_1532, %get3A_1203 : vector<16xf32>
          %add3A_1534 = arith.addf %add3A_1529, %mul3A_1533 : vector<16xf32>
          %slice3A_1535 = vector.extract_strided_slice %get3A_1179 {offsets = [11], sizes = [1], strides = [1]} : vector<16xf32> to vector<1xf32>
          %squeeze3A_1536 = vector.extract %slice3A_1535[0] : f32 from vector<1xf32>
          %mul3A_1537 = vector.broadcast %squeeze3A_1536 : f32 to vector<16xf32>
          %mul3A_1538 = arith.mulf %mul3A_1537, %get3A_1209 : vector<16xf32>
          %add3A_1539 = arith.addf %add3A_1534, %mul3A_1538 : vector<16xf32>
          %slice3A_1540 = vector.extract_strided_slice %get3A_1179 {offsets = [12], sizes = [1], strides = [1]} : vector<16xf32> to vector<1xf32>
          %squeeze3A_1541 = vector.extract %slice3A_1540[0] : f32 from vector<1xf32>
          %mul3A_1542 = vector.broadcast %squeeze3A_1541 : f32 to vector<16xf32>
          %mul3A_1543 = arith.mulf %mul3A_1542, %get3A_1215 : vector<16xf32>
          %add3A_1544 = arith.addf %add3A_1539, %mul3A_1543 : vector<16xf32>
          %slice3A_1545 = vector.extract_strided_slice %get3A_1179 {offsets = [13], sizes = [1], strides = [1]} : vector<16xf32> to vector<1xf32>
          %squeeze3A_1546 = vector.extract %slice3A_1545[0] : f32 from vector<1xf32>
          %mul3A_1547 = vector.broadcast %squeeze3A_1546 : f32 to vector<16xf32>
          %mul3A_1548 = arith.mulf %mul3A_1547, %get3A_1221 : vector<16xf32>
          %add3A_1549 = arith.addf %add3A_1544, %mul3A_1548 : vector<16xf32>
          %slice3A_1550 = vector.extract_strided_slice %get3A_1179 {offsets = [14], sizes = [1], strides = [1]} : vector<16xf32> to vector<1xf32>
          %squeeze3A_1551 = vector.extract %slice3A_1550[0] : f32 from vector<1xf32>
          %mul3A_1552 = vector.broadcast %squeeze3A_1551 : f32 to vector<16xf32>
          %mul3A_1553 = arith.mulf %mul3A_1552, %get3A_1227 : vector<16xf32>
          %add3A_1554 = arith.addf %add3A_1549, %mul3A_1553 : vector<16xf32>
          %slice3A_1555 = vector.extract_strided_slice %get3A_1179 {offsets = [15], sizes = [1], strides = [1]} : vector<16xf32> to vector<1xf32>
          %squeeze3A_1556 = vector.extract %slice3A_1555[0] : f32 from vector<1xf32>
          %mul3A_1557 = vector.broadcast %squeeze3A_1556 : f32 to vector<16xf32>
          %mul3A_1558 = arith.mulf %mul3A_1557, %get3A_1233 : vector<16xf32>
          %add3A_1559 = arith.addf %add3A_1554, %mul3A_1558 : vector<16xf32>
          %swap3A_1560 = arith.constant 112 : index
          %swap3A_1561 = tpu.vector_load %arg21[%swap3A_1560] {strides = array<i32>} : memref<128xf32, #tpu.memory_space<vmem>>, vector<16xf32>,
          tpu.vector_store %arg21[%swap3A_1560], %add3A_1559 {strides = array<i32>} : memref<128xf32, #tpu.memory_space<vmem>>, vector<16xf32>,
          %gather3A_1562 = tpu.vector_load_idx %arg21[%add3A_12] : memref<128xf32, #tpu.memory_space<vmem>>[vector<16xi32>], vector<16xf32>,
          %slice3A_1563 = vector.extract_strided_slice %get3A_1182 {offsets = [0], sizes = [1], strides = [1]} : vector<16xf32> to vector<1xf32>
          %squeeze3A_1564 = vector.extract %slice3A_1563[0] : f32 from vector<1xf32>
          %mul3A_1565 = vector.broadcast %squeeze3A_1564 : f32 to vector<16xf32>
          %mul3A_1566 = arith.mulf %gather3A_1562, %mul3A_1565 : vector<16xf32>
          tpu.vector_store_idx %arg22[%add3A_583], %mul3A_1566 {add = true} : memref<256xf32, #tpu.memory_space<vmem>>[vector<16xi32>], vector<16xf32>,
          %slice3A_1567 = vector.extract_strided_slice %get3A_1182 {offsets = [1], sizes = [1], strides = [1]} : vector<16xf32> to vector<1xf32>
          %squeeze3A_1568 = vector.extract %slice3A_1567[0] : f32 from vector<1xf32>
          %mul3A_1569 = vector.broadcast %squeeze3A_1568 : f32 to vector<16xf32>
          %mul3A_1570 = arith.mulf %gather3A_1562, %mul3A_1569 : vector<16xf32>
          tpu.vector_store_idx %arg22[%add3A_593], %mul3A_1570 {add = true} : memref<256xf32, #tpu.memory_space<vmem>>[vector<16xi32>], vector<16xf32>,
          %slice3A_1571 = vector.extract_strided_slice %get3A_1182 {offsets = [2], sizes = [1], strides = [1]} : vector<16xf32> to vector<1xf32>
          %squeeze3A_1572 = vector.extract %slice3A_1571[0] : f32 from vector<1xf32>
          %mul3A_1573 = vector.broadcast %squeeze3A_1572 : f32 to vector<16xf32>
          %mul3A_1574 = arith.mulf %gather3A_1562, %mul3A_1573 : vector<16xf32>
          tpu.vector_store_idx %arg22[%add3A_603], %mul3A_1574 {add = true} : memref<256xf32, #tpu.memory_space<vmem>>[vector<16xi32>], vector<16xf32>,
          %slice3A_1575 = vector.extract_strided_slice %get3A_1182 {offsets = [3], sizes = [1], strides = [1]} : vector<16xf32> to vector<1xf32>
          %squeeze3A_1576 = vector.extract %slice3A_1575[0] : f32 from vector<1xf32>
          %mul3A_1577 = vector.broadcast %squeeze3A_1576 : f32 to vector<16xf32>
          %mul3A_1578 = arith.mulf %gather3A_1562, %mul3A_1577 : vector<16xf32>
          tpu.vector_store_idx %arg22[%add3A_613], %mul3A_1578 {add = true} : memref<256xf32, #tpu.memory_space<vmem>>[vector<16xi32>], vector<16xf32>,
          %gather3A_1579 = tpu.vector_load_idx %arg21[%add3A_18] : memref<128xf32, #tpu.memory_space<vmem>>[vector<16xi32>], vector<16xf32>,
          %slice3A_1580 = vector.extract_strided_slice %get3A_1182 {offsets = [4], sizes = [1], strides = [1]} : vector<16xf32> to vector<1xf32>
          %squeeze3A_1581 = vector.extract %slice3A_1580[0] : f32 from vector<1xf32>
          %mul3A_1582 = vector.broadcast %squeeze3A_1581 : f32 to vector<16xf32>
          %mul3A_1583 = arith.mulf %gather3A_1579, %mul3A_1582 : vector<16xf32>
          tpu.vector_store_idx %arg22[%add3A_583], %mul3A_1583 {add = true} : memref<256xf32, #tpu.memory_space<vmem>>[vector<16xi32>], vector<16xf32>,
          %slice3A_1584 = vector.extract_strided_slice %get3A_1182 {offsets = [5], sizes = [1], strides = [1]} : vector<16xf32> to vector<1xf32>
          %squeeze3A_1585 = vector.extract %slice3A_1584[0] : f32 from vector<1xf32>
          %mul3A_1586 = vector.broadcast %squeeze3A_1585 : f32 to vector<16xf32>
          %mul3A_1587 = arith.mulf %gather3A_1579, %mul3A_1586 : vector<16xf32>
          tpu.vector_store_idx %arg22[%add3A_593], %mul3A_1587 {add = true} : memref<256xf32, #tpu.memory_space<vmem>>[vector<16xi32>], vector<16xf32>,
          %slice3A_1588 = vector.extract_strided_slice %get3A_1182 {offsets = [6], sizes = [1], strides = [1]} : vector<16xf32> to vector<1xf32>
          %squeeze3A_1589 = vector.extract %slice3A_1588[0] : f32 from vector<1xf32>
          %mul3A_1590 = vector.broadcast %squeeze3A_1589 : f32 to vector<16xf32>
          %mul3A_1591 = arith.mulf %gather3A_1579, %mul3A_1590 : vector<16xf32>
          tpu.vector_store_idx %arg22[%add3A_603], %mul3A_1591 {add = true} : memref<256xf32, #tpu.memory_space<vmem>>[vector<16xi32>], vector<16xf32>,
          %slice3A_1592 = vector.extract_strided_slice %get3A_1182 {offsets = [7], sizes = [1], strides = [1]} : vector<16xf32> to vector<1xf32>
          %squeeze3A_1593 = vector.extract %slice3A_1592[0] : f32 from vector<1xf32>
          %mul3A_1594 = vector.broadcast %squeeze3A_1593 : f32 to vector<16xf32>
          %mul3A_1595 = arith.mulf %gather3A_1579, %mul3A_1594 : vector<16xf32>
          tpu.vector_store_idx %arg22[%add3A_613], %mul3A_1595 {add = true} : memref<256xf32, #tpu.memory_space<vmem>>[vector<16xi32>], vector<16xf32>,
          %gather3A_1596 = tpu.vector_load_idx %arg21[%add3A_24] : memref<128xf32, #tpu.memory_space<vmem>>[vector<16xi32>], vector<16xf32>,
          %slice3A_1597 = vector.extract_strided_slice %get3A_1182 {offsets = [8], sizes = [1], strides = [1]} : vector<16xf32> to vector<1xf32>
          %squeeze3A_1598 = vector.extract %slice3A_1597[0] : f32 from vector<1xf32>
          %mul3A_1599 = vector.broadcast %squeeze3A_1598 : f32 to vector<16xf32>
          %mul3A_1600 = arith.mulf %gather3A_1596, %mul3A_1599 : vector<16xf32>
          tpu.vector_store_idx %arg22[%add3A_583], %mul3A_1600 {add = true} : memref<256xf32, #tpu.memory_space<vmem>>[vector<16xi32>], vector<16xf32>,
          %slice3A_1601 = vector.extract_strided_slice %get3A_1182 {offsets = [9], sizes = [1], strides = [1]} : vector<16xf32> to vector<1xf32>
          %squeeze3A_1602 = vector.extract %slice3A_1601[0] : f32 from vector<1xf32>
          %mul3A_1603 = vector.broadcast %squeeze3A_1602 : f32 to vector<16xf32>
          %mul3A_1604 = arith.mulf %gather3A_1596, %mul3A_1603 : vector<16xf32>
          tpu.vector_store_idx %arg22[%add3A_593], %mul3A_1604 {add = true} : memref<256xf32, #tpu.memory_space<vmem>>[vector<16xi32>], vector<16xf32>,
          %slice3A_1605 = vector.extract_strided_slice %get3A_1182 {offsets = [10], sizes = [1], strides = [1]} : vector<16xf32> to vector<1xf32>
          %squeeze3A_1606 = vector.extract %slice3A_1605[0] : f32 from vector<1xf32>
          %mul3A_1607 = vector.broadcast %squeeze3A_1606 : f32 to vector<16xf32>
          %mul3A_1608 = arith.mulf %gather3A_1596, %mul3A_1607 : vector<16xf32>
          tpu.vector_store_idx %arg22[%add3A_603], %mul3A_1608 {add = true} : memref<256xf32, #tpu.memory_space<vmem>>[vector<16xi32>], vector<16xf32>,
          %slice3A_1609 = vector.extract_strided_slice %get3A_1182 {offsets = [11], sizes = [1], strides = [1]} : vector<16xf32> to vector<1xf32>
          %squeeze3A_1610 = vector.extract %slice3A_1609[0] : f32 from vector<1xf32>
          %mul3A_1611 = vector.broadcast %squeeze3A_1610 : f32 to vector<16xf32>
          %mul3A_1612 = arith.mulf %gather3A_1596, %mul3A_1611 : vector<16xf32>
          tpu.vector_store_idx %arg22[%add3A_613], %mul3A_1612 {add = true} : memref<256xf32, #tpu.memory_space<vmem>>[vector<16xi32>], vector<16xf32>,
          %gather3A_1613 = tpu.vector_load_idx %arg21[%add3A_30] : memref<128xf32, #tpu.memory_space<vmem>>[vector<16xi32>], vector<16xf32>,
          %slice3A_1614 = vector.extract_strided_slice %get3A_1182 {offsets = [12], sizes = [1], strides = [1]} : vector<16xf32> to vector<1xf32>
          %squeeze3A_1615 = vector.extract %slice3A_1614[0] : f32 from vector<1xf32>
          %mul3A_1616 = vector.broadcast %squeeze3A_1615 : f32 to vector<16xf32>
          %mul3A_1617 = arith.mulf %gather3A_1613, %mul3A_1616 : vector<16xf32>
          tpu.vector_store_idx %arg22[%add3A_583], %mul3A_1617 {add = true} : memref<256xf32, #tpu.memory_space<vmem>>[vector<16xi32>], vector<16xf32>,
          %slice3A_1618 = vector.extract_strided_slice %get3A_1182 {offsets = [13], sizes = [1], strides = [1]} : vector<16xf32> to vector<1xf32>
          %squeeze3A_1619 = vector.extract %slice3A_1618[0] : f32 from vector<1xf32>
          %mul3A_1620 = vector.broadcast %squeeze3A_1619 : f32 to vector<16xf32>
          %mul3A_1621 = arith.mulf %gather3A_1613, %mul3A_1620 : vector<16xf32>
          tpu.vector_store_idx %arg22[%add3A_593], %mul3A_1621 {add = true} : memref<256xf32, #tpu.memory_space<vmem>>[vector<16xi32>], vector<16xf32>,
          %slice3A_1622 = vector.extract_strided_slice %get3A_1182 {offsets = [14], sizes = [1], strides = [1]} : vector<16xf32> to vector<1xf32>
          %squeeze3A_1623 = vector.extract %slice3A_1622[0] : f32 from vector<1xf32>
          %mul3A_1624 = vector.broadcast %squeeze3A_1623 : f32 to vector<16xf32>
          %mul3A_1625 = arith.mulf %gather3A_1613, %mul3A_1624 : vector<16xf32>
          tpu.vector_store_idx %arg22[%add3A_603], %mul3A_1625 {add = true} : memref<256xf32, #tpu.memory_space<vmem>>[vector<16xi32>], vector<16xf32>,
          %slice3A_1626 = vector.extract_strided_slice %get3A_1182 {offsets = [15], sizes = [1], strides = [1]} : vector<16xf32> to vector<1xf32>
          %squeeze3A_1627 = vector.extract %slice3A_1626[0] : f32 from vector<1xf32>
          %mul3A_1628 = vector.broadcast %squeeze3A_1627 : f32 to vector<16xf32>
          %mul3A_1629 = arith.mulf %gather3A_1613, %mul3A_1628 : vector<16xf32>
          tpu.vector_store_idx %arg22[%add3A_613], %mul3A_1629 {add = true} : memref<256xf32, #tpu.memory_space<vmem>>[vector<16xi32>], vector<16xf32>,
          %gather3A_1630 = tpu.vector_load_idx %arg21[%add3A_36] : memref<128xf32, #tpu.memory_space<vmem>>[vector<16xi32>], vector<16xf32>,
          %slice3A_1631 = vector.extract_strided_slice %get3A_1185 {offsets = [0], sizes = [1], strides = [1]} : vector<16xf32> to vector<1xf32>
          %squeeze3A_1632 = vector.extract %slice3A_1631[0] : f32 from vector<1xf32>
          %mul3A_1633 = vector.broadcast %squeeze3A_1632 : f32 to vector<16xf32>
          %mul3A_1634 = arith.mulf %gather3A_1630, %mul3A_1633 : vector<16xf32>
          tpu.vector_store_idx %arg22[%add3A_583], %mul3A_1634 {add = true} : memref<256xf32, #tpu.memory_space<vmem>>[vector<16xi32>], vector<16xf32>,
          %slice3A_1635 = vector.extract_strided_slice %get3A_1185 {offsets = [1], sizes = [1], strides = [1]} : vector<16xf32> to vector<1xf32>
          %squeeze3A_1636 = vector.extract %slice3A_1635[0] : f32 from vector<1xf32>
          %mul3A_1637 = vector.broadcast %squeeze3A_1636 : f32 to vector<16xf32>
          %mul3A_1638 = arith.mulf %gather3A_1630, %mul3A_1637 : vector<16xf32>
          tpu.vector_store_idx %arg22[%add3A_593], %mul3A_1638 {add = true} : memref<256xf32, #tpu.memory_space<vmem>>[vector<16xi32>], vector<16xf32>,
          %slice3A_1639 = vector.extract_strided_slice %get3A_1185 {offsets = [2], sizes = [1], strides = [1]} : vector<16xf32> to vector<1xf32>
          %squeeze3A_1640 = vector.extract %slice3A_1639[0] : f32 from vector<1xf32>
          %mul3A_1641 = vector.broadcast %squeeze3A_1640 : f32 to vector<16xf32>
          %mul3A_1642 = arith.mulf %gather3A_1630, %mul3A_1641 : vector<16xf32>
          tpu.vector_store_idx %arg22[%add3A_603], %mul3A_1642 {add = true} : memref<256xf32, #tpu.memory_space<vmem>>[vector<16xi32>], vector<16xf32>,
          %slice3A_1643 = vector.extract_strided_slice %get3A_1185 {offsets = [3], sizes = [1], strides = [1]} : vector<16xf32> to vector<1xf32>
          %squeeze3A_1644 = vector.extract %slice3A_1643[0] : f32 from vector<1xf32>
          %mul3A_1645 = vector.broadcast %squeeze3A_1644 : f32 to vector<16xf32>
          %mul3A_1646 = arith.mulf %gather3A_1630, %mul3A_1645 : vector<16xf32>
          tpu.vector_store_idx %arg22[%add3A_613], %mul3A_1646 {add = true} : memref<256xf32, #tpu.memory_space<vmem>>[vector<16xi32>], vector<16xf32>,
          %gather3A_1647 = tpu.vector_load_idx %arg21[%add3A_42] : memref<128xf32, #tpu.memory_space<vmem>>[vector<16xi32>], vector<16xf32>,
          %slice3A_1648 = vector.extract_strided_slice %get3A_1185 {offsets = [4], sizes = [1], strides = [1]} : vector<16xf32> to vector<1xf32>
          %squeeze3A_1649 = vector.extract %slice3A_1648[0] : f32 from vector<1xf32>
          %mul3A_1650 = vector.broadcast %squeeze3A_1649 : f32 to vector<16xf32>
          %mul3A_1651 = arith.mulf %gather3A_1647, %mul3A_1650 : vector<16xf32>
          tpu.vector_store_idx %arg22[%add3A_583], %mul3A_1651 {add = true} : memref<256xf32, #tpu.memory_space<vmem>>[vector<16xi32>], vector<16xf32>,
          %slice3A_1652 = vector.extract_strided_slice %get3A_1185 {offsets = [5], sizes = [1], strides = [1]} : vector<16xf32> to vector<1xf32>
          %squeeze3A_1653 = vector.extract %slice3A_1652[0] : f32 from vector<1xf32>
          %mul3A_1654 = vector.broadcast %squeeze3A_1653 : f32 to vector<16xf32>
          %mul3A_1655 = arith.mulf %gather3A_1647, %mul3A_1654 : vector<16xf32>
          tpu.vector_store_idx %arg22[%add3A_593], %mul3A_1655 {add = true} : memref<256xf32, #tpu.memory_space<vmem>>[vector<16xi32>], vector<16xf32>,
          %slice3A_1656 = vector.extract_strided_slice %get3A_1185 {offsets = [6], sizes = [1], strides = [1]} : vector<16xf32> to vector<1xf32>
          %squeeze3A_1657 = vector.extract %slice3A_1656[0] : f32 from vector<1xf32>
          %mul3A_1658 = vector.broadcast %squeeze3A_1657 : f32 to vector<16xf32>
          %mul3A_1659 = arith.mulf %gather3A_1647, %mul3A_1658 : vector<16xf32>
          tpu.vector_store_idx %arg22[%add3A_603], %mul3A_1659 {add = true} : memref<256xf32, #tpu.memory_space<vmem>>[vector<16xi32>], vector<16xf32>,
          %slice3A_1660 = vector.extract_strided_slice %get3A_1185 {offsets = [7], sizes = [1], strides = [1]} : vector<16xf32> to vector<1xf32>
          %squeeze3A_1661 = vector.extract %slice3A_1660[0] : f32 from vector<1xf32>
          %mul3A_1662 = vector.broadcast %squeeze3A_1661 : f32 to vector<16xf32>
          %mul3A_1663 = arith.mulf %gather3A_1647, %mul3A_1662 : vector<16xf32>
          tpu.vector_store_idx %arg22[%add3A_613], %mul3A_1663 {add = true} : memref<256xf32, #tpu.memory_space<vmem>>[vector<16xi32>], vector<16xf32>,
          %gather3A_1664 = tpu.vector_load_idx %arg21[%add3A_48] : memref<128xf32, #tpu.memory_space<vmem>>[vector<16xi32>], vector<16xf32>,
          %slice3A_1665 = vector.extract_strided_slice %get3A_1185 {offsets = [8], sizes = [1], strides = [1]} : vector<16xf32> to vector<1xf32>
          %squeeze3A_1666 = vector.extract %slice3A_1665[0] : f32 from vector<1xf32>
          %mul3A_1667 = vector.broadcast %squeeze3A_1666 : f32 to vector<16xf32>
          %mul3A_1668 = arith.mulf %gather3A_1664, %mul3A_1667 : vector<16xf32>
          tpu.vector_store_idx %arg22[%add3A_583], %mul3A_1668 {add = true} : memref<256xf32, #tpu.memory_space<vmem>>[vector<16xi32>], vector<16xf32>,
          %slice3A_1669 = vector.extract_strided_slice %get3A_1185 {offsets = [9], sizes = [1], strides = [1]} : vector<16xf32> to vector<1xf32>
          %squeeze3A_1670 = vector.extract %slice3A_1669[0] : f32 from vector<1xf32>
          %mul3A_1671 = vector.broadcast %squeeze3A_1670 : f32 to vector<16xf32>
          %mul3A_1672 = arith.mulf %gather3A_1664, %mul3A_1671 : vector<16xf32>
          tpu.vector_store_idx %arg22[%add3A_593], %mul3A_1672 {add = true} : memref<256xf32, #tpu.memory_space<vmem>>[vector<16xi32>], vector<16xf32>,
          %slice3A_1673 = vector.extract_strided_slice %get3A_1185 {offsets = [10], sizes = [1], strides = [1]} : vector<16xf32> to vector<1xf32>
          %squeeze3A_1674 = vector.extract %slice3A_1673[0] : f32 from vector<1xf32>
          %mul3A_1675 = vector.broadcast %squeeze3A_1674 : f32 to vector<16xf32>
          %mul3A_1676 = arith.mulf %gather3A_1664, %mul3A_1675 : vector<16xf32>
          tpu.vector_store_idx %arg22[%add3A_603], %mul3A_1676 {add = true} : memref<256xf32, #tpu.memory_space<vmem>>[vector<16xi32>], vector<16xf32>,
          %slice3A_1677 = vector.extract_strided_slice %get3A_1185 {offsets = [11], sizes = [1], strides = [1]} : vector<16xf32> to vector<1xf32>
          %squeeze3A_1678 = vector.extract %slice3A_1677[0] : f32 from vector<1xf32>
          %mul3A_1679 = vector.broadcast %squeeze3A_1678 : f32 to vector<16xf32>
          %mul3A_1680 = arith.mulf %gather3A_1664, %mul3A_1679 : vector<16xf32>
          tpu.vector_store_idx %arg22[%add3A_613], %mul3A_1680 {add = true} : memref<256xf32, #tpu.memory_space<vmem>>[vector<16xi32>], vector<16xf32>,
          %gather3A_1681 = tpu.vector_load_idx %arg21[%add3A_54] : memref<128xf32, #tpu.memory_space<vmem>>[vector<16xi32>], vector<16xf32>,
          %slice3A_1682 = vector.extract_strided_slice %get3A_1185 {offsets = [12], sizes = [1], strides = [1]} : vector<16xf32> to vector<1xf32>
          %squeeze3A_1683 = vector.extract %slice3A_1682[0] : f32 from vector<1xf32>
          %mul3A_1684 = vector.broadcast %squeeze3A_1683 : f32 to vector<16xf32>
          %mul3A_1685 = arith.mulf %gather3A_1681, %mul3A_1684 : vector<16xf32>
          tpu.vector_store_idx %arg22[%add3A_583], %mul3A_1685 {add = true} : memref<256xf32, #tpu.memory_space<vmem>>[vector<16xi32>], vector<16xf32>,
          %slice3A_1686 = vector.extract_strided_slice %get3A_1185 {offsets = [13], sizes = [1], strides = [1]} : vector<16xf32> to vector<1xf32>
          %squeeze3A_1687 = vector.extract %slice3A_1686[0] : f32 from vector<1xf32>
          %mul3A_1688 = vector.broadcast %squeeze3A_1687 : f32 to vector<16xf32>
          %mul3A_1689 = arith.mulf %gather3A_1681, %mul3A_1688 : vector<16xf32>
          tpu.vector_store_idx %arg22[%add3A_593], %mul3A_1689 {add = true} : memref<256xf32, #tpu.memory_space<vmem>>[vector<16xi32>], vector<16xf32>,
          %slice3A_1690 = vector.extract_strided_slice %get3A_1185 {offsets = [14], sizes = [1], strides = [1]} : vector<16xf32> to vector<1xf32>
          %squeeze3A_1691 = vector.extract %slice3A_1690[0] : f32 from vector<1xf32>
          %mul3A_1692 = vector.broadcast %squeeze3A_1691 : f32 to vector<16xf32>
          %mul3A_1693 = arith.mulf %gather3A_1681, %mul3A_1692 : vector<16xf32>
          tpu.vector_store_idx %arg22[%add3A_603], %mul3A_1693 {add = true} : memref<256xf32, #tpu.memory_space<vmem>>[vector<16xi32>], vector<16xf32>,
          %slice3A_1694 = vector.extract_strided_slice %get3A_1185 {offsets = [15], sizes = [1], strides = [1]} : vector<16xf32> to vector<1xf32>
          %squeeze3A_1695 = vector.extract %slice3A_1694[0] : f32 from vector<1xf32>
          %mul3A_1696 = vector.broadcast %squeeze3A_1695 : f32 to vector<16xf32>
          %mul3A_1697 = arith.mulf %gather3A_1681, %mul3A_1696 : vector<16xf32>
          tpu.vector_store_idx %arg22[%add3A_613], %mul3A_1697 {add = true} : memref<256xf32, #tpu.memory_space<vmem>>[vector<16xi32>], vector<16xf32>,
        }
        %scan3A_644 = arith.constant 10 : i32
      }
      %scan3A_530 = arith.constant 4 : i32
      %dma_start3A_531 = tpu.memref_slice %arg6[%add3A_521] : memref<1703936xf32, #tpu.memory_space<hbm>> -> memref<256xf32, #tpu.memory_space<hbm>>
      %dma_start3A_532 = tpu.memref_slice %arg6[%add3A_521] : memref<1703936xf32, #tpu.memory_space<hbm>> -> memref<256xf32, #tpu.memory_space<hbm>>
      tpu.enqueue_dma source(%arg22 : memref<256xf32, #tpu.memory_space<vmem>>) target(%dma_start3A_532 : memref<256xf32, #tpu.memory_space<hbm>>) target_semaphore(%arg30 : memref<!tpu.dma_semaphore, #tpu.memory_space<semaphore_mem>>)
      %lt3A = arith.constant 103 : i32
      %lt3A_533 = arith.cmpi slt, %scan3A_505, %lt3A : i32
      %convert_element_type3A_534 = arith.extui %lt3A_533 : i1 to i32
      %cond3A_535 = arith.constant 0 : i32
      %cond3A_536 = arith.cmpi ne, %convert_element_type3A_534, %cond3A_535 : i32
      scf.if %cond3A_536 {
        %mul3A_573 = arith.constant 2 : i32
        %mul3A_574 = arith.muli %mul3A_573, %scan3A_505 : i32
        %add3A_575 = arith.constant 2 : i32
        %add3A_576 = arith.addi %mul3A_574, %add3A_575 : i32
        %mul3A_577 = arith.constant 80 : i32
        %mul3A_578 = arith.muli %add3A_576, %mul3A_577 : i32
        %add3A_579 = arith.addi %mul3A_2, %mul3A_578 : i32
        %jit3A_580 = arith.constant 20480 : i32
        %div3A_581 = arith.divsi %add3A_579, %jit3A_580 : i32
        %sign3A_582 = arith.constant 0 : i32
        %sign3A_583 = arith.cmpi sgt, %add3A_579, %sign3A_582 : i32
        %sign3A_584 = arith.extui %sign3A_583 : i1 to i32
        %sign3A_585 = arith.constant 0 : i32
        %sign3A_586 = arith.cmpi slt, %add3A_579, %sign3A_585 : i32
        %sign3A_587 = arith.extui %sign3A_586 : i1 to i32
        %sign3A_588 = arith.subi %sign3A_584, %sign3A_587 : i32
        %sign3A_589 = arith.constant 0 : i32
        %sign3A_590 = arith.cmpi sgt, %jit3A_580, %sign3A_589 : i32
        %sign3A_591 = arith.extui %sign3A_590 : i1 to i32
        %sign3A_592 = arith.constant 0 : i32
        %sign3A_593 = arith.cmpi slt, %jit3A_580, %sign3A_592 : i32
        %sign3A_594 = arith.extui %sign3A_593 : i1 to i32
        %sign3A_595 = arith.subi %sign3A_591, %sign3A_594 : i32
        %ne3A_596 = arith.cmpi ne, %sign3A_588, %sign3A_595 : i32
        %rem3A_597 = arith.remsi %add3A_579, %jit3A_580 : i32
        %ne3A_598 = arith.constant 0 : i32
        %ne3A_599 = arith.cmpi ne, %rem3A_597, %ne3A_598 : i32
        %and3A_600 = arith.andi %ne3A_596, %ne3A_599 : i1
        %sub3A_601 = arith.constant 1 : i32
        %sub3A_602 = arith.subi %div3A_581, %sub3A_601 : i32
        %select_n3A_603 = arith.select %and3A_600, %sub3A_602, %div3A_581 : i32
        %mul3A_604 = arith.constant 100 : i32
        %mul3A_605 = arith.muli %select_n3A_603, %mul3A_604 : i32
        %mul3A_606 = arith.constant 80 : i32
        %mul3A_607 = arith.muli %add3A_576, %mul3A_606 : i32
        %add3A_608 = arith.constant 0 : i32
        %add3A_609 = arith.addi %mul3A_607, %add3A_608 : i32
        %get3A_610 = arith.index_cast %add3A_609 : i32 to index
        %get3A_611 = tpu.vector_load %arg7[%get3A_610] {strides = array<i32>} : memref<16640xi32, #tpu.memory_space<vmem>>, vector<16xi32>,
        %convert_element_type3A_612 = arith.sitofp %get3A_611 : vector<16xi32> to vector<16xf32>
        %mul3A_613 = arith.constant 0.00999999977 : f32
        %mul3A_614 = vector.broadcast %mul3A_613 : f32 to vector<16xf32>
        %mul3A_615 = arith.mulf %convert_element_type3A_612, %mul3A_614 : vector<16xf32>
        %add3A_616 = arith.constant 5.000000e-03 : f32
        %add3A_617 = vector.broadcast %add3A_616 : f32 to vector<16xf32>
        %add3A_618 = arith.addf %mul3A_615, %add3A_617 : vector<16xf32>
        %convert_element_type3A_619 = arith.fptosi %add3A_618 : vector<16xf32> to vector<16xi32>
        %convert_element_type3A_620 = arith.sitofp %convert_element_type3A_619 : vector<16xi32> to vector<16xf32>
        %mul3A_621 = arith.constant 0.00999999977 : f32
        %mul3A_622 = vector.broadcast %mul3A_621 : f32 to vector<16xf32>
        %mul3A_623 = arith.mulf %convert_element_type3A_620, %mul3A_622 : vector<16xf32>
        %add3A_624 = arith.constant 5.000000e-03 : f32
        %add3A_625 = vector.broadcast %add3A_624 : f32 to vector<16xf32>
        %add3A_626 = arith.addf %mul3A_623, %add3A_625 : vector<16xf32>
        %convert_element_type3A_627 = arith.fptosi %add3A_626 : vector<16xf32> to vector<16xi32>
        %add3A_628 = vector.broadcast %mul3A_605 : i32 to vector<16xi32>
        %add3A_629 = arith.addi %add3A_628, %convert_element_type3A_627 : vector<16xi32>
        %swap3A_630 = arith.constant 0 : index
        %swap3A_631 = tpu.vector_load %arg8[%swap3A_630] {strides = array<i32>} : memref<80xi32, #tpu.memory_space<vmem>>, vector<16xi32>,
        tpu.vector_store %arg8[%swap3A_630], %add3A_629 {strides = array<i32>} : memref<80xi32, #tpu.memory_space<vmem>>, vector<16xi32>,
        %mul3A_632 = arith.constant 100 : i32
        %mul3A_633 = vector.broadcast %mul3A_632 : i32 to vector<16xi32>
        %mul3A_634 = arith.muli %convert_element_type3A_627, %mul3A_633 : vector<16xi32>
        %sub3A_635 = arith.subi %convert_element_type3A_619, %mul3A_634 : vector<16xi32>
        %add3A_636 = vector.broadcast %mul3A_605 : i32 to vector<16xi32>
        %add3A_637 = arith.addi %add3A_636, %sub3A_635 : vector<16xi32>
        %swap3A_638 = arith.constant 0 : index
        %swap3A_639 = tpu.vector_load %arg9[%swap3A_638] {strides = array<i32>} : memref<80xi32, #tpu.memory_space<vmem>>, vector<16xi32>,
        tpu.vector_store %arg9[%swap3A_638], %add3A_637 {strides = array<i32>} : memref<80xi32, #tpu.memory_space<vmem>>, vector<16xi32>,
        %mul3A_640 = arith.constant 100 : i32
        %mul3A_641 = vector.broadcast %mul3A_640 : i32 to vector<16xi32>
        %mul3A_642 = arith.muli %convert_element_type3A_619, %mul3A_641 : vector<16xi32>
        %sub3A_643 = arith.subi %get3A_611, %mul3A_642 : vector<16xi32>
        %add3A_644 = vector.broadcast %mul3A_605 : i32 to vector<16xi32>
        %add3A_645 = arith.addi %add3A_644, %sub3A_643 : vector<16xi32>
        %swap3A_646 = arith.constant 0 : index
        %swap3A_647 = tpu.vector_load %arg10[%swap3A_646] {strides = array<i32>} : memref<80xi32, #tpu.memory_space<vmem>>, vector<16xi32>,
        tpu.vector_store %arg10[%swap3A_646], %add3A_645 {strides = array<i32>} : memref<80xi32, #tpu.memory_space<vmem>>, vector<16xi32>,
        %mul3A_648 = arith.constant 80 : i32
        %mul3A_649 = arith.muli %add3A_576, %mul3A_648 : i32
        %add3A_650 = arith.constant 16 : i32
        %add3A_651 = arith.addi %mul3A_649, %add3A_650 : i32
        %get3A_652 = arith.index_cast %add3A_651 : i32 to index
        %get3A_653 = tpu.vector_load %arg7[%get3A_652] {strides = array<i32>} : memref<16640xi32, #tpu.memory_space<vmem>>, vector<16xi32>,
        %convert_element_type3A_654 = arith.sitofp %get3A_653 : vector<16xi32> to vector<16xf32>
        %mul3A_655 = arith.constant 0.00999999977 : f32
        %mul3A_656 = vector.broadcast %mul3A_655 : f32 to vector<16xf32>
        %mul3A_657 = arith.mulf %convert_element_type3A_654, %mul3A_656 : vector<16xf32>
        %add3A_658 = arith.constant 5.000000e-03 : f32
        %add3A_659 = vector.broadcast %add3A_658 : f32 to vector<16xf32>
        %add3A_660 = arith.addf %mul3A_657, %add3A_659 : vector<16xf32>
        %convert_element_type3A_661 = arith.fptosi %add3A_660 : vector<16xf32> to vector<16xi32>
        %convert_element_type3A_662 = arith.sitofp %convert_element_type3A_661 : vector<16xi32> to vector<16xf32>
        %mul3A_663 = arith.constant 0.00999999977 : f32
        %mul3A_664 = vector.broadcast %mul3A_663 : f32 to vector<16xf32>
        %mul3A_665 = arith.mulf %convert_element_type3A_662, %mul3A_664 : vector<16xf32>
        %add3A_666 = arith.constant 5.000000e-03 : f32
        %add3A_667 = vector.broadcast %add3A_666 : f32 to vector<16xf32>
        %add3A_668 = arith.addf %mul3A_665, %add3A_667 : vector<16xf32>
        %convert_element_type3A_669 = arith.fptosi %add3A_668 : vector<16xf32> to vector<16xi32>
        %add3A_670 = vector.broadcast %mul3A_605 : i32 to vector<16xi32>
        %add3A_671 = arith.addi %add3A_670, %convert_element_type3A_669 : vector<16xi32>
        %swap3A_672 = arith.constant 16 : index
        %swap3A_673 = tpu.vector_load %arg8[%swap3A_672] {strides = array<i32>} : memref<80xi32, #tpu.memory_space<vmem>>, vector<16xi32>,
        tpu.vector_store %arg8[%swap3A_672], %add3A_671 {strides = array<i32>} : memref<80xi32, #tpu.memory_space<vmem>>, vector<16xi32>,
        %mul3A_674 = arith.constant 100 : i32
        %mul3A_675 = vector.broadcast %mul3A_674 : i32 to vector<16xi32>
        %mul3A_676 = arith.muli %convert_element_type3A_669, %mul3A_675 : vector<16xi32>
        %sub3A_677 = arith.subi %convert_element_type3A_661, %mul3A_676 : vector<16xi32>
        %add3A_678 = vector.broadcast %mul3A_605 : i32 to vector<16xi32>
        %add3A_679 = arith.addi %add3A_678, %sub3A_677 : vector<16xi32>
        %swap3A_680 = arith.constant 16 : index
        %swap3A_681 = tpu.vector_load %arg9[%swap3A_680] {strides = array<i32>} : memref<80xi32, #tpu.memory_space<vmem>>, vector<16xi32>,
        tpu.vector_store %arg9[%swap3A_680], %add3A_679 {strides = array<i32>} : memref<80xi32, #tpu.memory_space<vmem>>, vector<16xi32>,
        %mul3A_682 = arith.constant 100 : i32
        %mul3A_683 = vector.broadcast %mul3A_682 : i32 to vector<16xi32>
        %mul3A_684 = arith.muli %convert_element_type3A_661, %mul3A_683 : vector<16xi32>
        %sub3A_685 = arith.subi %get3A_653, %mul3A_684 : vector<16xi32>
        %add3A_686 = vector.broadcast %mul3A_605 : i32 to vector<16xi32>
        %add3A_687 = arith.addi %add3A_686, %sub3A_685 : vector<16xi32>
        %swap3A_688 = arith.constant 16 : index
        %swap3A_689 = tpu.vector_load %arg10[%swap3A_688] {strides = array<i32>} : memref<80xi32, #tpu.memory_space<vmem>>, vector<16xi32>,
        tpu.vector_store %arg10[%swap3A_688], %add3A_687 {strides = array<i32>} : memref<80xi32, #tpu.memory_space<vmem>>, vector<16xi32>,
        %mul3A_690 = arith.constant 80 : i32
        %mul3A_691 = arith.muli %add3A_576, %mul3A_690 : i32
        %add3A_692 = arith.constant 32 : i32
        %add3A_693 = arith.addi %mul3A_691, %add3A_692 : i32
        %get3A_694 = arith.index_cast %add3A_693 : i32 to index
        %get3A_695 = tpu.vector_load %arg7[%get3A_694] {strides = array<i32>} : memref<16640xi32, #tpu.memory_space<vmem>>, vector<16xi32>,
        %convert_element_type3A_696 = arith.sitofp %get3A_695 : vector<16xi32> to vector<16xf32>
        %mul3A_697 = arith.constant 0.00999999977 : f32
        %mul3A_698 = vector.broadcast %mul3A_697 : f32 to vector<16xf32>
        %mul3A_699 = arith.mulf %convert_element_type3A_696, %mul3A_698 : vector<16xf32>
        %add3A_700 = arith.constant 5.000000e-03 : f32
        %add3A_701 = vector.broadcast %add3A_700 : f32 to vector<16xf32>
        %add3A_702 = arith.addf %mul3A_699, %add3A_701 : vector<16xf32>
        %convert_element_type3A_703 = arith.fptosi %add3A_702 : vector<16xf32> to vector<16xi32>
        %convert_element_type3A_704 = arith.sitofp %convert_element_type3A_703 : vector<16xi32> to vector<16xf32>
        %mul3A_705 = arith.constant 0.00999999977 : f32
        %mul3A_706 = vector.broadcast %mul3A_705 : f32 to vector<16xf32>
        %mul3A_707 = arith.mulf %convert_element_type3A_704, %mul3A_706 : vector<16xf32>
        %add3A_708 = arith.constant 5.000000e-03 : f32
        %add3A_709 = vector.broadcast %add3A_708 : f32 to vector<16xf32>
        %add3A_710 = arith.addf %mul3A_707, %add3A_709 : vector<16xf32>
        %convert_element_type3A_711 = arith.fptosi %add3A_710 : vector<16xf32> to vector<16xi32>
        %add3A_712 = vector.broadcast %mul3A_605 : i32 to vector<16xi32>
        %add3A_713 = arith.addi %add3A_712, %convert_element_type3A_711 : vector<16xi32>
        %swap3A_714 = arith.constant 32 : index
        %swap3A_715 = tpu.vector_load %arg8[%swap3A_714] {strides = array<i32>} : memref<80xi32, #tpu.memory_space<vmem>>, vector<16xi32>,
        tpu.vector_store %arg8[%swap3A_714], %add3A_713 {strides = array<i32>} : memref<80xi32, #tpu.memory_space<vmem>>, vector<16xi32>,
        %mul3A_716 = arith.constant 100 : i32
        %mul3A_717 = vector.broadcast %mul3A_716 : i32 to vector<16xi32>
        %mul3A_718 = arith.muli %convert_element_type3A_711, %mul3A_717 : vector<16xi32>
        %sub3A_719 = arith.subi %convert_element_type3A_703, %mul3A_718 : vector<16xi32>
        %add3A_720 = vector.broadcast %mul3A_605 : i32 to vector<16xi32>
        %add3A_721 = arith.addi %add3A_720, %sub3A_719 : vector<16xi32>
        %swap3A_722 = arith.constant 32 : index
        %swap3A_723 = tpu.vector_load %arg9[%swap3A_722] {strides = array<i32>} : memref<80xi32, #tpu.memory_space<vmem>>, vector<16xi32>,
        tpu.vector_store %arg9[%swap3A_722], %add3A_721 {strides = array<i32>} : memref<80xi32, #tpu.memory_space<vmem>>, vector<16xi32>,
        %mul3A_724 = arith.constant 100 : i32
        %mul3A_725 = vector.broadcast %mul3A_724 : i32 to vector<16xi32>
        %mul3A_726 = arith.muli %convert_element_type3A_703, %mul3A_725 : vector<16xi32>
        %sub3A_727 = arith.subi %get3A_695, %mul3A_726 : vector<16xi32>
        %add3A_728 = vector.broadcast %mul3A_605 : i32 to vector<16xi32>
        %add3A_729 = arith.addi %add3A_728, %sub3A_727 : vector<16xi32>
        %swap3A_730 = arith.constant 32 : index
        %swap3A_731 = tpu.vector_load %arg10[%swap3A_730] {strides = array<i32>} : memref<80xi32, #tpu.memory_space<vmem>>, vector<16xi32>,
        tpu.vector_store %arg10[%swap3A_730], %add3A_729 {strides = array<i32>} : memref<80xi32, #tpu.memory_space<vmem>>, vector<16xi32>,
        %mul3A_732 = arith.constant 80 : i32
        %mul3A_733 = arith.muli %add3A_576, %mul3A_732 : i32
        %add3A_734 = arith.constant 48 : i32
        %add3A_735 = arith.addi %mul3A_733, %add3A_734 : i32
        %get3A_736 = arith.index_cast %add3A_735 : i32 to index
        %get3A_737 = tpu.vector_load %arg7[%get3A_736] {strides = array<i32>} : memref<16640xi32, #tpu.memory_space<vmem>>, vector<16xi32>,
        %convert_element_type3A_738 = arith.sitofp %get3A_737 : vector<16xi32> to vector<16xf32>
        %mul3A_739 = arith.constant 0.00999999977 : f32
        %mul3A_740 = vector.broadcast %mul3A_739 : f32 to vector<16xf32>
        %mul3A_741 = arith.mulf %convert_element_type3A_738, %mul3A_740 : vector<16xf32>
        %add3A_742 = arith.constant 5.000000e-03 : f32
        %add3A_743 = vector.broadcast %add3A_742 : f32 to vector<16xf32>
        %add3A_744 = arith.addf %mul3A_741, %add3A_743 : vector<16xf32>
        %convert_element_type3A_745 = arith.fptosi %add3A_744 : vector<16xf32> to vector<16xi32>
        %convert_element_type3A_746 = arith.sitofp %convert_element_type3A_745 : vector<16xi32> to vector<16xf32>
        %mul3A_747 = arith.constant 0.00999999977 : f32
        %mul3A_748 = vector.broadcast %mul3A_747 : f32 to vector<16xf32>
        %mul3A_749 = arith.mulf %convert_element_type3A_746, %mul3A_748 : vector<16xf32>
        %add3A_750 = arith.constant 5.000000e-03 : f32
        %add3A_751 = vector.broadcast %add3A_750 : f32 to vector<16xf32>
        %add3A_752 = arith.addf %mul3A_749, %add3A_751 : vector<16xf32>
        %convert_element_type3A_753 = arith.fptosi %add3A_752 : vector<16xf32> to vector<16xi32>
        %add3A_754 = vector.broadcast %mul3A_605 : i32 to vector<16xi32>
        %add3A_755 = arith.addi %add3A_754, %convert_element_type3A_753 : vector<16xi32>
        %swap3A_756 = arith.constant 48 : index
        %swap3A_757 = tpu.vector_load %arg8[%swap3A_756] {strides = array<i32>} : memref<80xi32, #tpu.memory_space<vmem>>, vector<16xi32>,
        tpu.vector_store %arg8[%swap3A_756], %add3A_755 {strides = array<i32>} : memref<80xi32, #tpu.memory_space<vmem>>, vector<16xi32>,
        %mul3A_758 = arith.constant 100 : i32
        %mul3A_759 = vector.broadcast %mul3A_758 : i32 to vector<16xi32>
        %mul3A_760 = arith.muli %convert_element_type3A_753, %mul3A_759 : vector<16xi32>
        %sub3A_761 = arith.subi %convert_element_type3A_745, %mul3A_760 : vector<16xi32>
        %add3A_762 = vector.broadcast %mul3A_605 : i32 to vector<16xi32>
        %add3A_763 = arith.addi %add3A_762, %sub3A_761 : vector<16xi32>
        %swap3A_764 = arith.constant 48 : index
        %swap3A_765 = tpu.vector_load %arg9[%swap3A_764] {strides = array<i32>} : memref<80xi32, #tpu.memory_space<vmem>>, vector<16xi32>,
        tpu.vector_store %arg9[%swap3A_764], %add3A_763 {strides = array<i32>} : memref<80xi32, #tpu.memory_space<vmem>>, vector<16xi32>,
        %mul3A_766 = arith.constant 100 : i32
        %mul3A_767 = vector.broadcast %mul3A_766 : i32 to vector<16xi32>
        %mul3A_768 = arith.muli %convert_element_type3A_745, %mul3A_767 : vector<16xi32>
        %sub3A_769 = arith.subi %get3A_737, %mul3A_768 : vector<16xi32>
        %add3A_770 = vector.broadcast %mul3A_605 : i32 to vector<16xi32>
        %add3A_771 = arith.addi %add3A_770, %sub3A_769 : vector<16xi32>
        %swap3A_772 = arith.constant 48 : index
        %swap3A_773 = tpu.vector_load %arg10[%swap3A_772] {strides = array<i32>} : memref<80xi32, #tpu.memory_space<vmem>>, vector<16xi32>,
        tpu.vector_store %arg10[%swap3A_772], %add3A_771 {strides = array<i32>} : memref<80xi32, #tpu.memory_space<vmem>>, vector<16xi32>,
        %mul3A_774 = arith.constant 80 : i32
        %mul3A_775 = arith.muli %add3A_576, %mul3A_774 : i32
        %add3A_776 = arith.constant 64 : i32
        %add3A_777 = arith.addi %mul3A_775, %add3A_776 : i32
        %get3A_778 = arith.index_cast %add3A_777 : i32 to index
        %get3A_779 = tpu.vector_load %arg7[%get3A_778] {strides = array<i32>} : memref<16640xi32, #tpu.memory_space<vmem>>, vector<16xi32>,
        %convert_element_type3A_780 = arith.sitofp %get3A_779 : vector<16xi32> to vector<16xf32>
        %mul3A_781 = arith.constant 0.00999999977 : f32
        %mul3A_782 = vector.broadcast %mul3A_781 : f32 to vector<16xf32>
        %mul3A_783 = arith.mulf %convert_element_type3A_780, %mul3A_782 : vector<16xf32>
        %add3A_784 = arith.constant 5.000000e-03 : f32
        %add3A_785 = vector.broadcast %add3A_784 : f32 to vector<16xf32>
        %add3A_786 = arith.addf %mul3A_783, %add3A_785 : vector<16xf32>
        %convert_element_type3A_787 = arith.fptosi %add3A_786 : vector<16xf32> to vector<16xi32>
        %convert_element_type3A_788 = arith.sitofp %convert_element_type3A_787 : vector<16xi32> to vector<16xf32>
        %mul3A_789 = arith.constant 0.00999999977 : f32
        %mul3A_790 = vector.broadcast %mul3A_789 : f32 to vector<16xf32>
        %mul3A_791 = arith.mulf %convert_element_type3A_788, %mul3A_790 : vector<16xf32>
        %add3A_792 = arith.constant 5.000000e-03 : f32
        %add3A_793 = vector.broadcast %add3A_792 : f32 to vector<16xf32>
        %add3A_794 = arith.addf %mul3A_791, %add3A_793 : vector<16xf32>
        %convert_element_type3A_795 = arith.fptosi %add3A_794 : vector<16xf32> to vector<16xi32>
        %add3A_796 = vector.broadcast %mul3A_605 : i32 to vector<16xi32>
        %add3A_797 = arith.addi %add3A_796, %convert_element_type3A_795 : vector<16xi32>
        %swap3A_798 = arith.constant 64 : index
        %swap3A_799 = tpu.vector_load %arg8[%swap3A_798] {strides = array<i32>} : memref<80xi32, #tpu.memory_space<vmem>>, vector<16xi32>,
        tpu.vector_store %arg8[%swap3A_798], %add3A_797 {strides = array<i32>} : memref<80xi32, #tpu.memory_space<vmem>>, vector<16xi32>,
        %mul3A_800 = arith.constant 100 : i32
        %mul3A_801 = vector.broadcast %mul3A_800 : i32 to vector<16xi32>
        %mul3A_802 = arith.muli %convert_element_type3A_795, %mul3A_801 : vector<16xi32>
        %sub3A_803 = arith.subi %convert_element_type3A_787, %mul3A_802 : vector<16xi32>
        %add3A_804 = vector.broadcast %mul3A_605 : i32 to vector<16xi32>
        %add3A_805 = arith.addi %add3A_804, %sub3A_803 : vector<16xi32>
        %swap3A_806 = arith.constant 64 : index
        %swap3A_807 = tpu.vector_load %arg9[%swap3A_806] {strides = array<i32>} : memref<80xi32, #tpu.memory_space<vmem>>, vector<16xi32>,
        tpu.vector_store %arg9[%swap3A_806], %add3A_805 {strides = array<i32>} : memref<80xi32, #tpu.memory_space<vmem>>, vector<16xi32>,
        %mul3A_808 = arith.constant 100 : i32
        %mul3A_809 = vector.broadcast %mul3A_808 : i32 to vector<16xi32>
        %mul3A_810 = arith.muli %convert_element_type3A_787, %mul3A_809 : vector<16xi32>
        %sub3A_811 = arith.subi %get3A_779, %mul3A_810 : vector<16xi32>
        %add3A_812 = vector.broadcast %mul3A_605 : i32 to vector<16xi32>
        %add3A_813 = arith.addi %add3A_812, %sub3A_811 : vector<16xi32>
        %swap3A_814 = arith.constant 64 : index
        %swap3A_815 = tpu.vector_load %arg10[%swap3A_814] {strides = array<i32>} : memref<80xi32, #tpu.memory_space<vmem>>, vector<16xi32>,
        tpu.vector_store %arg10[%swap3A_814], %add3A_813 {strides = array<i32>} : memref<80xi32, #tpu.memory_space<vmem>>, vector<16xi32>,
        %dma_start3A_816 = arith.constant 0 : i32
        %dma_start3A_817 = arith.constant 0 : i32
        %dma_start3A_818 = tpu.memref_slice %arg3[%dma_start3A_816, %dma_start3A_817] : memref<2600x32xf32, #tpu.memory_space<hbm>> -> memref<2600x32xf32, #tpu.memory_space<hbm>>
        tpu.enqueue_indirect_dma source(%dma_start3A_818 : memref<2600x32xf32, #tpu.memory_space<hbm>>) target(%arg14 : memref<80x32xf32, #tpu.memory_space<vmem>>) offsets(%arg8 : memref<80xi32, #tpu.memory_space<vmem>>) semaphore(%arg24 : memref<!tpu.dma_semaphore, #tpu.memory_space<semaphore_mem>>)
        %dma_start3A_819 = arith.constant 0 : i32
        %dma_start3A_820 = arith.constant 0 : i32
        %dma_start3A_821 = tpu.memref_slice %arg4[%dma_start3A_819, %dma_start3A_820] : memref<2600x256xf32, #tpu.memory_space<hbm>> -> memref<2600x256xf32, #tpu.memory_space<hbm>>
        tpu.enqueue_indirect_dma source(%dma_start3A_821 : memref<2600x256xf32, #tpu.memory_space<hbm>>) target(%arg16 : memref<80x256xf32, #tpu.memory_space<vmem>>) offsets(%arg9 : memref<80xi32, #tpu.memory_space<vmem>>) semaphore(%arg25 : memref<!tpu.dma_semaphore, #tpu.memory_space<semaphore_mem>>)
        %dma_start3A_822 = arith.constant 0 : i32
        %dma_start3A_823 = arith.constant 0 : i32
        %dma_start3A_824 = tpu.memref_slice %arg5[%dma_start3A_822, %dma_start3A_823] : memref<2600x32xf32, #tpu.memory_space<hbm>> -> memref<2600x32xf32, #tpu.memory_space<hbm>>
        tpu.enqueue_indirect_dma source(%dma_start3A_824 : memref<2600x32xf32, #tpu.memory_space<hbm>>) target(%arg18 : memref<80x32xf32, #tpu.memory_space<vmem>>) offsets(%arg10 : memref<80xi32, #tpu.memory_space<vmem>>) semaphore(%arg26 : memref<!tpu.dma_semaphore, #tpu.memory_space<semaphore_mem>>)
      } else {
      }
      %mul3A_537 = arith.constant 2 : i32
      %mul3A_538 = arith.muli %mul3A_537, %scan3A_505 : i32
      %add3A_539 = arith.constant 1 : i32
      %add3A_540 = arith.addi %mul3A_538, %add3A_539 : i32
      %dma_wait3A_541 = arith.constant 0 : i32
      %dma_wait3A_542 = arith.constant 0 : i32
      %dma_wait3A_543 = tpu.memref_slice %arg3[%dma_wait3A_541, %dma_wait3A_542] : memref<2600x32xf32, #tpu.memory_space<hbm>> -> memref<2600x32xf32, #tpu.memory_space<hbm>>
      tpu.wait_indirect_dma semaphore(%arg27 : memref<!tpu.dma_semaphore, #tpu.memory_space<semaphore_mem>>) src(%dma_wait3A_543 : memref<2600x32xf32, #tpu.memory_space<hbm>>) dst(%arg15 : memref<80x32xf32, #tpu.memory_space<vmem>>)
      %dma_wait3A_544 = arith.constant 0 : i32
      %dma_wait3A_545 = arith.constant 0 : i32
      %dma_wait3A_546 = tpu.memref_slice %arg4[%dma_wait3A_544, %dma_wait3A_545] : memref<2600x256xf32, #tpu.memory_space<hbm>> -> memref<2600x256xf32, #tpu.memory_space<hbm>>
      tpu.wait_indirect_dma semaphore(%arg28 : memref<!tpu.dma_semaphore, #tpu.memory_space<semaphore_mem>>) src(%dma_wait3A_546 : memref<2600x256xf32, #tpu.memory_space<hbm>>) dst(%arg17 : memref<80x256xf32, #tpu.memory_space<vmem>>)
      %dma_wait3A_547 = arith.constant 0 : i32
      %dma_wait3A_548 = arith.constant 0 : i32
      %dma_wait3A_549 = tpu.memref_slice %arg5[%dma_wait3A_547, %dma_wait3A_548] : memref<2600x32xf32, #tpu.memory_space<hbm>> -> memref<2600x32xf32, #tpu.memory_space<hbm>>
      tpu.wait_indirect_dma semaphore(%arg29 : memref<!tpu.dma_semaphore, #tpu.memory_space<semaphore_mem>>) src(%dma_wait3A_549 : memref<2600x32xf32, #tpu.memory_space<hbm>>) dst(%arg19 : memref<80x32xf32, #tpu.memory_space<vmem>>)
      %mul3A_550 = arith.constant 4 : i32
      %mul3A_551 = arith.muli %add3A_540, %mul3A_550 : i32
      %mul3A_552 = arith.constant 64 : i32
      %mul3A_553 = arith.muli %mul3A_551, %mul3A_552 : i32
      %add3A_554 = arith.addi %mul3A_6, %mul3A_553 : i32
      %gt3A_555 = arith.constant 0 : i32
      %gt3A_556 = arith.cmpi sgt, %scan3A_505, %gt3A_555 : i32
      %convert_element_type3A_557 = arith.extui %gt3A_556 : i1 to i32
      %cond3A_558 = arith.constant 0 : i32
      %cond3A_559 = arith.cmpi ne, %convert_element_type3A_557, %cond3A_558 : i32
      scf.if %cond3A_559 {
        %dma_wait3A_573 = tpu.memref_slice %arg6[%add3A_554] : memref<1703936xf32, #tpu.memory_space<hbm>> -> memref<256xf32, #tpu.memory_space<hbm>>
        %dma_wait3A_574 = tpu.memref_slice %arg6[%add3A_554] : memref<1703936xf32, #tpu.memory_space<hbm>> -> memref<256xf32, #tpu.memory_space<hbm>>
        tpu.wait_dma2 semaphore(%arg31 : memref<!tpu.dma_semaphore, #tpu.memory_space<semaphore_mem>>) src(%arg23 : memref<256xf32, #tpu.memory_space<vmem>>) dst(%dma_wait3A_574 : memref<256xf32, #tpu.memory_space<hbm>>)
      } else {
      }
      %scan3A_560 = arith.constant 0 : i32
      %scan3A_561 = arith.constant 0 : i32
      %scan3A_562 = arith.constant 4 : i32
      %scan3A_563 = arith.addi %scan3A_561, %scan3A_562 : i32
      %scan3A_564 = arith.constant 1 : i32
      scf.for %scan3A_573 = %scan3A_561 to %scan3A_563 step %scan3A_564  : i32 {
        %mul3A_574 = arith.constant 64 : i32
        %mul3A_575 = arith.muli %scan3A_573, %mul3A_574 : i32
        %mul3A_576 = arith.constant 4 : i32
        %mul3A_577 = vector.broadcast %mul3A_576 : i32 to vector<16xi32>
        %mul3A_578 = arith.muli %iota3A, %mul3A_577 : vector<16xi32>
        %add3A_579 = vector.broadcast %mul3A_575 : i32 to vector<16xi32>
        %add3A_580 = arith.addi %add3A_579, %mul3A_578 : vector<16xi32>
        %add3A_581 = arith.constant 0 : i32
        %add3A_582 = vector.broadcast %add3A_581 : i32 to vector<16xi32>
        %add3A_583 = arith.addi %add3A_580, %add3A_582 : vector<16xi32>
        %mul3A_584 = arith.constant 64 : i32
        %mul3A_585 = arith.muli %scan3A_573, %mul3A_584 : i32
        %mul3A_586 = arith.constant 4 : i32
        %mul3A_587 = vector.broadcast %mul3A_586 : i32 to vector<16xi32>
        %mul3A_588 = arith.muli %iota3A, %mul3A_587 : vector<16xi32>
        %add3A_589 = vector.broadcast %mul3A_585 : i32 to vector<16xi32>
        %add3A_590 = arith.addi %add3A_589, %mul3A_588 : vector<16xi32>
        %add3A_591 = arith.constant 1 : i32
        %add3A_592 = vector.broadcast %add3A_591 : i32 to vector<16xi32>
        %add3A_593 = arith.addi %add3A_590, %add3A_592 : vector<16xi32>
        %mul3A_594 = arith.constant 64 : i32
        %mul3A_595 = arith.muli %scan3A_573, %mul3A_594 : i32
        %mul3A_596 = arith.constant 4 : i32
        %mul3A_597 = vector.broadcast %mul3A_596 : i32 to vector<16xi32>
        %mul3A_598 = arith.muli %iota3A, %mul3A_597 : vector<16xi32>
        %add3A_599 = vector.broadcast %mul3A_595 : i32 to vector<16xi32>
        %add3A_600 = arith.addi %add3A_599, %mul3A_598 : vector<16xi32>
        %add3A_601 = arith.constant 2 : i32
        %add3A_602 = vector.broadcast %add3A_601 : i32 to vector<16xi32>
        %add3A_603 = arith.addi %add3A_600, %add3A_602 : vector<16xi32>
        %mul3A_604 = arith.constant 64 : i32
        %mul3A_605 = arith.muli %scan3A_573, %mul3A_604 : i32
        %mul3A_606 = arith.constant 4 : i32
        %mul3A_607 = vector.broadcast %mul3A_606 : i32 to vector<16xi32>
        %mul3A_608 = arith.muli %iota3A, %mul3A_607 : vector<16xi32>
        %add3A_609 = vector.broadcast %mul3A_605 : i32 to vector<16xi32>
        %add3A_610 = arith.addi %add3A_609, %mul3A_608 : vector<16xi32>
        %add3A_611 = arith.constant 3 : i32
        %add3A_612 = vector.broadcast %add3A_611 : i32 to vector<16xi32>
        %add3A_613 = arith.addi %add3A_610, %add3A_612 : vector<16xi32>
        %broadcast_in_dim3A = arith.constant 0.000000e+00 : f32
        %broadcast_in_dim3A_614 = vector.broadcast %broadcast_in_dim3A : f32 to vector<16xf32>
        %mul3A_615 = arith.constant 64 : i32
        %mul3A_616 = arith.muli %scan3A_573, %mul3A_615 : i32
        %add3A_617 = arith.constant 0 : i32
        %add3A_618 = arith.addi %mul3A_616, %add3A_617 : i32
        %swap3A_619 = arith.index_cast %add3A_618 : i32 to index
        %swap3A_620 = tpu.vector_load %arg23[%swap3A_619] {strides = array<i32>} : memref<256xf32, #tpu.memory_space<vmem>>, vector<16xf32>,
        tpu.vector_store %arg23[%swap3A_619], %broadcast_in_dim3A_614 {strides = array<i32>} : memref<256xf32, #tpu.memory_space<vmem>>, vector<16xf32>,
        %mul3A_621 = arith.constant 64 : i32
        %mul3A_622 = arith.muli %scan3A_573, %mul3A_621 : i32
        %add3A_623 = arith.constant 16 : i32
        %add3A_624 = arith.addi %mul3A_622, %add3A_623 : i32
        %swap3A_625 = arith.index_cast %add3A_624 : i32 to index
        %swap3A_626 = tpu.vector_load %arg23[%swap3A_625] {strides = array<i32>} : memref<256xf32, #tpu.memory_space<vmem>>, vector<16xf32>,
        tpu.vector_store %arg23[%swap3A_625], %broadcast_in_dim3A_614 {strides = array<i32>} : memref<256xf32, #tpu.memory_space<vmem>>, vector<16xf32>,
        %mul3A_627 = arith.constant 64 : i32
        %mul3A_628 = arith.muli %scan3A_573, %mul3A_627 : i32
        %add3A_629 = arith.constant 32 : i32
        %add3A_630 = arith.addi %mul3A_628, %add3A_629 : i32
        %swap3A_631 = arith.index_cast %add3A_630 : i32 to index
        %swap3A_632 = tpu.vector_load %arg23[%swap3A_631] {strides = array<i32>} : memref<256xf32, #tpu.memory_space<vmem>>, vector<16xf32>,
        tpu.vector_store %arg23[%swap3A_631], %broadcast_in_dim3A_614 {strides = array<i32>} : memref<256xf32, #tpu.memory_space<vmem>>, vector<16xf32>,
        %mul3A_633 = arith.constant 64 : i32
        %mul3A_634 = arith.muli %scan3A_573, %mul3A_633 : i32
        %add3A_635 = arith.constant 48 : i32
        %add3A_636 = arith.addi %mul3A_634, %add3A_635 : i32
        %swap3A_637 = arith.index_cast %add3A_636 : i32 to index
        %swap3A_638 = tpu.vector_load %arg23[%swap3A_637] {strides = array<i32>} : memref<256xf32, #tpu.memory_space<vmem>>, vector<16xf32>,
        tpu.vector_store %arg23[%swap3A_637], %broadcast_in_dim3A_614 {strides = array<i32>} : memref<256xf32, #tpu.memory_space<vmem>>, vector<16xf32>,
        %scan3A_639 = arith.constant 0 : i32
        %scan3A_640 = arith.constant 0 : i32
        %scan3A_641 = arith.constant 10 : i32
        %scan3A_642 = arith.addi %scan3A_640, %scan3A_641 : i32
        %scan3A_643 = arith.constant 1 : i32
        scf.for %scan3A_645 = %scan3A_640 to %scan3A_642 step %scan3A_643  : i32 {
          %mul3A_646 = arith.constant 20 : i32
          %mul3A_647 = arith.muli %scan3A_573, %mul3A_646 : i32
          %mul3A_648 = arith.constant 2 : i32
          %mul3A_649 = arith.muli %mul3A_648, %scan3A_645 : i32
          %add3A_650 = arith.addi %mul3A_647, %mul3A_649 : i32
          %get3A_651 = arith.index_cast %add3A_650 : i32 to index
          %get3A_652 = arith.constant 0 : index
          %get3A_653 = tpu.vector_load %arg15[%get3A_651, %get3A_652] {strides = array<i32>} : memref<80x32xf32, #tpu.memory_space<vmem>>, vector<16xf32>,
          %get3A_654 = arith.index_cast %add3A_650 : i32 to index
          %get3A_655 = arith.constant 16 : index
          %get3A_656 = tpu.vector_load %arg15[%get3A_654, %get3A_655] {strides = array<i32>} : memref<80x32xf32, #tpu.memory_space<vmem>>, vector<16xf32>,
          %get3A_657 = arith.index_cast %add3A_650 : i32 to index
          %get3A_658 = arith.constant 0 : index
          %get3A_659 = tpu.vector_load %arg19[%get3A_657, %get3A_658] {strides = array<i32>} : memref<80x32xf32, #tpu.memory_space<vmem>>, vector<16xf32>,
          %get3A_660 = arith.index_cast %add3A_650 : i32 to index
          %get3A_661 = arith.constant 16 : index
          %get3A_662 = tpu.vector_load %arg19[%get3A_660, %get3A_661] {strides = array<i32>} : memref<80x32xf32, #tpu.memory_space<vmem>>, vector<16xf32>,
          %get3A_663 = arith.index_cast %add3A_650 : i32 to index
          %get3A_664 = arith.constant 0 : index
          %get3A_665 = tpu.vector_load %arg17[%get3A_663, %get3A_664] {strides = array<i32>} : memref<80x256xf32, #tpu.memory_space<vmem>>, vector<16xf32>,
          %get3A_666 = arith.index_cast %add3A_650 : i32 to index
          %get3A_667 = arith.constant 16 : index
          %get3A_668 = tpu.vector_load %arg17[%get3A_666, %get3A_667] {strides = array<i32>} : memref<80x256xf32, #tpu.memory_space<vmem>>, vector<16xf32>,
          %get3A_669 = arith.index_cast %add3A_650 : i32 to index
          %get3A_670 = arith.constant 32 : index
          %get3A_671 = tpu.vector_load %arg17[%get3A_669, %get3A_670] {strides = array<i32>} : memref<80x256xf32, #tpu.memory_space<vmem>>, vector<16xf32>,
          %get3A_672 = arith.index_cast %add3A_650 : i32 to index
          %get3A_673 = arith.constant 48 : index
          %get3A_674 = tpu.vector_load %arg17[%get3A_672, %get3A_673] {strides = array<i32>} : memref<80x256xf32, #tpu.memory_space<vmem>>, vector<16xf32>,
          %get3A_675 = arith.index_cast %add3A_650 : i32 to index
          %get3A_676 = arith.constant 64 : index
          %get3A_677 = tpu.vector_load %arg17[%get3A_675, %get3A_676] {strides = array<i32>} : memref<80x256xf32, #tpu.memory_space<vmem>>, vector<16xf32>,
          %get3A_678 = arith.index_cast %add3A_650 : i32 to index
          %get3A_679 = arith.constant 80 : index
          %get3A_680 = tpu.vector_load %arg17[%get3A_678, %get3A_679] {strides = array<i32>} : memref<80x256xf32, #tpu.memory_space<vmem>>, vector<16xf32>,
          %get3A_681 = arith.index_cast %add3A_650 : i32 to index
          %get3A_682 = arith.constant 96 : index
          %get3A_683 = tpu.vector_load %arg17[%get3A_681, %get3A_682] {strides = array<i32>} : memref<80x256xf32, #tpu.memory_space<vmem>>, vector<16xf32>,
          %get3A_684 = arith.index_cast %add3A_650 : i32 to index
          %get3A_685 = arith.constant 112 : index
          %get3A_686 = tpu.vector_load %arg17[%get3A_684, %get3A_685] {strides = array<i32>} : memref<80x256xf32, #tpu.memory_space<vmem>>, vector<16xf32>,
          %get3A_687 = arith.index_cast %add3A_650 : i32 to index
          %get3A_688 = arith.constant 128 : index
          %get3A_689 = tpu.vector_load %arg17[%get3A_687, %get3A_688] {strides = array<i32>} : memref<80x256xf32, #tpu.memory_space<vmem>>, vector<16xf32>,
          %get3A_690 = arith.index_cast %add3A_650 : i32 to index
          %get3A_691 = arith.constant 144 : index
          %get3A_692 = tpu.vector_load %arg17[%get3A_690, %get3A_691] {strides = array<i32>} : memref<80x256xf32, #tpu.memory_space<vmem>>, vector<16xf32>,
          %get3A_693 = arith.index_cast %add3A_650 : i32 to index
          %get3A_694 = arith.constant 160 : index
          %get3A_695 = tpu.vector_load %arg17[%get3A_693, %get3A_694] {strides = array<i32>} : memref<80x256xf32, #tpu.memory_space<vmem>>, vector<16xf32>,
          %get3A_696 = arith.index_cast %add3A_650 : i32 to index
          %get3A_697 = arith.constant 176 : index
          %get3A_698 = tpu.vector_load %arg17[%get3A_696, %get3A_697] {strides = array<i32>} : memref<80x256xf32, #tpu.memory_space<vmem>>, vector<16xf32>,
          %get3A_699 = arith.index_cast %add3A_650 : i32 to index
          %get3A_700 = arith.constant 192 : index
          %get3A_701 = tpu.vector_load %arg17[%get3A_699, %get3A_700] {strides = array<i32>} : memref<80x256xf32, #tpu.memory_space<vmem>>, vector<16xf32>,
          %get3A_702 = arith.index_cast %add3A_650 : i32 to index
          %get3A_703 = arith.constant 208 : index
          %get3A_704 = tpu.vector_load %arg17[%get3A_702, %get3A_703] {strides = array<i32>} : memref<80x256xf32, #tpu.memory_space<vmem>>, vector<16xf32>,
          %get3A_705 = arith.index_cast %add3A_650 : i32 to index
          %get3A_706 = arith.constant 224 : index
          %get3A_707 = tpu.vector_load %arg17[%get3A_705, %get3A_706] {strides = array<i32>} : memref<80x256xf32, #tpu.memory_space<vmem>>, vector<16xf32>,
          %get3A_708 = arith.index_cast %add3A_650 : i32 to index
          %get3A_709 = arith.constant 240 : index
          %get3A_710 = tpu.vector_load %arg17[%get3A_708, %get3A_709] {strides = array<i32>} : memref<80x256xf32, #tpu.memory_space<vmem>>, vector<16xf32>,
          %slice3A = vector.extract_strided_slice %get3A_653 {offsets = [0], sizes = [1], strides = [1]} : vector<16xf32> to vector<1xf32>
          %squeeze3A = vector.extract %slice3A[0] : f32 from vector<1xf32>
          %mul3A_711 = vector.broadcast %squeeze3A : f32 to vector<16xf32>
          %mul3A_712 = arith.mulf %mul3A_711, %get3A_665 : vector<16xf32>
          %slice3A_713 = vector.extract_strided_slice %get3A_653 {offsets = [1], sizes = [1], strides = [1]} : vector<16xf32> to vector<1xf32>
          %squeeze3A_714 = vector.extract %slice3A_713[0] : f32 from vector<1xf32>
          %mul3A_715 = vector.broadcast %squeeze3A_714 : f32 to vector<16xf32>
          %mul3A_716 = arith.mulf %mul3A_715, %get3A_671 : vector<16xf32>
          %add3A_717 = arith.addf %mul3A_712, %mul3A_716 : vector<16xf32>
          %slice3A_718 = vector.extract_strided_slice %get3A_653 {offsets = [2], sizes = [1], strides = [1]} : vector<16xf32> to vector<1xf32>
          %squeeze3A_719 = vector.extract %slice3A_718[0] : f32 from vector<1xf32>
          %mul3A_720 = vector.broadcast %squeeze3A_719 : f32 to vector<16xf32>
          %mul3A_721 = arith.mulf %mul3A_720, %get3A_677 : vector<16xf32>
          %add3A_722 = arith.addf %add3A_717, %mul3A_721 : vector<16xf32>
          %slice3A_723 = vector.extract_strided_slice %get3A_653 {offsets = [3], sizes = [1], strides = [1]} : vector<16xf32> to vector<1xf32>
          %squeeze3A_724 = vector.extract %slice3A_723[0] : f32 from vector<1xf32>
          %mul3A_725 = vector.broadcast %squeeze3A_724 : f32 to vector<16xf32>
          %mul3A_726 = arith.mulf %mul3A_725, %get3A_683 : vector<16xf32>
          %add3A_727 = arith.addf %add3A_722, %mul3A_726 : vector<16xf32>
          %slice3A_728 = vector.extract_strided_slice %get3A_653 {offsets = [4], sizes = [1], strides = [1]} : vector<16xf32> to vector<1xf32>
          %squeeze3A_729 = vector.extract %slice3A_728[0] : f32 from vector<1xf32>
          %mul3A_730 = vector.broadcast %squeeze3A_729 : f32 to vector<16xf32>
          %mul3A_731 = arith.mulf %mul3A_730, %get3A_689 : vector<16xf32>
          %add3A_732 = arith.addf %add3A_727, %mul3A_731 : vector<16xf32>
          %slice3A_733 = vector.extract_strided_slice %get3A_653 {offsets = [5], sizes = [1], strides = [1]} : vector<16xf32> to vector<1xf32>
          %squeeze3A_734 = vector.extract %slice3A_733[0] : f32 from vector<1xf32>
          %mul3A_735 = vector.broadcast %squeeze3A_734 : f32 to vector<16xf32>
          %mul3A_736 = arith.mulf %mul3A_735, %get3A_695 : vector<16xf32>
          %add3A_737 = arith.addf %add3A_732, %mul3A_736 : vector<16xf32>
          %slice3A_738 = vector.extract_strided_slice %get3A_653 {offsets = [6], sizes = [1], strides = [1]} : vector<16xf32> to vector<1xf32>
          %squeeze3A_739 = vector.extract %slice3A_738[0] : f32 from vector<1xf32>
          %mul3A_740 = vector.broadcast %squeeze3A_739 : f32 to vector<16xf32>
          %mul3A_741 = arith.mulf %mul3A_740, %get3A_701 : vector<16xf32>
          %add3A_742 = arith.addf %add3A_737, %mul3A_741 : vector<16xf32>
          %slice3A_743 = vector.extract_strided_slice %get3A_653 {offsets = [7], sizes = [1], strides = [1]} : vector<16xf32> to vector<1xf32>
          %squeeze3A_744 = vector.extract %slice3A_743[0] : f32 from vector<1xf32>
          %mul3A_745 = vector.broadcast %squeeze3A_744 : f32 to vector<16xf32>
          %mul3A_746 = arith.mulf %mul3A_745, %get3A_707 : vector<16xf32>
          %add3A_747 = arith.addf %add3A_742, %mul3A_746 : vector<16xf32>
          %swap3A_748 = arith.constant 0 : index
          %swap3A_749 = tpu.vector_load %arg20[%swap3A_748] {strides = array<i32>} : memref<128xf32, #tpu.memory_space<vmem>>, vector<16xf32>,
          tpu.vector_store %arg20[%swap3A_748], %add3A_747 {strides = array<i32>} : memref<128xf32, #tpu.memory_space<vmem>>, vector<16xf32>,
          %slice3A_750 = vector.extract_strided_slice %get3A_653 {offsets = [0], sizes = [1], strides = [1]} : vector<16xf32> to vector<1xf32>
          %squeeze3A_751 = vector.extract %slice3A_750[0] : f32 from vector<1xf32>
          %mul3A_752 = vector.broadcast %squeeze3A_751 : f32 to vector<16xf32>
          %mul3A_753 = arith.mulf %mul3A_752, %get3A_668 : vector<16xf32>
          %slice3A_754 = vector.extract_strided_slice %get3A_653 {offsets = [1], sizes = [1], strides = [1]} : vector<16xf32> to vector<1xf32>
          %squeeze3A_755 = vector.extract %slice3A_754[0] : f32 from vector<1xf32>
          %mul3A_756 = vector.broadcast %squeeze3A_755 : f32 to vector<16xf32>
          %mul3A_757 = arith.mulf %mul3A_756, %get3A_674 : vector<16xf32>
          %add3A_758 = arith.addf %mul3A_753, %mul3A_757 : vector<16xf32>
          %slice3A_759 = vector.extract_strided_slice %get3A_653 {offsets = [2], sizes = [1], strides = [1]} : vector<16xf32> to vector<1xf32>
          %squeeze3A_760 = vector.extract %slice3A_759[0] : f32 from vector<1xf32>
          %mul3A_761 = vector.broadcast %squeeze3A_760 : f32 to vector<16xf32>
          %mul3A_762 = arith.mulf %mul3A_761, %get3A_680 : vector<16xf32>
          %add3A_763 = arith.addf %add3A_758, %mul3A_762 : vector<16xf32>
          %slice3A_764 = vector.extract_strided_slice %get3A_653 {offsets = [3], sizes = [1], strides = [1]} : vector<16xf32> to vector<1xf32>
          %squeeze3A_765 = vector.extract %slice3A_764[0] : f32 from vector<1xf32>
          %mul3A_766 = vector.broadcast %squeeze3A_765 : f32 to vector<16xf32>
          %mul3A_767 = arith.mulf %mul3A_766, %get3A_686 : vector<16xf32>
          %add3A_768 = arith.addf %add3A_763, %mul3A_767 : vector<16xf32>
          %slice3A_769 = vector.extract_strided_slice %get3A_653 {offsets = [4], sizes = [1], strides = [1]} : vector<16xf32> to vector<1xf32>
          %squeeze3A_770 = vector.extract %slice3A_769[0] : f32 from vector<1xf32>
          %mul3A_771 = vector.broadcast %squeeze3A_770 : f32 to vector<16xf32>
          %mul3A_772 = arith.mulf %mul3A_771, %get3A_692 : vector<16xf32>
          %add3A_773 = arith.addf %add3A_768, %mul3A_772 : vector<16xf32>
          %slice3A_774 = vector.extract_strided_slice %get3A_653 {offsets = [5], sizes = [1], strides = [1]} : vector<16xf32> to vector<1xf32>
          %squeeze3A_775 = vector.extract %slice3A_774[0] : f32 from vector<1xf32>
          %mul3A_776 = vector.broadcast %squeeze3A_775 : f32 to vector<16xf32>
          %mul3A_777 = arith.mulf %mul3A_776, %get3A_698 : vector<16xf32>
          %add3A_778 = arith.addf %add3A_773, %mul3A_777 : vector<16xf32>
          %slice3A_779 = vector.extract_strided_slice %get3A_653 {offsets = [6], sizes = [1], strides = [1]} : vector<16xf32> to vector<1xf32>
          %squeeze3A_780 = vector.extract %slice3A_779[0] : f32 from vector<1xf32>
          %mul3A_781 = vector.broadcast %squeeze3A_780 : f32 to vector<16xf32>
          %mul3A_782 = arith.mulf %mul3A_781, %get3A_704 : vector<16xf32>
          %add3A_783 = arith.addf %add3A_778, %mul3A_782 : vector<16xf32>
          %slice3A_784 = vector.extract_strided_slice %get3A_653 {offsets = [7], sizes = [1], strides = [1]} : vector<16xf32> to vector<1xf32>
          %squeeze3A_785 = vector.extract %slice3A_784[0] : f32 from vector<1xf32>
          %mul3A_786 = vector.broadcast %squeeze3A_785 : f32 to vector<16xf32>
          %mul3A_787 = arith.mulf %mul3A_786, %get3A_710 : vector<16xf32>
          %add3A_788 = arith.addf %add3A_783, %mul3A_787 : vector<16xf32>
          %swap3A_789 = arith.constant 16 : index
          %swap3A_790 = tpu.vector_load %arg20[%swap3A_789] {strides = array<i32>} : memref<128xf32, #tpu.memory_space<vmem>>, vector<16xf32>,
          tpu.vector_store %arg20[%swap3A_789], %add3A_788 {strides = array<i32>} : memref<128xf32, #tpu.memory_space<vmem>>, vector<16xf32>,
          %slice3A_791 = vector.extract_strided_slice %get3A_653 {offsets = [8], sizes = [1], strides = [1]} : vector<16xf32> to vector<1xf32>
          %squeeze3A_792 = vector.extract %slice3A_791[0] : f32 from vector<1xf32>
          %mul3A_793 = vector.broadcast %squeeze3A_792 : f32 to vector<16xf32>
          %mul3A_794 = arith.mulf %mul3A_793, %get3A_665 : vector<16xf32>
          %slice3A_795 = vector.extract_strided_slice %get3A_653 {offsets = [9], sizes = [1], strides = [1]} : vector<16xf32> to vector<1xf32>
          %squeeze3A_796 = vector.extract %slice3A_795[0] : f32 from vector<1xf32>
          %mul3A_797 = vector.broadcast %squeeze3A_796 : f32 to vector<16xf32>
          %mul3A_798 = arith.mulf %mul3A_797, %get3A_671 : vector<16xf32>
          %add3A_799 = arith.addf %mul3A_794, %mul3A_798 : vector<16xf32>
          %slice3A_800 = vector.extract_strided_slice %get3A_653 {offsets = [10], sizes = [1], strides = [1]} : vector<16xf32> to vector<1xf32>
          %squeeze3A_801 = vector.extract %slice3A_800[0] : f32 from vector<1xf32>
          %mul3A_802 = vector.broadcast %squeeze3A_801 : f32 to vector<16xf32>
          %mul3A_803 = arith.mulf %mul3A_802, %get3A_677 : vector<16xf32>
          %add3A_804 = arith.addf %add3A_799, %mul3A_803 : vector<16xf32>
          %slice3A_805 = vector.extract_strided_slice %get3A_653 {offsets = [11], sizes = [1], strides = [1]} : vector<16xf32> to vector<1xf32>
          %squeeze3A_806 = vector.extract %slice3A_805[0] : f32 from vector<1xf32>
          %mul3A_807 = vector.broadcast %squeeze3A_806 : f32 to vector<16xf32>
          %mul3A_808 = arith.mulf %mul3A_807, %get3A_683 : vector<16xf32>
          %add3A_809 = arith.addf %add3A_804, %mul3A_808 : vector<16xf32>
          %slice3A_810 = vector.extract_strided_slice %get3A_653 {offsets = [12], sizes = [1], strides = [1]} : vector<16xf32> to vector<1xf32>
          %squeeze3A_811 = vector.extract %slice3A_810[0] : f32 from vector<1xf32>
          %mul3A_812 = vector.broadcast %squeeze3A_811 : f32 to vector<16xf32>
          %mul3A_813 = arith.mulf %mul3A_812, %get3A_689 : vector<16xf32>
          %add3A_814 = arith.addf %add3A_809, %mul3A_813 : vector<16xf32>
          %slice3A_815 = vector.extract_strided_slice %get3A_653 {offsets = [13], sizes = [1], strides = [1]} : vector<16xf32> to vector<1xf32>
          %squeeze3A_816 = vector.extract %slice3A_815[0] : f32 from vector<1xf32>
          %mul3A_817 = vector.broadcast %squeeze3A_816 : f32 to vector<16xf32>
          %mul3A_818 = arith.mulf %mul3A_817, %get3A_695 : vector<16xf32>
          %add3A_819 = arith.addf %add3A_814, %mul3A_818 : vector<16xf32>
          %slice3A_820 = vector.extract_strided_slice %get3A_653 {offsets = [14], sizes = [1], strides = [1]} : vector<16xf32> to vector<1xf32>
          %squeeze3A_821 = vector.extract %slice3A_820[0] : f32 from vector<1xf32>
          %mul3A_822 = vector.broadcast %squeeze3A_821 : f32 to vector<16xf32>
          %mul3A_823 = arith.mulf %mul3A_822, %get3A_701 : vector<16xf32>
          %add3A_824 = arith.addf %add3A_819, %mul3A_823 : vector<16xf32>
          %slice3A_825 = vector.extract_strided_slice %get3A_653 {offsets = [15], sizes = [1], strides = [1]} : vector<16xf32> to vector<1xf32>
          %squeeze3A_826 = vector.extract %slice3A_825[0] : f32 from vector<1xf32>
          %mul3A_827 = vector.broadcast %squeeze3A_826 : f32 to vector<16xf32>
          %mul3A_828 = arith.mulf %mul3A_827, %get3A_707 : vector<16xf32>
          %add3A_829 = arith.addf %add3A_824, %mul3A_828 : vector<16xf32>
          %swap3A_830 = arith.constant 32 : index
          %swap3A_831 = tpu.vector_load %arg20[%swap3A_830] {strides = array<i32>} : memref<128xf32, #tpu.memory_space<vmem>>, vector<16xf32>,
          tpu.vector_store %arg20[%swap3A_830], %add3A_829 {strides = array<i32>} : memref<128xf32, #tpu.memory_space<vmem>>, vector<16xf32>,
          %slice3A_832 = vector.extract_strided_slice %get3A_653 {offsets = [8], sizes = [1], strides = [1]} : vector<16xf32> to vector<1xf32>
          %squeeze3A_833 = vector.extract %slice3A_832[0] : f32 from vector<1xf32>
          %mul3A_834 = vector.broadcast %squeeze3A_833 : f32 to vector<16xf32>
          %mul3A_835 = arith.mulf %mul3A_834, %get3A_668 : vector<16xf32>
          %slice3A_836 = vector.extract_strided_slice %get3A_653 {offsets = [9], sizes = [1], strides = [1]} : vector<16xf32> to vector<1xf32>
          %squeeze3A_837 = vector.extract %slice3A_836[0] : f32 from vector<1xf32>
          %mul3A_838 = vector.broadcast %squeeze3A_837 : f32 to vector<16xf32>
          %mul3A_839 = arith.mulf %mul3A_838, %get3A_674 : vector<16xf32>
          %add3A_840 = arith.addf %mul3A_835, %mul3A_839 : vector<16xf32>
          %slice3A_841 = vector.extract_strided_slice %get3A_653 {offsets = [10], sizes = [1], strides = [1]} : vector<16xf32> to vector<1xf32>
          %squeeze3A_842 = vector.extract %slice3A_841[0] : f32 from vector<1xf32>
          %mul3A_843 = vector.broadcast %squeeze3A_842 : f32 to vector<16xf32>
          %mul3A_844 = arith.mulf %mul3A_843, %get3A_680 : vector<16xf32>
          %add3A_845 = arith.addf %add3A_840, %mul3A_844 : vector<16xf32>
          %slice3A_846 = vector.extract_strided_slice %get3A_653 {offsets = [11], sizes = [1], strides = [1]} : vector<16xf32> to vector<1xf32>
          %squeeze3A_847 = vector.extract %slice3A_846[0] : f32 from vector<1xf32>
          %mul3A_848 = vector.broadcast %squeeze3A_847 : f32 to vector<16xf32>
          %mul3A_849 = arith.mulf %mul3A_848, %get3A_686 : vector<16xf32>
          %add3A_850 = arith.addf %add3A_845, %mul3A_849 : vector<16xf32>
          %slice3A_851 = vector.extract_strided_slice %get3A_653 {offsets = [12], sizes = [1], strides = [1]} : vector<16xf32> to vector<1xf32>
          %squeeze3A_852 = vector.extract %slice3A_851[0] : f32 from vector<1xf32>
          %mul3A_853 = vector.broadcast %squeeze3A_852 : f32 to vector<16xf32>
          %mul3A_854 = arith.mulf %mul3A_853, %get3A_692 : vector<16xf32>
          %add3A_855 = arith.addf %add3A_850, %mul3A_854 : vector<16xf32>
          %slice3A_856 = vector.extract_strided_slice %get3A_653 {offsets = [13], sizes = [1], strides = [1]} : vector<16xf32> to vector<1xf32>
          %squeeze3A_857 = vector.extract %slice3A_856[0] : f32 from vector<1xf32>
          %mul3A_858 = vector.broadcast %squeeze3A_857 : f32 to vector<16xf32>
          %mul3A_859 = arith.mulf %mul3A_858, %get3A_698 : vector<16xf32>
          %add3A_860 = arith.addf %add3A_855, %mul3A_859 : vector<16xf32>
          %slice3A_861 = vector.extract_strided_slice %get3A_653 {offsets = [14], sizes = [1], strides = [1]} : vector<16xf32> to vector<1xf32>
          %squeeze3A_862 = vector.extract %slice3A_861[0] : f32 from vector<1xf32>
          %mul3A_863 = vector.broadcast %squeeze3A_862 : f32 to vector<16xf32>
          %mul3A_864 = arith.mulf %mul3A_863, %get3A_704 : vector<16xf32>
          %add3A_865 = arith.addf %add3A_860, %mul3A_864 : vector<16xf32>
          %slice3A_866 = vector.extract_strided_slice %get3A_653 {offsets = [15], sizes = [1], strides = [1]} : vector<16xf32> to vector<1xf32>
          %squeeze3A_867 = vector.extract %slice3A_866[0] : f32 from vector<1xf32>
          %mul3A_868 = vector.broadcast %squeeze3A_867 : f32 to vector<16xf32>
          %mul3A_869 = arith.mulf %mul3A_868, %get3A_710 : vector<16xf32>
          %add3A_870 = arith.addf %add3A_865, %mul3A_869 : vector<16xf32>
          %swap3A_871 = arith.constant 48 : index
          %swap3A_872 = tpu.vector_load %arg20[%swap3A_871] {strides = array<i32>} : memref<128xf32, #tpu.memory_space<vmem>>, vector<16xf32>,
          tpu.vector_store %arg20[%swap3A_871], %add3A_870 {strides = array<i32>} : memref<128xf32, #tpu.memory_space<vmem>>, vector<16xf32>,
          %slice3A_873 = vector.extract_strided_slice %get3A_656 {offsets = [0], sizes = [1], strides = [1]} : vector<16xf32> to vector<1xf32>
          %squeeze3A_874 = vector.extract %slice3A_873[0] : f32 from vector<1xf32>
          %mul3A_875 = vector.broadcast %squeeze3A_874 : f32 to vector<16xf32>
          %mul3A_876 = arith.mulf %mul3A_875, %get3A_665 : vector<16xf32>
          %slice3A_877 = vector.extract_strided_slice %get3A_656 {offsets = [1], sizes = [1], strides = [1]} : vector<16xf32> to vector<1xf32>
          %squeeze3A_878 = vector.extract %slice3A_877[0] : f32 from vector<1xf32>
          %mul3A_879 = vector.broadcast %squeeze3A_878 : f32 to vector<16xf32>
          %mul3A_880 = arith.mulf %mul3A_879, %get3A_671 : vector<16xf32>
          %add3A_881 = arith.addf %mul3A_876, %mul3A_880 : vector<16xf32>
          %slice3A_882 = vector.extract_strided_slice %get3A_656 {offsets = [2], sizes = [1], strides = [1]} : vector<16xf32> to vector<1xf32>
          %squeeze3A_883 = vector.extract %slice3A_882[0] : f32 from vector<1xf32>
          %mul3A_884 = vector.broadcast %squeeze3A_883 : f32 to vector<16xf32>
          %mul3A_885 = arith.mulf %mul3A_884, %get3A_677 : vector<16xf32>
          %add3A_886 = arith.addf %add3A_881, %mul3A_885 : vector<16xf32>
          %slice3A_887 = vector.extract_strided_slice %get3A_656 {offsets = [3], sizes = [1], strides = [1]} : vector<16xf32> to vector<1xf32>
          %squeeze3A_888 = vector.extract %slice3A_887[0] : f32 from vector<1xf32>
          %mul3A_889 = vector.broadcast %squeeze3A_888 : f32 to vector<16xf32>
          %mul3A_890 = arith.mulf %mul3A_889, %get3A_683 : vector<16xf32>
          %add3A_891 = arith.addf %add3A_886, %mul3A_890 : vector<16xf32>
          %slice3A_892 = vector.extract_strided_slice %get3A_656 {offsets = [4], sizes = [1], strides = [1]} : vector<16xf32> to vector<1xf32>
          %squeeze3A_893 = vector.extract %slice3A_892[0] : f32 from vector<1xf32>
          %mul3A_894 = vector.broadcast %squeeze3A_893 : f32 to vector<16xf32>
          %mul3A_895 = arith.mulf %mul3A_894, %get3A_689 : vector<16xf32>
          %add3A_896 = arith.addf %add3A_891, %mul3A_895 : vector<16xf32>
          %slice3A_897 = vector.extract_strided_slice %get3A_656 {offsets = [5], sizes = [1], strides = [1]} : vector<16xf32> to vector<1xf32>
          %squeeze3A_898 = vector.extract %slice3A_897[0] : f32 from vector<1xf32>
          %mul3A_899 = vector.broadcast %squeeze3A_898 : f32 to vector<16xf32>
          %mul3A_900 = arith.mulf %mul3A_899, %get3A_695 : vector<16xf32>
          %add3A_901 = arith.addf %add3A_896, %mul3A_900 : vector<16xf32>
          %slice3A_902 = vector.extract_strided_slice %get3A_656 {offsets = [6], sizes = [1], strides = [1]} : vector<16xf32> to vector<1xf32>
          %squeeze3A_903 = vector.extract %slice3A_902[0] : f32 from vector<1xf32>
          %mul3A_904 = vector.broadcast %squeeze3A_903 : f32 to vector<16xf32>
          %mul3A_905 = arith.mulf %mul3A_904, %get3A_701 : vector<16xf32>
          %add3A_906 = arith.addf %add3A_901, %mul3A_905 : vector<16xf32>
          %slice3A_907 = vector.extract_strided_slice %get3A_656 {offsets = [7], sizes = [1], strides = [1]} : vector<16xf32> to vector<1xf32>
          %squeeze3A_908 = vector.extract %slice3A_907[0] : f32 from vector<1xf32>
          %mul3A_909 = vector.broadcast %squeeze3A_908 : f32 to vector<16xf32>
          %mul3A_910 = arith.mulf %mul3A_909, %get3A_707 : vector<16xf32>
          %add3A_911 = arith.addf %add3A_906, %mul3A_910 : vector<16xf32>
          %swap3A_912 = arith.constant 64 : index
          %swap3A_913 = tpu.vector_load %arg20[%swap3A_912] {strides = array<i32>} : memref<128xf32, #tpu.memory_space<vmem>>, vector<16xf32>,
          tpu.vector_store %arg20[%swap3A_912], %add3A_911 {strides = array<i32>} : memref<128xf32, #tpu.memory_space<vmem>>, vector<16xf32>,
          %slice3A_914 = vector.extract_strided_slice %get3A_656 {offsets = [0], sizes = [1], strides = [1]} : vector<16xf32> to vector<1xf32>
          %squeeze3A_915 = vector.extract %slice3A_914[0] : f32 from vector<1xf32>
          %mul3A_916 = vector.broadcast %squeeze3A_915 : f32 to vector<16xf32>
          %mul3A_917 = arith.mulf %mul3A_916, %get3A_668 : vector<16xf32>
          %slice3A_918 = vector.extract_strided_slice %get3A_656 {offsets = [1], sizes = [1], strides = [1]} : vector<16xf32> to vector<1xf32>
          %squeeze3A_919 = vector.extract %slice3A_918[0] : f32 from vector<1xf32>
          %mul3A_920 = vector.broadcast %squeeze3A_919 : f32 to vector<16xf32>
          %mul3A_921 = arith.mulf %mul3A_920, %get3A_674 : vector<16xf32>
          %add3A_922 = arith.addf %mul3A_917, %mul3A_921 : vector<16xf32>
          %slice3A_923 = vector.extract_strided_slice %get3A_656 {offsets = [2], sizes = [1], strides = [1]} : vector<16xf32> to vector<1xf32>
          %squeeze3A_924 = vector.extract %slice3A_923[0] : f32 from vector<1xf32>
          %mul3A_925 = vector.broadcast %squeeze3A_924 : f32 to vector<16xf32>
          %mul3A_926 = arith.mulf %mul3A_925, %get3A_680 : vector<16xf32>
          %add3A_927 = arith.addf %add3A_922, %mul3A_926 : vector<16xf32>
          %slice3A_928 = vector.extract_strided_slice %get3A_656 {offsets = [3], sizes = [1], strides = [1]} : vector<16xf32> to vector<1xf32>
          %squeeze3A_929 = vector.extract %slice3A_928[0] : f32 from vector<1xf32>
          %mul3A_930 = vector.broadcast %squeeze3A_929 : f32 to vector<16xf32>
          %mul3A_931 = arith.mulf %mul3A_930, %get3A_686 : vector<16xf32>
          %add3A_932 = arith.addf %add3A_927, %mul3A_931 : vector<16xf32>
          %slice3A_933 = vector.extract_strided_slice %get3A_656 {offsets = [4], sizes = [1], strides = [1]} : vector<16xf32> to vector<1xf32>
          %squeeze3A_934 = vector.extract %slice3A_933[0] : f32 from vector<1xf32>
          %mul3A_935 = vector.broadcast %squeeze3A_934 : f32 to vector<16xf32>
          %mul3A_936 = arith.mulf %mul3A_935, %get3A_692 : vector<16xf32>
          %add3A_937 = arith.addf %add3A_932, %mul3A_936 : vector<16xf32>
          %slice3A_938 = vector.extract_strided_slice %get3A_656 {offsets = [5], sizes = [1], strides = [1]} : vector<16xf32> to vector<1xf32>
          %squeeze3A_939 = vector.extract %slice3A_938[0] : f32 from vector<1xf32>
          %mul3A_940 = vector.broadcast %squeeze3A_939 : f32 to vector<16xf32>
          %mul3A_941 = arith.mulf %mul3A_940, %get3A_698 : vector<16xf32>
          %add3A_942 = arith.addf %add3A_937, %mul3A_941 : vector<16xf32>
          %slice3A_943 = vector.extract_strided_slice %get3A_656 {offsets = [6], sizes = [1], strides = [1]} : vector<16xf32> to vector<1xf32>
          %squeeze3A_944 = vector.extract %slice3A_943[0] : f32 from vector<1xf32>
          %mul3A_945 = vector.broadcast %squeeze3A_944 : f32 to vector<16xf32>
          %mul3A_946 = arith.mulf %mul3A_945, %get3A_704 : vector<16xf32>
          %add3A_947 = arith.addf %add3A_942, %mul3A_946 : vector<16xf32>
          %slice3A_948 = vector.extract_strided_slice %get3A_656 {offsets = [7], sizes = [1], strides = [1]} : vector<16xf32> to vector<1xf32>
          %squeeze3A_949 = vector.extract %slice3A_948[0] : f32 from vector<1xf32>
          %mul3A_950 = vector.broadcast %squeeze3A_949 : f32 to vector<16xf32>
          %mul3A_951 = arith.mulf %mul3A_950, %get3A_710 : vector<16xf32>
          %add3A_952 = arith.addf %add3A_947, %mul3A_951 : vector<16xf32>
          %swap3A_953 = arith.constant 80 : index
          %swap3A_954 = tpu.vector_load %arg20[%swap3A_953] {strides = array<i32>} : memref<128xf32, #tpu.memory_space<vmem>>, vector<16xf32>,
          tpu.vector_store %arg20[%swap3A_953], %add3A_952 {strides = array<i32>} : memref<128xf32, #tpu.memory_space<vmem>>, vector<16xf32>,
          %slice3A_955 = vector.extract_strided_slice %get3A_656 {offsets = [8], sizes = [1], strides = [1]} : vector<16xf32> to vector<1xf32>
          %squeeze3A_956 = vector.extract %slice3A_955[0] : f32 from vector<1xf32>
          %mul3A_957 = vector.broadcast %squeeze3A_956 : f32 to vector<16xf32>
          %mul3A_958 = arith.mulf %mul3A_957, %get3A_665 : vector<16xf32>
          %slice3A_959 = vector.extract_strided_slice %get3A_656 {offsets = [9], sizes = [1], strides = [1]} : vector<16xf32> to vector<1xf32>
          %squeeze3A_960 = vector.extract %slice3A_959[0] : f32 from vector<1xf32>
          %mul3A_961 = vector.broadcast %squeeze3A_960 : f32 to vector<16xf32>
          %mul3A_962 = arith.mulf %mul3A_961, %get3A_671 : vector<16xf32>
          %add3A_963 = arith.addf %mul3A_958, %mul3A_962 : vector<16xf32>
          %slice3A_964 = vector.extract_strided_slice %get3A_656 {offsets = [10], sizes = [1], strides = [1]} : vector<16xf32> to vector<1xf32>
          %squeeze3A_965 = vector.extract %slice3A_964[0] : f32 from vector<1xf32>
          %mul3A_966 = vector.broadcast %squeeze3A_965 : f32 to vector<16xf32>
          %mul3A_967 = arith.mulf %mul3A_966, %get3A_677 : vector<16xf32>
          %add3A_968 = arith.addf %add3A_963, %mul3A_967 : vector<16xf32>
          %slice3A_969 = vector.extract_strided_slice %get3A_656 {offsets = [11], sizes = [1], strides = [1]} : vector<16xf32> to vector<1xf32>
          %squeeze3A_970 = vector.extract %slice3A_969[0] : f32 from vector<1xf32>
          %mul3A_971 = vector.broadcast %squeeze3A_970 : f32 to vector<16xf32>
          %mul3A_972 = arith.mulf %mul3A_971, %get3A_683 : vector<16xf32>
          %add3A_973 = arith.addf %add3A_968, %mul3A_972 : vector<16xf32>
          %slice3A_974 = vector.extract_strided_slice %get3A_656 {offsets = [12], sizes = [1], strides = [1]} : vector<16xf32> to vector<1xf32>
          %squeeze3A_975 = vector.extract %slice3A_974[0] : f32 from vector<1xf32>
          %mul3A_976 = vector.broadcast %squeeze3A_975 : f32 to vector<16xf32>
          %mul3A_977 = arith.mulf %mul3A_976, %get3A_689 : vector<16xf32>
          %add3A_978 = arith.addf %add3A_973, %mul3A_977 : vector<16xf32>
          %slice3A_979 = vector.extract_strided_slice %get3A_656 {offsets = [13], sizes = [1], strides = [1]} : vector<16xf32> to vector<1xf32>
          %squeeze3A_980 = vector.extract %slice3A_979[0] : f32 from vector<1xf32>
          %mul3A_981 = vector.broadcast %squeeze3A_980 : f32 to vector<16xf32>
          %mul3A_982 = arith.mulf %mul3A_981, %get3A_695 : vector<16xf32>
          %add3A_983 = arith.addf %add3A_978, %mul3A_982 : vector<16xf32>
          %slice3A_984 = vector.extract_strided_slice %get3A_656 {offsets = [14], sizes = [1], strides = [1]} : vector<16xf32> to vector<1xf32>
          %squeeze3A_985 = vector.extract %slice3A_984[0] : f32 from vector<1xf32>
          %mul3A_986 = vector.broadcast %squeeze3A_985 : f32 to vector<16xf32>
          %mul3A_987 = arith.mulf %mul3A_986, %get3A_701 : vector<16xf32>
          %add3A_988 = arith.addf %add3A_983, %mul3A_987 : vector<16xf32>
          %slice3A_989 = vector.extract_strided_slice %get3A_656 {offsets = [15], sizes = [1], strides = [1]} : vector<16xf32> to vector<1xf32>
          %squeeze3A_990 = vector.extract %slice3A_989[0] : f32 from vector<1xf32>
          %mul3A_991 = vector.broadcast %squeeze3A_990 : f32 to vector<16xf32>
          %mul3A_992 = arith.mulf %mul3A_991, %get3A_707 : vector<16xf32>
          %add3A_993 = arith.addf %add3A_988, %mul3A_992 : vector<16xf32>
          %swap3A_994 = arith.constant 96 : index
          %swap3A_995 = tpu.vector_load %arg20[%swap3A_994] {strides = array<i32>} : memref<128xf32, #tpu.memory_space<vmem>>, vector<16xf32>,
          tpu.vector_store %arg20[%swap3A_994], %add3A_993 {strides = array<i32>} : memref<128xf32, #tpu.memory_space<vmem>>, vector<16xf32>,
          %slice3A_996 = vector.extract_strided_slice %get3A_656 {offsets = [8], sizes = [1], strides = [1]} : vector<16xf32> to vector<1xf32>
          %squeeze3A_997 = vector.extract %slice3A_996[0] : f32 from vector<1xf32>
          %mul3A_998 = vector.broadcast %squeeze3A_997 : f32 to vector<16xf32>
          %mul3A_999 = arith.mulf %mul3A_998, %get3A_668 : vector<16xf32>
          %slice3A_1000 = vector.extract_strided_slice %get3A_656 {offsets = [9], sizes = [1], strides = [1]} : vector<16xf32> to vector<1xf32>
          %squeeze3A_1001 = vector.extract %slice3A_1000[0] : f32 from vector<1xf32>
          %mul3A_1002 = vector.broadcast %squeeze3A_1001 : f32 to vector<16xf32>
          %mul3A_1003 = arith.mulf %mul3A_1002, %get3A_674 : vector<16xf32>
          %add3A_1004 = arith.addf %mul3A_999, %mul3A_1003 : vector<16xf32>
          %slice3A_1005 = vector.extract_strided_slice %get3A_656 {offsets = [10], sizes = [1], strides = [1]} : vector<16xf32> to vector<1xf32>
          %squeeze3A_1006 = vector.extract %slice3A_1005[0] : f32 from vector<1xf32>
          %mul3A_1007 = vector.broadcast %squeeze3A_1006 : f32 to vector<16xf32>
          %mul3A_1008 = arith.mulf %mul3A_1007, %get3A_680 : vector<16xf32>
          %add3A_1009 = arith.addf %add3A_1004, %mul3A_1008 : vector<16xf32>
          %slice3A_1010 = vector.extract_strided_slice %get3A_656 {offsets = [11], sizes = [1], strides = [1]} : vector<16xf32> to vector<1xf32>
          %squeeze3A_1011 = vector.extract %slice3A_1010[0] : f32 from vector<1xf32>
          %mul3A_1012 = vector.broadcast %squeeze3A_1011 : f32 to vector<16xf32>
          %mul3A_1013 = arith.mulf %mul3A_1012, %get3A_686 : vector<16xf32>
          %add3A_1014 = arith.addf %add3A_1009, %mul3A_1013 : vector<16xf32>
          %slice3A_1015 = vector.extract_strided_slice %get3A_656 {offsets = [12], sizes = [1], strides = [1]} : vector<16xf32> to vector<1xf32>
          %squeeze3A_1016 = vector.extract %slice3A_1015[0] : f32 from vector<1xf32>
          %mul3A_1017 = vector.broadcast %squeeze3A_1016 : f32 to vector<16xf32>
          %mul3A_1018 = arith.mulf %mul3A_1017, %get3A_692 : vector<16xf32>
          %add3A_1019 = arith.addf %add3A_1014, %mul3A_1018 : vector<16xf32>
          %slice3A_1020 = vector.extract_strided_slice %get3A_656 {offsets = [13], sizes = [1], strides = [1]} : vector<16xf32> to vector<1xf32>
          %squeeze3A_1021 = vector.extract %slice3A_1020[0] : f32 from vector<1xf32>
          %mul3A_1022 = vector.broadcast %squeeze3A_1021 : f32 to vector<16xf32>
          %mul3A_1023 = arith.mulf %mul3A_1022, %get3A_698 : vector<16xf32>
          %add3A_1024 = arith.addf %add3A_1019, %mul3A_1023 : vector<16xf32>
          %slice3A_1025 = vector.extract_strided_slice %get3A_656 {offsets = [14], sizes = [1], strides = [1]} : vector<16xf32> to vector<1xf32>
          %squeeze3A_1026 = vector.extract %slice3A_1025[0] : f32 from vector<1xf32>
          %mul3A_1027 = vector.broadcast %squeeze3A_1026 : f32 to vector<16xf32>
          %mul3A_1028 = arith.mulf %mul3A_1027, %get3A_704 : vector<16xf32>
          %add3A_1029 = arith.addf %add3A_1024, %mul3A_1028 : vector<16xf32>
          %slice3A_1030 = vector.extract_strided_slice %get3A_656 {offsets = [15], sizes = [1], strides = [1]} : vector<16xf32> to vector<1xf32>
          %squeeze3A_1031 = vector.extract %slice3A_1030[0] : f32 from vector<1xf32>
          %mul3A_1032 = vector.broadcast %squeeze3A_1031 : f32 to vector<16xf32>
          %mul3A_1033 = arith.mulf %mul3A_1032, %get3A_710 : vector<16xf32>
          %add3A_1034 = arith.addf %add3A_1029, %mul3A_1033 : vector<16xf32>
          %swap3A_1035 = arith.constant 112 : index
          %swap3A_1036 = tpu.vector_load %arg20[%swap3A_1035] {strides = array<i32>} : memref<128xf32, #tpu.memory_space<vmem>>, vector<16xf32>,
          tpu.vector_store %arg20[%swap3A_1035], %add3A_1034 {strides = array<i32>} : memref<128xf32, #tpu.memory_space<vmem>>, vector<16xf32>,
          %gather3A = tpu.vector_load_idx %arg20[%add3A_12] : memref<128xf32, #tpu.memory_space<vmem>>[vector<16xi32>], vector<16xf32>,
          %slice3A_1037 = vector.extract_strided_slice %get3A_659 {offsets = [0], sizes = [1], strides = [1]} : vector<16xf32> to vector<1xf32>
          %squeeze3A_1038 = vector.extract %slice3A_1037[0] : f32 from vector<1xf32>
          %mul3A_1039 = vector.broadcast %squeeze3A_1038 : f32 to vector<16xf32>
          %mul3A_1040 = arith.mulf %gather3A, %mul3A_1039 : vector<16xf32>
          tpu.vector_store_idx %arg23[%add3A_583], %mul3A_1040 {add = true} : memref<256xf32, #tpu.memory_space<vmem>>[vector<16xi32>], vector<16xf32>,
          %slice3A_1041 = vector.extract_strided_slice %get3A_659 {offsets = [1], sizes = [1], strides = [1]} : vector<16xf32> to vector<1xf32>
          %squeeze3A_1042 = vector.extract %slice3A_1041[0] : f32 from vector<1xf32>
          %mul3A_1043 = vector.broadcast %squeeze3A_1042 : f32 to vector<16xf32>
          %mul3A_1044 = arith.mulf %gather3A, %mul3A_1043 : vector<16xf32>
          tpu.vector_store_idx %arg23[%add3A_593], %mul3A_1044 {add = true} : memref<256xf32, #tpu.memory_space<vmem>>[vector<16xi32>], vector<16xf32>,
          %slice3A_1045 = vector.extract_strided_slice %get3A_659 {offsets = [2], sizes = [1], strides = [1]} : vector<16xf32> to vector<1xf32>
          %squeeze3A_1046 = vector.extract %slice3A_1045[0] : f32 from vector<1xf32>
          %mul3A_1047 = vector.broadcast %squeeze3A_1046 : f32 to vector<16xf32>
          %mul3A_1048 = arith.mulf %gather3A, %mul3A_1047 : vector<16xf32>
          tpu.vector_store_idx %arg23[%add3A_603], %mul3A_1048 {add = true} : memref<256xf32, #tpu.memory_space<vmem>>[vector<16xi32>], vector<16xf32>,
          %slice3A_1049 = vector.extract_strided_slice %get3A_659 {offsets = [3], sizes = [1], strides = [1]} : vector<16xf32> to vector<1xf32>
          %squeeze3A_1050 = vector.extract %slice3A_1049[0] : f32 from vector<1xf32>
          %mul3A_1051 = vector.broadcast %squeeze3A_1050 : f32 to vector<16xf32>
          %mul3A_1052 = arith.mulf %gather3A, %mul3A_1051 : vector<16xf32>
          tpu.vector_store_idx %arg23[%add3A_613], %mul3A_1052 {add = true} : memref<256xf32, #tpu.memory_space<vmem>>[vector<16xi32>], vector<16xf32>,
          %gather3A_1053 = tpu.vector_load_idx %arg20[%add3A_18] : memref<128xf32, #tpu.memory_space<vmem>>[vector<16xi32>], vector<16xf32>,
          %slice3A_1054 = vector.extract_strided_slice %get3A_659 {offsets = [4], sizes = [1], strides = [1]} : vector<16xf32> to vector<1xf32>
          %squeeze3A_1055 = vector.extract %slice3A_1054[0] : f32 from vector<1xf32>
          %mul3A_1056 = vector.broadcast %squeeze3A_1055 : f32 to vector<16xf32>
          %mul3A_1057 = arith.mulf %gather3A_1053, %mul3A_1056 : vector<16xf32>
          tpu.vector_store_idx %arg23[%add3A_583], %mul3A_1057 {add = true} : memref<256xf32, #tpu.memory_space<vmem>>[vector<16xi32>], vector<16xf32>,
          %slice3A_1058 = vector.extract_strided_slice %get3A_659 {offsets = [5], sizes = [1], strides = [1]} : vector<16xf32> to vector<1xf32>
          %squeeze3A_1059 = vector.extract %slice3A_1058[0] : f32 from vector<1xf32>
          %mul3A_1060 = vector.broadcast %squeeze3A_1059 : f32 to vector<16xf32>
          %mul3A_1061 = arith.mulf %gather3A_1053, %mul3A_1060 : vector<16xf32>
          tpu.vector_store_idx %arg23[%add3A_593], %mul3A_1061 {add = true} : memref<256xf32, #tpu.memory_space<vmem>>[vector<16xi32>], vector<16xf32>,
          %slice3A_1062 = vector.extract_strided_slice %get3A_659 {offsets = [6], sizes = [1], strides = [1]} : vector<16xf32> to vector<1xf32>
          %squeeze3A_1063 = vector.extract %slice3A_1062[0] : f32 from vector<1xf32>
          %mul3A_1064 = vector.broadcast %squeeze3A_1063 : f32 to vector<16xf32>
          %mul3A_1065 = arith.mulf %gather3A_1053, %mul3A_1064 : vector<16xf32>
          tpu.vector_store_idx %arg23[%add3A_603], %mul3A_1065 {add = true} : memref<256xf32, #tpu.memory_space<vmem>>[vector<16xi32>], vector<16xf32>,
          %slice3A_1066 = vector.extract_strided_slice %get3A_659 {offsets = [7], sizes = [1], strides = [1]} : vector<16xf32> to vector<1xf32>
          %squeeze3A_1067 = vector.extract %slice3A_1066[0] : f32 from vector<1xf32>
          %mul3A_1068 = vector.broadcast %squeeze3A_1067 : f32 to vector<16xf32>
          %mul3A_1069 = arith.mulf %gather3A_1053, %mul3A_1068 : vector<16xf32>
          tpu.vector_store_idx %arg23[%add3A_613], %mul3A_1069 {add = true} : memref<256xf32, #tpu.memory_space<vmem>>[vector<16xi32>], vector<16xf32>,
          %gather3A_1070 = tpu.vector_load_idx %arg20[%add3A_24] : memref<128xf32, #tpu.memory_space<vmem>>[vector<16xi32>], vector<16xf32>,
          %slice3A_1071 = vector.extract_strided_slice %get3A_659 {offsets = [8], sizes = [1], strides = [1]} : vector<16xf32> to vector<1xf32>
          %squeeze3A_1072 = vector.extract %slice3A_1071[0] : f32 from vector<1xf32>
          %mul3A_1073 = vector.broadcast %squeeze3A_1072 : f32 to vector<16xf32>
          %mul3A_1074 = arith.mulf %gather3A_1070, %mul3A_1073 : vector<16xf32>
          tpu.vector_store_idx %arg23[%add3A_583], %mul3A_1074 {add = true} : memref<256xf32, #tpu.memory_space<vmem>>[vector<16xi32>], vector<16xf32>,
          %slice3A_1075 = vector.extract_strided_slice %get3A_659 {offsets = [9], sizes = [1], strides = [1]} : vector<16xf32> to vector<1xf32>
          %squeeze3A_1076 = vector.extract %slice3A_1075[0] : f32 from vector<1xf32>
          %mul3A_1077 = vector.broadcast %squeeze3A_1076 : f32 to vector<16xf32>
          %mul3A_1078 = arith.mulf %gather3A_1070, %mul3A_1077 : vector<16xf32>
          tpu.vector_store_idx %arg23[%add3A_593], %mul3A_1078 {add = true} : memref<256xf32, #tpu.memory_space<vmem>>[vector<16xi32>], vector<16xf32>,
          %slice3A_1079 = vector.extract_strided_slice %get3A_659 {offsets = [10], sizes = [1], strides = [1]} : vector<16xf32> to vector<1xf32>
          %squeeze3A_1080 = vector.extract %slice3A_1079[0] : f32 from vector<1xf32>
          %mul3A_1081 = vector.broadcast %squeeze3A_1080 : f32 to vector<16xf32>
          %mul3A_1082 = arith.mulf %gather3A_1070, %mul3A_1081 : vector<16xf32>
          tpu.vector_store_idx %arg23[%add3A_603], %mul3A_1082 {add = true} : memref<256xf32, #tpu.memory_space<vmem>>[vector<16xi32>], vector<16xf32>,
          %slice3A_1083 = vector.extract_strided_slice %get3A_659 {offsets = [11], sizes = [1], strides = [1]} : vector<16xf32> to vector<1xf32>
          %squeeze3A_1084 = vector.extract %slice3A_1083[0] : f32 from vector<1xf32>
          %mul3A_1085 = vector.broadcast %squeeze3A_1084 : f32 to vector<16xf32>
          %mul3A_1086 = arith.mulf %gather3A_1070, %mul3A_1085 : vector<16xf32>
          tpu.vector_store_idx %arg23[%add3A_613], %mul3A_1086 {add = true} : memref<256xf32, #tpu.memory_space<vmem>>[vector<16xi32>], vector<16xf32>,
          %gather3A_1087 = tpu.vector_load_idx %arg20[%add3A_30] : memref<128xf32, #tpu.memory_space<vmem>>[vector<16xi32>], vector<16xf32>,
          %slice3A_1088 = vector.extract_strided_slice %get3A_659 {offsets = [12], sizes = [1], strides = [1]} : vector<16xf32> to vector<1xf32>
          %squeeze3A_1089 = vector.extract %slice3A_1088[0] : f32 from vector<1xf32>
          %mul3A_1090 = vector.broadcast %squeeze3A_1089 : f32 to vector<16xf32>
          %mul3A_1091 = arith.mulf %gather3A_1087, %mul3A_1090 : vector<16xf32>
          tpu.vector_store_idx %arg23[%add3A_583], %mul3A_1091 {add = true} : memref<256xf32, #tpu.memory_space<vmem>>[vector<16xi32>], vector<16xf32>,
          %slice3A_1092 = vector.extract_strided_slice %get3A_659 {offsets = [13], sizes = [1], strides = [1]} : vector<16xf32> to vector<1xf32>
          %squeeze3A_1093 = vector.extract %slice3A_1092[0] : f32 from vector<1xf32>
          %mul3A_1094 = vector.broadcast %squeeze3A_1093 : f32 to vector<16xf32>
          %mul3A_1095 = arith.mulf %gather3A_1087, %mul3A_1094 : vector<16xf32>
          tpu.vector_store_idx %arg23[%add3A_593], %mul3A_1095 {add = true} : memref<256xf32, #tpu.memory_space<vmem>>[vector<16xi32>], vector<16xf32>,
          %slice3A_1096 = vector.extract_strided_slice %get3A_659 {offsets = [14], sizes = [1], strides = [1]} : vector<16xf32> to vector<1xf32>
          %squeeze3A_1097 = vector.extract %slice3A_1096[0] : f32 from vector<1xf32>
          %mul3A_1098 = vector.broadcast %squeeze3A_1097 : f32 to vector<16xf32>
          %mul3A_1099 = arith.mulf %gather3A_1087, %mul3A_1098 : vector<16xf32>
          tpu.vector_store_idx %arg23[%add3A_603], %mul3A_1099 {add = true} : memref<256xf32, #tpu.memory_space<vmem>>[vector<16xi32>], vector<16xf32>,
          %slice3A_1100 = vector.extract_strided_slice %get3A_659 {offsets = [15], sizes = [1], strides = [1]} : vector<16xf32> to vector<1xf32>
          %squeeze3A_1101 = vector.extract %slice3A_1100[0] : f32 from vector<1xf32>
          %mul3A_1102 = vector.broadcast %squeeze3A_1101 : f32 to vector<16xf32>
          %mul3A_1103 = arith.mulf %gather3A_1087, %mul3A_1102 : vector<16xf32>
          tpu.vector_store_idx %arg23[%add3A_613], %mul3A_1103 {add = true} : memref<256xf32, #tpu.memory_space<vmem>>[vector<16xi32>], vector<16xf32>,
          %gather3A_1104 = tpu.vector_load_idx %arg20[%add3A_36] : memref<128xf32, #tpu.memory_space<vmem>>[vector<16xi32>], vector<16xf32>,
          %slice3A_1105 = vector.extract_strided_slice %get3A_662 {offsets = [0], sizes = [1], strides = [1]} : vector<16xf32> to vector<1xf32>
          %squeeze3A_1106 = vector.extract %slice3A_1105[0] : f32 from vector<1xf32>
          %mul3A_1107 = vector.broadcast %squeeze3A_1106 : f32 to vector<16xf32>
          %mul3A_1108 = arith.mulf %gather3A_1104, %mul3A_1107 : vector<16xf32>
          tpu.vector_store_idx %arg23[%add3A_583], %mul3A_1108 {add = true} : memref<256xf32, #tpu.memory_space<vmem>>[vector<16xi32>], vector<16xf32>,
          %slice3A_1109 = vector.extract_strided_slice %get3A_662 {offsets = [1], sizes = [1], strides = [1]} : vector<16xf32> to vector<1xf32>
          %squeeze3A_1110 = vector.extract %slice3A_1109[0] : f32 from vector<1xf32>
          %mul3A_1111 = vector.broadcast %squeeze3A_1110 : f32 to vector<16xf32>
          %mul3A_1112 = arith.mulf %gather3A_1104, %mul3A_1111 : vector<16xf32>
          tpu.vector_store_idx %arg23[%add3A_593], %mul3A_1112 {add = true} : memref<256xf32, #tpu.memory_space<vmem>>[vector<16xi32>], vector<16xf32>,
          %slice3A_1113 = vector.extract_strided_slice %get3A_662 {offsets = [2], sizes = [1], strides = [1]} : vector<16xf32> to vector<1xf32>
          %squeeze3A_1114 = vector.extract %slice3A_1113[0] : f32 from vector<1xf32>
          %mul3A_1115 = vector.broadcast %squeeze3A_1114 : f32 to vector<16xf32>
          %mul3A_1116 = arith.mulf %gather3A_1104, %mul3A_1115 : vector<16xf32>
          tpu.vector_store_idx %arg23[%add3A_603], %mul3A_1116 {add = true} : memref<256xf32, #tpu.memory_space<vmem>>[vector<16xi32>], vector<16xf32>,
          %slice3A_1117 = vector.extract_strided_slice %get3A_662 {offsets = [3], sizes = [1], strides = [1]} : vector<16xf32> to vector<1xf32>
          %squeeze3A_1118 = vector.extract %slice3A_1117[0] : f32 from vector<1xf32>
          %mul3A_1119 = vector.broadcast %squeeze3A_1118 : f32 to vector<16xf32>
          %mul3A_1120 = arith.mulf %gather3A_1104, %mul3A_1119 : vector<16xf32>
          tpu.vector_store_idx %arg23[%add3A_613], %mul3A_1120 {add = true} : memref<256xf32, #tpu.memory_space<vmem>>[vector<16xi32>], vector<16xf32>,
          %gather3A_1121 = tpu.vector_load_idx %arg20[%add3A_42] : memref<128xf32, #tpu.memory_space<vmem>>[vector<16xi32>], vector<16xf32>,
          %slice3A_1122 = vector.extract_strided_slice %get3A_662 {offsets = [4], sizes = [1], strides = [1]} : vector<16xf32> to vector<1xf32>
          %squeeze3A_1123 = vector.extract %slice3A_1122[0] : f32 from vector<1xf32>
          %mul3A_1124 = vector.broadcast %squeeze3A_1123 : f32 to vector<16xf32>
          %mul3A_1125 = arith.mulf %gather3A_1121, %mul3A_1124 : vector<16xf32>
          tpu.vector_store_idx %arg23[%add3A_583], %mul3A_1125 {add = true} : memref<256xf32, #tpu.memory_space<vmem>>[vector<16xi32>], vector<16xf32>,
          %slice3A_1126 = vector.extract_strided_slice %get3A_662 {offsets = [5], sizes = [1], strides = [1]} : vector<16xf32> to vector<1xf32>
          %squeeze3A_1127 = vector.extract %slice3A_1126[0] : f32 from vector<1xf32>
          %mul3A_1128 = vector.broadcast %squeeze3A_1127 : f32 to vector<16xf32>
          %mul3A_1129 = arith.mulf %gather3A_1121, %mul3A_1128 : vector<16xf32>
          tpu.vector_store_idx %arg23[%add3A_593], %mul3A_1129 {add = true} : memref<256xf32, #tpu.memory_space<vmem>>[vector<16xi32>], vector<16xf32>,
          %slice3A_1130 = vector.extract_strided_slice %get3A_662 {offsets = [6], sizes = [1], strides = [1]} : vector<16xf32> to vector<1xf32>
          %squeeze3A_1131 = vector.extract %slice3A_1130[0] : f32 from vector<1xf32>
          %mul3A_1132 = vector.broadcast %squeeze3A_1131 : f32 to vector<16xf32>
          %mul3A_1133 = arith.mulf %gather3A_1121, %mul3A_1132 : vector<16xf32>
          tpu.vector_store_idx %arg23[%add3A_603], %mul3A_1133 {add = true} : memref<256xf32, #tpu.memory_space<vmem>>[vector<16xi32>], vector<16xf32>,
          %slice3A_1134 = vector.extract_strided_slice %get3A_662 {offsets = [7], sizes = [1], strides = [1]} : vector<16xf32> to vector<1xf32>
          %squeeze3A_1135 = vector.extract %slice3A_1134[0] : f32 from vector<1xf32>
          %mul3A_1136 = vector.broadcast %squeeze3A_1135 : f32 to vector<16xf32>
          %mul3A_1137 = arith.mulf %gather3A_1121, %mul3A_1136 : vector<16xf32>
          tpu.vector_store_idx %arg23[%add3A_613], %mul3A_1137 {add = true} : memref<256xf32, #tpu.memory_space<vmem>>[vector<16xi32>], vector<16xf32>,
          %gather3A_1138 = tpu.vector_load_idx %arg20[%add3A_48] : memref<128xf32, #tpu.memory_space<vmem>>[vector<16xi32>], vector<16xf32>,
          %slice3A_1139 = vector.extract_strided_slice %get3A_662 {offsets = [8], sizes = [1], strides = [1]} : vector<16xf32> to vector<1xf32>
          %squeeze3A_1140 = vector.extract %slice3A_1139[0] : f32 from vector<1xf32>
          %mul3A_1141 = vector.broadcast %squeeze3A_1140 : f32 to vector<16xf32>
          %mul3A_1142 = arith.mulf %gather3A_1138, %mul3A_1141 : vector<16xf32>
          tpu.vector_store_idx %arg23[%add3A_583], %mul3A_1142 {add = true} : memref<256xf32, #tpu.memory_space<vmem>>[vector<16xi32>], vector<16xf32>,
          %slice3A_1143 = vector.extract_strided_slice %get3A_662 {offsets = [9], sizes = [1], strides = [1]} : vector<16xf32> to vector<1xf32>
          %squeeze3A_1144 = vector.extract %slice3A_1143[0] : f32 from vector<1xf32>
          %mul3A_1145 = vector.broadcast %squeeze3A_1144 : f32 to vector<16xf32>
          %mul3A_1146 = arith.mulf %gather3A_1138, %mul3A_1145 : vector<16xf32>
          tpu.vector_store_idx %arg23[%add3A_593], %mul3A_1146 {add = true} : memref<256xf32, #tpu.memory_space<vmem>>[vector<16xi32>], vector<16xf32>,
          %slice3A_1147 = vector.extract_strided_slice %get3A_662 {offsets = [10], sizes = [1], strides = [1]} : vector<16xf32> to vector<1xf32>
          %squeeze3A_1148 = vector.extract %slice3A_1147[0] : f32 from vector<1xf32>
          %mul3A_1149 = vector.broadcast %squeeze3A_1148 : f32 to vector<16xf32>
          %mul3A_1150 = arith.mulf %gather3A_1138, %mul3A_1149 : vector<16xf32>
          tpu.vector_store_idx %arg23[%add3A_603], %mul3A_1150 {add = true} : memref<256xf32, #tpu.memory_space<vmem>>[vector<16xi32>], vector<16xf32>,
          %slice3A_1151 = vector.extract_strided_slice %get3A_662 {offsets = [11], sizes = [1], strides = [1]} : vector<16xf32> to vector<1xf32>
          %squeeze3A_1152 = vector.extract %slice3A_1151[0] : f32 from vector<1xf32>
          %mul3A_1153 = vector.broadcast %squeeze3A_1152 : f32 to vector<16xf32>
          %mul3A_1154 = arith.mulf %gather3A_1138, %mul3A_1153 : vector<16xf32>
          tpu.vector_store_idx %arg23[%add3A_613], %mul3A_1154 {add = true} : memref<256xf32, #tpu.memory_space<vmem>>[vector<16xi32>], vector<16xf32>,
          %gather3A_1155 = tpu.vector_load_idx %arg20[%add3A_54] : memref<128xf32, #tpu.memory_space<vmem>>[vector<16xi32>], vector<16xf32>,
          %slice3A_1156 = vector.extract_strided_slice %get3A_662 {offsets = [12], sizes = [1], strides = [1]} : vector<16xf32> to vector<1xf32>
          %squeeze3A_1157 = vector.extract %slice3A_1156[0] : f32 from vector<1xf32>
          %mul3A_1158 = vector.broadcast %squeeze3A_1157 : f32 to vector<16xf32>
          %mul3A_1159 = arith.mulf %gather3A_1155, %mul3A_1158 : vector<16xf32>
          tpu.vector_store_idx %arg23[%add3A_583], %mul3A_1159 {add = true} : memref<256xf32, #tpu.memory_space<vmem>>[vector<16xi32>], vector<16xf32>,
          %slice3A_1160 = vector.extract_strided_slice %get3A_662 {offsets = [13], sizes = [1], strides = [1]} : vector<16xf32> to vector<1xf32>
          %squeeze3A_1161 = vector.extract %slice3A_1160[0] : f32 from vector<1xf32>
          %mul3A_1162 = vector.broadcast %squeeze3A_1161 : f32 to vector<16xf32>
          %mul3A_1163 = arith.mulf %gather3A_1155, %mul3A_1162 : vector<16xf32>
          tpu.vector_store_idx %arg23[%add3A_593], %mul3A_1163 {add = true} : memref<256xf32, #tpu.memory_space<vmem>>[vector<16xi32>], vector<16xf32>,
          %slice3A_1164 = vector.extract_strided_slice %get3A_662 {offsets = [14], sizes = [1], strides = [1]} : vector<16xf32> to vector<1xf32>
          %squeeze3A_1165 = vector.extract %slice3A_1164[0] : f32 from vector<1xf32>
          %mul3A_1166 = vector.broadcast %squeeze3A_1165 : f32 to vector<16xf32>
          %mul3A_1167 = arith.mulf %gather3A_1155, %mul3A_1166 : vector<16xf32>
          tpu.vector_store_idx %arg23[%add3A_603], %mul3A_1167 {add = true} : memref<256xf32, #tpu.memory_space<vmem>>[vector<16xi32>], vector<16xf32>,
          %slice3A_1168 = vector.extract_strided_slice %get3A_662 {offsets = [15], sizes = [1], strides = [1]} : vector<16xf32> to vector<1xf32>
          %squeeze3A_1169 = vector.extract %slice3A_1168[0] : f32 from vector<1xf32>
          %mul3A_1170 = vector.broadcast %squeeze3A_1169 : f32 to vector<16xf32>
          %mul3A_1171 = arith.mulf %gather3A_1155, %mul3A_1170 : vector<16xf32>
          tpu.vector_store_idx %arg23[%add3A_613], %mul3A_1171 {add = true} : memref<256xf32, #tpu.memory_space<vmem>>[vector<16xi32>], vector<16xf32>,
          %add3A_1172 = arith.constant 1 : i32
          %add3A_1173 = arith.addi %add3A_650, %add3A_1172 : i32
          %get3A_1174 = arith.index_cast %add3A_1173 : i32 to index
          %get3A_1175 = arith.constant 0 : index
          %get3A_1176 = tpu.vector_load %arg15[%get3A_1174, %get3A_1175] {strides = array<i32>} : memref<80x32xf32, #tpu.memory_space<vmem>>, vector<16xf32>,
          %get3A_1177 = arith.index_cast %add3A_1173 : i32 to index
          %get3A_1178 = arith.constant 16 : index
          %get3A_1179 = tpu.vector_load %arg15[%get3A_1177, %get3A_1178] {strides = array<i32>} : memref<80x32xf32, #tpu.memory_space<vmem>>, vector<16xf32>,
          %get3A_1180 = arith.index_cast %add3A_1173 : i32 to index
          %get3A_1181 = arith.constant 0 : index
          %get3A_1182 = tpu.vector_load %arg19[%get3A_1180, %get3A_1181] {strides = array<i32>} : memref<80x32xf32, #tpu.memory_space<vmem>>, vector<16xf32>,
          %get3A_1183 = arith.index_cast %add3A_1173 : i32 to index
          %get3A_1184 = arith.constant 16 : index
          %get3A_1185 = tpu.vector_load %arg19[%get3A_1183, %get3A_1184] {strides = array<i32>} : memref<80x32xf32, #tpu.memory_space<vmem>>, vector<16xf32>,
          %get3A_1186 = arith.index_cast %add3A_1173 : i32 to index
          %get3A_1187 = arith.constant 0 : index
          %get3A_1188 = tpu.vector_load %arg17[%get3A_1186, %get3A_1187] {strides = array<i32>} : memref<80x256xf32, #tpu.memory_space<vmem>>, vector<16xf32>,
          %get3A_1189 = arith.index_cast %add3A_1173 : i32 to index
          %get3A_1190 = arith.constant 16 : index
          %get3A_1191 = tpu.vector_load %arg17[%get3A_1189, %get3A_1190] {strides = array<i32>} : memref<80x256xf32, #tpu.memory_space<vmem>>, vector<16xf32>,
          %get3A_1192 = arith.index_cast %add3A_1173 : i32 to index
          %get3A_1193 = arith.constant 32 : index
          %get3A_1194 = tpu.vector_load %arg17[%get3A_1192, %get3A_1193] {strides = array<i32>} : memref<80x256xf32, #tpu.memory_space<vmem>>, vector<16xf32>,
          %get3A_1195 = arith.index_cast %add3A_1173 : i32 to index
          %get3A_1196 = arith.constant 48 : index
          %get3A_1197 = tpu.vector_load %arg17[%get3A_1195, %get3A_1196] {strides = array<i32>} : memref<80x256xf32, #tpu.memory_space<vmem>>, vector<16xf32>,
          %get3A_1198 = arith.index_cast %add3A_1173 : i32 to index
          %get3A_1199 = arith.constant 64 : index
          %get3A_1200 = tpu.vector_load %arg17[%get3A_1198, %get3A_1199] {strides = array<i32>} : memref<80x256xf32, #tpu.memory_space<vmem>>, vector<16xf32>,
          %get3A_1201 = arith.index_cast %add3A_1173 : i32 to index
          %get3A_1202 = arith.constant 80 : index
          %get3A_1203 = tpu.vector_load %arg17[%get3A_1201, %get3A_1202] {strides = array<i32>} : memref<80x256xf32, #tpu.memory_space<vmem>>, vector<16xf32>,
          %get3A_1204 = arith.index_cast %add3A_1173 : i32 to index
          %get3A_1205 = arith.constant 96 : index
          %get3A_1206 = tpu.vector_load %arg17[%get3A_1204, %get3A_1205] {strides = array<i32>} : memref<80x256xf32, #tpu.memory_space<vmem>>, vector<16xf32>,
          %get3A_1207 = arith.index_cast %add3A_1173 : i32 to index
          %get3A_1208 = arith.constant 112 : index
          %get3A_1209 = tpu.vector_load %arg17[%get3A_1207, %get3A_1208] {strides = array<i32>} : memref<80x256xf32, #tpu.memory_space<vmem>>, vector<16xf32>,
          %get3A_1210 = arith.index_cast %add3A_1173 : i32 to index
          %get3A_1211 = arith.constant 128 : index
          %get3A_1212 = tpu.vector_load %arg17[%get3A_1210, %get3A_1211] {strides = array<i32>} : memref<80x256xf32, #tpu.memory_space<vmem>>, vector<16xf32>,
          %get3A_1213 = arith.index_cast %add3A_1173 : i32 to index
          %get3A_1214 = arith.constant 144 : index
          %get3A_1215 = tpu.vector_load %arg17[%get3A_1213, %get3A_1214] {strides = array<i32>} : memref<80x256xf32, #tpu.memory_space<vmem>>, vector<16xf32>,
          %get3A_1216 = arith.index_cast %add3A_1173 : i32 to index
          %get3A_1217 = arith.constant 160 : index
          %get3A_1218 = tpu.vector_load %arg17[%get3A_1216, %get3A_1217] {strides = array<i32>} : memref<80x256xf32, #tpu.memory_space<vmem>>, vector<16xf32>,
          %get3A_1219 = arith.index_cast %add3A_1173 : i32 to index
          %get3A_1220 = arith.constant 176 : index
          %get3A_1221 = tpu.vector_load %arg17[%get3A_1219, %get3A_1220] {strides = array<i32>} : memref<80x256xf32, #tpu.memory_space<vmem>>, vector<16xf32>,
          %get3A_1222 = arith.index_cast %add3A_1173 : i32 to index
          %get3A_1223 = arith.constant 192 : index
          %get3A_1224 = tpu.vector_load %arg17[%get3A_1222, %get3A_1223] {strides = array<i32>} : memref<80x256xf32, #tpu.memory_space<vmem>>, vector<16xf32>,
          %get3A_1225 = arith.index_cast %add3A_1173 : i32 to index
          %get3A_1226 = arith.constant 208 : index
          %get3A_1227 = tpu.vector_load %arg17[%get3A_1225, %get3A_1226] {strides = array<i32>} : memref<80x256xf32, #tpu.memory_space<vmem>>, vector<16xf32>,
          %get3A_1228 = arith.index_cast %add3A_1173 : i32 to index
          %get3A_1229 = arith.constant 224 : index
          %get3A_1230 = tpu.vector_load %arg17[%get3A_1228, %get3A_1229] {strides = array<i32>} : memref<80x256xf32, #tpu.memory_space<vmem>>, vector<16xf32>,
          %get3A_1231 = arith.index_cast %add3A_1173 : i32 to index
          %get3A_1232 = arith.constant 240 : index
          %get3A_1233 = tpu.vector_load %arg17[%get3A_1231, %get3A_1232] {strides = array<i32>} : memref<80x256xf32, #tpu.memory_space<vmem>>, vector<16xf32>,
          %slice3A_1234 = vector.extract_strided_slice %get3A_1176 {offsets = [0], sizes = [1], strides = [1]} : vector<16xf32> to vector<1xf32>
          %squeeze3A_1235 = vector.extract %slice3A_1234[0] : f32 from vector<1xf32>
          %mul3A_1236 = vector.broadcast %squeeze3A_1235 : f32 to vector<16xf32>
          %mul3A_1237 = arith.mulf %mul3A_1236, %get3A_1188 : vector<16xf32>
          %slice3A_1238 = vector.extract_strided_slice %get3A_1176 {offsets = [1], sizes = [1], strides = [1]} : vector<16xf32> to vector<1xf32>
          %squeeze3A_1239 = vector.extract %slice3A_1238[0] : f32 from vector<1xf32>
          %mul3A_1240 = vector.broadcast %squeeze3A_1239 : f32 to vector<16xf32>
          %mul3A_1241 = arith.mulf %mul3A_1240, %get3A_1194 : vector<16xf32>
          %add3A_1242 = arith.addf %mul3A_1237, %mul3A_1241 : vector<16xf32>
          %slice3A_1243 = vector.extract_strided_slice %get3A_1176 {offsets = [2], sizes = [1], strides = [1]} : vector<16xf32> to vector<1xf32>
          %squeeze3A_1244 = vector.extract %slice3A_1243[0] : f32 from vector<1xf32>
          %mul3A_1245 = vector.broadcast %squeeze3A_1244 : f32 to vector<16xf32>
          %mul3A_1246 = arith.mulf %mul3A_1245, %get3A_1200 : vector<16xf32>
          %add3A_1247 = arith.addf %add3A_1242, %mul3A_1246 : vector<16xf32>
          %slice3A_1248 = vector.extract_strided_slice %get3A_1176 {offsets = [3], sizes = [1], strides = [1]} : vector<16xf32> to vector<1xf32>
          %squeeze3A_1249 = vector.extract %slice3A_1248[0] : f32 from vector<1xf32>
          %mul3A_1250 = vector.broadcast %squeeze3A_1249 : f32 to vector<16xf32>
          %mul3A_1251 = arith.mulf %mul3A_1250, %get3A_1206 : vector<16xf32>
          %add3A_1252 = arith.addf %add3A_1247, %mul3A_1251 : vector<16xf32>
          %slice3A_1253 = vector.extract_strided_slice %get3A_1176 {offsets = [4], sizes = [1], strides = [1]} : vector<16xf32> to vector<1xf32>
          %squeeze3A_1254 = vector.extract %slice3A_1253[0] : f32 from vector<1xf32>
          %mul3A_1255 = vector.broadcast %squeeze3A_1254 : f32 to vector<16xf32>
          %mul3A_1256 = arith.mulf %mul3A_1255, %get3A_1212 : vector<16xf32>
          %add3A_1257 = arith.addf %add3A_1252, %mul3A_1256 : vector<16xf32>
          %slice3A_1258 = vector.extract_strided_slice %get3A_1176 {offsets = [5], sizes = [1], strides = [1]} : vector<16xf32> to vector<1xf32>
          %squeeze3A_1259 = vector.extract %slice3A_1258[0] : f32 from vector<1xf32>
          %mul3A_1260 = vector.broadcast %squeeze3A_1259 : f32 to vector<16xf32>
          %mul3A_1261 = arith.mulf %mul3A_1260, %get3A_1218 : vector<16xf32>
          %add3A_1262 = arith.addf %add3A_1257, %mul3A_1261 : vector<16xf32>
          %slice3A_1263 = vector.extract_strided_slice %get3A_1176 {offsets = [6], sizes = [1], strides = [1]} : vector<16xf32> to vector<1xf32>
          %squeeze3A_1264 = vector.extract %slice3A_1263[0] : f32 from vector<1xf32>
          %mul3A_1265 = vector.broadcast %squeeze3A_1264 : f32 to vector<16xf32>
          %mul3A_1266 = arith.mulf %mul3A_1265, %get3A_1224 : vector<16xf32>
          %add3A_1267 = arith.addf %add3A_1262, %mul3A_1266 : vector<16xf32>
          %slice3A_1268 = vector.extract_strided_slice %get3A_1176 {offsets = [7], sizes = [1], strides = [1]} : vector<16xf32> to vector<1xf32>
          %squeeze3A_1269 = vector.extract %slice3A_1268[0] : f32 from vector<1xf32>
          %mul3A_1270 = vector.broadcast %squeeze3A_1269 : f32 to vector<16xf32>
          %mul3A_1271 = arith.mulf %mul3A_1270, %get3A_1230 : vector<16xf32>
          %add3A_1272 = arith.addf %add3A_1267, %mul3A_1271 : vector<16xf32>
          %swap3A_1273 = arith.constant 0 : index
          %swap3A_1274 = tpu.vector_load %arg21[%swap3A_1273] {strides = array<i32>} : memref<128xf32, #tpu.memory_space<vmem>>, vector<16xf32>,
          tpu.vector_store %arg21[%swap3A_1273], %add3A_1272 {strides = array<i32>} : memref<128xf32, #tpu.memory_space<vmem>>, vector<16xf32>,
          %slice3A_1275 = vector.extract_strided_slice %get3A_1176 {offsets = [0], sizes = [1], strides = [1]} : vector<16xf32> to vector<1xf32>
          %squeeze3A_1276 = vector.extract %slice3A_1275[0] : f32 from vector<1xf32>
          %mul3A_1277 = vector.broadcast %squeeze3A_1276 : f32 to vector<16xf32>
          %mul3A_1278 = arith.mulf %mul3A_1277, %get3A_1191 : vector<16xf32>
          %slice3A_1279 = vector.extract_strided_slice %get3A_1176 {offsets = [1], sizes = [1], strides = [1]} : vector<16xf32> to vector<1xf32>
          %squeeze3A_1280 = vector.extract %slice3A_1279[0] : f32 from vector<1xf32>
          %mul3A_1281 = vector.broadcast %squeeze3A_1280 : f32 to vector<16xf32>
          %mul3A_1282 = arith.mulf %mul3A_1281, %get3A_1197 : vector<16xf32>
          %add3A_1283 = arith.addf %mul3A_1278, %mul3A_1282 : vector<16xf32>
          %slice3A_1284 = vector.extract_strided_slice %get3A_1176 {offsets = [2], sizes = [1], strides = [1]} : vector<16xf32> to vector<1xf32>
          %squeeze3A_1285 = vector.extract %slice3A_1284[0] : f32 from vector<1xf32>
          %mul3A_1286 = vector.broadcast %squeeze3A_1285 : f32 to vector<16xf32>
          %mul3A_1287 = arith.mulf %mul3A_1286, %get3A_1203 : vector<16xf32>
          %add3A_1288 = arith.addf %add3A_1283, %mul3A_1287 : vector<16xf32>
          %slice3A_1289 = vector.extract_strided_slice %get3A_1176 {offsets = [3], sizes = [1], strides = [1]} : vector<16xf32> to vector<1xf32>
          %squeeze3A_1290 = vector.extract %slice3A_1289[0] : f32 from vector<1xf32>
          %mul3A_1291 = vector.broadcast %squeeze3A_1290 : f32 to vector<16xf32>
          %mul3A_1292 = arith.mulf %mul3A_1291, %get3A_1209 : vector<16xf32>
          %add3A_1293 = arith.addf %add3A_1288, %mul3A_1292 : vector<16xf32>
          %slice3A_1294 = vector.extract_strided_slice %get3A_1176 {offsets = [4], sizes = [1], strides = [1]} : vector<16xf32> to vector<1xf32>
          %squeeze3A_1295 = vector.extract %slice3A_1294[0] : f32 from vector<1xf32>
          %mul3A_1296 = vector.broadcast %squeeze3A_1295 : f32 to vector<16xf32>
          %mul3A_1297 = arith.mulf %mul3A_1296, %get3A_1215 : vector<16xf32>
          %add3A_1298 = arith.addf %add3A_1293, %mul3A_1297 : vector<16xf32>
          %slice3A_1299 = vector.extract_strided_slice %get3A_1176 {offsets = [5], sizes = [1], strides = [1]} : vector<16xf32> to vector<1xf32>
          %squeeze3A_1300 = vector.extract %slice3A_1299[0] : f32 from vector<1xf32>
          %mul3A_1301 = vector.broadcast %squeeze3A_1300 : f32 to vector<16xf32>
          %mul3A_1302 = arith.mulf %mul3A_1301, %get3A_1221 : vector<16xf32>
          %add3A_1303 = arith.addf %add3A_1298, %mul3A_1302 : vector<16xf32>
          %slice3A_1304 = vector.extract_strided_slice %get3A_1176 {offsets = [6], sizes = [1], strides = [1]} : vector<16xf32> to vector<1xf32>
          %squeeze3A_1305 = vector.extract %slice3A_1304[0] : f32 from vector<1xf32>
          %mul3A_1306 = vector.broadcast %squeeze3A_1305 : f32 to vector<16xf32>
          %mul3A_1307 = arith.mulf %mul3A_1306, %get3A_1227 : vector<16xf32>
          %add3A_1308 = arith.addf %add3A_1303, %mul3A_1307 : vector<16xf32>
          %slice3A_1309 = vector.extract_strided_slice %get3A_1176 {offsets = [7], sizes = [1], strides = [1]} : vector<16xf32> to vector<1xf32>
          %squeeze3A_1310 = vector.extract %slice3A_1309[0] : f32 from vector<1xf32>
          %mul3A_1311 = vector.broadcast %squeeze3A_1310 : f32 to vector<16xf32>
          %mul3A_1312 = arith.mulf %mul3A_1311, %get3A_1233 : vector<16xf32>
          %add3A_1313 = arith.addf %add3A_1308, %mul3A_1312 : vector<16xf32>
          %swap3A_1314 = arith.constant 16 : index
          %swap3A_1315 = tpu.vector_load %arg21[%swap3A_1314] {strides = array<i32>} : memref<128xf32, #tpu.memory_space<vmem>>, vector<16xf32>,
          tpu.vector_store %arg21[%swap3A_1314], %add3A_1313 {strides = array<i32>} : memref<128xf32, #tpu.memory_space<vmem>>, vector<16xf32>,
          %slice3A_1316 = vector.extract_strided_slice %get3A_1176 {offsets = [8], sizes = [1], strides = [1]} : vector<16xf32> to vector<1xf32>
          %squeeze3A_1317 = vector.extract %slice3A_1316[0] : f32 from vector<1xf32>
          %mul3A_1318 = vector.broadcast %squeeze3A_1317 : f32 to vector<16xf32>
          %mul3A_1319 = arith.mulf %mul3A_1318, %get3A_1188 : vector<16xf32>
          %slice3A_1320 = vector.extract_strided_slice %get3A_1176 {offsets = [9], sizes = [1], strides = [1]} : vector<16xf32> to vector<1xf32>
          %squeeze3A_1321 = vector.extract %slice3A_1320[0] : f32 from vector<1xf32>
          %mul3A_1322 = vector.broadcast %squeeze3A_1321 : f32 to vector<16xf32>
          %mul3A_1323 = arith.mulf %mul3A_1322, %get3A_1194 : vector<16xf32>
          %add3A_1324 = arith.addf %mul3A_1319, %mul3A_1323 : vector<16xf32>
          %slice3A_1325 = vector.extract_strided_slice %get3A_1176 {offsets = [10], sizes = [1], strides = [1]} : vector<16xf32> to vector<1xf32>
          %squeeze3A_1326 = vector.extract %slice3A_1325[0] : f32 from vector<1xf32>
          %mul3A_1327 = vector.broadcast %squeeze3A_1326 : f32 to vector<16xf32>
          %mul3A_1328 = arith.mulf %mul3A_1327, %get3A_1200 : vector<16xf32>
          %add3A_1329 = arith.addf %add3A_1324, %mul3A_1328 : vector<16xf32>
          %slice3A_1330 = vector.extract_strided_slice %get3A_1176 {offsets = [11], sizes = [1], strides = [1]} : vector<16xf32> to vector<1xf32>
          %squeeze3A_1331 = vector.extract %slice3A_1330[0] : f32 from vector<1xf32>
          %mul3A_1332 = vector.broadcast %squeeze3A_1331 : f32 to vector<16xf32>
          %mul3A_1333 = arith.mulf %mul3A_1332, %get3A_1206 : vector<16xf32>
          %add3A_1334 = arith.addf %add3A_1329, %mul3A_1333 : vector<16xf32>
          %slice3A_1335 = vector.extract_strided_slice %get3A_1176 {offsets = [12], sizes = [1], strides = [1]} : vector<16xf32> to vector<1xf32>
          %squeeze3A_1336 = vector.extract %slice3A_1335[0] : f32 from vector<1xf32>
          %mul3A_1337 = vector.broadcast %squeeze3A_1336 : f32 to vector<16xf32>
          %mul3A_1338 = arith.mulf %mul3A_1337, %get3A_1212 : vector<16xf32>
          %add3A_1339 = arith.addf %add3A_1334, %mul3A_1338 : vector<16xf32>
          %slice3A_1340 = vector.extract_strided_slice %get3A_1176 {offsets = [13], sizes = [1], strides = [1]} : vector<16xf32> to vector<1xf32>
          %squeeze3A_1341 = vector.extract %slice3A_1340[0] : f32 from vector<1xf32>
          %mul3A_1342 = vector.broadcast %squeeze3A_1341 : f32 to vector<16xf32>
          %mul3A_1343 = arith.mulf %mul3A_1342, %get3A_1218 : vector<16xf32>
          %add3A_1344 = arith.addf %add3A_1339, %mul3A_1343 : vector<16xf32>
          %slice3A_1345 = vector.extract_strided_slice %get3A_1176 {offsets = [14], sizes = [1], strides = [1]} : vector<16xf32> to vector<1xf32>
          %squeeze3A_1346 = vector.extract %slice3A_1345[0] : f32 from vector<1xf32>
          %mul3A_1347 = vector.broadcast %squeeze3A_1346 : f32 to vector<16xf32>
          %mul3A_1348 = arith.mulf %mul3A_1347, %get3A_1224 : vector<16xf32>
          %add3A_1349 = arith.addf %add3A_1344, %mul3A_1348 : vector<16xf32>
          %slice3A_1350 = vector.extract_strided_slice %get3A_1176 {offsets = [15], sizes = [1], strides = [1]} : vector<16xf32> to vector<1xf32>
          %squeeze3A_1351 = vector.extract %slice3A_1350[0] : f32 from vector<1xf32>
          %mul3A_1352 = vector.broadcast %squeeze3A_1351 : f32 to vector<16xf32>
          %mul3A_1353 = arith.mulf %mul3A_1352, %get3A_1230 : vector<16xf32>
          %add3A_1354 = arith.addf %add3A_1349, %mul3A_1353 : vector<16xf32>
          %swap3A_1355 = arith.constant 32 : index
          %swap3A_1356 = tpu.vector_load %arg21[%swap3A_1355] {strides = array<i32>} : memref<128xf32, #tpu.memory_space<vmem>>, vector<16xf32>,
          tpu.vector_store %arg21[%swap3A_1355], %add3A_1354 {strides = array<i32>} : memref<128xf32, #tpu.memory_space<vmem>>, vector<16xf32>,
          %slice3A_1357 = vector.extract_strided_slice %get3A_1176 {offsets = [8], sizes = [1], strides = [1]} : vector<16xf32> to vector<1xf32>
          %squeeze3A_1358 = vector.extract %slice3A_1357[0] : f32 from vector<1xf32>
          %mul3A_1359 = vector.broadcast %squeeze3A_1358 : f32 to vector<16xf32>
          %mul3A_1360 = arith.mulf %mul3A_1359, %get3A_1191 : vector<16xf32>
          %slice3A_1361 = vector.extract_strided_slice %get3A_1176 {offsets = [9], sizes = [1], strides = [1]} : vector<16xf32> to vector<1xf32>
          %squeeze3A_1362 = vector.extract %slice3A_1361[0] : f32 from vector<1xf32>
          %mul3A_1363 = vector.broadcast %squeeze3A_1362 : f32 to vector<16xf32>
          %mul3A_1364 = arith.mulf %mul3A_1363, %get3A_1197 : vector<16xf32>
          %add3A_1365 = arith.addf %mul3A_1360, %mul3A_1364 : vector<16xf32>
          %slice3A_1366 = vector.extract_strided_slice %get3A_1176 {offsets = [10], sizes = [1], strides = [1]} : vector<16xf32> to vector<1xf32>
          %squeeze3A_1367 = vector.extract %slice3A_1366[0] : f32 from vector<1xf32>
          %mul3A_1368 = vector.broadcast %squeeze3A_1367 : f32 to vector<16xf32>
          %mul3A_1369 = arith.mulf %mul3A_1368, %get3A_1203 : vector<16xf32>
          %add3A_1370 = arith.addf %add3A_1365, %mul3A_1369 : vector<16xf32>
          %slice3A_1371 = vector.extract_strided_slice %get3A_1176 {offsets = [11], sizes = [1], strides = [1]} : vector<16xf32> to vector<1xf32>
          %squeeze3A_1372 = vector.extract %slice3A_1371[0] : f32 from vector<1xf32>
          %mul3A_1373 = vector.broadcast %squeeze3A_1372 : f32 to vector<16xf32>
          %mul3A_1374 = arith.mulf %mul3A_1373, %get3A_1209 : vector<16xf32>
          %add3A_1375 = arith.addf %add3A_1370, %mul3A_1374 : vector<16xf32>
          %slice3A_1376 = vector.extract_strided_slice %get3A_1176 {offsets = [12], sizes = [1], strides = [1]} : vector<16xf32> to vector<1xf32>
          %squeeze3A_1377 = vector.extract %slice3A_1376[0] : f32 from vector<1xf32>
          %mul3A_1378 = vector.broadcast %squeeze3A_1377 : f32 to vector<16xf32>
          %mul3A_1379 = arith.mulf %mul3A_1378, %get3A_1215 : vector<16xf32>
          %add3A_1380 = arith.addf %add3A_1375, %mul3A_1379 : vector<16xf32>
          %slice3A_1381 = vector.extract_strided_slice %get3A_1176 {offsets = [13], sizes = [1], strides = [1]} : vector<16xf32> to vector<1xf32>
          %squeeze3A_1382 = vector.extract %slice3A_1381[0] : f32 from vector<1xf32>
          %mul3A_1383 = vector.broadcast %squeeze3A_1382 : f32 to vector<16xf32>
          %mul3A_1384 = arith.mulf %mul3A_1383, %get3A_1221 : vector<16xf32>
          %add3A_1385 = arith.addf %add3A_1380, %mul3A_1384 : vector<16xf32>
          %slice3A_1386 = vector.extract_strided_slice %get3A_1176 {offsets = [14], sizes = [1], strides = [1]} : vector<16xf32> to vector<1xf32>
          %squeeze3A_1387 = vector.extract %slice3A_1386[0] : f32 from vector<1xf32>
          %mul3A_1388 = vector.broadcast %squeeze3A_1387 : f32 to vector<16xf32>
          %mul3A_1389 = arith.mulf %mul3A_1388, %get3A_1227 : vector<16xf32>
          %add3A_1390 = arith.addf %add3A_1385, %mul3A_1389 : vector<16xf32>
          %slice3A_1391 = vector.extract_strided_slice %get3A_1176 {offsets = [15], sizes = [1], strides = [1]} : vector<16xf32> to vector<1xf32>
          %squeeze3A_1392 = vector.extract %slice3A_1391[0] : f32 from vector<1xf32>
          %mul3A_1393 = vector.broadcast %squeeze3A_1392 : f32 to vector<16xf32>
          %mul3A_1394 = arith.mulf %mul3A_1393, %get3A_1233 : vector<16xf32>
          %add3A_1395 = arith.addf %add3A_1390, %mul3A_1394 : vector<16xf32>
          %swap3A_1396 = arith.constant 48 : index
          %swap3A_1397 = tpu.vector_load %arg21[%swap3A_1396] {strides = array<i32>} : memref<128xf32, #tpu.memory_space<vmem>>, vector<16xf32>,
          tpu.vector_store %arg21[%swap3A_1396], %add3A_1395 {strides = array<i32>} : memref<128xf32, #tpu.memory_space<vmem>>, vector<16xf32>,
          %slice3A_1398 = vector.extract_strided_slice %get3A_1179 {offsets = [0], sizes = [1], strides = [1]} : vector<16xf32> to vector<1xf32>
          %squeeze3A_1399 = vector.extract %slice3A_1398[0] : f32 from vector<1xf32>
          %mul3A_1400 = vector.broadcast %squeeze3A_1399 : f32 to vector<16xf32>
          %mul3A_1401 = arith.mulf %mul3A_1400, %get3A_1188 : vector<16xf32>
          %slice3A_1402 = vector.extract_strided_slice %get3A_1179 {offsets = [1], sizes = [1], strides = [1]} : vector<16xf32> to vector<1xf32>
          %squeeze3A_1403 = vector.extract %slice3A_1402[0] : f32 from vector<1xf32>
          %mul3A_1404 = vector.broadcast %squeeze3A_1403 : f32 to vector<16xf32>
          %mul3A_1405 = arith.mulf %mul3A_1404, %get3A_1194 : vector<16xf32>
          %add3A_1406 = arith.addf %mul3A_1401, %mul3A_1405 : vector<16xf32>
          %slice3A_1407 = vector.extract_strided_slice %get3A_1179 {offsets = [2], sizes = [1], strides = [1]} : vector<16xf32> to vector<1xf32>
          %squeeze3A_1408 = vector.extract %slice3A_1407[0] : f32 from vector<1xf32>
          %mul3A_1409 = vector.broadcast %squeeze3A_1408 : f32 to vector<16xf32>
          %mul3A_1410 = arith.mulf %mul3A_1409, %get3A_1200 : vector<16xf32>
          %add3A_1411 = arith.addf %add3A_1406, %mul3A_1410 : vector<16xf32>
          %slice3A_1412 = vector.extract_strided_slice %get3A_1179 {offsets = [3], sizes = [1], strides = [1]} : vector<16xf32> to vector<1xf32>
          %squeeze3A_1413 = vector.extract %slice3A_1412[0] : f32 from vector<1xf32>
          %mul3A_1414 = vector.broadcast %squeeze3A_1413 : f32 to vector<16xf32>
          %mul3A_1415 = arith.mulf %mul3A_1414, %get3A_1206 : vector<16xf32>
          %add3A_1416 = arith.addf %add3A_1411, %mul3A_1415 : vector<16xf32>
          %slice3A_1417 = vector.extract_strided_slice %get3A_1179 {offsets = [4], sizes = [1], strides = [1]} : vector<16xf32> to vector<1xf32>
          %squeeze3A_1418 = vector.extract %slice3A_1417[0] : f32 from vector<1xf32>
          %mul3A_1419 = vector.broadcast %squeeze3A_1418 : f32 to vector<16xf32>
          %mul3A_1420 = arith.mulf %mul3A_1419, %get3A_1212 : vector<16xf32>
          %add3A_1421 = arith.addf %add3A_1416, %mul3A_1420 : vector<16xf32>
          %slice3A_1422 = vector.extract_strided_slice %get3A_1179 {offsets = [5], sizes = [1], strides = [1]} : vector<16xf32> to vector<1xf32>
          %squeeze3A_1423 = vector.extract %slice3A_1422[0] : f32 from vector<1xf32>
          %mul3A_1424 = vector.broadcast %squeeze3A_1423 : f32 to vector<16xf32>
          %mul3A_1425 = arith.mulf %mul3A_1424, %get3A_1218 : vector<16xf32>
          %add3A_1426 = arith.addf %add3A_1421, %mul3A_1425 : vector<16xf32>
          %slice3A_1427 = vector.extract_strided_slice %get3A_1179 {offsets = [6], sizes = [1], strides = [1]} : vector<16xf32> to vector<1xf32>
          %squeeze3A_1428 = vector.extract %slice3A_1427[0] : f32 from vector<1xf32>
          %mul3A_1429 = vector.broadcast %squeeze3A_1428 : f32 to vector<16xf32>
          %mul3A_1430 = arith.mulf %mul3A_1429, %get3A_1224 : vector<16xf32>
          %add3A_1431 = arith.addf %add3A_1426, %mul3A_1430 : vector<16xf32>
          %slice3A_1432 = vector.extract_strided_slice %get3A_1179 {offsets = [7], sizes = [1], strides = [1]} : vector<16xf32> to vector<1xf32>
          %squeeze3A_1433 = vector.extract %slice3A_1432[0] : f32 from vector<1xf32>
          %mul3A_1434 = vector.broadcast %squeeze3A_1433 : f32 to vector<16xf32>
          %mul3A_1435 = arith.mulf %mul3A_1434, %get3A_1230 : vector<16xf32>
          %add3A_1436 = arith.addf %add3A_1431, %mul3A_1435 : vector<16xf32>
          %swap3A_1437 = arith.constant 64 : index
          %swap3A_1438 = tpu.vector_load %arg21[%swap3A_1437] {strides = array<i32>} : memref<128xf32, #tpu.memory_space<vmem>>, vector<16xf32>,
          tpu.vector_store %arg21[%swap3A_1437], %add3A_1436 {strides = array<i32>} : memref<128xf32, #tpu.memory_space<vmem>>, vector<16xf32>,
          %slice3A_1439 = vector.extract_strided_slice %get3A_1179 {offsets = [0], sizes = [1], strides = [1]} : vector<16xf32> to vector<1xf32>
          %squeeze3A_1440 = vector.extract %slice3A_1439[0] : f32 from vector<1xf32>
          %mul3A_1441 = vector.broadcast %squeeze3A_1440 : f32 to vector<16xf32>
          %mul3A_1442 = arith.mulf %mul3A_1441, %get3A_1191 : vector<16xf32>
          %slice3A_1443 = vector.extract_strided_slice %get3A_1179 {offsets = [1], sizes = [1], strides = [1]} : vector<16xf32> to vector<1xf32>
          %squeeze3A_1444 = vector.extract %slice3A_1443[0] : f32 from vector<1xf32>
          %mul3A_1445 = vector.broadcast %squeeze3A_1444 : f32 to vector<16xf32>
          %mul3A_1446 = arith.mulf %mul3A_1445, %get3A_1197 : vector<16xf32>
          %add3A_1447 = arith.addf %mul3A_1442, %mul3A_1446 : vector<16xf32>
          %slice3A_1448 = vector.extract_strided_slice %get3A_1179 {offsets = [2], sizes = [1], strides = [1]} : vector<16xf32> to vector<1xf32>
          %squeeze3A_1449 = vector.extract %slice3A_1448[0] : f32 from vector<1xf32>
          %mul3A_1450 = vector.broadcast %squeeze3A_1449 : f32 to vector<16xf32>
          %mul3A_1451 = arith.mulf %mul3A_1450, %get3A_1203 : vector<16xf32>
          %add3A_1452 = arith.addf %add3A_1447, %mul3A_1451 : vector<16xf32>
          %slice3A_1453 = vector.extract_strided_slice %get3A_1179 {offsets = [3], sizes = [1], strides = [1]} : vector<16xf32> to vector<1xf32>
          %squeeze3A_1454 = vector.extract %slice3A_1453[0] : f32 from vector<1xf32>
          %mul3A_1455 = vector.broadcast %squeeze3A_1454 : f32 to vector<16xf32>
          %mul3A_1456 = arith.mulf %mul3A_1455, %get3A_1209 : vector<16xf32>
          %add3A_1457 = arith.addf %add3A_1452, %mul3A_1456 : vector<16xf32>
          %slice3A_1458 = vector.extract_strided_slice %get3A_1179 {offsets = [4], sizes = [1], strides = [1]} : vector<16xf32> to vector<1xf32>
          %squeeze3A_1459 = vector.extract %slice3A_1458[0] : f32 from vector<1xf32>
          %mul3A_1460 = vector.broadcast %squeeze3A_1459 : f32 to vector<16xf32>
          %mul3A_1461 = arith.mulf %mul3A_1460, %get3A_1215 : vector<16xf32>
          %add3A_1462 = arith.addf %add3A_1457, %mul3A_1461 : vector<16xf32>
          %slice3A_1463 = vector.extract_strided_slice %get3A_1179 {offsets = [5], sizes = [1], strides = [1]} : vector<16xf32> to vector<1xf32>
          %squeeze3A_1464 = vector.extract %slice3A_1463[0] : f32 from vector<1xf32>
          %mul3A_1465 = vector.broadcast %squeeze3A_1464 : f32 to vector<16xf32>
          %mul3A_1466 = arith.mulf %mul3A_1465, %get3A_1221 : vector<16xf32>
          %add3A_1467 = arith.addf %add3A_1462, %mul3A_1466 : vector<16xf32>
          %slice3A_1468 = vector.extract_strided_slice %get3A_1179 {offsets = [6], sizes = [1], strides = [1]} : vector<16xf32> to vector<1xf32>
          %squeeze3A_1469 = vector.extract %slice3A_1468[0] : f32 from vector<1xf32>
          %mul3A_1470 = vector.broadcast %squeeze3A_1469 : f32 to vector<16xf32>
          %mul3A_1471 = arith.mulf %mul3A_1470, %get3A_1227 : vector<16xf32>
          %add3A_1472 = arith.addf %add3A_1467, %mul3A_1471 : vector<16xf32>
          %slice3A_1473 = vector.extract_strided_slice %get3A_1179 {offsets = [7], sizes = [1], strides = [1]} : vector<16xf32> to vector<1xf32>
          %squeeze3A_1474 = vector.extract %slice3A_1473[0] : f32 from vector<1xf32>
          %mul3A_1475 = vector.broadcast %squeeze3A_1474 : f32 to vector<16xf32>
          %mul3A_1476 = arith.mulf %mul3A_1475, %get3A_1233 : vector<16xf32>
          %add3A_1477 = arith.addf %add3A_1472, %mul3A_1476 : vector<16xf32>
          %swap3A_1478 = arith.constant 80 : index
          %swap3A_1479 = tpu.vector_load %arg21[%swap3A_1478] {strides = array<i32>} : memref<128xf32, #tpu.memory_space<vmem>>, vector<16xf32>,
          tpu.vector_store %arg21[%swap3A_1478], %add3A_1477 {strides = array<i32>} : memref<128xf32, #tpu.memory_space<vmem>>, vector<16xf32>,
          %slice3A_1480 = vector.extract_strided_slice %get3A_1179 {offsets = [8], sizes = [1], strides = [1]} : vector<16xf32> to vector<1xf32>
          %squeeze3A_1481 = vector.extract %slice3A_1480[0] : f32 from vector<1xf32>
          %mul3A_1482 = vector.broadcast %squeeze3A_1481 : f32 to vector<16xf32>
          %mul3A_1483 = arith.mulf %mul3A_1482, %get3A_1188 : vector<16xf32>
          %slice3A_1484 = vector.extract_strided_slice %get3A_1179 {offsets = [9], sizes = [1], strides = [1]} : vector<16xf32> to vector<1xf32>
          %squeeze3A_1485 = vector.extract %slice3A_1484[0] : f32 from vector<1xf32>
          %mul3A_1486 = vector.broadcast %squeeze3A_1485 : f32 to vector<16xf32>
          %mul3A_1487 = arith.mulf %mul3A_1486, %get3A_1194 : vector<16xf32>
          %add3A_1488 = arith.addf %mul3A_1483, %mul3A_1487 : vector<16xf32>
          %slice3A_1489 = vector.extract_strided_slice %get3A_1179 {offsets = [10], sizes = [1], strides = [1]} : vector<16xf32> to vector<1xf32>
          %squeeze3A_1490 = vector.extract %slice3A_1489[0] : f32 from vector<1xf32>
          %mul3A_1491 = vector.broadcast %squeeze3A_1490 : f32 to vector<16xf32>
          %mul3A_1492 = arith.mulf %mul3A_1491, %get3A_1200 : vector<16xf32>
          %add3A_1493 = arith.addf %add3A_1488, %mul3A_1492 : vector<16xf32>
          %slice3A_1494 = vector.extract_strided_slice %get3A_1179 {offsets = [11], sizes = [1], strides = [1]} : vector<16xf32> to vector<1xf32>
          %squeeze3A_1495 = vector.extract %slice3A_1494[0] : f32 from vector<1xf32>
          %mul3A_1496 = vector.broadcast %squeeze3A_1495 : f32 to vector<16xf32>
          %mul3A_1497 = arith.mulf %mul3A_1496, %get3A_1206 : vector<16xf32>
          %add3A_1498 = arith.addf %add3A_1493, %mul3A_1497 : vector<16xf32>
          %slice3A_1499 = vector.extract_strided_slice %get3A_1179 {offsets = [12], sizes = [1], strides = [1]} : vector<16xf32> to vector<1xf32>
          %squeeze3A_1500 = vector.extract %slice3A_1499[0] : f32 from vector<1xf32>
          %mul3A_1501 = vector.broadcast %squeeze3A_1500 : f32 to vector<16xf32>
          %mul3A_1502 = arith.mulf %mul3A_1501, %get3A_1212 : vector<16xf32>
          %add3A_1503 = arith.addf %add3A_1498, %mul3A_1502 : vector<16xf32>
          %slice3A_1504 = vector.extract_strided_slice %get3A_1179 {offsets = [13], sizes = [1], strides = [1]} : vector<16xf32> to vector<1xf32>
          %squeeze3A_1505 = vector.extract %slice3A_1504[0] : f32 from vector<1xf32>
          %mul3A_1506 = vector.broadcast %squeeze3A_1505 : f32 to vector<16xf32>
          %mul3A_1507 = arith.mulf %mul3A_1506, %get3A_1218 : vector<16xf32>
          %add3A_1508 = arith.addf %add3A_1503, %mul3A_1507 : vector<16xf32>
          %slice3A_1509 = vector.extract_strided_slice %get3A_1179 {offsets = [14], sizes = [1], strides = [1]} : vector<16xf32> to vector<1xf32>
          %squeeze3A_1510 = vector.extract %slice3A_1509[0] : f32 from vector<1xf32>
          %mul3A_1511 = vector.broadcast %squeeze3A_1510 : f32 to vector<16xf32>
          %mul3A_1512 = arith.mulf %mul3A_1511, %get3A_1224 : vector<16xf32>
          %add3A_1513 = arith.addf %add3A_1508, %mul3A_1512 : vector<16xf32>
          %slice3A_1514 = vector.extract_strided_slice %get3A_1179 {offsets = [15], sizes = [1], strides = [1]} : vector<16xf32> to vector<1xf32>
          %squeeze3A_1515 = vector.extract %slice3A_1514[0] : f32 from vector<1xf32>
          %mul3A_1516 = vector.broadcast %squeeze3A_1515 : f32 to vector<16xf32>
          %mul3A_1517 = arith.mulf %mul3A_1516, %get3A_1230 : vector<16xf32>
          %add3A_1518 = arith.addf %add3A_1513, %mul3A_1517 : vector<16xf32>
          %swap3A_1519 = arith.constant 96 : index
          %swap3A_1520 = tpu.vector_load %arg21[%swap3A_1519] {strides = array<i32>} : memref<128xf32, #tpu.memory_space<vmem>>, vector<16xf32>,
          tpu.vector_store %arg21[%swap3A_1519], %add3A_1518 {strides = array<i32>} : memref<128xf32, #tpu.memory_space<vmem>>, vector<16xf32>,
          %slice3A_1521 = vector.extract_strided_slice %get3A_1179 {offsets = [8], sizes = [1], strides = [1]} : vector<16xf32> to vector<1xf32>
          %squeeze3A_1522 = vector.extract %slice3A_1521[0] : f32 from vector<1xf32>
          %mul3A_1523 = vector.broadcast %squeeze3A_1522 : f32 to vector<16xf32>
          %mul3A_1524 = arith.mulf %mul3A_1523, %get3A_1191 : vector<16xf32>
          %slice3A_1525 = vector.extract_strided_slice %get3A_1179 {offsets = [9], sizes = [1], strides = [1]} : vector<16xf32> to vector<1xf32>
          %squeeze3A_1526 = vector.extract %slice3A_1525[0] : f32 from vector<1xf32>
          %mul3A_1527 = vector.broadcast %squeeze3A_1526 : f32 to vector<16xf32>
          %mul3A_1528 = arith.mulf %mul3A_1527, %get3A_1197 : vector<16xf32>
          %add3A_1529 = arith.addf %mul3A_1524, %mul3A_1528 : vector<16xf32>
          %slice3A_1530 = vector.extract_strided_slice %get3A_1179 {offsets = [10], sizes = [1], strides = [1]} : vector<16xf32> to vector<1xf32>
          %squeeze3A_1531 = vector.extract %slice3A_1530[0] : f32 from vector<1xf32>
          %mul3A_1532 = vector.broadcast %squeeze3A_1531 : f32 to vector<16xf32>
          %mul3A_1533 = arith.mulf %mul3A_1532, %get3A_1203 : vector<16xf32>
          %add3A_1534 = arith.addf %add3A_1529, %mul3A_1533 : vector<16xf32>
          %slice3A_1535 = vector.extract_strided_slice %get3A_1179 {offsets = [11], sizes = [1], strides = [1]} : vector<16xf32> to vector<1xf32>
          %squeeze3A_1536 = vector.extract %slice3A_1535[0] : f32 from vector<1xf32>
          %mul3A_1537 = vector.broadcast %squeeze3A_1536 : f32 to vector<16xf32>
          %mul3A_1538 = arith.mulf %mul3A_1537, %get3A_1209 : vector<16xf32>
          %add3A_1539 = arith.addf %add3A_1534, %mul3A_1538 : vector<16xf32>
          %slice3A_1540 = vector.extract_strided_slice %get3A_1179 {offsets = [12], sizes = [1], strides = [1]} : vector<16xf32> to vector<1xf32>
          %squeeze3A_1541 = vector.extract %slice3A_1540[0] : f32 from vector<1xf32>
          %mul3A_1542 = vector.broadcast %squeeze3A_1541 : f32 to vector<16xf32>
          %mul3A_1543 = arith.mulf %mul3A_1542, %get3A_1215 : vector<16xf32>
          %add3A_1544 = arith.addf %add3A_1539, %mul3A_1543 : vector<16xf32>
          %slice3A_1545 = vector.extract_strided_slice %get3A_1179 {offsets = [13], sizes = [1], strides = [1]} : vector<16xf32> to vector<1xf32>
          %squeeze3A_1546 = vector.extract %slice3A_1545[0] : f32 from vector<1xf32>
          %mul3A_1547 = vector.broadcast %squeeze3A_1546 : f32 to vector<16xf32>
          %mul3A_1548 = arith.mulf %mul3A_1547, %get3A_1221 : vector<16xf32>
          %add3A_1549 = arith.addf %add3A_1544, %mul3A_1548 : vector<16xf32>
          %slice3A_1550 = vector.extract_strided_slice %get3A_1179 {offsets = [14], sizes = [1], strides = [1]} : vector<16xf32> to vector<1xf32>
          %squeeze3A_1551 = vector.extract %slice3A_1550[0] : f32 from vector<1xf32>
          %mul3A_1552 = vector.broadcast %squeeze3A_1551 : f32 to vector<16xf32>
          %mul3A_1553 = arith.mulf %mul3A_1552, %get3A_1227 : vector<16xf32>
          %add3A_1554 = arith.addf %add3A_1549, %mul3A_1553 : vector<16xf32>
          %slice3A_1555 = vector.extract_strided_slice %get3A_1179 {offsets = [15], sizes = [1], strides = [1]} : vector<16xf32> to vector<1xf32>
          %squeeze3A_1556 = vector.extract %slice3A_1555[0] : f32 from vector<1xf32>
          %mul3A_1557 = vector.broadcast %squeeze3A_1556 : f32 to vector<16xf32>
          %mul3A_1558 = arith.mulf %mul3A_1557, %get3A_1233 : vector<16xf32>
          %add3A_1559 = arith.addf %add3A_1554, %mul3A_1558 : vector<16xf32>
          %swap3A_1560 = arith.constant 112 : index
          %swap3A_1561 = tpu.vector_load %arg21[%swap3A_1560] {strides = array<i32>} : memref<128xf32, #tpu.memory_space<vmem>>, vector<16xf32>,
          tpu.vector_store %arg21[%swap3A_1560], %add3A_1559 {strides = array<i32>} : memref<128xf32, #tpu.memory_space<vmem>>, vector<16xf32>,
          %gather3A_1562 = tpu.vector_load_idx %arg21[%add3A_12] : memref<128xf32, #tpu.memory_space<vmem>>[vector<16xi32>], vector<16xf32>,
          %slice3A_1563 = vector.extract_strided_slice %get3A_1182 {offsets = [0], sizes = [1], strides = [1]} : vector<16xf32> to vector<1xf32>
          %squeeze3A_1564 = vector.extract %slice3A_1563[0] : f32 from vector<1xf32>
          %mul3A_1565 = vector.broadcast %squeeze3A_1564 : f32 to vector<16xf32>
          %mul3A_1566 = arith.mulf %gather3A_1562, %mul3A_1565 : vector<16xf32>
          tpu.vector_store_idx %arg23[%add3A_583], %mul3A_1566 {add = true} : memref<256xf32, #tpu.memory_space<vmem>>[vector<16xi32>], vector<16xf32>,
          %slice3A_1567 = vector.extract_strided_slice %get3A_1182 {offsets = [1], sizes = [1], strides = [1]} : vector<16xf32> to vector<1xf32>
          %squeeze3A_1568 = vector.extract %slice3A_1567[0] : f32 from vector<1xf32>
          %mul3A_1569 = vector.broadcast %squeeze3A_1568 : f32 to vector<16xf32>
          %mul3A_1570 = arith.mulf %gather3A_1562, %mul3A_1569 : vector<16xf32>
          tpu.vector_store_idx %arg23[%add3A_593], %mul3A_1570 {add = true} : memref<256xf32, #tpu.memory_space<vmem>>[vector<16xi32>], vector<16xf32>,
          %slice3A_1571 = vector.extract_strided_slice %get3A_1182 {offsets = [2], sizes = [1], strides = [1]} : vector<16xf32> to vector<1xf32>
          %squeeze3A_1572 = vector.extract %slice3A_1571[0] : f32 from vector<1xf32>
          %mul3A_1573 = vector.broadcast %squeeze3A_1572 : f32 to vector<16xf32>
          %mul3A_1574 = arith.mulf %gather3A_1562, %mul3A_1573 : vector<16xf32>
          tpu.vector_store_idx %arg23[%add3A_603], %mul3A_1574 {add = true} : memref<256xf32, #tpu.memory_space<vmem>>[vector<16xi32>], vector<16xf32>,
          %slice3A_1575 = vector.extract_strided_slice %get3A_1182 {offsets = [3], sizes = [1], strides = [1]} : vector<16xf32> to vector<1xf32>
          %squeeze3A_1576 = vector.extract %slice3A_1575[0] : f32 from vector<1xf32>
          %mul3A_1577 = vector.broadcast %squeeze3A_1576 : f32 to vector<16xf32>
          %mul3A_1578 = arith.mulf %gather3A_1562, %mul3A_1577 : vector<16xf32>
          tpu.vector_store_idx %arg23[%add3A_613], %mul3A_1578 {add = true} : memref<256xf32, #tpu.memory_space<vmem>>[vector<16xi32>], vector<16xf32>,
          %gather3A_1579 = tpu.vector_load_idx %arg21[%add3A_18] : memref<128xf32, #tpu.memory_space<vmem>>[vector<16xi32>], vector<16xf32>,
          %slice3A_1580 = vector.extract_strided_slice %get3A_1182 {offsets = [4], sizes = [1], strides = [1]} : vector<16xf32> to vector<1xf32>
          %squeeze3A_1581 = vector.extract %slice3A_1580[0] : f32 from vector<1xf32>
          %mul3A_1582 = vector.broadcast %squeeze3A_1581 : f32 to vector<16xf32>
          %mul3A_1583 = arith.mulf %gather3A_1579, %mul3A_1582 : vector<16xf32>
          tpu.vector_store_idx %arg23[%add3A_583], %mul3A_1583 {add = true} : memref<256xf32, #tpu.memory_space<vmem>>[vector<16xi32>], vector<16xf32>,
          %slice3A_1584 = vector.extract_strided_slice %get3A_1182 {offsets = [5], sizes = [1], strides = [1]} : vector<16xf32> to vector<1xf32>
          %squeeze3A_1585 = vector.extract %slice3A_1584[0] : f32 from vector<1xf32>
          %mul3A_1586 = vector.broadcast %squeeze3A_1585 : f32 to vector<16xf32>
          %mul3A_1587 = arith.mulf %gather3A_1579, %mul3A_1586 : vector<16xf32>
          tpu.vector_store_idx %arg23[%add3A_593], %mul3A_1587 {add = true} : memref<256xf32, #tpu.memory_space<vmem>>[vector<16xi32>], vector<16xf32>,
          %slice3A_1588 = vector.extract_strided_slice %get3A_1182 {offsets = [6], sizes = [1], strides = [1]} : vector<16xf32> to vector<1xf32>
          %squeeze3A_1589 = vector.extract %slice3A_1588[0] : f32 from vector<1xf32>
          %mul3A_1590 = vector.broadcast %squeeze3A_1589 : f32 to vector<16xf32>
          %mul3A_1591 = arith.mulf %gather3A_1579, %mul3A_1590 : vector<16xf32>
          tpu.vector_store_idx %arg23[%add3A_603], %mul3A_1591 {add = true} : memref<256xf32, #tpu.memory_space<vmem>>[vector<16xi32>], vector<16xf32>,
          %slice3A_1592 = vector.extract_strided_slice %get3A_1182 {offsets = [7], sizes = [1], strides = [1]} : vector<16xf32> to vector<1xf32>
          %squeeze3A_1593 = vector.extract %slice3A_1592[0] : f32 from vector<1xf32>
          %mul3A_1594 = vector.broadcast %squeeze3A_1593 : f32 to vector<16xf32>
          %mul3A_1595 = arith.mulf %gather3A_1579, %mul3A_1594 : vector<16xf32>
          tpu.vector_store_idx %arg23[%add3A_613], %mul3A_1595 {add = true} : memref<256xf32, #tpu.memory_space<vmem>>[vector<16xi32>], vector<16xf32>,
          %gather3A_1596 = tpu.vector_load_idx %arg21[%add3A_24] : memref<128xf32, #tpu.memory_space<vmem>>[vector<16xi32>], vector<16xf32>,
          %slice3A_1597 = vector.extract_strided_slice %get3A_1182 {offsets = [8], sizes = [1], strides = [1]} : vector<16xf32> to vector<1xf32>
          %squeeze3A_1598 = vector.extract %slice3A_1597[0] : f32 from vector<1xf32>
          %mul3A_1599 = vector.broadcast %squeeze3A_1598 : f32 to vector<16xf32>
          %mul3A_1600 = arith.mulf %gather3A_1596, %mul3A_1599 : vector<16xf32>
          tpu.vector_store_idx %arg23[%add3A_583], %mul3A_1600 {add = true} : memref<256xf32, #tpu.memory_space<vmem>>[vector<16xi32>], vector<16xf32>,
          %slice3A_1601 = vector.extract_strided_slice %get3A_1182 {offsets = [9], sizes = [1], strides = [1]} : vector<16xf32> to vector<1xf32>
          %squeeze3A_1602 = vector.extract %slice3A_1601[0] : f32 from vector<1xf32>
          %mul3A_1603 = vector.broadcast %squeeze3A_1602 : f32 to vector<16xf32>
          %mul3A_1604 = arith.mulf %gather3A_1596, %mul3A_1603 : vector<16xf32>
          tpu.vector_store_idx %arg23[%add3A_593], %mul3A_1604 {add = true} : memref<256xf32, #tpu.memory_space<vmem>>[vector<16xi32>], vector<16xf32>,
          %slice3A_1605 = vector.extract_strided_slice %get3A_1182 {offsets = [10], sizes = [1], strides = [1]} : vector<16xf32> to vector<1xf32>
          %squeeze3A_1606 = vector.extract %slice3A_1605[0] : f32 from vector<1xf32>
          %mul3A_1607 = vector.broadcast %squeeze3A_1606 : f32 to vector<16xf32>
          %mul3A_1608 = arith.mulf %gather3A_1596, %mul3A_1607 : vector<16xf32>
          tpu.vector_store_idx %arg23[%add3A_603], %mul3A_1608 {add = true} : memref<256xf32, #tpu.memory_space<vmem>>[vector<16xi32>], vector<16xf32>,
          %slice3A_1609 = vector.extract_strided_slice %get3A_1182 {offsets = [11], sizes = [1], strides = [1]} : vector<16xf32> to vector<1xf32>
          %squeeze3A_1610 = vector.extract %slice3A_1609[0] : f32 from vector<1xf32>
          %mul3A_1611 = vector.broadcast %squeeze3A_1610 : f32 to vector<16xf32>
          %mul3A_1612 = arith.mulf %gather3A_1596, %mul3A_1611 : vector<16xf32>
          tpu.vector_store_idx %arg23[%add3A_613], %mul3A_1612 {add = true} : memref<256xf32, #tpu.memory_space<vmem>>[vector<16xi32>], vector<16xf32>,
          %gather3A_1613 = tpu.vector_load_idx %arg21[%add3A_30] : memref<128xf32, #tpu.memory_space<vmem>>[vector<16xi32>], vector<16xf32>,
          %slice3A_1614 = vector.extract_strided_slice %get3A_1182 {offsets = [12], sizes = [1], strides = [1]} : vector<16xf32> to vector<1xf32>
          %squeeze3A_1615 = vector.extract %slice3A_1614[0] : f32 from vector<1xf32>
          %mul3A_1616 = vector.broadcast %squeeze3A_1615 : f32 to vector<16xf32>
          %mul3A_1617 = arith.mulf %gather3A_1613, %mul3A_1616 : vector<16xf32>
          tpu.vector_store_idx %arg23[%add3A_583], %mul3A_1617 {add = true} : memref<256xf32, #tpu.memory_space<vmem>>[vector<16xi32>], vector<16xf32>,
          %slice3A_1618 = vector.extract_strided_slice %get3A_1182 {offsets = [13], sizes = [1], strides = [1]} : vector<16xf32> to vector<1xf32>
          %squeeze3A_1619 = vector.extract %slice3A_1618[0] : f32 from vector<1xf32>
          %mul3A_1620 = vector.broadcast %squeeze3A_1619 : f32 to vector<16xf32>
          %mul3A_1621 = arith.mulf %gather3A_1613, %mul3A_1620 : vector<16xf32>
          tpu.vector_store_idx %arg23[%add3A_593], %mul3A_1621 {add = true} : memref<256xf32, #tpu.memory_space<vmem>>[vector<16xi32>], vector<16xf32>,
          %slice3A_1622 = vector.extract_strided_slice %get3A_1182 {offsets = [14], sizes = [1], strides = [1]} : vector<16xf32> to vector<1xf32>
          %squeeze3A_1623 = vector.extract %slice3A_1622[0] : f32 from vector<1xf32>
          %mul3A_1624 = vector.broadcast %squeeze3A_1623 : f32 to vector<16xf32>
          %mul3A_1625 = arith.mulf %gather3A_1613, %mul3A_1624 : vector<16xf32>
          tpu.vector_store_idx %arg23[%add3A_603], %mul3A_1625 {add = true} : memref<256xf32, #tpu.memory_space<vmem>>[vector<16xi32>], vector<16xf32>,
          %slice3A_1626 = vector.extract_strided_slice %get3A_1182 {offsets = [15], sizes = [1], strides = [1]} : vector<16xf32> to vector<1xf32>
          %squeeze3A_1627 = vector.extract %slice3A_1626[0] : f32 from vector<1xf32>
          %mul3A_1628 = vector.broadcast %squeeze3A_1627 : f32 to vector<16xf32>
          %mul3A_1629 = arith.mulf %gather3A_1613, %mul3A_1628 : vector<16xf32>
          tpu.vector_store_idx %arg23[%add3A_613], %mul3A_1629 {add = true} : memref<256xf32, #tpu.memory_space<vmem>>[vector<16xi32>], vector<16xf32>,
          %gather3A_1630 = tpu.vector_load_idx %arg21[%add3A_36] : memref<128xf32, #tpu.memory_space<vmem>>[vector<16xi32>], vector<16xf32>,
          %slice3A_1631 = vector.extract_strided_slice %get3A_1185 {offsets = [0], sizes = [1], strides = [1]} : vector<16xf32> to vector<1xf32>
          %squeeze3A_1632 = vector.extract %slice3A_1631[0] : f32 from vector<1xf32>
          %mul3A_1633 = vector.broadcast %squeeze3A_1632 : f32 to vector<16xf32>
          %mul3A_1634 = arith.mulf %gather3A_1630, %mul3A_1633 : vector<16xf32>
          tpu.vector_store_idx %arg23[%add3A_583], %mul3A_1634 {add = true} : memref<256xf32, #tpu.memory_space<vmem>>[vector<16xi32>], vector<16xf32>,
          %slice3A_1635 = vector.extract_strided_slice %get3A_1185 {offsets = [1], sizes = [1], strides = [1]} : vector<16xf32> to vector<1xf32>
          %squeeze3A_1636 = vector.extract %slice3A_1635[0] : f32 from vector<1xf32>
          %mul3A_1637 = vector.broadcast %squeeze3A_1636 : f32 to vector<16xf32>
          %mul3A_1638 = arith.mulf %gather3A_1630, %mul3A_1637 : vector<16xf32>
          tpu.vector_store_idx %arg23[%add3A_593], %mul3A_1638 {add = true} : memref<256xf32, #tpu.memory_space<vmem>>[vector<16xi32>], vector<16xf32>,
          %slice3A_1639 = vector.extract_strided_slice %get3A_1185 {offsets = [2], sizes = [1], strides = [1]} : vector<16xf32> to vector<1xf32>
          %squeeze3A_1640 = vector.extract %slice3A_1639[0] : f32 from vector<1xf32>
          %mul3A_1641 = vector.broadcast %squeeze3A_1640 : f32 to vector<16xf32>
          %mul3A_1642 = arith.mulf %gather3A_1630, %mul3A_1641 : vector<16xf32>
          tpu.vector_store_idx %arg23[%add3A_603], %mul3A_1642 {add = true} : memref<256xf32, #tpu.memory_space<vmem>>[vector<16xi32>], vector<16xf32>,
          %slice3A_1643 = vector.extract_strided_slice %get3A_1185 {offsets = [3], sizes = [1], strides = [1]} : vector<16xf32> to vector<1xf32>
          %squeeze3A_1644 = vector.extract %slice3A_1643[0] : f32 from vector<1xf32>
          %mul3A_1645 = vector.broadcast %squeeze3A_1644 : f32 to vector<16xf32>
          %mul3A_1646 = arith.mulf %gather3A_1630, %mul3A_1645 : vector<16xf32>
          tpu.vector_store_idx %arg23[%add3A_613], %mul3A_1646 {add = true} : memref<256xf32, #tpu.memory_space<vmem>>[vector<16xi32>], vector<16xf32>,
          %gather3A_1647 = tpu.vector_load_idx %arg21[%add3A_42] : memref<128xf32, #tpu.memory_space<vmem>>[vector<16xi32>], vector<16xf32>,
          %slice3A_1648 = vector.extract_strided_slice %get3A_1185 {offsets = [4], sizes = [1], strides = [1]} : vector<16xf32> to vector<1xf32>
          %squeeze3A_1649 = vector.extract %slice3A_1648[0] : f32 from vector<1xf32>
          %mul3A_1650 = vector.broadcast %squeeze3A_1649 : f32 to vector<16xf32>
          %mul3A_1651 = arith.mulf %gather3A_1647, %mul3A_1650 : vector<16xf32>
          tpu.vector_store_idx %arg23[%add3A_583], %mul3A_1651 {add = true} : memref<256xf32, #tpu.memory_space<vmem>>[vector<16xi32>], vector<16xf32>,
          %slice3A_1652 = vector.extract_strided_slice %get3A_1185 {offsets = [5], sizes = [1], strides = [1]} : vector<16xf32> to vector<1xf32>
          %squeeze3A_1653 = vector.extract %slice3A_1652[0] : f32 from vector<1xf32>
          %mul3A_1654 = vector.broadcast %squeeze3A_1653 : f32 to vector<16xf32>
          %mul3A_1655 = arith.mulf %gather3A_1647, %mul3A_1654 : vector<16xf32>
          tpu.vector_store_idx %arg23[%add3A_593], %mul3A_1655 {add = true} : memref<256xf32, #tpu.memory_space<vmem>>[vector<16xi32>], vector<16xf32>,
          %slice3A_1656 = vector.extract_strided_slice %get3A_1185 {offsets = [6], sizes = [1], strides = [1]} : vector<16xf32> to vector<1xf32>
          %squeeze3A_1657 = vector.extract %slice3A_1656[0] : f32 from vector<1xf32>
          %mul3A_1658 = vector.broadcast %squeeze3A_1657 : f32 to vector<16xf32>
          %mul3A_1659 = arith.mulf %gather3A_1647, %mul3A_1658 : vector<16xf32>
          tpu.vector_store_idx %arg23[%add3A_603], %mul3A_1659 {add = true} : memref<256xf32, #tpu.memory_space<vmem>>[vector<16xi32>], vector<16xf32>,
          %slice3A_1660 = vector.extract_strided_slice %get3A_1185 {offsets = [7], sizes = [1], strides = [1]} : vector<16xf32> to vector<1xf32>
          %squeeze3A_1661 = vector.extract %slice3A_1660[0] : f32 from vector<1xf32>
          %mul3A_1662 = vector.broadcast %squeeze3A_1661 : f32 to vector<16xf32>
          %mul3A_1663 = arith.mulf %gather3A_1647, %mul3A_1662 : vector<16xf32>
          tpu.vector_store_idx %arg23[%add3A_613], %mul3A_1663 {add = true} : memref<256xf32, #tpu.memory_space<vmem>>[vector<16xi32>], vector<16xf32>,
          %gather3A_1664 = tpu.vector_load_idx %arg21[%add3A_48] : memref<128xf32, #tpu.memory_space<vmem>>[vector<16xi32>], vector<16xf32>,
          %slice3A_1665 = vector.extract_strided_slice %get3A_1185 {offsets = [8], sizes = [1], strides = [1]} : vector<16xf32> to vector<1xf32>
          %squeeze3A_1666 = vector.extract %slice3A_1665[0] : f32 from vector<1xf32>
          %mul3A_1667 = vector.broadcast %squeeze3A_1666 : f32 to vector<16xf32>
          %mul3A_1668 = arith.mulf %gather3A_1664, %mul3A_1667 : vector<16xf32>
          tpu.vector_store_idx %arg23[%add3A_583], %mul3A_1668 {add = true} : memref<256xf32, #tpu.memory_space<vmem>>[vector<16xi32>], vector<16xf32>,
          %slice3A_1669 = vector.extract_strided_slice %get3A_1185 {offsets = [9], sizes = [1], strides = [1]} : vector<16xf32> to vector<1xf32>
          %squeeze3A_1670 = vector.extract %slice3A_1669[0] : f32 from vector<1xf32>
          %mul3A_1671 = vector.broadcast %squeeze3A_1670 : f32 to vector<16xf32>
          %mul3A_1672 = arith.mulf %gather3A_1664, %mul3A_1671 : vector<16xf32>
          tpu.vector_store_idx %arg23[%add3A_593], %mul3A_1672 {add = true} : memref<256xf32, #tpu.memory_space<vmem>>[vector<16xi32>], vector<16xf32>,
          %slice3A_1673 = vector.extract_strided_slice %get3A_1185 {offsets = [10], sizes = [1], strides = [1]} : vector<16xf32> to vector<1xf32>
          %squeeze3A_1674 = vector.extract %slice3A_1673[0] : f32 from vector<1xf32>
          %mul3A_1675 = vector.broadcast %squeeze3A_1674 : f32 to vector<16xf32>
          %mul3A_1676 = arith.mulf %gather3A_1664, %mul3A_1675 : vector<16xf32>
          tpu.vector_store_idx %arg23[%add3A_603], %mul3A_1676 {add = true} : memref<256xf32, #tpu.memory_space<vmem>>[vector<16xi32>], vector<16xf32>,
          %slice3A_1677 = vector.extract_strided_slice %get3A_1185 {offsets = [11], sizes = [1], strides = [1]} : vector<16xf32> to vector<1xf32>
          %squeeze3A_1678 = vector.extract %slice3A_1677[0] : f32 from vector<1xf32>
          %mul3A_1679 = vector.broadcast %squeeze3A_1678 : f32 to vector<16xf32>
          %mul3A_1680 = arith.mulf %gather3A_1664, %mul3A_1679 : vector<16xf32>
          tpu.vector_store_idx %arg23[%add3A_613], %mul3A_1680 {add = true} : memref<256xf32, #tpu.memory_space<vmem>>[vector<16xi32>], vector<16xf32>,
          %gather3A_1681 = tpu.vector_load_idx %arg21[%add3A_54] : memref<128xf32, #tpu.memory_space<vmem>>[vector<16xi32>], vector<16xf32>,
          %slice3A_1682 = vector.extract_strided_slice %get3A_1185 {offsets = [12], sizes = [1], strides = [1]} : vector<16xf32> to vector<1xf32>
          %squeeze3A_1683 = vector.extract %slice3A_1682[0] : f32 from vector<1xf32>
          %mul3A_1684 = vector.broadcast %squeeze3A_1683 : f32 to vector<16xf32>
          %mul3A_1685 = arith.mulf %gather3A_1681, %mul3A_1684 : vector<16xf32>
          tpu.vector_store_idx %arg23[%add3A_583], %mul3A_1685 {add = true} : memref<256xf32, #tpu.memory_space<vmem>>[vector<16xi32>], vector<16xf32>,
          %slice3A_1686 = vector.extract_strided_slice %get3A_1185 {offsets = [13], sizes = [1], strides = [1]} : vector<16xf32> to vector<1xf32>
          %squeeze3A_1687 = vector.extract %slice3A_1686[0] : f32 from vector<1xf32>
          %mul3A_1688 = vector.broadcast %squeeze3A_1687 : f32 to vector<16xf32>
          %mul3A_1689 = arith.mulf %gather3A_1681, %mul3A_1688 : vector<16xf32>
          tpu.vector_store_idx %arg23[%add3A_593], %mul3A_1689 {add = true} : memref<256xf32, #tpu.memory_space<vmem>>[vector<16xi32>], vector<16xf32>,
          %slice3A_1690 = vector.extract_strided_slice %get3A_1185 {offsets = [14], sizes = [1], strides = [1]} : vector<16xf32> to vector<1xf32>
          %squeeze3A_1691 = vector.extract %slice3A_1690[0] : f32 from vector<1xf32>
          %mul3A_1692 = vector.broadcast %squeeze3A_1691 : f32 to vector<16xf32>
          %mul3A_1693 = arith.mulf %gather3A_1681, %mul3A_1692 : vector<16xf32>
          tpu.vector_store_idx %arg23[%add3A_603], %mul3A_1693 {add = true} : memref<256xf32, #tpu.memory_space<vmem>>[vector<16xi32>], vector<16xf32>,
          %slice3A_1694 = vector.extract_strided_slice %get3A_1185 {offsets = [15], sizes = [1], strides = [1]} : vector<16xf32> to vector<1xf32>
          %squeeze3A_1695 = vector.extract %slice3A_1694[0] : f32 from vector<1xf32>
          %mul3A_1696 = vector.broadcast %squeeze3A_1695 : f32 to vector<16xf32>
          %mul3A_1697 = arith.mulf %gather3A_1681, %mul3A_1696 : vector<16xf32>
          tpu.vector_store_idx %arg23[%add3A_613], %mul3A_1697 {add = true} : memref<256xf32, #tpu.memory_space<vmem>>[vector<16xi32>], vector<16xf32>,
        }
        %scan3A_644 = arith.constant 10 : i32
      }
      %scan3A_565 = arith.constant 4 : i32
      %dma_start3A_566 = tpu.memref_slice %arg6[%add3A_554] : memref<1703936xf32, #tpu.memory_space<hbm>> -> memref<256xf32, #tpu.memory_space<hbm>>
      %dma_start3A_567 = tpu.memref_slice %arg6[%add3A_554] : memref<1703936xf32, #tpu.memory_space<hbm>> -> memref<256xf32, #tpu.memory_space<hbm>>
      tpu.enqueue_dma source(%arg23 : memref<256xf32, #tpu.memory_space<vmem>>) target(%dma_start3A_567 : memref<256xf32, #tpu.memory_space<hbm>>) target_semaphore(%arg31 : memref<!tpu.dma_semaphore, #tpu.memory_space<semaphore_mem>>)
      %lt3A_568 = arith.constant 103 : i32
      %lt3A_569 = arith.cmpi slt, %scan3A_505, %lt3A_568 : i32
      %convert_element_type3A_570 = arith.extui %lt3A_569 : i1 to i32
      %cond3A_571 = arith.constant 0 : i32
      %cond3A_572 = arith.cmpi ne, %convert_element_type3A_570, %cond3A_571 : i32
      scf.if %cond3A_572 {
        %mul3A_573 = arith.constant 2 : i32
        %mul3A_574 = arith.muli %mul3A_573, %scan3A_505 : i32
        %add3A_575 = arith.constant 3 : i32
        %add3A_576 = arith.addi %mul3A_574, %add3A_575 : i32
        %mul3A_577 = arith.constant 80 : i32
        %mul3A_578 = arith.muli %add3A_576, %mul3A_577 : i32
        %add3A_579 = arith.addi %mul3A_2, %mul3A_578 : i32
        %jit3A_580 = arith.constant 20480 : i32
        %div3A_581 = arith.divsi %add3A_579, %jit3A_580 : i32
        %sign3A_582 = arith.constant 0 : i32
        %sign3A_583 = arith.cmpi sgt, %add3A_579, %sign3A_582 : i32
        %sign3A_584 = arith.extui %sign3A_583 : i1 to i32
        %sign3A_585 = arith.constant 0 : i32
        %sign3A_586 = arith.cmpi slt, %add3A_579, %sign3A_585 : i32
        %sign3A_587 = arith.extui %sign3A_586 : i1 to i32
        %sign3A_588 = arith.subi %sign3A_584, %sign3A_587 : i32
        %sign3A_589 = arith.constant 0 : i32
        %sign3A_590 = arith.cmpi sgt, %jit3A_580, %sign3A_589 : i32
        %sign3A_591 = arith.extui %sign3A_590 : i1 to i32
        %sign3A_592 = arith.constant 0 : i32
        %sign3A_593 = arith.cmpi slt, %jit3A_580, %sign3A_592 : i32
        %sign3A_594 = arith.extui %sign3A_593 : i1 to i32
        %sign3A_595 = arith.subi %sign3A_591, %sign3A_594 : i32
        %ne3A_596 = arith.cmpi ne, %sign3A_588, %sign3A_595 : i32
        %rem3A_597 = arith.remsi %add3A_579, %jit3A_580 : i32
        %ne3A_598 = arith.constant 0 : i32
        %ne3A_599 = arith.cmpi ne, %rem3A_597, %ne3A_598 : i32
        %and3A_600 = arith.andi %ne3A_596, %ne3A_599 : i1
        %sub3A_601 = arith.constant 1 : i32
        %sub3A_602 = arith.subi %div3A_581, %sub3A_601 : i32
        %select_n3A_603 = arith.select %and3A_600, %sub3A_602, %div3A_581 : i32
        %mul3A_604 = arith.constant 100 : i32
        %mul3A_605 = arith.muli %select_n3A_603, %mul3A_604 : i32
        %mul3A_606 = arith.constant 80 : i32
        %mul3A_607 = arith.muli %add3A_576, %mul3A_606 : i32
        %add3A_608 = arith.constant 0 : i32
        %add3A_609 = arith.addi %mul3A_607, %add3A_608 : i32
        %get3A_610 = arith.index_cast %add3A_609 : i32 to index
        %get3A_611 = tpu.vector_load %arg7[%get3A_610] {strides = array<i32>} : memref<16640xi32, #tpu.memory_space<vmem>>, vector<16xi32>,
        %convert_element_type3A_612 = arith.sitofp %get3A_611 : vector<16xi32> to vector<16xf32>
        %mul3A_613 = arith.constant 0.00999999977 : f32
        %mul3A_614 = vector.broadcast %mul3A_613 : f32 to vector<16xf32>
        %mul3A_615 = arith.mulf %convert_element_type3A_612, %mul3A_614 : vector<16xf32>
        %add3A_616 = arith.constant 5.000000e-03 : f32
        %add3A_617 = vector.broadcast %add3A_616 : f32 to vector<16xf32>
        %add3A_618 = arith.addf %mul3A_615, %add3A_617 : vector<16xf32>
        %convert_element_type3A_619 = arith.fptosi %add3A_618 : vector<16xf32> to vector<16xi32>
        %convert_element_type3A_620 = arith.sitofp %convert_element_type3A_619 : vector<16xi32> to vector<16xf32>
        %mul3A_621 = arith.constant 0.00999999977 : f32
        %mul3A_622 = vector.broadcast %mul3A_621 : f32 to vector<16xf32>
        %mul3A_623 = arith.mulf %convert_element_type3A_620, %mul3A_622 : vector<16xf32>
        %add3A_624 = arith.constant 5.000000e-03 : f32
        %add3A_625 = vector.broadcast %add3A_624 : f32 to vector<16xf32>
        %add3A_626 = arith.addf %mul3A_623, %add3A_625 : vector<16xf32>
        %convert_element_type3A_627 = arith.fptosi %add3A_626 : vector<16xf32> to vector<16xi32>
        %add3A_628 = vector.broadcast %mul3A_605 : i32 to vector<16xi32>
        %add3A_629 = arith.addi %add3A_628, %convert_element_type3A_627 : vector<16xi32>
        %swap3A_630 = arith.constant 0 : index
        %swap3A_631 = tpu.vector_load %arg11[%swap3A_630] {strides = array<i32>} : memref<80xi32, #tpu.memory_space<vmem>>, vector<16xi32>,
        tpu.vector_store %arg11[%swap3A_630], %add3A_629 {strides = array<i32>} : memref<80xi32, #tpu.memory_space<vmem>>, vector<16xi32>,
        %mul3A_632 = arith.constant 100 : i32
        %mul3A_633 = vector.broadcast %mul3A_632 : i32 to vector<16xi32>
        %mul3A_634 = arith.muli %convert_element_type3A_627, %mul3A_633 : vector<16xi32>
        %sub3A_635 = arith.subi %convert_element_type3A_619, %mul3A_634 : vector<16xi32>
        %add3A_636 = vector.broadcast %mul3A_605 : i32 to vector<16xi32>
        %add3A_637 = arith.addi %add3A_636, %sub3A_635 : vector<16xi32>
        %swap3A_638 = arith.constant 0 : index
        %swap3A_639 = tpu.vector_load %arg12[%swap3A_638] {strides = array<i32>} : memref<80xi32, #tpu.memory_space<vmem>>, vector<16xi32>,
        tpu.vector_store %arg12[%swap3A_638], %add3A_637 {strides = array<i32>} : memref<80xi32, #tpu.memory_space<vmem>>, vector<16xi32>,
        %mul3A_640 = arith.constant 100 : i32
        %mul3A_641 = vector.broadcast %mul3A_640 : i32 to vector<16xi32>
        %mul3A_642 = arith.muli %convert_element_type3A_619, %mul3A_641 : vector<16xi32>
        %sub3A_643 = arith.subi %get3A_611, %mul3A_642 : vector<16xi32>
        %add3A_644 = vector.broadcast %mul3A_605 : i32 to vector<16xi32>
        %add3A_645 = arith.addi %add3A_644, %sub3A_643 : vector<16xi32>
        %swap3A_646 = arith.constant 0 : index
        %swap3A_647 = tpu.vector_load %arg13[%swap3A_646] {strides = array<i32>} : memref<80xi32, #tpu.memory_space<vmem>>, vector<16xi32>,
        tpu.vector_store %arg13[%swap3A_646], %add3A_645 {strides = array<i32>} : memref<80xi32, #tpu.memory_space<vmem>>, vector<16xi32>,
        %mul3A_648 = arith.constant 80 : i32
        %mul3A_649 = arith.muli %add3A_576, %mul3A_648 : i32
        %add3A_650 = arith.constant 16 : i32
        %add3A_651 = arith.addi %mul3A_649, %add3A_650 : i32
        %get3A_652 = arith.index_cast %add3A_651 : i32 to index
        %get3A_653 = tpu.vector_load %arg7[%get3A_652] {strides = array<i32>} : memref<16640xi32, #tpu.memory_space<vmem>>, vector<16xi32>,
        %convert_element_type3A_654 = arith.sitofp %get3A_653 : vector<16xi32> to vector<16xf32>
        %mul3A_655 = arith.constant 0.00999999977 : f32
        %mul3A_656 = vector.broadcast %mul3A_655 : f32 to vector<16xf32>
        %mul3A_657 = arith.mulf %convert_element_type3A_654, %mul3A_656 : vector<16xf32>
        %add3A_658 = arith.constant 5.000000e-03 : f32
        %add3A_659 = vector.broadcast %add3A_658 : f32 to vector<16xf32>
        %add3A_660 = arith.addf %mul3A_657, %add3A_659 : vector<16xf32>
        %convert_element_type3A_661 = arith.fptosi %add3A_660 : vector<16xf32> to vector<16xi32>
        %convert_element_type3A_662 = arith.sitofp %convert_element_type3A_661 : vector<16xi32> to vector<16xf32>
        %mul3A_663 = arith.constant 0.00999999977 : f32
        %mul3A_664 = vector.broadcast %mul3A_663 : f32 to vector<16xf32>
        %mul3A_665 = arith.mulf %convert_element_type3A_662, %mul3A_664 : vector<16xf32>
        %add3A_666 = arith.constant 5.000000e-03 : f32
        %add3A_667 = vector.broadcast %add3A_666 : f32 to vector<16xf32>
        %add3A_668 = arith.addf %mul3A_665, %add3A_667 : vector<16xf32>
        %convert_element_type3A_669 = arith.fptosi %add3A_668 : vector<16xf32> to vector<16xi32>
        %add3A_670 = vector.broadcast %mul3A_605 : i32 to vector<16xi32>
        %add3A_671 = arith.addi %add3A_670, %convert_element_type3A_669 : vector<16xi32>
        %swap3A_672 = arith.constant 16 : index
        %swap3A_673 = tpu.vector_load %arg11[%swap3A_672] {strides = array<i32>} : memref<80xi32, #tpu.memory_space<vmem>>, vector<16xi32>,
        tpu.vector_store %arg11[%swap3A_672], %add3A_671 {strides = array<i32>} : memref<80xi32, #tpu.memory_space<vmem>>, vector<16xi32>,
        %mul3A_674 = arith.constant 100 : i32
        %mul3A_675 = vector.broadcast %mul3A_674 : i32 to vector<16xi32>
        %mul3A_676 = arith.muli %convert_element_type3A_669, %mul3A_675 : vector<16xi32>
        %sub3A_677 = arith.subi %convert_element_type3A_661, %mul3A_676 : vector<16xi32>
        %add3A_678 = vector.broadcast %mul3A_605 : i32 to vector<16xi32>
        %add3A_679 = arith.addi %add3A_678, %sub3A_677 : vector<16xi32>
        %swap3A_680 = arith.constant 16 : index
        %swap3A_681 = tpu.vector_load %arg12[%swap3A_680] {strides = array<i32>} : memref<80xi32, #tpu.memory_space<vmem>>, vector<16xi32>,
        tpu.vector_store %arg12[%swap3A_680], %add3A_679 {strides = array<i32>} : memref<80xi32, #tpu.memory_space<vmem>>, vector<16xi32>,
        %mul3A_682 = arith.constant 100 : i32
        %mul3A_683 = vector.broadcast %mul3A_682 : i32 to vector<16xi32>
        %mul3A_684 = arith.muli %convert_element_type3A_661, %mul3A_683 : vector<16xi32>
        %sub3A_685 = arith.subi %get3A_653, %mul3A_684 : vector<16xi32>
        %add3A_686 = vector.broadcast %mul3A_605 : i32 to vector<16xi32>
        %add3A_687 = arith.addi %add3A_686, %sub3A_685 : vector<16xi32>
        %swap3A_688 = arith.constant 16 : index
        %swap3A_689 = tpu.vector_load %arg13[%swap3A_688] {strides = array<i32>} : memref<80xi32, #tpu.memory_space<vmem>>, vector<16xi32>,
        tpu.vector_store %arg13[%swap3A_688], %add3A_687 {strides = array<i32>} : memref<80xi32, #tpu.memory_space<vmem>>, vector<16xi32>,
        %mul3A_690 = arith.constant 80 : i32
        %mul3A_691 = arith.muli %add3A_576, %mul3A_690 : i32
        %add3A_692 = arith.constant 32 : i32
        %add3A_693 = arith.addi %mul3A_691, %add3A_692 : i32
        %get3A_694 = arith.index_cast %add3A_693 : i32 to index
        %get3A_695 = tpu.vector_load %arg7[%get3A_694] {strides = array<i32>} : memref<16640xi32, #tpu.memory_space<vmem>>, vector<16xi32>,
        %convert_element_type3A_696 = arith.sitofp %get3A_695 : vector<16xi32> to vector<16xf32>
        %mul3A_697 = arith.constant 0.00999999977 : f32
        %mul3A_698 = vector.broadcast %mul3A_697 : f32 to vector<16xf32>
        %mul3A_699 = arith.mulf %convert_element_type3A_696, %mul3A_698 : vector<16xf32>
        %add3A_700 = arith.constant 5.000000e-03 : f32
        %add3A_701 = vector.broadcast %add3A_700 : f32 to vector<16xf32>
        %add3A_702 = arith.addf %mul3A_699, %add3A_701 : vector<16xf32>
        %convert_element_type3A_703 = arith.fptosi %add3A_702 : vector<16xf32> to vector<16xi32>
        %convert_element_type3A_704 = arith.sitofp %convert_element_type3A_703 : vector<16xi32> to vector<16xf32>
        %mul3A_705 = arith.constant 0.00999999977 : f32
        %mul3A_706 = vector.broadcast %mul3A_705 : f32 to vector<16xf32>
        %mul3A_707 = arith.mulf %convert_element_type3A_704, %mul3A_706 : vector<16xf32>
        %add3A_708 = arith.constant 5.000000e-03 : f32
        %add3A_709 = vector.broadcast %add3A_708 : f32 to vector<16xf32>
        %add3A_710 = arith.addf %mul3A_707, %add3A_709 : vector<16xf32>
        %convert_element_type3A_711 = arith.fptosi %add3A_710 : vector<16xf32> to vector<16xi32>
        %add3A_712 = vector.broadcast %mul3A_605 : i32 to vector<16xi32>
        %add3A_713 = arith.addi %add3A_712, %convert_element_type3A_711 : vector<16xi32>
        %swap3A_714 = arith.constant 32 : index
        %swap3A_715 = tpu.vector_load %arg11[%swap3A_714] {strides = array<i32>} : memref<80xi32, #tpu.memory_space<vmem>>, vector<16xi32>,
        tpu.vector_store %arg11[%swap3A_714], %add3A_713 {strides = array<i32>} : memref<80xi32, #tpu.memory_space<vmem>>, vector<16xi32>,
        %mul3A_716 = arith.constant 100 : i32
        %mul3A_717 = vector.broadcast %mul3A_716 : i32 to vector<16xi32>
        %mul3A_718 = arith.muli %convert_element_type3A_711, %mul3A_717 : vector<16xi32>
        %sub3A_719 = arith.subi %convert_element_type3A_703, %mul3A_718 : vector<16xi32>
        %add3A_720 = vector.broadcast %mul3A_605 : i32 to vector<16xi32>
        %add3A_721 = arith.addi %add3A_720, %sub3A_719 : vector<16xi32>
        %swap3A_722 = arith.constant 32 : index
        %swap3A_723 = tpu.vector_load %arg12[%swap3A_722] {strides = array<i32>} : memref<80xi32, #tpu.memory_space<vmem>>, vector<16xi32>,
        tpu.vector_store %arg12[%swap3A_722], %add3A_721 {strides = array<i32>} : memref<80xi32, #tpu.memory_space<vmem>>, vector<16xi32>,
        %mul3A_724 = arith.constant 100 : i32
        %mul3A_725 = vector.broadcast %mul3A_724 : i32 to vector<16xi32>
        %mul3A_726 = arith.muli %convert_element_type3A_703, %mul3A_725 : vector<16xi32>
        %sub3A_727 = arith.subi %get3A_695, %mul3A_726 : vector<16xi32>
        %add3A_728 = vector.broadcast %mul3A_605 : i32 to vector<16xi32>
        %add3A_729 = arith.addi %add3A_728, %sub3A_727 : vector<16xi32>
        %swap3A_730 = arith.constant 32 : index
        %swap3A_731 = tpu.vector_load %arg13[%swap3A_730] {strides = array<i32>} : memref<80xi32, #tpu.memory_space<vmem>>, vector<16xi32>,
        tpu.vector_store %arg13[%swap3A_730], %add3A_729 {strides = array<i32>} : memref<80xi32, #tpu.memory_space<vmem>>, vector<16xi32>,
        %mul3A_732 = arith.constant 80 : i32
        %mul3A_733 = arith.muli %add3A_576, %mul3A_732 : i32
        %add3A_734 = arith.constant 48 : i32
        %add3A_735 = arith.addi %mul3A_733, %add3A_734 : i32
        %get3A_736 = arith.index_cast %add3A_735 : i32 to index
        %get3A_737 = tpu.vector_load %arg7[%get3A_736] {strides = array<i32>} : memref<16640xi32, #tpu.memory_space<vmem>>, vector<16xi32>,
        %convert_element_type3A_738 = arith.sitofp %get3A_737 : vector<16xi32> to vector<16xf32>
        %mul3A_739 = arith.constant 0.00999999977 : f32
        %mul3A_740 = vector.broadcast %mul3A_739 : f32 to vector<16xf32>
        %mul3A_741 = arith.mulf %convert_element_type3A_738, %mul3A_740 : vector<16xf32>
        %add3A_742 = arith.constant 5.000000e-03 : f32
        %add3A_743 = vector.broadcast %add3A_742 : f32 to vector<16xf32>
        %add3A_744 = arith.addf %mul3A_741, %add3A_743 : vector<16xf32>
        %convert_element_type3A_745 = arith.fptosi %add3A_744 : vector<16xf32> to vector<16xi32>
        %convert_element_type3A_746 = arith.sitofp %convert_element_type3A_745 : vector<16xi32> to vector<16xf32>
        %mul3A_747 = arith.constant 0.00999999977 : f32
        %mul3A_748 = vector.broadcast %mul3A_747 : f32 to vector<16xf32>
        %mul3A_749 = arith.mulf %convert_element_type3A_746, %mul3A_748 : vector<16xf32>
        %add3A_750 = arith.constant 5.000000e-03 : f32
        %add3A_751 = vector.broadcast %add3A_750 : f32 to vector<16xf32>
        %add3A_752 = arith.addf %mul3A_749, %add3A_751 : vector<16xf32>
        %convert_element_type3A_753 = arith.fptosi %add3A_752 : vector<16xf32> to vector<16xi32>
        %add3A_754 = vector.broadcast %mul3A_605 : i32 to vector<16xi32>
        %add3A_755 = arith.addi %add3A_754, %convert_element_type3A_753 : vector<16xi32>
        %swap3A_756 = arith.constant 48 : index
        %swap3A_757 = tpu.vector_load %arg11[%swap3A_756] {strides = array<i32>} : memref<80xi32, #tpu.memory_space<vmem>>, vector<16xi32>,
        tpu.vector_store %arg11[%swap3A_756], %add3A_755 {strides = array<i32>} : memref<80xi32, #tpu.memory_space<vmem>>, vector<16xi32>,
        %mul3A_758 = arith.constant 100 : i32
        %mul3A_759 = vector.broadcast %mul3A_758 : i32 to vector<16xi32>
        %mul3A_760 = arith.muli %convert_element_type3A_753, %mul3A_759 : vector<16xi32>
        %sub3A_761 = arith.subi %convert_element_type3A_745, %mul3A_760 : vector<16xi32>
        %add3A_762 = vector.broadcast %mul3A_605 : i32 to vector<16xi32>
        %add3A_763 = arith.addi %add3A_762, %sub3A_761 : vector<16xi32>
        %swap3A_764 = arith.constant 48 : index
        %swap3A_765 = tpu.vector_load %arg12[%swap3A_764] {strides = array<i32>} : memref<80xi32, #tpu.memory_space<vmem>>, vector<16xi32>,
        tpu.vector_store %arg12[%swap3A_764], %add3A_763 {strides = array<i32>} : memref<80xi32, #tpu.memory_space<vmem>>, vector<16xi32>,
        %mul3A_766 = arith.constant 100 : i32
        %mul3A_767 = vector.broadcast %mul3A_766 : i32 to vector<16xi32>
        %mul3A_768 = arith.muli %convert_element_type3A_745, %mul3A_767 : vector<16xi32>
        %sub3A_769 = arith.subi %get3A_737, %mul3A_768 : vector<16xi32>
        %add3A_770 = vector.broadcast %mul3A_605 : i32 to vector<16xi32>
        %add3A_771 = arith.addi %add3A_770, %sub3A_769 : vector<16xi32>
        %swap3A_772 = arith.constant 48 : index
        %swap3A_773 = tpu.vector_load %arg13[%swap3A_772] {strides = array<i32>} : memref<80xi32, #tpu.memory_space<vmem>>, vector<16xi32>,
        tpu.vector_store %arg13[%swap3A_772], %add3A_771 {strides = array<i32>} : memref<80xi32, #tpu.memory_space<vmem>>, vector<16xi32>,
        %mul3A_774 = arith.constant 80 : i32
        %mul3A_775 = arith.muli %add3A_576, %mul3A_774 : i32
        %add3A_776 = arith.constant 64 : i32
        %add3A_777 = arith.addi %mul3A_775, %add3A_776 : i32
        %get3A_778 = arith.index_cast %add3A_777 : i32 to index
        %get3A_779 = tpu.vector_load %arg7[%get3A_778] {strides = array<i32>} : memref<16640xi32, #tpu.memory_space<vmem>>, vector<16xi32>,
        %convert_element_type3A_780 = arith.sitofp %get3A_779 : vector<16xi32> to vector<16xf32>
        %mul3A_781 = arith.constant 0.00999999977 : f32
        %mul3A_782 = vector.broadcast %mul3A_781 : f32 to vector<16xf32>
        %mul3A_783 = arith.mulf %convert_element_type3A_780, %mul3A_782 : vector<16xf32>
        %add3A_784 = arith.constant 5.000000e-03 : f32
        %add3A_785 = vector.broadcast %add3A_784 : f32 to vector<16xf32>
        %add3A_786 = arith.addf %mul3A_783, %add3A_785 : vector<16xf32>
        %convert_element_type3A_787 = arith.fptosi %add3A_786 : vector<16xf32> to vector<16xi32>
        %convert_element_type3A_788 = arith.sitofp %convert_element_type3A_787 : vector<16xi32> to vector<16xf32>
        %mul3A_789 = arith.constant 0.00999999977 : f32
        %mul3A_790 = vector.broadcast %mul3A_789 : f32 to vector<16xf32>
        %mul3A_791 = arith.mulf %convert_element_type3A_788, %mul3A_790 : vector<16xf32>
        %add3A_792 = arith.constant 5.000000e-03 : f32
        %add3A_793 = vector.broadcast %add3A_792 : f32 to vector<16xf32>
        %add3A_794 = arith.addf %mul3A_791, %add3A_793 : vector<16xf32>
        %convert_element_type3A_795 = arith.fptosi %add3A_794 : vector<16xf32> to vector<16xi32>
        %add3A_796 = vector.broadcast %mul3A_605 : i32 to vector<16xi32>
        %add3A_797 = arith.addi %add3A_796, %convert_element_type3A_795 : vector<16xi32>
        %swap3A_798 = arith.constant 64 : index
        %swap3A_799 = tpu.vector_load %arg11[%swap3A_798] {strides = array<i32>} : memref<80xi32, #tpu.memory_space<vmem>>, vector<16xi32>,
        tpu.vector_store %arg11[%swap3A_798], %add3A_797 {strides = array<i32>} : memref<80xi32, #tpu.memory_space<vmem>>, vector<16xi32>,
        %mul3A_800 = arith.constant 100 : i32
        %mul3A_801 = vector.broadcast %mul3A_800 : i32 to vector<16xi32>
        %mul3A_802 = arith.muli %convert_element_type3A_795, %mul3A_801 : vector<16xi32>
        %sub3A_803 = arith.subi %convert_element_type3A_787, %mul3A_802 : vector<16xi32>
        %add3A_804 = vector.broadcast %mul3A_605 : i32 to vector<16xi32>
        %add3A_805 = arith.addi %add3A_804, %sub3A_803 : vector<16xi32>
        %swap3A_806 = arith.constant 64 : index
        %swap3A_807 = tpu.vector_load %arg12[%swap3A_806] {strides = array<i32>} : memref<80xi32, #tpu.memory_space<vmem>>, vector<16xi32>,
        tpu.vector_store %arg12[%swap3A_806], %add3A_805 {strides = array<i32>} : memref<80xi32, #tpu.memory_space<vmem>>, vector<16xi32>,
        %mul3A_808 = arith.constant 100 : i32
        %mul3A_809 = vector.broadcast %mul3A_808 : i32 to vector<16xi32>
        %mul3A_810 = arith.muli %convert_element_type3A_787, %mul3A_809 : vector<16xi32>
        %sub3A_811 = arith.subi %get3A_779, %mul3A_810 : vector<16xi32>
        %add3A_812 = vector.broadcast %mul3A_605 : i32 to vector<16xi32>
        %add3A_813 = arith.addi %add3A_812, %sub3A_811 : vector<16xi32>
        %swap3A_814 = arith.constant 64 : index
        %swap3A_815 = tpu.vector_load %arg13[%swap3A_814] {strides = array<i32>} : memref<80xi32, #tpu.memory_space<vmem>>, vector<16xi32>,
        tpu.vector_store %arg13[%swap3A_814], %add3A_813 {strides = array<i32>} : memref<80xi32, #tpu.memory_space<vmem>>, vector<16xi32>,
        %dma_start3A_816 = arith.constant 0 : i32
        %dma_start3A_817 = arith.constant 0 : i32
        %dma_start3A_818 = tpu.memref_slice %arg3[%dma_start3A_816, %dma_start3A_817] : memref<2600x32xf32, #tpu.memory_space<hbm>> -> memref<2600x32xf32, #tpu.memory_space<hbm>>
        tpu.enqueue_indirect_dma source(%dma_start3A_818 : memref<2600x32xf32, #tpu.memory_space<hbm>>) target(%arg15 : memref<80x32xf32, #tpu.memory_space<vmem>>) offsets(%arg11 : memref<80xi32, #tpu.memory_space<vmem>>) semaphore(%arg27 : memref<!tpu.dma_semaphore, #tpu.memory_space<semaphore_mem>>)
        %dma_start3A_819 = arith.constant 0 : i32
        %dma_start3A_820 = arith.constant 0 : i32
        %dma_start3A_821 = tpu.memref_slice %arg4[%dma_start3A_819, %dma_start3A_820] : memref<2600x256xf32, #tpu.memory_space<hbm>> -> memref<2600x256xf32, #tpu.memory_space<hbm>>
        tpu.enqueue_indirect_dma source(%dma_start3A_821 : memref<2600x256xf32, #tpu.memory_space<hbm>>) target(%arg17 : memref<80x256xf32, #tpu.memory_space<vmem>>) offsets(%arg12 : memref<80xi32, #tpu.memory_space<vmem>>) semaphore(%arg28 : memref<!tpu.dma_semaphore, #tpu.memory_space<semaphore_mem>>)
        %dma_start3A_822 = arith.constant 0 : i32
        %dma_start3A_823 = arith.constant 0 : i32
        %dma_start3A_824 = tpu.memref_slice %arg5[%dma_start3A_822, %dma_start3A_823] : memref<2600x32xf32, #tpu.memory_space<hbm>> -> memref<2600x32xf32, #tpu.memory_space<hbm>>
        tpu.enqueue_indirect_dma source(%dma_start3A_824 : memref<2600x32xf32, #tpu.memory_space<hbm>>) target(%arg19 : memref<80x32xf32, #tpu.memory_space<vmem>>) offsets(%arg13 : memref<80xi32, #tpu.memory_space<vmem>>) semaphore(%arg29 : memref<!tpu.dma_semaphore, #tpu.memory_space<semaphore_mem>>)
      } else {
      }
    }
    %scan3A_501 = arith.constant 104 : i32
    %dma_wait3A = tpu.memref_slice %arg6[%mul3A_6] : memref<1703936xf32, #tpu.memory_space<hbm>> -> memref<256xf32, #tpu.memory_space<hbm>>
    %dma_wait3A_502 = tpu.memref_slice %arg6[%mul3A_6] : memref<1703936xf32, #tpu.memory_space<hbm>> -> memref<256xf32, #tpu.memory_space<hbm>>
    tpu.wait_dma2 semaphore(%arg30 : memref<!tpu.dma_semaphore, #tpu.memory_space<semaphore_mem>>) src(%arg22 : memref<256xf32, #tpu.memory_space<vmem>>) dst(%dma_wait3A_502 : memref<256xf32, #tpu.memory_space<hbm>>)
    %dma_wait3A_503 = tpu.memref_slice %arg6[%mul3A_6] : memref<1703936xf32, #tpu.memory_space<hbm>> -> memref<256xf32, #tpu.memory_space<hbm>>
    %dma_wait3A_504 = tpu.memref_slice %arg6[%mul3A_6] : memref<1703936xf32, #tpu.memory_space<hbm>> -> memref<256xf32, #tpu.memory_space<hbm>>
    tpu.wait_dma2 semaphore(%arg31 : memref<!tpu.dma_semaphore, #tpu.memory_space<semaphore_mem>>) src(%arg23 : memref<256xf32, #tpu.memory_space<vmem>>) dst(%dma_wait3A_504 : memref<256xf32, #tpu.memory_space<hbm>>)
    return
  }
}

</mosaic_0001>

<sc_bundles>
// kernel: _tt_bag_sc.3.cloned.1.call-start
scs
__scs_entry_jumppad:
0x0: {  	(pc) =	sbr.rel $0x88, $3  }
0x1: {  	(tag) =	ssettag $0x0;
	lr =	simm.s32 $0x1  }
0x2: {  	[smem:$0x3F9D] =	sst lr;
	_ =	strace $0xD0000000  }
0x3: {  	_ = 	snop  }
0x4: {  	_ = 	snop  }
0x5: {  	_ = 	snop  }
0x6: {  	_ = 	snop  }
0x7: {  	_ = 	snop  }
__scs_overlays_trampoline_lowered:
0x8: {  	[smem:$0x3FAC] =	sst s0  }
0x9: {  	[smem:$0x3FAD] =	sst s1  }
0xa: {  	[smem:$0x3FAE] =	sst s2  }
0xb: {  	[smem:$0x3FAF] =	sst s3  }
0xc: {  	[smem:$0x3FB0] =	sst s4  }
0xd: {  	[smem:$0x3FB1] =	sst s5  }
0xe: {  	[smem:$0x3FB2] =	sst s6  }
0xf: {  	[smem:$0x3FB3] =	sst s7  }
0x10: {  	[smem:$0x3FB4] =	sst s8  }
0x11: {  	[smem:$0x3FB5] =	sst s9;
	s0 =	simm.s32 @!p0 $0x0  }
0x12: {  	s1 =	sld [smem:$0x3F9B];
	s0 =	simm.s32 @p0 $0x1  }
0x13: {  	[smem:$0x3FB6] =	sst s0;
	s0 =	simm.s32 @!p1 $0x0  }
0x14: {  	s2 =	sld [smem:$0x3F9A];
	s0 =	simm.s32 @p1 $0x1  }
0x15: {  	[smem:$0x3FB7] =	sst s0;
	s0 =	simm.s32 @!p2 $0x0  }
0x16: {  	s3 =	sld [smem:$0x3FDB];
	s0 =	simm.s32 @p2 $0x1  }
0x17: {  	s4 =	simm.s32 $0x1BF5;
	[smem:$0x3FB9] =	sst s0  }
0x18: {  	s0 =	sld [smem:$0x3F9C];
	_ =	swait.ge [sflag:s4], $0x0  }
0x19: {  	s7 =	sld [smem:$0x3F9D]  }
0x1a: {  	s8 =	sadd.s32 $0xFFFFE003, lr  }
0x1b: {  	s9 =	sadd.s32 $0xFFFFFEF7, lr;
	s5 =	simm.s32 $0xFFFFFFFF;
	p2 =	slt.u32 s8, $0xFFFFF086  }
0x1c: {  	p1 =	slt.u32 s9, $0xF7A;
	s5 =	simm.s32 @!p2 $0x0  }
0x1d: {  	s5 =	simm.s32 @p1 $0x1;
	p0 =	seq.s32 s7, s2  }
0x1e: {  	s7 =	smul.u32 @!p0 $0xF7A, s2;
	p2 =	seq.s32 @!p0 s5, $0x0  }
0x1f: {  	s9 =	smul.u32 $0xF7A, s1;
	s8 =	simm.s32 @!p0 $0x1BF5;
	p2 =	por !p2, p0  }
0x20: {  	[sflag:s8] =	ssyncset.s32 @!p0 $0xFFFFF086;
	s6 =	sadd.s32 @!p0 s3, s7;
	s7 =	simm.s32 @!p0 $0x108  }
0x21: {  	s3 =	sadd.s32 s3, s9;
	s6 =	sadd.s32 @!p0 $0x88, s6;
	s7 =	simm.s32 @p2 $0x1082  }
0x22: {  	[simem:s7], [sflag:s8] =	dma.local @!p0 [hbm:s6], $0xF7A  }
0x23: {  	s9 =	sor.u32 $0xD0000000, s2;
	s6 =	simm.s32 $0x108;
	_ =	swait.ge @!p0 [sflag:s8], $0x0  }
0x24: {  	s3 =	sadd.s32 $0x88, s3;
	s6 =	simm.s32 @!p1 $0x1082;
	[sflag:s4] =	ssyncset.s32 $0xFFFFF086  }
0x25: {  	[simem:s6], [sflag:s4] =	dma.local [hbm:s3], $0xF7A  }
0x26: {  	[smem:$0x3F9D] =	sst s1;
	(tag) =	ssettag s2;
	_ =	strace s9  }
0x27: {  	s1 =	sld [smem:$0x3FAD]  }
0x28: {  	s2 =	sld [smem:$0x3FAE]  }
0x29: {  	s4 =	sld [smem:$0x3FB0]  }
0x2a: {  	p0 =	seq.s32 s5, $0x0;
	s5 =	sld [smem:$0x3FB1]  }
0x2b: {  	s6 =	sld [smem:$0x3FB2]  }
0x2c: {  	s7 =	sld [smem:$0x3FB3]  }
0x2d: {  	s3 =	simm.s32 $0x108;
	s8 =	sld [smem:$0x3FB4]  }
0x2e: {  	s3 =	simm.s32 @!p0 $0x1082;
	s9 =	sld [smem:$0x3FB5]  }
0x2f: {  	lr =	sadd.s32 s0, s3;
	s0 =	sld [smem:$0x3FAC]  }
0x30: {  	s3 =	sld [smem:$0x3FAF]  }
0x31: {  	[smem:$0x3FB8] =	sst s10  }
0x32: {  	s10 =	sld [smem:$0x3FB6];
	_ =	sdelay $0x3  }
0x33: {  	p0 =	seq.s32 s10, $0x1;
	s10 =	sld [smem:$0x3FB8];
	_ =	sdelay $0x3  }
0x34: {  	[smem:$0x3FB8] =	sst s10  }
0x35: {  	s10 =	sld [smem:$0x3FB7];
	_ =	sdelay $0x3  }
0x36: {  	p1 =	seq.s32 s10, $0x1;
	s10 =	sld [smem:$0x3FB8];
	_ =	sdelay $0x3  }
0x37: {  	[smem:$0x3FB8] =	sst s10  }
0x38: {  	s10 =	sld [smem:$0x3FB9]  }
0x39: {  	_ = 	snop;
	(pc) =	sbr.ind lr, $3  }
0x3a: {  	_ = 	snop  }
0x3b: {  	_ = 	snop  }
0x3c: {  	p2 =	seq.s32 s10, $0x1;
	s10 =	sld [smem:$0x3FB8]  }
0x3d: {  	_ =	shalt  }
0x3e: {  	_ =	shalt  }
0x3f: {  	_ =	shalt  }
0x40: {  	_ =	shalt  }
0x41: {  	_ =	shalt  }
0x42: {  	_ =	shalt  }
0x43: {  	_ =	shalt  }
0x44: {  	_ =	shalt  }
0x45: {  	_ =	shalt  }
0x46: {  	_ =	shalt  }
0x47: {  	_ =	shalt  }
0x48: {  	_ =	shalt  }
0x49: {  	_ =	shalt  }
0x4a: {  	_ =	shalt  }
0x4b: {  	_ =	shalt  }
0x4c: {  	_ =	shalt  }
0x4d: {  	_ =	shalt  }
0x4e: {  	_ =	shalt  }
0x4f: {  	_ =	shalt  }
0x50: {  	_ =	shalt  }
0x51: {  	_ =	shalt  }
0x52: {  	_ =	shalt  }
0x53: {  	_ =	shalt  }
0x54: {  	_ =	shalt  }
0x55: {  	_ =	shalt  }
0x56: {  	_ =	shalt  }
0x57: {  	_ =	shalt  }
0x58: {  	_ =	shalt  }
0x59: {  	_ =	shalt  }
0x5a: {  	_ =	shalt  }
0x5b: {  	_ =	shalt  }
0x5c: {  	_ =	shalt  }
0x5d: {  	_ =	shalt  }
0x5e: {  	_ =	shalt  }
0x5f: {  	_ =	shalt  }
0x60: {  	_ =	shalt  }
0x61: {  	_ =	shalt  }
0x62: {  	_ =	shalt  }
0x63: {  	_ =	shalt  }
0x64: {  	_ =	shalt  }
0x65: {  	_ =	shalt  }
0x66: {  	_ =	shalt  }
0x67: {  	_ =	shalt  }
0x68: {  	_ =	shalt  }
0x69: {  	_ =	shalt  }
0x6a: {  	_ =	shalt  }
0x6b: {  	_ =	shalt  }
0x6c: {  	_ =	shalt  }
0x6d: {  	_ =	shalt  }
0x6e: {  	_ =	shalt  }
0x6f: {  	_ =	shalt  }
0x70: {  	_ =	shalt  }
0x71: {  	_ =	shalt  }
0x72: {  	_ =	shalt  }
0x73: {  	_ =	shalt  }
0x74: {  	_ =	shalt  }
0x75: {  	_ =	shalt  }
0x76: {  	_ =	shalt  }
0x77: {  	_ =	shalt  }
0x78: {  	_ =	shalt  }
0x79: {  	_ =	shalt  }
0x7a: {  	_ =	shalt  }
0x7b: {  	_ =	shalt  }
0x7c: {  	_ =	shalt  }
0x7d: {  	_ =	shalt  }
0x7e: {  	_ =	shalt  }
0x7f: {  	_ =	shalt  }
0x80: {  	_ =	shalt  }
0x81: {  	_ =	shalt  }
0x82: {  	_ =	shalt  }
0x83: {  	_ =	shalt  }
0x84: {  	_ =	shalt  }
0x85: {  	_ =	shalt  }
0x86: {  	_ =	shalt  }
0x87: {  	_ =	shalt  }
.Lfunc_end0:
.L_simem_size_0:
called_computation_lowered:
.L_overlay_start_0:
0x88: {  	s2 =	sld [smem:$0x3FD9]  }
0x89: {  	s3 =	sld [smem:$0x3FFE];
	_ =	sdelay $0x1  }
0x8a: {  	s1 =	srdreg.scid  }
0x8b: {  	s0 =	sand.u32 $0x1, s1  }
0x8c: {  	s17 =	sshll.u32 s0, $0xA;
	s2 =	sadd.s32 s3, s2  }
0x8d: {  	s2 =	sadd.s32 s2, s17  }
0x8e: {  	[smem:$0x3FC4] =	sst s2  }
0x8f: {  	_ = 	snop  }
0x90: {  	s2 =	sld [smem:$0x3FC9]  }
0x91: {  	s18 =	sld [smem:$0x3FD0];
	(tm) =	ssettm $0x1  }
0x92: {  	s4 =	sld [smem:$0x3FFB];
	_ =	sdelay $0x3  }
0x93: {  	_ =	strace s4  }
0x94: {  	s4 =	sld [smem:$0x3FFC];
	_ =	sdelay $0x3  }
0x95: {  	_ =	strace s4  }
0x96: {  	s4 =	sld [smem:$0x3FFD];
	_ =	sdelay $0x3  }
0x97: {  	_ =	strace s4  }
0x98: {  	_ =	strace $0x8FFFFFFF  }
0x99: {  	s19 =	sld [smem:$0x3FDB];
	_ =	sdelay $0x1  }
0x9a: {  	s5 =	simm.s32 $_scs_section_size  }
0x9b: {  	s6 =	simm.s32 $_size__tile_overlayer_lowered;
	s7 =	simm.s32 $_tile_overlayer_lowered  }
0x9c: {  	s22 =	simm.s32 $0x1BFF;
	s21 =	sshll.u32 s7, $0x1;
	s4 =	sadd.s32 s5, s19  }
0x9d: {  	s8 =	simm.s32 $0x0;
	s20 =	sshll.u32 s6, $0x1;
	s6 =	sadd.s32 s21, s4  }
0x9e: {  	[timem:s8], [sflag:s22] =	dma.local [hbm:s6], s20  }
0x9f: {  	_ =	swait.ge [sflag:s22], s20  }
0xa0: {  	s5 =	ssub.s32 $0x0, s20;
	[sflag:s22] =	ssyncset.done $0x0  }
0xa1: {  	[sflag:s22] =	ssyncadd.s32 s5;
	_ =	sdelay $0x1  }
0xa2: {  	s23 =	simm.s32 $0x1B8B  }
0xa3: {  	_ =	swait.ge [sflag:s23], $0x1  }
0xa4: {  	[sflag:s23] =	ssyncset.done $0x0  }
0xa5: {  	s25 =	simm.s32 $0x1B8E;
	s24 =	sld [smem:$0x3FFE];
	[sflag:s23] =	ssyncadd.s32 $0xFFFFFFFF  }
0xa6: {  	s26 =	simm.s32 $execute0_lowered;
	[smem:$0x3FD2] =	sst s25  }
0xa7: {  	s6 =	sshll.u32 s26, $0x1;
	_ =	strace $0x80000046;
	[dreg:$0x1] =	wrdreg $0xFFFFFFFF  }
0xa8: {  	s28 =	simm.s32 $_size_execute0_lowered;
	s4 =	sadd.s32 s4, s6;
	[dreg:$0x0] =	wrdreg $0x0  }
0xa9: {  	s6 =	sshll.u32 s28, $0x1;
	[dreg:$0x2] =	wrdreg s4  }
0xaa: {  	[dreg:$0x3] =	wrdreg s6  }
0xab: {  	[dreg:$0x4] =	wrdreg $0xC0  }
0xac: {  	_ =	task [dreg:s8], $0x5FFFF  }
0xad: {  	[dreg:$0x1] =	wrdreg $0xFFFFFFFF  }
0xae: {  	[dreg:$0x0] =	wrdreg $0x60  }
0xaf: {  	[dreg:$0x2] =	wrdreg s2  }
0xb0: {  	[dreg:$0x3] =	wrdreg s24  }
0xb1: {  	[dreg:$0x4] =	wrdreg s18  }
0xb2: {  	[dreg:$0x5] =	wrdreg $0x9  }
0xb3: {  	_ =	task.clear_ibuf [dreg:s8], $0x6FFFF;
	_ =	strace $0x90000046  }
0xb4: {  	s29 =	simm.s32 $0x9;
	_ =	strace $0x80000048  }
0xb5: {  	_ =	swait.ge [sflag:s29], $0x1  }
0xb6: {  	[sflag:s29] =	ssyncadd.s32 $0xFFFFFFFF  }
0xb7: {  	_ =	strace $0x90000048  }
0xb8: {  	_ =	sfence  }
0xb9: {  	s30 =	sld [smem:$0x0];
	_ =	sdelay $0x2  }
0xba: {  	s31 =	sshll.u32 s1, $0xD;
	s1 =	sshrl.u32 s1, $0x2  }
0xbb: {  	s3 =	sand.u32 $0x4000, s31;
	s1 =	sadd.s32 s1, s30  }
0xbc: {  	s0 =	sor.u32 s3, s0;
	s1 =	sshll.u32 s1, $0x11  }
0xbd: {  	s0 =	sor.u32 s1, s0  }
0xbe: {  	s0 =	sadd.s32 $0x8F2B, s0  }
0xbf: {  	[sflag:s0] =	ssyncadd.remote.s32 $0x1  }
0xc0: {  	_ =	sfence.sel $0xFFFF  }
0xc1: {  	[dreg:$0x0] =	wrdreg $0xFFFFFFFF;
	(pc) =	sbr.abs _section_cstart, $3  }
0xc2: {  	[dreg:$0x1] =	wrdreg $0xFFFFFFFF  }
0xc3: {  	_ =	task.clear_ibuf [dreg:s8], $0x2FFFF;
	_ =	strace $0x9FFFFFFF  }
0xc4: {  	(tm) =	ssettm $0x7FFFFFFF  }
0xc5: {  	_ =	shalt  }
tec
execute0_lowered:
.L_overlay_start_1:
0x0: {  	(tag) =	ssettag $0x1  }
0x1: {  	s0 =	rddreg [dreg:$0x0]  }
0x2: {  	s1 =	rddreg [dreg:$0x1]  }
0x3: {  	s3 =	srdreg.scid;
	s4 =	stileid.u32  }
0x4: {  	s2 =	rddreg [dreg:$0x2];
	s13 =	simm.s32 $0x50;
	s28 =	simm.s32 $0x2  }
0x5: {  	s29 =	simm.s32 $0x3;
	s30 =	simm.s32 $0x10AE0;
	s31 =	simm.s32 $0x10BE0  }
0x6: {  	s12 =	simm.s32 $0x10CE0;
	s16 =	simm.s32 $0x0;
	s8 =	sand.u32 $0x1, s3  }
0x7: {  	s4 =	sshll.u32 s4, $0x1;
	s3 =	simm.s32 $0x0;
	s5 =	sadd.s32 $0x800, s1  }
0x8: {  	s6 =	sadd.s32 $0x5C00, s1;
	s7 =	sadd.s32 $0x3200, s1;
	s9 =	sor.u32 s8, s4  }
0x9: {  	[smem:$0x7FF] =	sst s3;
	s24 =	ssub.s32 $0x2, s8;
	s4 =	smul.u32 $0x4100, s9  }
0xa: {  	v1 =	vlaneseq.u32;
	_ =	strace $0x80000047;
	s11 =	sshrl.u32 s24, $0x1;
	s8 =	smul.u32 $0xD000, s9  }
0xb: {  	v0 =	vmul.u32 $0x4, v1;
	s9 =	simm.s32 $0x5;
	s1 =	ssub.s32 s24, s11;
	s10 =	smulhi.u32 $0x66667, s4  }
.Ltmp0:
0xc: {  	v1 =	vmul.u32 $0x8, v1;
	s24 =	simm.s32 $0x4290;
	s25 =	sshrl.u32 s4, $0x3;
	(pc) =	sbr.rel .LBB2_1-.Ltmp0, $4  }
0xd: {  	v3 =	vimm.f32 $0.0e+00;
	v4 =	vor.u32 $0x1, v0;
	v5 =	vor.u32 $0x2, v0;
	s11 =	simm.s32 $0x6;
	s0 =	sadd.s32 s0, s25;
	s26 =	sshrl.u32 s10, $0x1  }
0xe: {  	v6 =	vor.u32 $0x3, v0;
	v7 =	vor.u32 $0x1, v1;
	v8 =	vor.u32 $0x2, v1;
	s1 =	smax.u32 s1, $0x1;
	[dreg:$0x4] =	wrdreg s0;
	s0 =	smul.u32 $0x64, s26  }
0xf: {  	v9 =	vor.u32 $0x3, v1;
	v10 =	vor.u32 $0x4, v1;
	v11 =	vor.u32 $0x5, v1;
	[dreg:$0x5] =	wrdreg s1;
	s25 =	simm.s32 $0x100E0;
	s1 =	simm.s32 $0x10B60  }
0x10: {  	v12 =	vor.u32 $0x6, v1;
	v13 =	vor.u32 $0x7, v1;
	s10 =	sor.u32 $0x100, s8;
	s26 =	simm.s32 $0x1;
	v2 =	vmov s0;
	s0 =	simm.s32 $0x4  }
.LBB2_14:
0x11: {  	s14 =	simm.s32 $0x7  }
0x12: {  	_ =	swait.ge [sflag:s14], $0x100  }
0x13: {  	[sflag:s14] =	ssyncset.done $0x0  }
0x14: {  	s15 =	simm.s32 $0x8;
	[sflag:s14] =	ssyncadd.s32 $0xFFFFFF00  }
0x15: {  	_ =	swait.ge [sflag:s15], $0x100  }
0x16: {  	s16 =	rddreg [dreg:$0x6]  }
0x17: {  	s23 =	rddreg [dreg:$0x5];
	s16 =	sadd.s32 $0x1, s16  }
0x18: {  	p0 =	sne.s32 s16, s23  }
.Ltmp1:
0x19: {  	_ = 	snop;
	(pc) =	sbr.rel @!p0 .LBB2_15-.Ltmp1, $3  }
0x1a: {  	_ =	sdelay $0x1  }
0x1b: {  	[sflag:s15] =	ssyncset.done $0x0  }
0x1c: {  	[sflag:s15] =	ssyncadd.s32 $0xFFFFFF00  }
.LBB2_1:
0x1d: {  	[dreg:$0x6] =	wrdreg s16  }
0x1e: {  	s14 =	rddreg [dreg:$0x4];
	s22 =	simm.s32 $0x9  }
0x1f: {  	[tilespmem:s3], [sflag:$0x9] =	stream.linear.gather [hbm4b:s14+s3], $0x4100, $0x38;
	[tilespmem:$0x10DE0] =	vst v63  }
0x20: {  	_ =	swait.ge [sflag:s22], $0x4100  }
0x21: {  	[sflag:s22] =	ssyncset.done $0x0  }
0x22: {  	[sflag:s22] =	ssyncadd.s32 $0xFFFFBF00  }
0x23: {  	v14 =	vld [tilespmem:$0x0]  }
0x24: {  	v16 =	vld [tilespmem:$0x10]  }
0x25: {  	v19 =	vld [tilespmem:$0x20]  }
0x26: {  	v20 =	vld [tilespmem:$0x30]  }
0x27: {  	v23 =	vld [tilespmem:$0x40];
	_ =	sdelay $0x2  }
0x28: {  	v15 =	vcvt.s32.f32 v14;
	v17 =	vcvt.s32.f32 v16  }
0x29: {  	v21 =	vcvt.s32.f32 v19;
	v24 =	vcvt.s32.f32 v20  }
0x2a: {  	v26 =	vcvt.s32.f32 v23;
	v15 =	vmul.f32 $9.999999770e-03, v15  }
0x2b: {  	v17 =	vmul.f32 $9.999999770e-03, v17;
	v21 =	vmul.f32 $9.999999770e-03, v21  }
0x2c: {  	v24 =	vmul.f32 $9.999999770e-03, v24;
	v15 =	vadd.f32 $4.999999890e-03, v15  }
0x2d: {  	v26 =	vmul.f32 $9.999999770e-03, v26;
	v17 =	vadd.f32 $4.999999890e-03, v17;
	v21 =	vadd.f32 $4.999999890e-03, v21  }
0x2e: {  	v24 =	vadd.f32 $4.999999890e-03, v24;
	v15 =	vtrunc.f32 v15  }
0x2f: {  	v26 =	vadd.f32 $4.999999890e-03, v26;
	v17 =	vtrunc.f32 v17;
	v21 =	vtrunc.f32 v21  }
0x30: {  	v24 =	vtrunc.f32 v24;
	v15 =	vcvt.f32.s32 v15  }
0x31: {  	v26 =	vtrunc.f32 v26;
	v17 =	vcvt.f32.s32 v17  }
0x32: {  	v14 =	vadd.s32 v2, v14;
	v21 =	vcvt.f32.s32 v21;
	v18 =	vcvt.s32.f32 v15  }
0x33: {  	v16 =	vadd.s32 v2, v16;
	v24 =	vcvt.f32.s32 v24;
	v22 =	vcvt.s32.f32 v17  }
0x34: {  	v26 =	vcvt.f32.s32 v26;
	v27 =	vadd.s32 v15, v2;
	v18 =	vmul.f32 $9.999999770e-03, v18  }
0x35: {  	v15 =	vmul.u32 $0xFFFFFF9C, v15;
	v28 =	vcvt.s32.f32 v21;
	v22 =	vmul.f32 $9.999999770e-03, v22  }
0x36: {  	v59 =	vcvt.s32.f32 v24;
	v29 =	vadd.s32 v17, v2;
	v18 =	vadd.f32 $4.999999890e-03, v18  }
0x37: {  	v17 =	vmul.u32 $0xFFFFFF9C, v17;
	v28 =	vmul.f32 $9.999999770e-03, v28;
	v22 =	vadd.f32 $4.999999890e-03, v22  }
0x38: {  	v63 =	vcvt.s32.f32 v26;
	v14 =	vadd.s32 v15, v14;
	v18 =	vtrunc.f32 v18  }
0x39: {  	v58 =	vadd.f32 $4.999999890e-03, v28;
	v22 =	vtrunc.f32 v22;
	v18 =	vcvt.f32.s32 v18  }
0x3a: {  	v61 =	vmul.f32 $9.999999770e-03, v59;
	v16 =	vadd.s32 v17, v16;
	v22 =	vcvt.f32.s32 v22  }
0x3b: {  	[tilespmem:$0x41A0] =	vst v14;
	v60 =	vtrunc.f32 v58;
	v25 =	vadd.s32 v18, v2;
	v18 =	vmul.u32 $0xFFFFFF9C, v18  }
0x3c: {  	[tilespmem:$0x41B0] =	vst v16;
	v28 =	vmul.f32 $9.999999770e-03, v63;
	v62 =	vcvt.f32.s32 v60;
	v15 =	vadd.s32 v22, v2  }
0x3d: {  	v22 =	vmul.u32 $0xFFFFFF9C, v22;
	[tilespmem:$0x4100] =	vst v25;
	v18 =	vadd.s32 v18, v27;
	v27 =	vadd.f32 $4.999999890e-03, v61  }
0x3e: {  	v30 =	vadd.f32 $4.999999890e-03, v28;
	[tilespmem:$0x4110] =	vst v15;
	v15 =	vadd.s32 v62, v2  }
0x3f: {  	v14 =	vadd.s32 v22, v29;
	[tilespmem:$0x4150] =	vst v18;
	v18 =	vmul.u32 $0xFFFFFF9C, v62;
	v17 =	vtrunc.f32 v27  }
0x40: {  	[tilespmem:$0x4160] =	vst v14;
	v14 =	vadd.s32 v21, v2;
	v21 =	vmul.u32 $0xFFFFFF9C, v21;
	v17 =	vcvt.f32.s32 v17  }
0x41: {  	v33 =	vmul.u32 $0xFFFFFF9C, v24;
	v29 =	vadd.s32 v2, v19;
	[tilespmem:$0x4120] =	vst v15;
	v14 =	vadd.s32 v18, v14  }
0x42: {  	v32 =	vtrunc.f32 v30;
	v15 =	vadd.s32 v21, v29;
	[tilespmem:$0x4170] =	vst v14;
	v31 =	vmul.u32 $0xFFFFFF9C, v17  }
0x43: {  	[tilespmem:$0x41C0] =	vst v15;
	v15 =	vadd.s32 v24, v2;
	v14 =	vadd.s32 v17, v2;
	v17 =	vcvt.f32.s32 v32  }
0x44: {  	[tilespmem:$0x4130] =	vst v14;
	v14 =	vadd.s32 v31, v15;
	v15 =	vadd.s32 v2, v20  }
0x45: {  	[tilespmem:$0x4180] =	vst v14;
	v14 =	vadd.s32 v33, v15;
	v15 =	vmul.u32 $0xFFFFFF9C, v17  }
0x46: {  	v34 =	vadd.s32 v26, v2;
	v35 =	vmul.u32 $0xFFFFFF9C, v26;
	[tilespmem:$0x41D0] =	vst v14;
	v14 =	vadd.s32 v17, v2  }
0x47: {  	[tilespmem:$0x4140] =	vst v14;
	v14 =	vadd.s32 v15, v34;
	v15 =	vadd.s32 v2, v23  }
0x48: {  	[tilespmem:$0x4190] =	vst v14;
	v14 =	vadd.s32 v35, v15  }
0x49: {  	s23 =	simm.s32 $0x4100;
	s15 =	simm.s32 $0x42E0;
	[tilespmem:$0x41E0] =	vst v14  }
0x4a: {  	[tilespmem:s15], [sflag:$0x1] =	stream.indirect.gather [hbm4b:s5+s13], $0x20, s23, s13, $0xb8;
	[tilespmem:$0x10DE0] =	vst v63  }
0x4b: {  	s16 =	simm.s32 $0x4150;
	s17 =	simm.s32 $0x56E0  }
0x4c: {  	[tilespmem:s17], [sflag:$0x2] =	stream.indirect.gather [hbm4b:s6+s13], $0x100, s16, s13, $0xb8;
	[tilespmem:$0x10DE0] =	vst v63  }
0x4d: {  	s18 =	simm.s32 $0x41A0;
	s19 =	simm.s32 $0xF6E0  }
0x4e: {  	[tilespmem:s19], [sflag:$0x3] =	stream.indirect.gather [hbm4b:s7+s13], $0x20, s18, s13, $0xb8;
	[tilespmem:$0x10DE0] =	vst v63  }
0x4f: {  	v14 =	vld [tilespmem:$0x50]  }
0x50: {  	v36 =	vld [tilespmem:$0x60]  }
0x51: {  	v39 =	vld [tilespmem:$0x70]  }
0x52: {  	v40 =	vld [tilespmem:$0x80]  }
0x53: {  	v43 =	vld [tilespmem:$0x90];
	_ =	sdelay $0x2  }
0x54: {  	v15 =	vcvt.s32.f32 v14  }
0x55: {  	v37 =	vcvt.s32.f32 v36;
	v41 =	vcvt.s32.f32 v39  }
0x56: {  	v44 =	vcvt.s32.f32 v40;
	v47 =	vcvt.s32.f32 v43  }
0x57: {  	v15 =	vmul.f32 $9.999999770e-03, v15;
	v17 =	vmul.f32 $9.999999770e-03, v37  }
0x58: {  	v21 =	vmul.f32 $9.999999770e-03, v41;
	v24 =	vmul.f32 $9.999999770e-03, v44  }
0x59: {  	v27 =	vmul.f32 $9.999999770e-03, v47;
	v15 =	vadd.f32 $4.999999890e-03, v15;
	v17 =	vadd.f32 $4.999999890e-03, v17  }
0x5a: {  	v21 =	vadd.f32 $4.999999890e-03, v21;
	v24 =	vadd.f32 $4.999999890e-03, v24  }
0x5b: {  	v27 =	vadd.f32 $4.999999890e-03, v27;
	v15 =	vtrunc.f32 v15;
	v17 =	vtrunc.f32 v17  }
0x5c: {  	v21 =	vtrunc.f32 v21;
	v24 =	vtrunc.f32 v24  }
0x5d: {  	v27 =	vtrunc.f32 v27;
	v15 =	vcvt.f32.s32 v15  }
0x5e: {  	v14 =	vadd.s32 v2, v14;
	v17 =	vcvt.f32.s32 v17;
	v21 =	vcvt.f32.s32 v21  }
0x5f: {  	v16 =	vadd.s32 v2, v36;
	v24 =	vcvt.f32.s32 v24;
	v38 =	vcvt.s32.f32 v15  }
0x60: {  	v27 =	vcvt.f32.s32 v27;
	v42 =	vcvt.s32.f32 v17;
	v46 =	vadd.s32 v15, v2  }
0x61: {  	v15 =	vmul.u32 $0xFFFFFF9C, v15;
	v48 =	vcvt.s32.f32 v21;
	v18 =	vmul.f32 $9.999999770e-03, v38  }
0x62: {  	v49 =	vadd.s32 v17, v2;
	v50 =	vcvt.s32.f32 v24;
	v22 =	vmul.f32 $9.999999770e-03, v42  }
0x63: {  	v17 =	vmul.u32 $0xFFFFFF9C, v17;
	v53 =	vcvt.s32.f32 v27;
	v18 =	vadd.f32 $4.999999890e-03, v18  }
0x64: {  	v26 =	vmul.f32 $9.999999770e-03, v48;
	v52 =	vmul.f32 $9.999999770e-03, v50;
	v22 =	vadd.f32 $4.999999890e-03, v22  }
0x65: {  	v14 =	vadd.s32 v15, v14;
	v57 =	vmul.f32 $9.999999770e-03, v53;
	v18 =	vtrunc.f32 v18  }
0x66: {  	v26 =	vadd.f32 $4.999999890e-03, v26;
	v22 =	vtrunc.f32 v22;
	v18 =	vcvt.f32.s32 v18  }
0x67: {  	[tilespmem:$0x4290] =	vst v14;
	v14 =	vadd.s32 v17, v16;
	v55 =	vadd.f32 $4.999999890e-03, v52;
	v22 =	vcvt.f32.s32 v22  }
0x68: {  	[tilespmem:$0x42A0] =	vst v14;
	v51 =	vtrunc.f32 v26;
	v45 =	vmul.u32 $0xFFFFFF9C, v18;
	v18 =	vadd.s32 v18, v2  }
0x69: {  	v15 =	vmul.u32 $0xFFFFFF9C, v22;
	v54 =	vadd.s32 v22, v2;
	[tilespmem:$0x41F0] =	vst v18;
	v18 =	vcvt.f32.s32 v51  }
0x6a: {  	v58 =	vadd.f32 $4.999999890e-03, v57;
	v17 =	vtrunc.f32 v55;
	[tilespmem:$0x4200] =	vst v54;
	v25 =	vadd.s32 v45, v46  }
0x6b: {  	v15 =	vadd.s32 v15, v49;
	[tilespmem:$0x4240] =	vst v25;
	v56 =	vadd.s32 v18, v2;
	v18 =	vmul.u32 $0xFFFFFF9C, v18  }
0x6c: {  	v17 =	vcvt.f32.s32 v17;
	[tilespmem:$0x4250] =	vst v15;
	v15 =	vadd.s32 v21, v2;
	v21 =	vmul.u32 $0xFFFFFF9C, v21  }
0x6d: {  	v61 =	vmul.u32 $0xFFFFFF9C, v24;
	v14 =	vadd.s32 v2, v39;
	[tilespmem:$0x4210] =	vst v56;
	v15 =	vadd.s32 v18, v15  }
0x6e: {  	v60 =	vtrunc.f32 v58;
	v59 =	vmul.u32 $0xFFFFFF9C, v17;
	v14 =	vadd.s32 v21, v14;
	[tilespmem:$0x4260] =	vst v15  }
0x6f: {  	v15 =	vadd.s32 v17, v2;
	[tilespmem:$0x42B0] =	vst v14;
	v14 =	vadd.s32 v24, v2;
	v17 =	vcvt.f32.s32 v60  }
0x70: {  	[tilespmem:$0x4220] =	vst v15;
	v14 =	vadd.s32 v59, v14;
	v15 =	vadd.s32 v2, v40  }
0x71: {  	[tilespmem:$0x4270] =	vst v14;
	v14 =	vadd.s32 v61, v15;
	v15 =	vmul.u32 $0xFFFFFF9C, v17  }
0x72: {  	v62 =	vadd.s32 v27, v2;
	v63 =	vmul.u32 $0xFFFFFF9C, v27;
	[tilespmem:$0x42C0] =	vst v14;
	v14 =	vadd.s32 v17, v2  }
0x73: {  	[tilespmem:$0x4230] =	vst v14;
	v14 =	vadd.s32 v15, v62;
	v15 =	vadd.s32 v2, v43  }
0x74: {  	[tilespmem:$0x4280] =	vst v14;
	v14 =	vadd.s32 v63, v15  }
0x75: {  	s20 =	simm.s32 $0x41F0;
	s21 =	simm.s32 $0x4CE0;
	[tilespmem:$0x42D0] =	vst v14  }
0x76: {  	[tilespmem:s21], [sflag:$0x4] =	stream.indirect.gather [hbm4b:s5+s13], $0x20, s20, s13, $0xb8;
	[tilespmem:$0x10DE0] =	vst v63  }
0x77: {  	s22 =	simm.s32 $0x4240;
	s23 =	simm.s32 $0xA6E0  }
0x78: {  	[tilespmem:s23], [sflag:$0x5] =	stream.indirect.gather [hbm4b:s6+s13], $0x100, s22, s13, $0xb8;
	[tilespmem:$0x10DE0] =	vst v63  }
0x79: {  	s14 =	simm.s32 $0x0  }
0x7a: {  	[tilespmem:s25], [sflag:$0x6] =	stream.indirect.gather [hbm4b:s7+s13], $0x20, s24, s13, $0xb8;
	[tilespmem:$0x10DE0] =	vst v63  }
.LBB2_2:
0x7b: {  	_ =	swait.ge [sflag:s26], $0xA00  }
0x7c: {  	[sflag:s26] =	ssyncset.done $0x0  }
0x7d: {  	[sflag:s26] =	ssyncadd.s32 $0xFFFFF600  }
0x7e: {  	_ =	swait.ge [sflag:s28], $0x5000  }
0x7f: {  	[sflag:s28] =	ssyncset.done $0x0  }
0x80: {  	[sflag:s28] =	ssyncadd.s32 $0xFFFFB000  }
0x81: {  	_ =	swait.ge [sflag:s29], $0xA00  }
0x82: {  	p0 =	seq.s32 s14, $0x0;
	[sflag:s29] =	ssyncset.done $0x0  }
0x83: {  	s17 =	simm.s32 @!p0 $0x7;
	[sflag:s29] =	ssyncadd.s32 $0xFFFFF600  }
0x84: {  	s15 =	sshll.u32 s14, $0x9;
	s18 =	simm.s32 $0xF6E0;
	_ =	swait.ge @!p0 [sflag:s17], $0x100  }
0x85: {  	s19 =	simm.s32 $0x42E0;
	s22 =	simm.s32 $0x57E0;
	[sflag:s17] =	ssyncset.done @!p0 $0x0  }
0x86: {  	s16 =	sadd.s32 s8, s15;
	[sflag:s17] =	ssyncadd.s32 @!p0 $0xFFFFFF00;
	s17 =	simm.s32 $0x0  }
.LBB2_3:
0x87: {  	s20 =	sshll.u32 s17, $0x6  }
0x88: {  	v18 =	vmov s19;
	[tilespmem:s20+$0x10BE0] =	vst v3  }
0x89: {  	[tilespmem:s20+$0x10BF0] =	vst v3  }
0x8a: {  	v19 =	vmov s18;
	[tilespmem:s20+$0x10C00] =	vst v3;
	v14 =	vor.u32 s20, v0  }
0x8b: {  	s21 =	simm.s32 $0xC0;
	v15 =	vor.u32 s20, v4;
	v16 =	vor.u32 s20, v5;
	[tilespmem:s20+$0x10C10] =	vst v3;
	v17 =	vor.u32 s20, v6;
	s20 =	smov.u32 s22  }
.LBB2_4:
0x8c: {  	s23 =	sshra.s32 s21, $0x2  }
0x8d: {  	v30 =	vld.idx.msk [tilespmem:v18+s23+$0xFFFFFFD0 ss:$0x1], $0xffff;
	_ =	sdelay $0x2  }
0x8e: {  	v31 =	vld [tilespmem:s20+$0xFFFFFF00]  }
0x8f: {  	v32 =	vld [tilespmem:s20+$0xFFFFFF20]  }
0x90: {  	v33 =	vld [tilespmem:s20+$0xFFFFFF10];
	v20 =	vbroadcast v30, $0x0  }
0x91: {  	v27 =	vld [tilespmem:s20+$0xFFFFFF40];
	v21 =	vbroadcast v30, $0x1;
	v26 =	vbroadcast v30, $0x2  }
0x92: {  	v34 =	vld [tilespmem:s20+$0xFFFFFF30];
	v36 =	vbroadcast v30, $0x3;
	v40 =	vbroadcast v30, $0x4  }
0x93: {  	v25 =	vld [tilespmem:s20+$0xFFFFFF60];
	v41 =	vbroadcast v30, $0x5;
	v43 =	vbroadcast v30, $0x6  }
0x94: {  	v35 =	vld [tilespmem:s20+$0xFFFFFF50];
	v54 =	vbroadcast v30, $0x7;
	v56 =	vbroadcast v30, $0x8  }
0x95: {  	v23 =	vld [tilespmem:s20+$0xFFFFFF80];
	v44 =	vbroadcast v30, $0x9;
	v46 =	vbroadcast v30, $0xA  }
0x96: {  	v63 =	vbroadcast v30, $0xB;
	v47 =	vbroadcast v30, $0xD  }
0x97: {  	v28 =	vld [tilespmem:s20+$0xFFFFFF70];
	v22 =	vmul.f32 v31, v20;
	v24 =	vmul.f32 v32, v21  }
0x98: {  	v38 =	vld [tilespmem:s20+$0xFFFFFF90];
	v29 =	vmul.f32 v27, v26;
	v20 =	vmul.f32 v33, v20  }
0x99: {  	v37 =	vmul.f32 v34, v21;
	v39 =	vmul.f32 v25, v36  }
0x9a: {  	v21 =	vld [tilespmem:s20+$0xFFFFFFC0];
	v26 =	vmul.f32 v35, v26;
	v51 =	vmul.f32 v23, v40  }
0x9b: {  	v45 =	vmul.f32 v32, v44;
	v50 =	vmul.f32 v34, v44;
	v44 =	vld.idx.msk [tilespmem:v18+s23+$0xFFFFFFE0 ss:$0x1], $0xffff  }
0x9c: {  	v36 =	vmul.f32 v28, v36;
	v59 =	vmul.f32 v31, v56  }
0x9d: {  	v52 =	vmul.f32 v38, v40;
	v24 =	vadd.f32 v24, v22;
	v22 =	vld [tilespmem:s20+$0xFFFFFFA0];
	v37 =	vadd.f32 v37, v20  }
0x9e: {  	v62 =	vmul.f32 v27, v46;
	v49 =	vmul.f32 v33, v56;
	v20 =	vld [tilespmem:s20+$0xFFFFFFE0];
	v61 =	vadd.f32 v45, v59  }
0x9f: {  	v56 =	vmul.f32 v28, v63;
	v24 =	vadd.f32 v29, v24;
	v37 =	vadd.f32 v26, v37  }
0xa0: {  	v29 =	vld [tilespmem:s20+$0xFFFFFFB0];
	v40 =	vadd.f32 v62, v61;
	v53 =	vmul.f32 v21, v43;
	v59 =	vbroadcast v44, $0x0  }
0xa1: {  	v26 =	vld [tilespmem:s20+$0xFFFFFFD0];
	v61 =	vbroadcast v44, $0x1;
	v24 =	vadd.f32 v39, v24;
	v36 =	vadd.f32 v36, v37  }
0xa2: {  	v37 =	vadd.f32 v50, v49;
	v49 =	vbroadcast v44, $0x2;
	v42 =	vmul.f32 v22, v41  }
0xa3: {  	v57 =	vmul.f32 v20, v54;
	v48 =	vmul.f32 v22, v47;
	v39 =	vadd.f32 v51, v24  }
0xa4: {  	v36 =	vadd.f32 v52, v36;
	v51 =	vmul.f32 v25, v63;
	v52 =	vbroadcast v30, $0xC  }
0xa5: {  	v63 =	vmul.f32 v31, v59;
	v55 =	vmul.f32 v29, v41  }
0xa6: {  	v24 =	vld [tilespmem:s20+$0xFFFFFFF0];
	v58 =	vmul.f32 v26, v43;
	v62 =	vmul.f32 v29, v47  }
0xa7: {  	v47 =	vbroadcast v44, $0x5;
	v43 =	vbroadcast v44, $0xE  }
0xa8: {  	v39 =	vadd.f32 v42, v39;
	v40 =	vadd.f32 v51, v40;
	v51 =	vbroadcast v44, $0x9  }
0xa9: {  	v36 =	vadd.f32 v55, v36;
	v55 =	vbroadcast v30, $0xE;
	v30 =	vbroadcast v30, $0xF  }
0xaa: {  	v50 =	vmul.f32 v22, v47;
	v39 =	vadd.f32 v53, v39;
	v53 =	vmul.f32 v35, v46  }
0xab: {  	v60 =	vmul.f32 v24, v54;
	v54 =	vmul.f32 v23, v52  }
0xac: {  	v36 =	vadd.f32 v58, v36;
	v58 =	vmul.f32 v38, v52;
	v52 =	vmul.f32 v32, v61  }
0xad: {  	v32 =	vmul.f32 v32, v51;
	v39 =	vadd.f32 v57, v39;
	v57 =	vmul.f32 v21, v55  }
0xae: {  	v37 =	vadd.f32 v53, v37;
	v53 =	vmul.f32 v26, v55;
	v55 =	vmul.f32 v27, v49  }
0xaf: {  	v36 =	vadd.f32 v60, v36;
	v40 =	vadd.f32 v54, v40;
	v54 =	vbroadcast v44, $0x3  }
0xb0: {  	v60 =	vmul.f32 v20, v30;
	v30 =	vmul.f32 v24, v30;
	v37 =	vadd.f32 v56, v37  }
0xb1: {  	v40 =	vadd.f32 v48, v40;
	v56 =	vmul.f32 v25, v54;
	v48 =	vbroadcast v44, $0x6  }
0xb2: {  	v42 =	vadd.f32 v52, v63;
	v63 =	vmul.f32 v28, v54;
	v54 =	vbroadcast v44, $0x8  }
0xb3: {  	v37 =	vadd.f32 v58, v37;
	v58 =	vmul.f32 v33, v59;
	v59 =	vmul.f32 v34, v61  }
0xb4: {  	v42 =	vadd.f32 v55, v42;
	v61 =	vmul.f32 v35, v49;
	v49 =	vbroadcast v44, $0x7  }
0xb5: {  	v34 =	vmul.f32 v34, v51;
	v40 =	vadd.f32 v57, v40;
	v57 =	vbroadcast v44, $0x4  }
0xb6: {  	v31 =	vmul.f32 v31, v54;
	v33 =	vmul.f32 v33, v54;
	v37 =	vadd.f32 v62, v37  }
0xb7: {  	v62 =	vmul.f32 v21, v48;
	v40 =	vadd.f32 v60, v40;
	v60 =	vmul.f32 v23, v57  }
0xb8: {  	v41 =	vadd.f32 v56, v42;
	v56 =	vmul.f32 v38, v57;
	v57 =	vbroadcast v44, $0xA  }
0xb9: {  	v55 =	vmul.f32 v20, v49;
	v21 =	vmul.f32 v21, v43;
	v37 =	vadd.f32 v53, v37  }
0xba: {  	v31 =	vadd.f32 v32, v31;
	v33 =	vadd.f32 v34, v33;
	v27 =	vmul.f32 v27, v57  }
0xbb: {  	v30 =	vadd.f32 v30, v37;
	v37 =	vadd.f32 v59, v58;
	v58 =	vbroadcast v44, $0xB  }
0xbc: {  	v41 =	vadd.f32 v60, v41;
	v60 =	vmul.f32 v35, v57;
	v27 =	vadd.f32 v27, v31  }
0xbd: {  	v37 =	vadd.f32 v61, v37;
	v25 =	vmul.f32 v25, v58;
	v61 =	vbroadcast v44, $0xC  }
0xbe: {  	v41 =	vadd.f32 v50, v41;
	v33 =	vadd.f32 v60, v33;
	v28 =	vmul.f32 v28, v58  }
0xbf: {  	v37 =	vadd.f32 v63, v37;
	v25 =	vadd.f32 v25, v27;
	v23 =	vmul.f32 v23, v61  }
0xc0: {  	v63 =	vbroadcast v44, $0xD;
	v28 =	vadd.f32 v28, v33;
	v31 =	vmul.f32 v38, v61  }
0xc1: {  	v59 =	vmul.f32 v29, v47;
	v41 =	vadd.f32 v62, v41;
	v37 =	vadd.f32 v56, v37  }
0xc2: {  	v23 =	vadd.f32 v23, v25;
	v22 =	vmul.f32 v22, v63;
	v28 =	vadd.f32 v31, v28  }
0xc3: {  	v42 =	vld.idx.msk [tilespmem:v19+s23+$0xFFFFFFD0 ss:$0x1], $0xffff;
	v27 =	vmul.f32 v29, v63;
	v62 =	vadd.f32 v59, v37;
	v37 =	vmul.f32 v26, v48  }
0xc4: {  	v45 =	vbroadcast v44, $0xF;
	v46 =	vmul.f32 v24, v49;
	v34 =	vld.idx.msk [tilespmem:v19+s23+$0xFFFFFFE0 ss:$0x1], $0xffff;
	[tilespmem:$0x10AE0] =	vst v39;
	v22 =	vadd.f32 v22, v23  }
0xc5: {  	[tilespmem:$0x10AF0] =	vst v36;
	v25 =	vmul.f32 v26, v43;
	v27 =	vadd.f32 v27, v28;
	v32 =	vadd.f32 v37, v62  }
0xc6: {  	v20 =	vmul.f32 v20, v45;
	[tilespmem:$0x10B00] =	vst v40;
	v47 =	vadd.f32 v55, v41;
	v21 =	vadd.f32 v21, v22  }
0xc7: {  	[tilespmem:$0x10B10] =	vst v30;
	v23 =	vmul.f32 v24, v45;
	v25 =	vadd.f32 v25, v27;
	v48 =	vadd.f32 v46, v32  }
0xc8: {  	[tilespmem:$0x10B20] =	vst v47;
	v20 =	vadd.f32 v20, v21  }
0xc9: {  	v49 =	vadd.f32 v23, v25;
	[tilespmem:$0x10B30] =	vst v48  }
0xca: {  	[tilespmem:$0x10B40] =	vst v20  }
0xcb: {  	[tilespmem:$0x10B50] =	vst v49  }
0xcc: {  	v20 =	vld.idx.msk [tilespmem:v1+s30+$0x0], $0xffff;
	_ =	sdelay $0x2  }
0xcd: {  	v50 =	vbroadcast v42, $0x0  }
0xce: {  	v51 =	vbroadcast v42, $0x1  }
0xcf: {  	v52 =	vbroadcast v42, $0x2;
	v21 =	vmul.f32 v20, v50  }
0xd0: {  	v53 =	vbroadcast v42, $0x3;
	v22 =	vmul.f32 v20, v51  }
0xd1: {  	v54 =	vmul.f32 v20, v52;
	[tilespmem:v14+s31+$0x0] =	vst.idx.add.f32.msk $0xffff, v21  }
0xd2: {  	v20 =	vmul.f32 v20, v53;
	[tilespmem:v15+s31+$0x0] =	vst.idx.add.f32.msk $0xffff, v22  }
0xd3: {  	[tilespmem:v16+s31+$0x0] =	vst.idx.add.f32.msk $0xffff, v54  }
0xd4: {  	[tilespmem:v17+s31+$0x0] =	vst.idx.add.f32.msk $0xffff, v20  }
0xd5: {  	v20 =	vld.idx.msk [tilespmem:v7+s30+$0x0], $0xffff;
	_ =	sdelay $0x2  }
0xd6: {  	v55 =	vbroadcast v42, $0x4  }
0xd7: {  	v56 =	vbroadcast v42, $0x5  }
0xd8: {  	v57 =	vbroadcast v42, $0x6;
	v21 =	vmul.f32 v20, v55  }
0xd9: {  	v58 =	vbroadcast v42, $0x7;
	v22 =	vmul.f32 v20, v56  }
0xda: {  	v59 =	vmul.f32 v20, v57;
	[tilespmem:v14+s31+$0x0] =	vst.idx.add.f32.msk $0xffff, v21  }
0xdb: {  	v20 =	vmul.f32 v20, v58;
	[tilespmem:v15+s31+$0x0] =	vst.idx.add.f32.msk $0xffff, v22  }
0xdc: {  	[tilespmem:v16+s31+$0x0] =	vst.idx.add.f32.msk $0xffff, v59  }
0xdd: {  	[tilespmem:v17+s31+$0x0] =	vst.idx.add.f32.msk $0xffff, v20  }
0xde: {  	v20 =	vld.idx.msk [tilespmem:v8+s30+$0x0], $0xffff;
	_ =	sdelay $0x2  }
0xdf: {  	v60 =	vbroadcast v42, $0x8  }
0xe0: {  	v61 =	vbroadcast v42, $0x9  }
0xe1: {  	v62 =	vbroadcast v42, $0xA;
	v21 =	vmul.f32 v20, v60  }
0xe2: {  	v63 =	vbroadcast v42, $0xB;
	v22 =	vmul.f32 v20, v61  }
0xe3: {  	v28 =	vmul.f32 v20, v62;
	[tilespmem:v14+s31+$0x0] =	vst.idx.add.f32.msk $0xffff, v21  }
0xe4: {  	v20 =	vmul.f32 v20, v63;
	[tilespmem:v15+s31+$0x0] =	vst.idx.add.f32.msk $0xffff, v22  }
0xe5: {  	[tilespmem:v16+s31+$0x0] =	vst.idx.add.f32.msk $0xffff, v28  }
0xe6: {  	[tilespmem:v17+s31+$0x0] =	vst.idx.add.f32.msk $0xffff, v20  }
0xe7: {  	v20 =	vld.idx.msk [tilespmem:v9+s30+$0x0], $0xffff;
	_ =	sdelay $0x2  }
0xe8: {  	v29 =	vbroadcast v42, $0xC  }
0xe9: {  	v30 =	vbroadcast v42, $0xD  }
0xea: {  	v31 =	vbroadcast v42, $0xE;
	v21 =	vmul.f32 v20, v29  }
0xeb: {  	v32 =	vbroadcast v42, $0xF;
	v22 =	vmul.f32 v20, v30  }
0xec: {  	v33 =	vmul.f32 v20, v31;
	[tilespmem:v14+s31+$0x0] =	vst.idx.add.f32.msk $0xffff, v21  }
0xed: {  	v20 =	vmul.f32 v20, v32;
	[tilespmem:v15+s31+$0x0] =	vst.idx.add.f32.msk $0xffff, v22  }
0xee: {  	[tilespmem:v16+s31+$0x0] =	vst.idx.add.f32.msk $0xffff, v33  }
0xef: {  	[tilespmem:v17+s31+$0x0] =	vst.idx.add.f32.msk $0xffff, v20  }
0xf0: {  	v20 =	vld.idx.msk [tilespmem:v10+s30+$0x0], $0xffff;
	_ =	sdelay $0x2  }
0xf1: {  	v35 =	vbroadcast v34, $0x0  }
0xf2: {  	v36 =	vbroadcast v34, $0x1  }
0xf3: {  	v37 =	vbroadcast v34, $0x2;
	v21 =	vmul.f32 v20, v35  }
0xf4: {  	v38 =	vbroadcast v34, $0x3;
	v22 =	vmul.f32 v20, v36  }
0xf5: {  	v39 =	vmul.f32 v20, v37;
	[tilespmem:v14+s31+$0x0] =	vst.idx.add.f32.msk $0xffff, v21  }
0xf6: {  	v20 =	vmul.f32 v20, v38;
	[tilespmem:v15+s31+$0x0] =	vst.idx.add.f32.msk $0xffff, v22  }
0xf7: {  	[tilespmem:v16+s31+$0x0] =	vst.idx.add.f32.msk $0xffff, v39  }
0xf8: {  	[tilespmem:v17+s31+$0x0] =	vst.idx.add.f32.msk $0xffff, v20  }
0xf9: {  	v20 =	vld.idx.msk [tilespmem:v11+s30+$0x0], $0xffff;
	_ =	sdelay $0x2  }
0xfa: {  	v40 =	vbroadcast v34, $0x4  }
0xfb: {  	v41 =	vbroadcast v34, $0x5  }
0xfc: {  	v42 =	vbroadcast v34, $0x6;
	v21 =	vmul.f32 v20, v40  }
0xfd: {  	v43 =	vbroadcast v34, $0x7;
	v22 =	vmul.f32 v20, v41  }
0xfe: {  	v44 =	vmul.f32 v20, v42;
	[tilespmem:v14+s31+$0x0] =	vst.idx.add.f32.msk $0xffff, v21  }
0xff: {  	v20 =	vmul.f32 v20, v43;
	[tilespmem:v15+s31+$0x0] =	vst.idx.add.f32.msk $0xffff, v22  }
0x100: {  	[tilespmem:v16+s31+$0x0] =	vst.idx.add.f32.msk $0xffff, v44  }
0x101: {  	[tilespmem:v17+s31+$0x0] =	vst.idx.add.f32.msk $0xffff, v20  }
0x102: {  	v20 =	vld.idx.msk [tilespmem:v12+s30+$0x0], $0xffff;
	_ =	sdelay $0x2  }
0x103: {  	v45 =	vbroadcast v34, $0x8  }
0x104: {  	v46 =	vbroadcast v34, $0x9  }
0x105: {  	v47 =	vbroadcast v34, $0xA;
	v21 =	vmul.f32 v20, v45  }
0x106: {  	v48 =	vbroadcast v34, $0xB;
	v22 =	vmul.f32 v20, v46  }
0x107: {  	v49 =	vmul.f32 v20, v47;
	[tilespmem:v14+s31+$0x0] =	vst.idx.add.f32.msk $0xffff, v21  }
0x108: {  	v20 =	vmul.f32 v20, v48;
	[tilespmem:v15+s31+$0x0] =	vst.idx.add.f32.msk $0xffff, v22  }
0x109: {  	[tilespmem:v16+s31+$0x0] =	vst.idx.add.f32.msk $0xffff, v49  }
0x10a: {  	[tilespmem:v17+s31+$0x0] =	vst.idx.add.f32.msk $0xffff, v20  }
0x10b: {  	v20 =	vld.idx.msk [tilespmem:v13+s30+$0x0], $0xffff;
	_ =	sdelay $0x2  }
0x10c: {  	v50 =	vbroadcast v34, $0xC  }
0x10d: {  	v51 =	vbroadcast v34, $0xD  }
0x10e: {  	v52 =	vbroadcast v34, $0xE;
	v21 =	vmul.f32 v20, v50  }
0x10f: {  	v53 =	vbroadcast v34, $0xF;
	v22 =	vmul.f32 v20, v51  }
0x110: {  	v54 =	vmul.f32 v20, v52;
	[tilespmem:v14+s31+$0x0] =	vst.idx.add.f32.msk $0xffff, v21  }
0x111: {  	v20 =	vmul.f32 v20, v53;
	[tilespmem:v15+s31+$0x0] =	vst.idx.add.f32.msk $0xffff, v22  }
0x112: {  	[tilespmem:v16+s31+$0x0] =	vst.idx.add.f32.msk $0xffff, v54  }
0x113: {  	[tilespmem:v17+s31+$0x0] =	vst.idx.add.f32.msk $0xffff, v20  }
0x114: {  	v30 =	vld.idx.msk [tilespmem:v18+s23+$0xFFFFFFF0 ss:$0x1], $0xffff  }
0x115: {  	v31 =	vld [tilespmem:s20+$0x0]  }
0x116: {  	v32 =	vld [tilespmem:s20+$0x20]  }
0x117: {  	v33 =	vld [tilespmem:s20+$0x10]  }
0x118: {  	v27 =	vld [tilespmem:s20+$0x40]  }
0x119: {  	v34 =	vld [tilespmem:s20+$0x30]  }
0x11a: {  	v25 =	vld [tilespmem:s20+$0x60]  }
0x11b: {  	v35 =	vld [tilespmem:s20+$0x50];
	v20 =	vbroadcast v30, $0x0  }
0x11c: {  	v23 =	vld [tilespmem:s20+$0x80];
	v55 =	vbroadcast v30, $0x1;
	v58 =	vbroadcast v30, $0x2  }
0x11d: {  	v28 =	vld [tilespmem:s20+$0x70];
	v60 =	vbroadcast v30, $0x3;
	v63 =	vbroadcast v30, $0x4  }
0x11e: {  	v22 =	vld [tilespmem:s20+$0xA0];
	v46 =	vbroadcast v30, $0x5;
	v48 =	vbroadcast v30, $0x6  }
0x11f: {  	v38 =	vld [tilespmem:s20+$0x90];
	v51 =	vbroadcast v30, $0x7;
	v53 =	vbroadcast v30, $0x8  }
0x120: {  	v21 =	vld [tilespmem:s20+$0xC0];
	v56 =	vmul.f32 v31, v20;
	v57 =	vmul.f32 v32, v55  }
0x121: {  	v29 =	vld [tilespmem:s20+$0xB0];
	v59 =	vmul.f32 v27, v58;
	v20 =	vmul.f32 v33, v20  }
0x122: {  	v61 =	vmul.f32 v34, v55;
	v62 =	vmul.f32 v25, v60  }
0x123: {  	v26 =	vmul.f32 v35, v58;
	v45 =	vmul.f32 v23, v63  }
0x124: {  	v36 =	vmul.f32 v28, v60;
	v47 =	vmul.f32 v22, v46  }
0x125: {  	v44 =	vld.idx.msk [tilespmem:v18+s23+$0x0 ss:$0x1], $0xffff;
	v49 =	vmul.f32 v38, v63;
	v50 =	vmul.f32 v21, v48  }
0x126: {  	v52 =	vmul.f32 v29, v46;
	v24 =	vadd.f32 v57, v56;
	v37 =	vadd.f32 v61, v20  }
0x127: {  	v55 =	vbroadcast v30, $0x9;
	v63 =	vbroadcast v30, $0xB;
	v20 =	vld [tilespmem:s20+$0xE0]  }
0x128: {  	v57 =	vmul.f32 v31, v53;
	v24 =	vadd.f32 v59, v24;
	v37 =	vadd.f32 v26, v37  }
0x129: {  	v58 =	vmul.f32 v32, v55;
	v26 =	vld [tilespmem:s20+$0xD0];
	v59 =	vbroadcast v30, $0xA  }
0x12a: {  	v46 =	vbroadcast v44, $0xC;
	v24 =	vadd.f32 v62, v24;
	v36 =	vadd.f32 v36, v37  }
0x12b: {  	v61 =	vadd.f32 v58, v57;
	v57 =	vbroadcast v30, $0xE;
	v62 =	vmul.f32 v27, v59  }
0x12c: {  	v54 =	vmul.f32 v20, v51;
	v39 =	vadd.f32 v45, v24;
	v24 =	vld [tilespmem:s20+$0xF0];
	v36 =	vadd.f32 v49, v36  }
0x12d: {  	v40 =	vadd.f32 v62, v61;
	v62 =	vbroadcast v44, $0x0;
	v49 =	vbroadcast v44, $0x7  }
0x12e: {  	v56 =	vmul.f32 v26, v48;
	v48 =	vbroadcast v44, $0x6;
	v39 =	vadd.f32 v47, v39  }
0x12f: {  	v36 =	vadd.f32 v52, v36;
	v52 =	vmul.f32 v25, v63;
	v47 =	vbroadcast v44, $0x5  }
0x130: {  	v39 =	vadd.f32 v50, v39;
	v50 =	vmul.f32 v33, v53;
	v53 =	vbroadcast v30, $0xC  }
0x131: {  	v40 =	vadd.f32 v52, v40;
	v52 =	vbroadcast v44, $0x1;
	v60 =	vmul.f32 v24, v51  }
0x132: {  	v36 =	vadd.f32 v56, v36;
	v51 =	vmul.f32 v34, v55;
	v55 =	vmul.f32 v35, v59  }
0x133: {  	v59 =	vmul.f32 v28, v63;
	v39 =	vadd.f32 v54, v39;
	v54 =	vbroadcast v30, $0xD  }
0x134: {  	v56 =	vmul.f32 v23, v53;
	v30 =	vbroadcast v30, $0xF  }
0x135: {  	v61 =	vmul.f32 v38, v53;
	v36 =	vadd.f32 v60, v36;
	v60 =	vmul.f32 v21, v57  }
0x136: {  	v37 =	vadd.f32 v51, v50;
	v57 =	vmul.f32 v26, v57;
	v51 =	vbroadcast v44, $0xD  }
0x137: {  	v58 =	vmul.f32 v22, v54;
	v63 =	vmul.f32 v20, v30  }
0x138: {  	v40 =	vadd.f32 v56, v40;
	v53 =	vmul.f32 v29, v54;
	v54 =	vmul.f32 v31, v62  }
0x139: {  	v56 =	vbroadcast v44, $0x2;
	v30 =	vmul.f32 v24, v30;
	v37 =	vadd.f32 v55, v37  }
0x13a: {  	v62 =	vmul.f32 v33, v62;
	v55 =	vmul.f32 v32, v52;
	v40 =	vadd.f32 v58, v40  }
0x13b: {  	v58 =	vbroadcast v44, $0x3;
	v37 =	vadd.f32 v59, v37;
	v59 =	vmul.f32 v27, v56  }
0x13c: {  	v42 =	vadd.f32 v55, v54;
	v54 =	vmul.f32 v35, v56;
	v55 =	vmul.f32 v21, v48  }
0x13d: {  	v40 =	vadd.f32 v60, v40;
	v60 =	vmul.f32 v25, v58;
	v56 =	vmul.f32 v28, v58  }
0x13e: {  	v58 =	vmul.f32 v20, v49;
	v37 =	vadd.f32 v61, v37;
	v61 =	vbroadcast v44, $0x4  }
0x13f: {  	v42 =	vadd.f32 v59, v42;
	v59 =	vbroadcast v44, $0x9;
	v40 =	vadd.f32 v63, v40  }
0x140: {  	v63 =	vmul.f32 v34, v52;
	v37 =	vadd.f32 v53, v37;
	v52 =	vmul.f32 v23, v61  }
0x141: {  	v41 =	vadd.f32 v60, v42;
	v53 =	vmul.f32 v22, v47;
	v60 =	vmul.f32 v38, v61  }
0x142: {  	v32 =	vmul.f32 v32, v59;
	v61 =	vbroadcast v44, $0xA  }
0x143: {  	v34 =	vmul.f32 v34, v59;
	v37 =	vadd.f32 v57, v37;
	v57 =	vbroadcast v44, $0x8  }
0x144: {  	v23 =	vmul.f32 v23, v46;
	v22 =	vmul.f32 v22, v51  }
0x145: {  	v41 =	vadd.f32 v52, v41;
	v27 =	vmul.f32 v27, v61;
	v31 =	vmul.f32 v31, v57  }
0x146: {  	v30 =	vadd.f32 v30, v37;
	v37 =	vadd.f32 v63, v62;
	v33 =	vmul.f32 v33, v57  }
0x147: {  	v45 =	vmul.f32 v35, v61;
	v62 =	vbroadcast v44, $0xB;
	v31 =	vadd.f32 v32, v31  }
0x148: {  	v52 =	vmul.f32 v26, v48;
	v37 =	vadd.f32 v54, v37;
	v33 =	vadd.f32 v34, v33  }
0x149: {  	v41 =	vadd.f32 v53, v41;
	v25 =	vmul.f32 v25, v62;
	v27 =	vadd.f32 v27, v31  }
0x14a: {  	v28 =	vmul.f32 v28, v62;
	v37 =	vadd.f32 v56, v37;
	v33 =	vadd.f32 v45, v33  }
0x14b: {  	v63 =	vmul.f32 v29, v47;
	v41 =	vadd.f32 v55, v41;
	v25 =	vadd.f32 v25, v27  }
0x14c: {  	v31 =	vmul.f32 v38, v46;
	v37 =	vadd.f32 v60, v37;
	v28 =	vadd.f32 v28, v33  }
0x14d: {  	v53 =	vld.idx.msk [tilespmem:v19+s23+$0xFFFFFFF0 ss:$0x1], $0xffff;
	v54 =	vbroadcast v44, $0xE;
	v55 =	vbroadcast v44, $0xF;
	v23 =	vadd.f32 v23, v25  }
0x14e: {  	v34 =	vld.idx.msk [tilespmem:v19+s23+$0x0 ss:$0x1], $0xffff;
	v27 =	vmul.f32 v29, v51;
	v47 =	vadd.f32 v63, v37;
	v28 =	vadd.f32 v31, v28  }
0x14f: {  	[tilespmem:$0x10B60] =	vst v39;
	v21 =	vmul.f32 v21, v54;
	v56 =	vmul.f32 v24, v49;
	v22 =	vadd.f32 v22, v23  }
0x150: {  	[tilespmem:$0x10B70] =	vst v36;
	v25 =	vmul.f32 v26, v54;
	v32 =	vadd.f32 v52, v47;
	v27 =	vadd.f32 v27, v28  }
0x151: {  	[tilespmem:$0x10B80] =	vst v40;
	v57 =	vadd.f32 v58, v41;
	v20 =	vmul.f32 v20, v55;
	v21 =	vadd.f32 v21, v22  }
0x152: {  	[tilespmem:$0x10B90] =	vst v30;
	v23 =	vmul.f32 v24, v55;
	v58 =	vadd.f32 v56, v32;
	v25 =	vadd.f32 v25, v27  }
0x153: {  	[tilespmem:$0x10BA0] =	vst v57;
	v20 =	vadd.f32 v20, v21  }
0x154: {  	[tilespmem:$0x10BB0] =	vst v58;
	v59 =	vadd.f32 v23, v25  }
0x155: {  	[tilespmem:$0x10BC0] =	vst v20  }
0x156: {  	[tilespmem:$0x10BD0] =	vst v59  }
0x157: {  	v20 =	vld.idx.msk [tilespmem:v1+s1+$0x0], $0xffff;
	_ =	sdelay $0x2  }
0x158: {  	v60 =	vbroadcast v53, $0x0  }
0x159: {  	v61 =	vbroadcast v53, $0x1  }
0x15a: {  	v62 =	vbroadcast v53, $0x2;
	v21 =	vmul.f32 v20, v60  }
0x15b: {  	v63 =	vbroadcast v53, $0x3;
	v22 =	vmul.f32 v20, v61  }
0x15c: {  	v26 =	vmul.f32 v20, v62;
	[tilespmem:v14+s31+$0x0] =	vst.idx.add.f32.msk $0xffff, v21  }
0x15d: {  	v20 =	vmul.f32 v20, v63;
	[tilespmem:v15+s31+$0x0] =	vst.idx.add.f32.msk $0xffff, v22  }
0x15e: {  	[tilespmem:v16+s31+$0x0] =	vst.idx.add.f32.msk $0xffff, v26  }
0x15f: {  	[tilespmem:v17+s31+$0x0] =	vst.idx.add.f32.msk $0xffff, v20  }
0x160: {  	v20 =	vld.idx.msk [tilespmem:v7+s1+$0x0], $0xffff;
	_ =	sdelay $0x2  }
0x161: {  	v27 =	vbroadcast v53, $0x4  }
0x162: {  	v28 =	vbroadcast v53, $0x5  }
0x163: {  	v29 =	vbroadcast v53, $0x6;
	v21 =	vmul.f32 v20, v27  }
0x164: {  	v30 =	vbroadcast v53, $0x7;
	v22 =	vmul.f32 v20, v28  }
0x165: {  	v31 =	vmul.f32 v20, v29;
	[tilespmem:v14+s31+$0x0] =	vst.idx.add.f32.msk $0xffff, v21  }
0x166: {  	v20 =	vmul.f32 v20, v30;
	[tilespmem:v15+s31+$0x0] =	vst.idx.add.f32.msk $0xffff, v22  }
0x167: {  	[tilespmem:v16+s31+$0x0] =	vst.idx.add.f32.msk $0xffff, v31  }
0x168: {  	[tilespmem:v17+s31+$0x0] =	vst.idx.add.f32.msk $0xffff, v20  }
0x169: {  	v20 =	vld.idx.msk [tilespmem:v8+s1+$0x0], $0xffff;
	_ =	sdelay $0x2  }
0x16a: {  	v32 =	vbroadcast v53, $0x8  }
0x16b: {  	v35 =	vbroadcast v53, $0x9  }
0x16c: {  	v36 =	vbroadcast v53, $0xA;
	v21 =	vmul.f32 v20, v32  }
0x16d: {  	v37 =	vbroadcast v53, $0xB;
	v22 =	vmul.f32 v20, v35  }
0x16e: {  	v38 =	vmul.f32 v20, v36;
	[tilespmem:v14+s31+$0x0] =	vst.idx.add.f32.msk $0xffff, v21  }
0x16f: {  	v20 =	vmul.f32 v20, v37;
	[tilespmem:v15+s31+$0x0] =	vst.idx.add.f32.msk $0xffff, v22  }
0x170: {  	[tilespmem:v16+s31+$0x0] =	vst.idx.add.f32.msk $0xffff, v38  }
0x171: {  	[tilespmem:v17+s31+$0x0] =	vst.idx.add.f32.msk $0xffff, v20  }
0x172: {  	v20 =	vld.idx.msk [tilespmem:v9+s1+$0x0], $0xffff;
	_ =	sdelay $0x2  }
0x173: {  	v39 =	vbroadcast v53, $0xC  }
0x174: {  	v40 =	vbroadcast v53, $0xD  }
0x175: {  	v41 =	vbroadcast v53, $0xE;
	v21 =	vmul.f32 v20, v39  }
0x176: {  	v42 =	vbroadcast v53, $0xF;
	v22 =	vmul.f32 v20, v40  }
0x177: {  	v43 =	vmul.f32 v20, v41;
	[tilespmem:v14+s31+$0x0] =	vst.idx.add.f32.msk $0xffff, v21  }
0x178: {  	v20 =	vmul.f32 v20, v42;
	[tilespmem:v15+s31+$0x0] =	vst.idx.add.f32.msk $0xffff, v22  }
0x179: {  	[tilespmem:v16+s31+$0x0] =	vst.idx.add.f32.msk $0xffff, v43  }
0x17a: {  	[tilespmem:v17+s31+$0x0] =	vst.idx.add.f32.msk $0xffff, v20  }
0x17b: {  	v20 =	vld.idx.msk [tilespmem:v10+s1+$0x0], $0xffff;
	_ =	sdelay $0x2  }
0x17c: {  	v44 =	vbroadcast v34, $0x0  }
0x17d: {  	v45 =	vbroadcast v34, $0x1  }
0x17e: {  	v46 =	vbroadcast v34, $0x2;
	v21 =	vmul.f32 v20, v44  }
0x17f: {  	v47 =	vbroadcast v34, $0x3;
	v22 =	vmul.f32 v20, v45  }
0x180: {  	v48 =	vmul.f32 v20, v46;
	[tilespmem:v14+s31+$0x0] =	vst.idx.add.f32.msk $0xffff, v21  }
0x181: {  	v20 =	vmul.f32 v20, v47;
	[tilespmem:v15+s31+$0x0] =	vst.idx.add.f32.msk $0xffff, v22  }
0x182: {  	[tilespmem:v16+s31+$0x0] =	vst.idx.add.f32.msk $0xffff, v48  }
0x183: {  	[tilespmem:v17+s31+$0x0] =	vst.idx.add.f32.msk $0xffff, v20  }
0x184: {  	v20 =	vld.idx.msk [tilespmem:v11+s1+$0x0], $0xffff;
	_ =	sdelay $0x2  }
0x185: {  	v49 =	vbroadcast v34, $0x4  }
0x186: {  	v50 =	vbroadcast v34, $0x5  }
0x187: {  	v51 =	vbroadcast v34, $0x6;
	v21 =	vmul.f32 v20, v49  }
0x188: {  	v52 =	vbroadcast v34, $0x7;
	v22 =	vmul.f32 v20, v50  }
0x189: {  	v53 =	vmul.f32 v20, v51;
	[tilespmem:v14+s31+$0x0] =	vst.idx.add.f32.msk $0xffff, v21  }
0x18a: {  	v20 =	vmul.f32 v20, v52;
	[tilespmem:v15+s31+$0x0] =	vst.idx.add.f32.msk $0xffff, v22  }
0x18b: {  	[tilespmem:v16+s31+$0x0] =	vst.idx.add.f32.msk $0xffff, v53  }
0x18c: {  	[tilespmem:v17+s31+$0x0] =	vst.idx.add.f32.msk $0xffff, v20  }
0x18d: {  	v20 =	vld.idx.msk [tilespmem:v12+s1+$0x0], $0xffff;
	_ =	sdelay $0x2  }
0x18e: {  	v54 =	vbroadcast v34, $0x8  }
0x18f: {  	v55 =	vbroadcast v34, $0x9  }
0x190: {  	v56 =	vbroadcast v34, $0xA;
	v21 =	vmul.f32 v20, v54  }
0x191: {  	v57 =	vbroadcast v34, $0xB;
	v22 =	vmul.f32 v20, v55  }
0x192: {  	v58 =	vmul.f32 v20, v56;
	[tilespmem:v14+s31+$0x0] =	vst.idx.add.f32.msk $0xffff, v21  }
0x193: {  	v20 =	vmul.f32 v20, v57;
	[tilespmem:v15+s31+$0x0] =	vst.idx.add.f32.msk $0xffff, v22  }
0x194: {  	[tilespmem:v16+s31+$0x0] =	vst.idx.add.f32.msk $0xffff, v58  }
0x195: {  	[tilespmem:v17+s31+$0x0] =	vst.idx.add.f32.msk $0xffff, v20  }
0x196: {  	v20 =	vld.idx.msk [tilespmem:v13+s1+$0x0], $0xffff;
	_ =	sdelay $0x2  }
0x197: {  	v59 =	vbroadcast v34, $0xC  }
0x198: {  	v60 =	vbroadcast v34, $0xD  }
0x199: {  	p1 =	sne.s32 s21, $0x9C0;
	v61 =	vbroadcast v34, $0xE;
	v21 =	vmul.f32 v20, v59  }
.Ltmp2:
0x19a: {  	v62 =	vbroadcast v34, $0xF;
	v22 =	vmul.f32 v20, v60;
	(pc) =	sbr.rel @p1 .LBB2_4-.Ltmp2, $4  }
0x19b: {  	v63 =	vmul.f32 v20, v61;
	[tilespmem:v14+s31+$0x0] =	vst.idx.add.f32.msk $0xffff, v21  }
0x19c: {  	v20 =	vmul.f32 v20, v62;
	[tilespmem:v15+s31+$0x0] =	vst.idx.add.f32.msk $0xffff, v22  }
0x19d: {  	[tilespmem:v16+s31+$0x0] =	vst.idx.add.f32.msk $0xffff, v63  }
0x19e: {  	s21 =	sadd.s32 $0x100, s21;
	s20 =	sadd.s32 $0x200, s20;
	[tilespmem:v17+s31+$0x0] =	vst.idx.add.f32.msk $0xffff, v20  }
0x19f: {  	s17 =	sadd.s32 $0x1, s17  }
0x1a0: {  	p1 =	sne.s32 s17, $0x4  }
.Ltmp3:
0x1a1: {  	_ = 	snop;
	(pc) =	sbr.rel @p1 .LBB2_3-.Ltmp3, $2  }
0x1a2: {  	_ =	sdelay $0x2  }
0x1a3: {  	s18 =	sadd.s32 $0x280, s18;
	s19 =	sadd.s32 $0x280, s19;
	s22 =	sadd.s32 $0x1400, s22  }
0x1a4: {  	p1 =	seq.s32 s14, $0x67  }
.Ltmp4:
0x1a5: {  	_ = 	snop;
	(pc) =	sbr.rel @p1 .LBB2_8-.Ltmp4, $4  }
0x1a6: {  	_ = 	snop  }
0x1a7: {  	s16 =	sshrl.u32 s16, $0x3  }
0x1a8: {  	s16 =	sadd.s32 s2, s16  }
0x1a9: {  	[hbm4b:s16+s3] =	stream.linear.scatter [tilespmem:s31], [sflag:$0x7], $0x100, $0x38;
	[tilespmem:$0x10DE0] =	vst v63  }
0x1aa: {  	s17 =	smul.u32 $0xA0, s14;
	_ =	sdelay $0x1  }
0x1ab: {  	v14 =	vld [tilespmem:s17+$0xA0];
	_ =	sdelay $0x4  }
0x1ac: {  	v15 =	vcvt.s32.f32 v14;
	_ =	sdelay $0x1  }
0x1ad: {  	v15 =	vmul.f32 $9.999999770e-03, v15;
	_ =	sdelay $0x1  }
0x1ae: {  	v15 =	vadd.f32 $4.999999890e-03, v15;
	_ =	sdelay $0x1  }
0x1af: {  	v15 =	vtrunc.f32 v15  }
0x1b0: {  	v15 =	vcvt.f32.s32 v15;
	_ =	sdelay $0x1  }
0x1b1: {  	s16 =	sadd.s32 $0xA0, s17;
	v16 =	vcvt.s32.f32 v15  }
0x1b2: {  	s16 =	sadd.s32 s4, s16  }
0x1b3: {  	s16 =	smulhi.u32 $0xCCCCCCCD, s16;
	v16 =	vmul.f32 $9.999999770e-03, v16;
	_ =	sdelay $0x1  }
0x1b4: {  	s16 =	sshrl.u32 s16, $0xE;
	v16 =	vadd.f32 $4.999999890e-03, v16  }
0x1b5: {  	s16 =	smul.u32 $0x64, s16  }
0x1b6: {  	v16 =	vtrunc.f32 v16  }
0x1b7: {  	v18 =	vadd.s32 s16, v15;
	v15 =	vmul.u32 $0xFFFFFF9C, v15;
	v16 =	vcvt.f32.s32 v16  }
0x1b8: {  	v14 =	vadd.s32 s16, v14  }
0x1b9: {  	v14 =	vadd.s32 v15, v14;
	v17 =	vmul.u32 $0xFFFFFF9C, v16  }
0x1ba: {  	[tilespmem:$0x41A0] =	vst v14;
	v16 =	vadd.s32 s16, v16  }
0x1bb: {  	[tilespmem:$0x4100] =	vst v16;
	v47 =	vadd.s32 v17, v18  }
0x1bc: {  	[tilespmem:$0x4150] =	vst v47  }
0x1bd: {  	v14 =	vld [tilespmem:s17+$0xB0];
	_ =	sdelay $0x4  }
0x1be: {  	v15 =	vcvt.s32.f32 v14;
	_ =	sdelay $0x1  }
0x1bf: {  	v15 =	vmul.f32 $9.999999770e-03, v15;
	_ =	sdelay $0x1  }
0x1c0: {  	v15 =	vadd.f32 $4.999999890e-03, v15;
	_ =	sdelay $0x1  }
0x1c1: {  	v15 =	vtrunc.f32 v15  }
0x1c2: {  	v15 =	vcvt.f32.s32 v15;
	_ =	sdelay $0x1  }
0x1c3: {  	v48 =	vcvt.s32.f32 v15;
	_ =	sdelay $0x1  }
0x1c4: {  	v16 =	vmul.f32 $9.999999770e-03, v48;
	_ =	sdelay $0x1  }
0x1c5: {  	v16 =	vadd.f32 $4.999999890e-03, v16;
	_ =	sdelay $0x1  }
0x1c6: {  	v16 =	vtrunc.f32 v16  }
0x1c7: {  	v50 =	vadd.s32 s16, v15;
	v15 =	vmul.u32 $0xFFFFFF9C, v15;
	v16 =	vcvt.f32.s32 v16  }
0x1c8: {  	v14 =	vadd.s32 s16, v14  }
0x1c9: {  	v14 =	vadd.s32 v15, v14;
	v49 =	vmul.u32 $0xFFFFFF9C, v16  }
0x1ca: {  	[tilespmem:$0x41B0] =	vst v14;
	v16 =	vadd.s32 s16, v16  }
0x1cb: {  	[tilespmem:$0x4110] =	vst v16;
	v51 =	vadd.s32 v49, v50  }
0x1cc: {  	[tilespmem:$0x4160] =	vst v51  }
0x1cd: {  	v14 =	vld [tilespmem:s17+$0xC0];
	_ =	sdelay $0x4  }
0x1ce: {  	v15 =	vcvt.s32.f32 v14;
	_ =	sdelay $0x1  }
0x1cf: {  	v15 =	vmul.f32 $9.999999770e-03, v15;
	_ =	sdelay $0x1  }
0x1d0: {  	v15 =	vadd.f32 $4.999999890e-03, v15;
	_ =	sdelay $0x1  }
0x1d1: {  	v15 =	vtrunc.f32 v15  }
0x1d2: {  	v15 =	vcvt.f32.s32 v15;
	_ =	sdelay $0x1  }
0x1d3: {  	v52 =	vcvt.s32.f32 v15;
	_ =	sdelay $0x1  }
0x1d4: {  	v16 =	vmul.f32 $9.999999770e-03, v52;
	_ =	sdelay $0x1  }
0x1d5: {  	v16 =	vadd.f32 $4.999999890e-03, v16;
	_ =	sdelay $0x1  }
0x1d6: {  	v16 =	vtrunc.f32 v16  }
0x1d7: {  	v54 =	vadd.s32 s16, v15;
	v15 =	vmul.u32 $0xFFFFFF9C, v15;
	v16 =	vcvt.f32.s32 v16  }
0x1d8: {  	v14 =	vadd.s32 s16, v14  }
0x1d9: {  	v14 =	vadd.s32 v15, v14;
	v53 =	vmul.u32 $0xFFFFFF9C, v16  }
0x1da: {  	[tilespmem:$0x41C0] =	vst v14;
	v16 =	vadd.s32 s16, v16  }
0x1db: {  	[tilespmem:$0x4120] =	vst v16;
	v55 =	vadd.s32 v53, v54  }
0x1dc: {  	[tilespmem:$0x4170] =	vst v55  }
0x1dd: {  	v14 =	vld [tilespmem:s17+$0xD0];
	_ =	sdelay $0x4  }
0x1de: {  	v15 =	vcvt.s32.f32 v14;
	_ =	sdelay $0x1  }
0x1df: {  	v15 =	vmul.f32 $9.999999770e-03, v15;
	_ =	sdelay $0x1  }
0x1e0: {  	v15 =	vadd.f32 $4.999999890e-03, v15;
	_ =	sdelay $0x1  }
0x1e1: {  	v15 =	vtrunc.f32 v15  }
0x1e2: {  	v15 =	vcvt.f32.s32 v15;
	_ =	sdelay $0x1  }
0x1e3: {  	v56 =	vcvt.s32.f32 v15;
	_ =	sdelay $0x1  }
0x1e4: {  	v16 =	vmul.f32 $9.999999770e-03, v56;
	_ =	sdelay $0x1  }
0x1e5: {  	v16 =	vadd.f32 $4.999999890e-03, v16;
	_ =	sdelay $0x1  }
0x1e6: {  	v16 =	vtrunc.f32 v16  }
0x1e7: {  	v58 =	vadd.s32 s16, v15;
	v15 =	vmul.u32 $0xFFFFFF9C, v15;
	v16 =	vcvt.f32.s32 v16  }
0x1e8: {  	v14 =	vadd.s32 s16, v14  }
0x1e9: {  	v14 =	vadd.s32 v15, v14;
	v57 =	vmul.u32 $0xFFFFFF9C, v16  }
0x1ea: {  	[tilespmem:$0x41D0] =	vst v14;
	v16 =	vadd.s32 s16, v16  }
0x1eb: {  	[tilespmem:$0x4130] =	vst v16;
	v59 =	vadd.s32 v57, v58  }
0x1ec: {  	[tilespmem:$0x4180] =	vst v59  }
0x1ed: {  	v14 =	vld [tilespmem:s17+$0xE0];
	_ =	sdelay $0x4  }
0x1ee: {  	v15 =	vcvt.s32.f32 v14;
	_ =	sdelay $0x1  }
0x1ef: {  	v15 =	vmul.f32 $9.999999770e-03, v15;
	_ =	sdelay $0x1  }
0x1f0: {  	v15 =	vadd.f32 $4.999999890e-03, v15;
	_ =	sdelay $0x1  }
0x1f1: {  	v15 =	vtrunc.f32 v15  }
0x1f2: {  	v15 =	vcvt.f32.s32 v15;
	_ =	sdelay $0x1  }
0x1f3: {  	v60 =	vcvt.s32.f32 v15;
	_ =	sdelay $0x1  }
0x1f4: {  	v16 =	vmul.f32 $9.999999770e-03, v60;
	_ =	sdelay $0x1  }
0x1f5: {  	v16 =	vadd.f32 $4.999999890e-03, v16;
	_ =	sdelay $0x1  }
0x1f6: {  	v16 =	vtrunc.f32 v16  }
0x1f7: {  	v62 =	vadd.s32 s16, v15;
	v15 =	vmul.u32 $0xFFFFFF9C, v15;
	v16 =	vcvt.f32.s32 v16  }
0x1f8: {  	v14 =	vadd.s32 s16, v14  }
0x1f9: {  	v14 =	vadd.s32 v15, v14;
	v61 =	vmul.u32 $0xFFFFFF9C, v16  }
0x1fa: {  	[tilespmem:$0x41E0] =	vst v14;
	v16 =	vadd.s32 s16, v16  }
0x1fb: {  	[tilespmem:$0x4140] =	vst v16;
	v63 =	vadd.s32 v61, v62  }
0x1fc: {  	s18 =	simm.s32 $0x4100;
	s19 =	simm.s32 $0x42E0;
	[tilespmem:$0x4190] =	vst v63  }
0x1fd: {  	[tilespmem:s19], [sflag:$0x1] =	stream.indirect.gather [hbm4b:s5+s13], $0x20, s18, s13, $0xb8;
	[tilespmem:$0x10DE0] =	vst v63  }
0x1fe: {  	s20 =	simm.s32 $0x4150;
	s21 =	simm.s32 $0x56E0  }
0x1ff: {  	[tilespmem:s21], [sflag:$0x2] =	stream.indirect.gather [hbm4b:s6+s13], $0x100, s20, s13, $0xb8;
	[tilespmem:$0x10DE0] =	vst v63  }
0x200: {  	s22 =	simm.s32 $0x41A0;
	s23 =	simm.s32 $0xF6E0  }
0x201: {  	[tilespmem:s23], [sflag:$0x3] =	stream.indirect.gather [hbm4b:s7+s13], $0x20, s22, s13, $0xb8;
	[tilespmem:$0x10DE0] =	vst v63  }
.LBB2_8:
0x202: {  	_ =	swait.ge [sflag:s0], $0xA00  }
0x203: {  	[sflag:s0] =	ssyncset.done $0x0  }
0x204: {  	[sflag:s0] =	ssyncadd.s32 $0xFFFFF600  }
0x205: {  	_ =	swait.ge [sflag:s9], $0x5000  }
0x206: {  	[sflag:s9] =	ssyncset.done $0x0  }
0x207: {  	[sflag:s9] =	ssyncadd.s32 $0xFFFFB000  }
0x208: {  	_ =	swait.ge [sflag:s11], $0xA00  }
0x209: {  	[sflag:s11] =	ssyncset.done $0x0  }
0x20a: {  	s16 =	simm.s32 @!p0 $0x8;
	[sflag:s11] =	ssyncadd.s32 $0xFFFFF600  }
0x20b: {  	s15 =	sadd.s32 s15, s10;
	_ =	swait.ge @!p0 [sflag:s16], $0x100  }
0x20c: {  	s17 =	simm.s32 $0x100E0;
	s18 =	simm.s32 $0x4CE0;
	[sflag:s16] =	ssyncset.done @!p0 $0x0  }
0x20d: {  	s19 =	simm.s32 $0xA7E0;
	[sflag:s16] =	ssyncadd.s32 @!p0 $0xFFFFFF00;
	s16 =	simm.s32 $0x0  }
.LBB2_9:
0x20e: {  	s20 =	sshll.u32 s16, $0x6  }
0x20f: {  	v18 =	vmov s18;
	[tilespmem:s20+$0x10CE0] =	vst v3  }
0x210: {  	[tilespmem:s20+$0x10CF0] =	vst v3  }
0x211: {  	v19 =	vmov s17;
	[tilespmem:s20+$0x10D00] =	vst v3;
	v14 =	vor.u32 s20, v0  }
0x212: {  	s21 =	smov.u32 s19;
	v15 =	vor.u32 s20, v4;
	v16 =	vor.u32 s20, v5;
	[tilespmem:s20+$0x10D10] =	vst v3;
	v17 =	vor.u32 s20, v6;
	s20 =	simm.s32 $0xC0  }
.LBB2_10:
0x213: {  	s22 =	sshra.s32 s20, $0x2  }
0x214: {  	v30 =	vld.idx.msk [tilespmem:v18+s22+$0xFFFFFFD0 ss:$0x1], $0xffff;
	_ =	sdelay $0x2  }
0x215: {  	v31 =	vld [tilespmem:s21+$0xFFFFFF00]  }
0x216: {  	v32 =	vld [tilespmem:s21+$0xFFFFFF20]  }
0x217: {  	v33 =	vld [tilespmem:s21+$0xFFFFFF10];
	v20 =	vbroadcast v30, $0x0  }
0x218: {  	v27 =	vld [tilespmem:s21+$0xFFFFFF40];
	v21 =	vbroadcast v30, $0x1;
	v26 =	vbroadcast v30, $0x2  }
0x219: {  	v34 =	vld [tilespmem:s21+$0xFFFFFF30];
	v36 =	vbroadcast v30, $0x3;
	v40 =	vbroadcast v30, $0x4  }
0x21a: {  	v25 =	vld [tilespmem:s21+$0xFFFFFF60];
	v41 =	vbroadcast v30, $0x5;
	v43 =	vbroadcast v30, $0x6  }
0x21b: {  	v35 =	vld [tilespmem:s21+$0xFFFFFF50];
	v54 =	vbroadcast v30, $0x7;
	v56 =	vbroadcast v30, $0x8  }
0x21c: {  	v23 =	vld [tilespmem:s21+$0xFFFFFF80];
	v44 =	vbroadcast v30, $0x9;
	v46 =	vbroadcast v30, $0xA  }
0x21d: {  	v63 =	vbroadcast v30, $0xB;
	v47 =	vbroadcast v30, $0xD  }
0x21e: {  	v28 =	vld [tilespmem:s21+$0xFFFFFF70];
	v22 =	vmul.f32 v31, v20;
	v24 =	vmul.f32 v32, v21  }
0x21f: {  	v38 =	vld [tilespmem:s21+$0xFFFFFF90];
	v29 =	vmul.f32 v27, v26;
	v20 =	vmul.f32 v33, v20  }
0x220: {  	v37 =	vmul.f32 v34, v21;
	v39 =	vmul.f32 v25, v36  }
0x221: {  	v21 =	vld [tilespmem:s21+$0xFFFFFFC0];
	v26 =	vmul.f32 v35, v26;
	v51 =	vmul.f32 v23, v40  }
0x222: {  	v45 =	vmul.f32 v32, v44;
	v50 =	vmul.f32 v34, v44;
	v44 =	vld.idx.msk [tilespmem:v18+s22+$0xFFFFFFE0 ss:$0x1], $0xffff  }
0x223: {  	v36 =	vmul.f32 v28, v36;
	v59 =	vmul.f32 v31, v56  }
0x224: {  	v52 =	vmul.f32 v38, v40;
	v24 =	vadd.f32 v24, v22;
	v22 =	vld [tilespmem:s21+$0xFFFFFFA0];
	v37 =	vadd.f32 v37, v20  }
0x225: {  	v62 =	vmul.f32 v27, v46;
	v49 =	vmul.f32 v33, v56;
	v20 =	vld [tilespmem:s21+$0xFFFFFFE0];
	v61 =	vadd.f32 v45, v59  }
0x226: {  	v56 =	vmul.f32 v28, v63;
	v24 =	vadd.f32 v29, v24;
	v37 =	vadd.f32 v26, v37  }
0x227: {  	v29 =	vld [tilespmem:s21+$0xFFFFFFB0];
	v40 =	vadd.f32 v62, v61;
	v53 =	vmul.f32 v21, v43;
	v59 =	vbroadcast v44, $0x0  }
0x228: {  	v26 =	vld [tilespmem:s21+$0xFFFFFFD0];
	v61 =	vbroadcast v44, $0x1;
	v24 =	vadd.f32 v39, v24;
	v36 =	vadd.f32 v36, v37  }
0x229: {  	v37 =	vadd.f32 v50, v49;
	v49 =	vbroadcast v44, $0x2;
	v42 =	vmul.f32 v22, v41  }
0x22a: {  	v57 =	vmul.f32 v20, v54;
	v48 =	vmul.f32 v22, v47;
	v39 =	vadd.f32 v51, v24  }
0x22b: {  	v36 =	vadd.f32 v52, v36;
	v51 =	vmul.f32 v25, v63;
	v52 =	vbroadcast v30, $0xC  }
0x22c: {  	v63 =	vmul.f32 v31, v59;
	v55 =	vmul.f32 v29, v41  }
0x22d: {  	v24 =	vld [tilespmem:s21+$0xFFFFFFF0];
	v58 =	vmul.f32 v26, v43;
	v62 =	vmul.f32 v29, v47  }
0x22e: {  	v47 =	vbroadcast v44, $0x5;
	v43 =	vbroadcast v44, $0xE  }
0x22f: {  	v39 =	vadd.f32 v42, v39;
	v40 =	vadd.f32 v51, v40;
	v51 =	vbroadcast v44, $0x9  }
0x230: {  	v36 =	vadd.f32 v55, v36;
	v55 =	vbroadcast v30, $0xE;
	v30 =	vbroadcast v30, $0xF  }
0x231: {  	v50 =	vmul.f32 v22, v47;
	v39 =	vadd.f32 v53, v39;
	v53 =	vmul.f32 v35, v46  }
0x232: {  	v60 =	vmul.f32 v24, v54;
	v54 =	vmul.f32 v23, v52  }
0x233: {  	v36 =	vadd.f32 v58, v36;
	v58 =	vmul.f32 v38, v52;
	v52 =	vmul.f32 v32, v61  }
0x234: {  	v32 =	vmul.f32 v32, v51;
	v39 =	vadd.f32 v57, v39;
	v57 =	vmul.f32 v21, v55  }
0x235: {  	v37 =	vadd.f32 v53, v37;
	v53 =	vmul.f32 v26, v55;
	v55 =	vmul.f32 v27, v49  }
0x236: {  	v36 =	vadd.f32 v60, v36;
	v40 =	vadd.f32 v54, v40;
	v54 =	vbroadcast v44, $0x3  }
0x237: {  	v60 =	vmul.f32 v20, v30;
	v30 =	vmul.f32 v24, v30;
	v37 =	vadd.f32 v56, v37  }
0x238: {  	v40 =	vadd.f32 v48, v40;
	v56 =	vmul.f32 v25, v54;
	v48 =	vbroadcast v44, $0x6  }
0x239: {  	v42 =	vadd.f32 v52, v63;
	v63 =	vmul.f32 v28, v54;
	v54 =	vbroadcast v44, $0x8  }
0x23a: {  	v37 =	vadd.f32 v58, v37;
	v58 =	vmul.f32 v33, v59;
	v59 =	vmul.f32 v34, v61  }
0x23b: {  	v42 =	vadd.f32 v55, v42;
	v61 =	vmul.f32 v35, v49;
	v49 =	vbroadcast v44, $0x7  }
0x23c: {  	v34 =	vmul.f32 v34, v51;
	v40 =	vadd.f32 v57, v40;
	v57 =	vbroadcast v44, $0x4  }
0x23d: {  	v31 =	vmul.f32 v31, v54;
	v33 =	vmul.f32 v33, v54;
	v37 =	vadd.f32 v62, v37  }
0x23e: {  	v62 =	vmul.f32 v21, v48;
	v40 =	vadd.f32 v60, v40;
	v60 =	vmul.f32 v23, v57  }
0x23f: {  	v41 =	vadd.f32 v56, v42;
	v56 =	vmul.f32 v38, v57;
	v57 =	vbroadcast v44, $0xA  }
0x240: {  	v55 =	vmul.f32 v20, v49;
	v21 =	vmul.f32 v21, v43;
	v37 =	vadd.f32 v53, v37  }
0x241: {  	v31 =	vadd.f32 v32, v31;
	v33 =	vadd.f32 v34, v33;
	v27 =	vmul.f32 v27, v57  }
0x242: {  	v30 =	vadd.f32 v30, v37;
	v37 =	vadd.f32 v59, v58;
	v58 =	vbroadcast v44, $0xB  }
0x243: {  	v41 =	vadd.f32 v60, v41;
	v60 =	vmul.f32 v35, v57;
	v27 =	vadd.f32 v27, v31  }
0x244: {  	v37 =	vadd.f32 v61, v37;
	v25 =	vmul.f32 v25, v58;
	v61 =	vbroadcast v44, $0xC  }
0x245: {  	v41 =	vadd.f32 v50, v41;
	v33 =	vadd.f32 v60, v33;
	v28 =	vmul.f32 v28, v58  }
0x246: {  	v37 =	vadd.f32 v63, v37;
	v25 =	vadd.f32 v25, v27;
	v23 =	vmul.f32 v23, v61  }
0x247: {  	v63 =	vbroadcast v44, $0xD;
	v28 =	vadd.f32 v28, v33;
	v31 =	vmul.f32 v38, v61  }
0x248: {  	v59 =	vmul.f32 v29, v47;
	v41 =	vadd.f32 v62, v41;
	v37 =	vadd.f32 v56, v37  }
0x249: {  	v23 =	vadd.f32 v23, v25;
	v22 =	vmul.f32 v22, v63;
	v28 =	vadd.f32 v31, v28  }
0x24a: {  	v42 =	vld.idx.msk [tilespmem:v19+s22+$0xFFFFFFD0 ss:$0x1], $0xffff;
	v27 =	vmul.f32 v29, v63;
	v62 =	vadd.f32 v59, v37;
	v37 =	vmul.f32 v26, v48  }
0x24b: {  	v45 =	vbroadcast v44, $0xF;
	v46 =	vmul.f32 v24, v49;
	v34 =	vld.idx.msk [tilespmem:v19+s22+$0xFFFFFFE0 ss:$0x1], $0xffff;
	[tilespmem:$0x10AE0] =	vst v39;
	v22 =	vadd.f32 v22, v23  }
0x24c: {  	[tilespmem:$0x10AF0] =	vst v36;
	v25 =	vmul.f32 v26, v43;
	v27 =	vadd.f32 v27, v28;
	v32 =	vadd.f32 v37, v62  }
0x24d: {  	v20 =	vmul.f32 v20, v45;
	[tilespmem:$0x10B00] =	vst v40;
	v47 =	vadd.f32 v55, v41;
	v21 =	vadd.f32 v21, v22  }
0x24e: {  	[tilespmem:$0x10B10] =	vst v30;
	v23 =	vmul.f32 v24, v45;
	v25 =	vadd.f32 v25, v27;
	v48 =	vadd.f32 v46, v32  }
0x24f: {  	[tilespmem:$0x10B20] =	vst v47;
	v20 =	vadd.f32 v20, v21  }
0x250: {  	v49 =	vadd.f32 v23, v25;
	[tilespmem:$0x10B30] =	vst v48  }
0x251: {  	[tilespmem:$0x10B40] =	vst v20  }
0x252: {  	[tilespmem:$0x10B50] =	vst v49  }
0x253: {  	v20 =	vld.idx.msk [tilespmem:v1+s30+$0x0], $0xffff;
	_ =	sdelay $0x2  }
0x254: {  	v50 =	vbroadcast v42, $0x0  }
0x255: {  	v51 =	vbroadcast v42, $0x1  }
0x256: {  	v52 =	vbroadcast v42, $0x2;
	v21 =	vmul.f32 v20, v50  }
0x257: {  	v53 =	vbroadcast v42, $0x3;
	v22 =	vmul.f32 v20, v51  }
0x258: {  	v54 =	vmul.f32 v20, v52;
	[tilespmem:v14+s12+$0x0] =	vst.idx.add.f32.msk $0xffff, v21  }
0x259: {  	v20 =	vmul.f32 v20, v53;
	[tilespmem:v15+s12+$0x0] =	vst.idx.add.f32.msk $0xffff, v22  }
0x25a: {  	[tilespmem:v16+s12+$0x0] =	vst.idx.add.f32.msk $0xffff, v54  }
0x25b: {  	[tilespmem:v17+s12+$0x0] =	vst.idx.add.f32.msk $0xffff, v20  }
0x25c: {  	v20 =	vld.idx.msk [tilespmem:v7+s30+$0x0], $0xffff;
	_ =	sdelay $0x2  }
0x25d: {  	v55 =	vbroadcast v42, $0x4  }
0x25e: {  	v56 =	vbroadcast v42, $0x5  }
0x25f: {  	v57 =	vbroadcast v42, $0x6;
	v21 =	vmul.f32 v20, v55  }
0x260: {  	v58 =	vbroadcast v42, $0x7;
	v22 =	vmul.f32 v20, v56  }
0x261: {  	v59 =	vmul.f32 v20, v57;
	[tilespmem:v14+s12+$0x0] =	vst.idx.add.f32.msk $0xffff, v21  }
0x262: {  	v20 =	vmul.f32 v20, v58;
	[tilespmem:v15+s12+$0x0] =	vst.idx.add.f32.msk $0xffff, v22  }
0x263: {  	[tilespmem:v16+s12+$0x0] =	vst.idx.add.f32.msk $0xffff, v59  }
0x264: {  	[tilespmem:v17+s12+$0x0] =	vst.idx.add.f32.msk $0xffff, v20  }
0x265: {  	v20 =	vld.idx.msk [tilespmem:v8+s30+$0x0], $0xffff;
	_ =	sdelay $0x2  }
0x266: {  	v60 =	vbroadcast v42, $0x8  }
0x267: {  	v61 =	vbroadcast v42, $0x9  }
0x268: {  	v62 =	vbroadcast v42, $0xA;
	v21 =	vmul.f32 v20, v60  }
0x269: {  	v63 =	vbroadcast v42, $0xB;
	v22 =	vmul.f32 v20, v61  }
0x26a: {  	v28 =	vmul.f32 v20, v62;
	[tilespmem:v14+s12+$0x0] =	vst.idx.add.f32.msk $0xffff, v21  }
0x26b: {  	v20 =	vmul.f32 v20, v63;
	[tilespmem:v15+s12+$0x0] =	vst.idx.add.f32.msk $0xffff, v22  }
0x26c: {  	[tilespmem:v16+s12+$0x0] =	vst.idx.add.f32.msk $0xffff, v28  }
0x26d: {  	[tilespmem:v17+s12+$0x0] =	vst.idx.add.f32.msk $0xffff, v20  }
0x26e: {  	v20 =	vld.idx.msk [tilespmem:v9+s30+$0x0], $0xffff;
	_ =	sdelay $0x2  }
0x26f: {  	v29 =	vbroadcast v42, $0xC  }
0x270: {  	v30 =	vbroadcast v42, $0xD  }
0x271: {  	v31 =	vbroadcast v42, $0xE;
	v21 =	vmul.f32 v20, v29  }
0x272: {  	v32 =	vbroadcast v42, $0xF;
	v22 =	vmul.f32 v20, v30  }
0x273: {  	v33 =	vmul.f32 v20, v31;
	[tilespmem:v14+s12+$0x0] =	vst.idx.add.f32.msk $0xffff, v21  }
0x274: {  	v20 =	vmul.f32 v20, v32;
	[tilespmem:v15+s12+$0x0] =	vst.idx.add.f32.msk $0xffff, v22  }
0x275: {  	[tilespmem:v16+s12+$0x0] =	vst.idx.add.f32.msk $0xffff, v33  }
0x276: {  	[tilespmem:v17+s12+$0x0] =	vst.idx.add.f32.msk $0xffff, v20  }
0x277: {  	v20 =	vld.idx.msk [tilespmem:v10+s30+$0x0], $0xffff;
	_ =	sdelay $0x2  }
0x278: {  	v35 =	vbroadcast v34, $0x0  }
0x279: {  	v36 =	vbroadcast v34, $0x1  }
0x27a: {  	v37 =	vbroadcast v34, $0x2;
	v21 =	vmul.f32 v20, v35  }
0x27b: {  	v38 =	vbroadcast v34, $0x3;
	v22 =	vmul.f32 v20, v36  }
0x27c: {  	v39 =	vmul.f32 v20, v37;
	[tilespmem:v14+s12+$0x0] =	vst.idx.add.f32.msk $0xffff, v21  }
0x27d: {  	v20 =	vmul.f32 v20, v38;
	[tilespmem:v15+s12+$0x0] =	vst.idx.add.f32.msk $0xffff, v22  }
0x27e: {  	[tilespmem:v16+s12+$0x0] =	vst.idx.add.f32.msk $0xffff, v39  }
0x27f: {  	[tilespmem:v17+s12+$0x0] =	vst.idx.add.f32.msk $0xffff, v20  }
0x280: {  	v20 =	vld.idx.msk [tilespmem:v11+s30+$0x0], $0xffff;
	_ =	sdelay $0x2  }
0x281: {  	v40 =	vbroadcast v34, $0x4  }
0x282: {  	v41 =	vbroadcast v34, $0x5  }
0x283: {  	v42 =	vbroadcast v34, $0x6;
	v21 =	vmul.f32 v20, v40  }
0x284: {  	v43 =	vbroadcast v34, $0x7;
	v22 =	vmul.f32 v20, v41  }
0x285: {  	v44 =	vmul.f32 v20, v42;
	[tilespmem:v14+s12+$0x0] =	vst.idx.add.f32.msk $0xffff, v21  }
0x286: {  	v20 =	vmul.f32 v20, v43;
	[tilespmem:v15+s12+$0x0] =	vst.idx.add.f32.msk $0xffff, v22  }
0x287: {  	[tilespmem:v16+s12+$0x0] =	vst.idx.add.f32.msk $0xffff, v44  }
0x288: {  	[tilespmem:v17+s12+$0x0] =	vst.idx.add.f32.msk $0xffff, v20  }
0x289: {  	v20 =	vld.idx.msk [tilespmem:v12+s30+$0x0], $0xffff;
	_ =	sdelay $0x2  }
0x28a: {  	v45 =	vbroadcast v34, $0x8  }
0x28b: {  	v46 =	vbroadcast v34, $0x9  }
0x28c: {  	v47 =	vbroadcast v34, $0xA;
	v21 =	vmul.f32 v20, v45  }
0x28d: {  	v48 =	vbroadcast v34, $0xB;
	v22 =	vmul.f32 v20, v46  }
0x28e: {  	v49 =	vmul.f32 v20, v47;
	[tilespmem:v14+s12+$0x0] =	vst.idx.add.f32.msk $0xffff, v21  }
0x28f: {  	v20 =	vmul.f32 v20, v48;
	[tilespmem:v15+s12+$0x0] =	vst.idx.add.f32.msk $0xffff, v22  }
0x290: {  	[tilespmem:v16+s12+$0x0] =	vst.idx.add.f32.msk $0xffff, v49  }
0x291: {  	[tilespmem:v17+s12+$0x0] =	vst.idx.add.f32.msk $0xffff, v20  }
0x292: {  	v20 =	vld.idx.msk [tilespmem:v13+s30+$0x0], $0xffff;
	_ =	sdelay $0x2  }
0x293: {  	v50 =	vbroadcast v34, $0xC  }
0x294: {  	v51 =	vbroadcast v34, $0xD  }
0x295: {  	v52 =	vbroadcast v34, $0xE;
	v21 =	vmul.f32 v20, v50  }
0x296: {  	v53 =	vbroadcast v34, $0xF;
	v22 =	vmul.f32 v20, v51  }
0x297: {  	v54 =	vmul.f32 v20, v52;
	[tilespmem:v14+s12+$0x0] =	vst.idx.add.f32.msk $0xffff, v21  }
0x298: {  	v20 =	vmul.f32 v20, v53;
	[tilespmem:v15+s12+$0x0] =	vst.idx.add.f32.msk $0xffff, v22  }
0x299: {  	[tilespmem:v16+s12+$0x0] =	vst.idx.add.f32.msk $0xffff, v54  }
0x29a: {  	[tilespmem:v17+s12+$0x0] =	vst.idx.add.f32.msk $0xffff, v20  }
0x29b: {  	v30 =	vld.idx.msk [tilespmem:v18+s22+$0xFFFFFFF0 ss:$0x1], $0xffff  }
0x29c: {  	v31 =	vld [tilespmem:s21+$0x0]  }
0x29d: {  	v32 =	vld [tilespmem:s21+$0x20]  }
0x29e: {  	v33 =	vld [tilespmem:s21+$0x10]  }
0x29f: {  	v27 =	vld [tilespmem:s21+$0x40]  }
0x2a0: {  	v34 =	vld [tilespmem:s21+$0x30]  }
0x2a1: {  	v25 =	vld [tilespmem:s21+$0x60]  }
0x2a2: {  	v35 =	vld [tilespmem:s21+$0x50];
	v20 =	vbroadcast v30, $0x0  }
0x2a3: {  	v23 =	vld [tilespmem:s21+$0x80];
	v55 =	vbroadcast v30, $0x1;
	v58 =	vbroadcast v30, $0x2  }
0x2a4: {  	v28 =	vld [tilespmem:s21+$0x70];
	v60 =	vbroadcast v30, $0x3;
	v63 =	vbroadcast v30, $0x4  }
0x2a5: {  	v22 =	vld [tilespmem:s21+$0xA0];
	v46 =	vbroadcast v30, $0x5;
	v48 =	vbroadcast v30, $0x6  }
0x2a6: {  	v38 =	vld [tilespmem:s21+$0x90];
	v51 =	vbroadcast v30, $0x7;
	v53 =	vbroadcast v30, $0x8  }
0x2a7: {  	v21 =	vld [tilespmem:s21+$0xC0];
	v56 =	vmul.f32 v31, v20;
	v57 =	vmul.f32 v32, v55  }
0x2a8: {  	v29 =	vld [tilespmem:s21+$0xB0];
	v59 =	vmul.f32 v27, v58;
	v20 =	vmul.f32 v33, v20  }
0x2a9: {  	v61 =	vmul.f32 v34, v55;
	v62 =	vmul.f32 v25, v60  }
0x2aa: {  	v26 =	vmul.f32 v35, v58;
	v45 =	vmul.f32 v23, v63  }
0x2ab: {  	v36 =	vmul.f32 v28, v60;
	v47 =	vmul.f32 v22, v46  }
0x2ac: {  	v44 =	vld.idx.msk [tilespmem:v18+s22+$0x0 ss:$0x1], $0xffff;
	v49 =	vmul.f32 v38, v63;
	v50 =	vmul.f32 v21, v48  }
0x2ad: {  	v52 =	vmul.f32 v29, v46;
	v24 =	vadd.f32 v57, v56;
	v37 =	vadd.f32 v61, v20  }
0x2ae: {  	v55 =	vbroadcast v30, $0x9;
	v63 =	vbroadcast v30, $0xB;
	v20 =	vld [tilespmem:s21+$0xE0]  }
0x2af: {  	v57 =	vmul.f32 v31, v53;
	v24 =	vadd.f32 v59, v24;
	v37 =	vadd.f32 v26, v37  }
0x2b0: {  	v58 =	vmul.f32 v32, v55;
	v26 =	vld [tilespmem:s21+$0xD0];
	v59 =	vbroadcast v30, $0xA  }
0x2b1: {  	v46 =	vbroadcast v44, $0xC;
	v24 =	vadd.f32 v62, v24;
	v36 =	vadd.f32 v36, v37  }
0x2b2: {  	v61 =	vadd.f32 v58, v57;
	v57 =	vbroadcast v30, $0xE;
	v62 =	vmul.f32 v27, v59  }
0x2b3: {  	v54 =	vmul.f32 v20, v51;
	v39 =	vadd.f32 v45, v24;
	v24 =	vld [tilespmem:s21+$0xF0];
	v36 =	vadd.f32 v49, v36  }
0x2b4: {  	v40 =	vadd.f32 v62, v61;
	v62 =	vbroadcast v44, $0x0;
	v49 =	vbroadcast v44, $0x7  }
0x2b5: {  	v56 =	vmul.f32 v26, v48;
	v48 =	vbroadcast v44, $0x6;
	v39 =	vadd.f32 v47, v39  }
0x2b6: {  	v36 =	vadd.f32 v52, v36;
	v52 =	vmul.f32 v25, v63;
	v47 =	vbroadcast v44, $0x5  }
0x2b7: {  	v39 =	vadd.f32 v50, v39;
	v50 =	vmul.f32 v33, v53;
	v53 =	vbroadcast v30, $0xC  }
0x2b8: {  	v40 =	vadd.f32 v52, v40;
	v52 =	vbroadcast v44, $0x1;
	v60 =	vmul.f32 v24, v51  }
0x2b9: {  	v36 =	vadd.f32 v56, v36;
	v51 =	vmul.f32 v34, v55;
	v55 =	vmul.f32 v35, v59  }
0x2ba: {  	v59 =	vmul.f32 v28, v63;
	v39 =	vadd.f32 v54, v39;
	v54 =	vbroadcast v30, $0xD  }
0x2bb: {  	v56 =	vmul.f32 v23, v53;
	v30 =	vbroadcast v30, $0xF  }
0x2bc: {  	v61 =	vmul.f32 v38, v53;
	v36 =	vadd.f32 v60, v36;
	v60 =	vmul.f32 v21, v57  }
0x2bd: {  	v37 =	vadd.f32 v51, v50;
	v57 =	vmul.f32 v26, v57;
	v51 =	vbroadcast v44, $0xD  }
0x2be: {  	v58 =	vmul.f32 v22, v54;
	v63 =	vmul.f32 v20, v30  }
0x2bf: {  	v40 =	vadd.f32 v56, v40;
	v53 =	vmul.f32 v29, v54;
	v54 =	vmul.f32 v31, v62  }
0x2c0: {  	v56 =	vbroadcast v44, $0x2;
	v30 =	vmul.f32 v24, v30;
	v37 =	vadd.f32 v55, v37  }
0x2c1: {  	v62 =	vmul.f32 v33, v62;
	v55 =	vmul.f32 v32, v52;
	v40 =	vadd.f32 v58, v40  }
0x2c2: {  	v58 =	vbroadcast v44, $0x3;
	v37 =	vadd.f32 v59, v37;
	v59 =	vmul.f32 v27, v56  }
0x2c3: {  	v42 =	vadd.f32 v55, v54;
	v54 =	vmul.f32 v35, v56;
	v55 =	vmul.f32 v21, v48  }
0x2c4: {  	v40 =	vadd.f32 v60, v40;
	v60 =	vmul.f32 v25, v58;
	v56 =	vmul.f32 v28, v58  }
0x2c5: {  	v58 =	vmul.f32 v20, v49;
	v37 =	vadd.f32 v61, v37;
	v61 =	vbroadcast v44, $0x4  }
0x2c6: {  	v42 =	vadd.f32 v59, v42;
	v59 =	vbroadcast v44, $0x9;
	v40 =	vadd.f32 v63, v40  }
0x2c7: {  	v63 =	vmul.f32 v34, v52;
	v37 =	vadd.f32 v53, v37;
	v52 =	vmul.f32 v23, v61  }
0x2c8: {  	v41 =	vadd.f32 v60, v42;
	v53 =	vmul.f32 v22, v47;
	v60 =	vmul.f32 v38, v61  }
0x2c9: {  	v32 =	vmul.f32 v32, v59;
	v61 =	vbroadcast v44, $0xA  }
0x2ca: {  	v34 =	vmul.f32 v34, v59;
	v37 =	vadd.f32 v57, v37;
	v57 =	vbroadcast v44, $0x8  }
0x2cb: {  	v23 =	vmul.f32 v23, v46;
	v22 =	vmul.f32 v22, v51  }
0x2cc: {  	v41 =	vadd.f32 v52, v41;
	v27 =	vmul.f32 v27, v61;
	v31 =	vmul.f32 v31, v57  }
0x2cd: {  	v30 =	vadd.f32 v30, v37;
	v37 =	vadd.f32 v63, v62;
	v33 =	vmul.f32 v33, v57  }
0x2ce: {  	v45 =	vmul.f32 v35, v61;
	v62 =	vbroadcast v44, $0xB;
	v31 =	vadd.f32 v32, v31  }
0x2cf: {  	v52 =	vmul.f32 v26, v48;
	v37 =	vadd.f32 v54, v37;
	v33 =	vadd.f32 v34, v33  }
0x2d0: {  	v41 =	vadd.f32 v53, v41;
	v25 =	vmul.f32 v25, v62;
	v27 =	vadd.f32 v27, v31  }
0x2d1: {  	v28 =	vmul.f32 v28, v62;
	v37 =	vadd.f32 v56, v37;
	v33 =	vadd.f32 v45, v33  }
0x2d2: {  	v63 =	vmul.f32 v29, v47;
	v41 =	vadd.f32 v55, v41;
	v25 =	vadd.f32 v25, v27  }
0x2d3: {  	v31 =	vmul.f32 v38, v46;
	v37 =	vadd.f32 v60, v37;
	v28 =	vadd.f32 v28, v33  }
0x2d4: {  	v53 =	vld.idx.msk [tilespmem:v19+s22+$0xFFFFFFF0 ss:$0x1], $0xffff;
	v54 =	vbroadcast v44, $0xE;
	v55 =	vbroadcast v44, $0xF;
	v23 =	vadd.f32 v23, v25  }
0x2d5: {  	v34 =	vld.idx.msk [tilespmem:v19+s22+$0x0 ss:$0x1], $0xffff;
	v27 =	vmul.f32 v29, v51;
	v47 =	vadd.f32 v63, v37;
	v28 =	vadd.f32 v31, v28  }
0x2d6: {  	[tilespmem:$0x10B60] =	vst v39;
	v21 =	vmul.f32 v21, v54;
	v56 =	vmul.f32 v24, v49;
	v22 =	vadd.f32 v22, v23  }
0x2d7: {  	[tilespmem:$0x10B70] =	vst v36;
	v25 =	vmul.f32 v26, v54;
	v32 =	vadd.f32 v52, v47;
	v27 =	vadd.f32 v27, v28  }
0x2d8: {  	[tilespmem:$0x10B80] =	vst v40;
	v57 =	vadd.f32 v58, v41;
	v20 =	vmul.f32 v20, v55;
	v21 =	vadd.f32 v21, v22  }
0x2d9: {  	[tilespmem:$0x10B90] =	vst v30;
	v23 =	vmul.f32 v24, v55;
	v58 =	vadd.f32 v56, v32;
	v25 =	vadd.f32 v25, v27  }
0x2da: {  	[tilespmem:$0x10BA0] =	vst v57;
	v20 =	vadd.f32 v20, v21  }
0x2db: {  	[tilespmem:$0x10BB0] =	vst v58;
	v59 =	vadd.f32 v23, v25  }
0x2dc: {  	[tilespmem:$0x10BC0] =	vst v20  }
0x2dd: {  	[tilespmem:$0x10BD0] =	vst v59  }
0x2de: {  	v20 =	vld.idx.msk [tilespmem:v1+s1+$0x0], $0xffff;
	_ =	sdelay $0x2  }
0x2df: {  	v60 =	vbroadcast v53, $0x0  }
0x2e0: {  	v61 =	vbroadcast v53, $0x1  }
0x2e1: {  	v62 =	vbroadcast v53, $0x2;
	v21 =	vmul.f32 v20, v60  }
0x2e2: {  	v63 =	vbroadcast v53, $0x3;
	v22 =	vmul.f32 v20, v61  }
0x2e3: {  	v26 =	vmul.f32 v20, v62;
	[tilespmem:v14+s12+$0x0] =	vst.idx.add.f32.msk $0xffff, v21  }
0x2e4: {  	v20 =	vmul.f32 v20, v63;
	[tilespmem:v15+s12+$0x0] =	vst.idx.add.f32.msk $0xffff, v22  }
0x2e5: {  	[tilespmem:v16+s12+$0x0] =	vst.idx.add.f32.msk $0xffff, v26  }
0x2e6: {  	[tilespmem:v17+s12+$0x0] =	vst.idx.add.f32.msk $0xffff, v20  }
0x2e7: {  	v20 =	vld.idx.msk [tilespmem:v7+s1+$0x0], $0xffff;
	_ =	sdelay $0x2  }
0x2e8: {  	v27 =	vbroadcast v53, $0x4  }
0x2e9: {  	v28 =	vbroadcast v53, $0x5  }
0x2ea: {  	v29 =	vbroadcast v53, $0x6;
	v21 =	vmul.f32 v20, v27  }
0x2eb: {  	v30 =	vbroadcast v53, $0x7;
	v22 =	vmul.f32 v20, v28  }
0x2ec: {  	v31 =	vmul.f32 v20, v29;
	[tilespmem:v14+s12+$0x0] =	vst.idx.add.f32.msk $0xffff, v21  }
0x2ed: {  	v20 =	vmul.f32 v20, v30;
	[tilespmem:v15+s12+$0x0] =	vst.idx.add.f32.msk $0xffff, v22  }
0x2ee: {  	[tilespmem:v16+s12+$0x0] =	vst.idx.add.f32.msk $0xffff, v31  }
0x2ef: {  	[tilespmem:v17+s12+$0x0] =	vst.idx.add.f32.msk $0xffff, v20  }
0x2f0: {  	v20 =	vld.idx.msk [tilespmem:v8+s1+$0x0], $0xffff;
	_ =	sdelay $0x2  }
0x2f1: {  	v32 =	vbroadcast v53, $0x8  }
0x2f2: {  	v35 =	vbroadcast v53, $0x9  }
0x2f3: {  	v36 =	vbroadcast v53, $0xA;
	v21 =	vmul.f32 v20, v32  }
0x2f4: {  	v37 =	vbroadcast v53, $0xB;
	v22 =	vmul.f32 v20, v35  }
0x2f5: {  	v38 =	vmul.f32 v20, v36;
	[tilespmem:v14+s12+$0x0] =	vst.idx.add.f32.msk $0xffff, v21  }
0x2f6: {  	v20 =	vmul.f32 v20, v37;
	[tilespmem:v15+s12+$0x0] =	vst.idx.add.f32.msk $0xffff, v22  }
0x2f7: {  	[tilespmem:v16+s12+$0x0] =	vst.idx.add.f32.msk $0xffff, v38  }
0x2f8: {  	[tilespmem:v17+s12+$0x0] =	vst.idx.add.f32.msk $0xffff, v20  }
0x2f9: {  	v20 =	vld.idx.msk [tilespmem:v9+s1+$0x0], $0xffff;
	_ =	sdelay $0x2  }
0x2fa: {  	v39 =	vbroadcast v53, $0xC  }
0x2fb: {  	v40 =	vbroadcast v53, $0xD  }
0x2fc: {  	v41 =	vbroadcast v53, $0xE;
	v21 =	vmul.f32 v20, v39  }
0x2fd: {  	v42 =	vbroadcast v53, $0xF;
	v22 =	vmul.f32 v20, v40  }
0x2fe: {  	v43 =	vmul.f32 v20, v41;
	[tilespmem:v14+s12+$0x0] =	vst.idx.add.f32.msk $0xffff, v21  }
0x2ff: {  	v20 =	vmul.f32 v20, v42;
	[tilespmem:v15+s12+$0x0] =	vst.idx.add.f32.msk $0xffff, v22  }
0x300: {  	[tilespmem:v16+s12+$0x0] =	vst.idx.add.f32.msk $0xffff, v43  }
0x301: {  	[tilespmem:v17+s12+$0x0] =	vst.idx.add.f32.msk $0xffff, v20  }
0x302: {  	v20 =	vld.idx.msk [tilespmem:v10+s1+$0x0], $0xffff;
	_ =	sdelay $0x2  }
0x303: {  	v44 =	vbroadcast v34, $0x0  }
0x304: {  	v45 =	vbroadcast v34, $0x1  }
0x305: {  	v46 =	vbroadcast v34, $0x2;
	v21 =	vmul.f32 v20, v44  }
0x306: {  	v47 =	vbroadcast v34, $0x3;
	v22 =	vmul.f32 v20, v45  }
0x307: {  	v48 =	vmul.f32 v20, v46;
	[tilespmem:v14+s12+$0x0] =	vst.idx.add.f32.msk $0xffff, v21  }
0x308: {  	v20 =	vmul.f32 v20, v47;
	[tilespmem:v15+s12+$0x0] =	vst.idx.add.f32.msk $0xffff, v22  }
0x309: {  	[tilespmem:v16+s12+$0x0] =	vst.idx.add.f32.msk $0xffff, v48  }
0x30a: {  	[tilespmem:v17+s12+$0x0] =	vst.idx.add.f32.msk $0xffff, v20  }
0x30b: {  	v20 =	vld.idx.msk [tilespmem:v11+s1+$0x0], $0xffff;
	_ =	sdelay $0x2  }
0x30c: {  	v49 =	vbroadcast v34, $0x4  }
0x30d: {  	v50 =	vbroadcast v34, $0x5  }
0x30e: {  	v51 =	vbroadcast v34, $0x6;
	v21 =	vmul.f32 v20, v49  }
0x30f: {  	v52 =	vbroadcast v34, $0x7;
	v22 =	vmul.f32 v20, v50  }
0x310: {  	v53 =	vmul.f32 v20, v51;
	[tilespmem:v14+s12+$0x0] =	vst.idx.add.f32.msk $0xffff, v21  }
0x311: {  	v20 =	vmul.f32 v20, v52;
	[tilespmem:v15+s12+$0x0] =	vst.idx.add.f32.msk $0xffff, v22  }
0x312: {  	[tilespmem:v16+s12+$0x0] =	vst.idx.add.f32.msk $0xffff, v53  }
0x313: {  	[tilespmem:v17+s12+$0x0] =	vst.idx.add.f32.msk $0xffff, v20  }
0x314: {  	v20 =	vld.idx.msk [tilespmem:v12+s1+$0x0], $0xffff;
	_ =	sdelay $0x2  }
0x315: {  	v54 =	vbroadcast v34, $0x8  }
0x316: {  	v55 =	vbroadcast v34, $0x9  }
0x317: {  	v56 =	vbroadcast v34, $0xA;
	v21 =	vmul.f32 v20, v54  }
0x318: {  	v57 =	vbroadcast v34, $0xB;
	v22 =	vmul.f32 v20, v55  }
0x319: {  	v58 =	vmul.f32 v20, v56;
	[tilespmem:v14+s12+$0x0] =	vst.idx.add.f32.msk $0xffff, v21  }
0x31a: {  	v20 =	vmul.f32 v20, v57;
	[tilespmem:v15+s12+$0x0] =	vst.idx.add.f32.msk $0xffff, v22  }
0x31b: {  	[tilespmem:v16+s12+$0x0] =	vst.idx.add.f32.msk $0xffff, v58  }
0x31c: {  	[tilespmem:v17+s12+$0x0] =	vst.idx.add.f32.msk $0xffff, v20  }
0x31d: {  	v20 =	vld.idx.msk [tilespmem:v13+s1+$0x0], $0xffff;
	_ =	sdelay $0x2  }
0x31e: {  	v59 =	vbroadcast v34, $0xC  }
0x31f: {  	v60 =	vbroadcast v34, $0xD  }
0x320: {  	p0 =	sne.s32 s20, $0x9C0;
	v61 =	vbroadcast v34, $0xE;
	v21 =	vmul.f32 v20, v59  }
.Ltmp5:
0x321: {  	v62 =	vbroadcast v34, $0xF;
	v22 =	vmul.f32 v20, v60;
	(pc) =	sbr.rel @p0 .LBB2_10-.Ltmp5, $4  }
0x322: {  	v63 =	vmul.f32 v20, v61;
	[tilespmem:v14+s12+$0x0] =	vst.idx.add.f32.msk $0xffff, v21  }
0x323: {  	v20 =	vmul.f32 v20, v62;
	[tilespmem:v15+s12+$0x0] =	vst.idx.add.f32.msk $0xffff, v22  }
0x324: {  	[tilespmem:v16+s12+$0x0] =	vst.idx.add.f32.msk $0xffff, v63  }
0x325: {  	s20 =	sadd.s32 $0x100, s20;
	s21 =	sadd.s32 $0x200, s21;
	[tilespmem:v17+s12+$0x0] =	vst.idx.add.f32.msk $0xffff, v20  }
0x326: {  	s16 =	sadd.s32 $0x1, s16  }
0x327: {  	p0 =	sne.s32 s16, $0x4  }
.Ltmp6:
0x328: {  	_ = 	snop;
	(pc) =	sbr.rel @p0 .LBB2_9-.Ltmp6, $2  }
0x329: {  	_ =	sdelay $0x2  }
0x32a: {  	s17 =	sadd.s32 $0x280, s17;
	s18 =	sadd.s32 $0x280, s18;
	s19 =	sadd.s32 $0x1400, s19  }
.Ltmp7:
0x32b: {  	(pc) =	sbr.rel @p1 .LBB2_14-.Ltmp7, $4  }
0x32c: {  	_ = 	snop  }
0x32d: {  	s15 =	sshrl.u32 s15, $0x3  }
0x32e: {  	s15 =	sadd.s32 s2, s15  }
0x32f: {  	[hbm4b:s15+s3] =	stream.linear.scatter [tilespmem:s12], [sflag:$0x8], $0x100, $0x38;
	[tilespmem:$0x10DE0] =	vst v63  }
0x330: {  	s16 =	smul.u32 $0xA0, s14;
	_ =	sdelay $0x1  }
0x331: {  	v14 =	vld [tilespmem:s16+$0xF0];
	_ =	sdelay $0x4  }
0x332: {  	v15 =	vcvt.s32.f32 v14;
	_ =	sdelay $0x1  }
0x333: {  	v15 =	vmul.f32 $9.999999770e-03, v15;
	_ =	sdelay $0x1  }
0x334: {  	v15 =	vadd.f32 $4.999999890e-03, v15;
	_ =	sdelay $0x1  }
0x335: {  	v15 =	vtrunc.f32 v15  }
0x336: {  	v15 =	vcvt.f32.s32 v15;
	_ =	sdelay $0x1  }
0x337: {  	s15 =	sadd.s32 $0xF0, s16;
	v16 =	vcvt.s32.f32 v15  }
0x338: {  	s15 =	sadd.s32 s4, s15  }
0x339: {  	s15 =	smulhi.u32 $0xCCCCCCCD, s15;
	v16 =	vmul.f32 $9.999999770e-03, v16;
	_ =	sdelay $0x1  }
0x33a: {  	s15 =	sshrl.u32 s15, $0xE;
	v16 =	vadd.f32 $4.999999890e-03, v16  }
0x33b: {  	s15 =	smul.u32 $0x64, s15  }
0x33c: {  	v16 =	vtrunc.f32 v16  }
0x33d: {  	v18 =	vadd.s32 s15, v15;
	v15 =	vmul.u32 $0xFFFFFF9C, v15;
	v16 =	vcvt.f32.s32 v16  }
0x33e: {  	v14 =	vadd.s32 s15, v14  }
0x33f: {  	v14 =	vadd.s32 v15, v14;
	v17 =	vmul.u32 $0xFFFFFF9C, v16  }
0x340: {  	[tilespmem:$0x4290] =	vst v14;
	v16 =	vadd.s32 s15, v16  }
0x341: {  	[tilespmem:$0x41F0] =	vst v16;
	v47 =	vadd.s32 v17, v18  }
0x342: {  	[tilespmem:$0x4240] =	vst v47  }
0x343: {  	v14 =	vld [tilespmem:s16+$0x100];
	_ =	sdelay $0x4  }
0x344: {  	v15 =	vcvt.s32.f32 v14;
	_ =	sdelay $0x1  }
0x345: {  	v15 =	vmul.f32 $9.999999770e-03, v15;
	_ =	sdelay $0x1  }
0x346: {  	v15 =	vadd.f32 $4.999999890e-03, v15;
	_ =	sdelay $0x1  }
0x347: {  	v15 =	vtrunc.f32 v15  }
0x348: {  	v15 =	vcvt.f32.s32 v15;
	_ =	sdelay $0x1  }
0x349: {  	v48 =	vcvt.s32.f32 v15;
	_ =	sdelay $0x1  }
0x34a: {  	v16 =	vmul.f32 $9.999999770e-03, v48;
	_ =	sdelay $0x1  }
0x34b: {  	v16 =	vadd.f32 $4.999999890e-03, v16;
	_ =	sdelay $0x1  }
0x34c: {  	v16 =	vtrunc.f32 v16  }
0x34d: {  	v50 =	vadd.s32 s15, v15;
	v15 =	vmul.u32 $0xFFFFFF9C, v15;
	v16 =	vcvt.f32.s32 v16  }
0x34e: {  	v14 =	vadd.s32 s15, v14  }
0x34f: {  	v14 =	vadd.s32 v15, v14;
	v49 =	vmul.u32 $0xFFFFFF9C, v16  }
0x350: {  	[tilespmem:$0x42A0] =	vst v14;
	v16 =	vadd.s32 s15, v16  }
0x351: {  	[tilespmem:$0x4200] =	vst v16;
	v51 =	vadd.s32 v49, v50  }
0x352: {  	[tilespmem:$0x4250] =	vst v51  }
0x353: {  	v14 =	vld [tilespmem:s16+$0x110];
	_ =	sdelay $0x4  }
0x354: {  	v15 =	vcvt.s32.f32 v14;
	_ =	sdelay $0x1  }
0x355: {  	v15 =	vmul.f32 $9.999999770e-03, v15;
	_ =	sdelay $0x1  }
0x356: {  	v15 =	vadd.f32 $4.999999890e-03, v15;
	_ =	sdelay $0x1  }
0x357: {  	v15 =	vtrunc.f32 v15  }
0x358: {  	v15 =	vcvt.f32.s32 v15;
	_ =	sdelay $0x1  }
0x359: {  	v52 =	vcvt.s32.f32 v15;
	_ =	sdelay $0x1  }
0x35a: {  	v16 =	vmul.f32 $9.999999770e-03, v52;
	_ =	sdelay $0x1  }
0x35b: {  	v16 =	vadd.f32 $4.999999890e-03, v16;
	_ =	sdelay $0x1  }
0x35c: {  	v16 =	vtrunc.f32 v16  }
0x35d: {  	v54 =	vadd.s32 s15, v15;
	v15 =	vmul.u32 $0xFFFFFF9C, v15;
	v16 =	vcvt.f32.s32 v16  }
0x35e: {  	v14 =	vadd.s32 s15, v14  }
0x35f: {  	v14 =	vadd.s32 v15, v14;
	v53 =	vmul.u32 $0xFFFFFF9C, v16  }
0x360: {  	[tilespmem:$0x42B0] =	vst v14;
	v16 =	vadd.s32 s15, v16  }
0x361: {  	[tilespmem:$0x4210] =	vst v16;
	v55 =	vadd.s32 v53, v54  }
0x362: {  	[tilespmem:$0x4260] =	vst v55  }
0x363: {  	v14 =	vld [tilespmem:s16+$0x120];
	_ =	sdelay $0x4  }
0x364: {  	v15 =	vcvt.s32.f32 v14;
	_ =	sdelay $0x1  }
0x365: {  	v15 =	vmul.f32 $9.999999770e-03, v15;
	_ =	sdelay $0x1  }
0x366: {  	v15 =	vadd.f32 $4.999999890e-03, v15;
	_ =	sdelay $0x1  }
0x367: {  	v15 =	vtrunc.f32 v15  }
0x368: {  	v15 =	vcvt.f32.s32 v15;
	_ =	sdelay $0x1  }
0x369: {  	v56 =	vcvt.s32.f32 v15;
	_ =	sdelay $0x1  }
0x36a: {  	v16 =	vmul.f32 $9.999999770e-03, v56;
	_ =	sdelay $0x1  }
0x36b: {  	v16 =	vadd.f32 $4.999999890e-03, v16;
	_ =	sdelay $0x1  }
0x36c: {  	v16 =	vtrunc.f32 v16  }
0x36d: {  	v58 =	vadd.s32 s15, v15;
	v15 =	vmul.u32 $0xFFFFFF9C, v15;
	v16 =	vcvt.f32.s32 v16  }
0x36e: {  	v14 =	vadd.s32 s15, v14  }
0x36f: {  	v14 =	vadd.s32 v15, v14;
	v57 =	vmul.u32 $0xFFFFFF9C, v16  }
0x370: {  	[tilespmem:$0x42C0] =	vst v14;
	v16 =	vadd.s32 s15, v16  }
0x371: {  	[tilespmem:$0x4220] =	vst v16;
	v59 =	vadd.s32 v57, v58  }
0x372: {  	[tilespmem:$0x4270] =	vst v59  }
0x373: {  	v14 =	vld [tilespmem:s16+$0x130];
	_ =	sdelay $0x4  }
0x374: {  	v15 =	vcvt.s32.f32 v14;
	_ =	sdelay $0x1  }
0x375: {  	v15 =	vmul.f32 $9.999999770e-03, v15;
	_ =	sdelay $0x1  }
0x376: {  	v15 =	vadd.f32 $4.999999890e-03, v15;
	_ =	sdelay $0x1  }
0x377: {  	v15 =	vtrunc.f32 v15  }
0x378: {  	v15 =	vcvt.f32.s32 v15;
	_ =	sdelay $0x1  }
0x379: {  	v60 =	vcvt.s32.f32 v15;
	_ =	sdelay $0x1  }
0x37a: {  	v16 =	vmul.f32 $9.999999770e-03, v60;
	_ =	sdelay $0x1  }
0x37b: {  	v16 =	vadd.f32 $4.999999890e-03, v16;
	_ =	sdelay $0x1  }
0x37c: {  	v16 =	vtrunc.f32 v16  }
0x37d: {  	v62 =	vadd.s32 s15, v15;
	v15 =	vmul.u32 $0xFFFFFF9C, v15;
	v16 =	vcvt.f32.s32 v16  }
0x37e: {  	v14 =	vadd.s32 s15, v14  }
0x37f: {  	v14 =	vadd.s32 v15, v14;
	v61 =	vmul.u32 $0xFFFFFF9C, v16  }
0x380: {  	[tilespmem:$0x42D0] =	vst v14;
	v16 =	vadd.s32 s15, v16  }
0x381: {  	[tilespmem:$0x4230] =	vst v16;
	v63 =	vadd.s32 v61, v62  }
0x382: {  	s20 =	simm.s32 $0x41F0;
	s21 =	simm.s32 $0x4CE0;
	[tilespmem:$0x4280] =	vst v63  }
0x383: {  	[tilespmem:s21], [sflag:$0x4] =	stream.indirect.gather [hbm4b:s5+s13], $0x20, s20, s13, $0xb8;
	[tilespmem:$0x10DE0] =	vst v63  }
.Ltmp8:
0x384: {  	_ = 	snop;
	(pc) =	sbr.rel .LBB2_2-.Ltmp8, $4  }
0x385: {  	s22 =	simm.s32 $0x4240;
	s23 =	simm.s32 $0xA6E0  }
0x386: {  	[tilespmem:s23], [sflag:$0x5] =	stream.indirect.gather [hbm4b:s6+s13], $0x100, s22, s13, $0xb8;
	[tilespmem:$0x10DE0] =	vst v63  }
0x387: {  	s14 =	sadd.s32 $0x1, s14  }
0x388: {  	[tilespmem:s25], [sflag:$0x6] =	stream.indirect.gather [hbm4b:s7+s13], $0x20, s24, s13, $0xb8;
	[tilespmem:$0x10DE0] =	vst v63  }
.LBB2_15:
0x389: {  	_ =	sfence.sel $0x180000  }
0x38a: {  	[bflag:$0x0] =	sbarrier.arrive $0xFFFF  }
0x38b: {  	_ =	strace $0x90000047  }
0x38c: {  	s0 =	stileid.u32;
	[bflag:$0x2] =	sbarrier.arrive $0xFFFF  }
0x38d: {  	p0 =	sne.s32 s0, $0x0;
	s0 =	rddreg [dreg:$0x3]  }
0x38e: {  	s0 =	sadd.s32 @!p0 $0x100000, s0  }
0x38f: {  	[sflag:s0] =	ssyncadd.tile.s32 @!p0 $0x1;
	_ =	shalt  }
.Lfunc_end2:
_tile_overlayer_lowered:
.L_overlay_start_2:
0x390: {  	(tag) =	ssettag $0x2  }
0x391: {  	s0 =	rddreg [dreg:$0x0];
	s2 =	stileid.u32  }
0x392: {  	s1 =	rddreg [dreg:$0x1];
	p0 =	sne.s32 s2, $0x0  }
0x393: {  	s3 =	rddreg [dreg:$0x2];
	[bflag:$0x3] =	sbarrier.arrive $0xFFFF;
	s2 =	simm.s32 @!p0 $0x1C09  }
0x394: {  	[timem:s3], [sflag:s2] =	dma.local @!p0 [hbm:s0], s1  }
0x395: {  	s0 =	simm.s32 @!p0 $0x9  }
0x396: {  	_ =	swait.ge @!p0 [sflag:s0], s1  }
0x397: {  	s1 =	ssub.s32 @!p0 $0x0, s1;
	[sflag:s0] =	ssyncset.done @!p0 $0x0  }
0x398: {  	[sflag:s0] =	ssyncadd.s32 @!p0 s1  }
0x399: {  	[bflag:$0x3] =	sbarrier.arrive $0xFFFF  }
0x39a: {  	_ =	shalt  }

</sc_bundles>
